<compile_context>
chip_gen: v7x
topology: tpu7x:2x2x1
jax: 0.10.2.dev20260603
libtpu: 0.0.44.dev20260713+nightly
codegen_flags: <defaults>
</compile_context>

<pallas_src>
import functools

import jax
import jax.numpy as jnp
from jax import lax
from jax.experimental import pallas as pl
from jax.experimental.pallas import tpu as pltpu
from jax.experimental.pallas import tpu_sc as plsc

N = 10000
F = 128
HID = 64
LOCAL = 9
ADIM = 8
AVAR = 0.25

NC = 2
NS = 16
L = 16
NW = NC * NS

NROWS = 10240
ROWS_PER_TILE = NROWS // NS
K = 128
RB = 256



def _make_gat_agg(blk_per_w: int):
    mesh = plsc.VectorSubcoreMesh(core_axis_name="c", subcore_axis_name="s")

    @functools.partial(
        pl.kernel,
        out_type=jax.ShapeDtypeStruct((NC, NROWS, 80), jnp.float32),
        mesh=mesh,
        scratch_types=[
            pltpu.VMEM_SHARED((NROWS, 80), jnp.float32),
            pltpu.VMEM((blk_per_w, K), jnp.int32),
            pltpu.VMEM((blk_per_w, K), jnp.int32),
            pltpu.VMEM((NROWS,), jnp.float32),
            pltpu.VMEM((NROWS,), jnp.float32),
            pltpu.VMEM((K,), jnp.float32),
            pltpu.VMEM((K, HID), jnp.float32),
            pltpu.VMEM((K, 80), jnp.float32),
            pltpu.SemaphoreType.DMA,
        ],
        compiler_params=pltpu.CompilerParams(needs_layout_passes=False,
                                             use_tc_tiling_on_sc=False),
    )
    def gat_agg(h_hbm, asrc_hbm, adst_hbm, src_hbm, dst_hbm, out_hbm,
                acc_sh, src_v, dst_v, asrc_v, adst_v, ex_v, rows_g, rows_e, sem):
        cid = lax.axis_index("c")
        sid = lax.axis_index("s")
        wid = cid * NS + sid

        pltpu.sync_copy(src_hbm.at[wid], src_v)
        pltpu.sync_copy(dst_hbm.at[wid], dst_v)
        pltpu.sync_copy(asrc_hbm, asrc_v)
        pltpu.sync_copy(adst_hbm, adst_v)

        def zero_body(r, carry):
            for c in range(5):
                rows_e[r, pl.ds(c * L, L)] = jnp.zeros((L,), jnp.float32)
            return carry
        lax.fori_loop(0, K, zero_body, 0)
        r0 = sid * ROWS_PER_TILE
        for i in range(ROWS_PER_TILE // K):
            pltpu.sync_copy(rows_e, acc_sh.at[pl.ds(r0 + i * K, K)])
        plsc.subcore_barrier()

        def blk_body(blk, carry):
            pltpu.async_copy(h_hbm.at[src_v.at[blk]], rows_g, sem).wait()

            for j in range(K // L):
                sv = src_v[blk, pl.ds(j * L, L)]
                dv = dst_v[blk, pl.ds(j * L, L)]
                a = plsc.load_gather(asrc_v, [sv]) + plsc.load_gather(adst_v, [dv])
                a = jnp.where(a > 0, a, 0.2 * a)
                ex_v[pl.ds(j * L, L)] = jnp.exp(a)

            def row_body(r, carry2):
                s = plsc.load_gather(ex_v, [jnp.full((L,), r, jnp.int32)])
                for c in range(4):
                    rows_e[r, pl.ds(c * L, L)] = rows_g[r, pl.ds(c * L, L)] * s
                rows_e[r, pl.ds(4 * L, L)] = s
                return carry2
            lax.fori_loop(0, K, row_body, 0)

            pltpu.sync_copy(rows_e, acc_sh.at[dst_v.at[blk]], add=True)
            return carry
        lax.fori_loop(0, blk_per_w, blk_body, 0)

        plsc.subcore_barrier()
        pltpu.sync_copy(acc_sh.at[pl.ds(r0, ROWS_PER_TILE)],
                        out_hbm.at[cid, pl.ds(r0, ROWS_PER_TILE)])

    return gat_agg



def _pre1_body(x_ref, w_ref, asw_ref, adw_ref,
               h0_ref, h1_ref, h2_ref, h3_ref, as_ref, ad_ref):
    hb = jnp.dot(x_ref[...], w_ref[...], preferred_element_type=jnp.float32)
    houts = (h0_ref, h1_ref, h2_ref, h3_ref)
    for h in range(4):
        houts[h][...] = hb[:, h * HID:(h + 1) * HID]
    as_ref[...] = jnp.dot(hb, asw_ref[...], preferred_element_type=jnp.float32)
    ad_ref[...] = jnp.dot(hb, adw_ref[...], preferred_element_type=jnp.float32)


def _pre1(x, w1, asw, adw):
    grid = NROWS // RB
    return pl.pallas_call(
        _pre1_body,
        grid=(grid,),
        in_specs=[
            pl.BlockSpec((RB, F), lambda i: (i, 0)),
            pl.BlockSpec((F, 4 * HID), lambda i: (0, 0)),
            pl.BlockSpec((4 * HID, 8), lambda i: (0, 0)),
            pl.BlockSpec((4 * HID, 8), lambda i: (0, 0)),
        ],
        out_specs=[pl.BlockSpec((RB, HID), lambda i: (i, 0))] * 4
        + [pl.BlockSpec((RB, 8), lambda i: (i, 0))] * 2,
        out_shape=[jax.ShapeDtypeStruct((NROWS, HID), jnp.float32)] * 4
        + [jax.ShapeDtypeStruct((NROWS, 8), jnp.float32)] * 2,
    )(x, w1, asw, adw)


def _mid1_body(a0_ref, a1_ref, a2_ref, a3_ref, b_ref, w_ref, asw_ref, adw_ref,
               h_ref, as_ref, ad_ref):
    parts = []
    for aref in (a0_ref, a1_ref, a2_ref, a3_ref):
        a = aref[0] + aref[1]
        parts.append(a[:, :HID] / (a[:, HID:HID + 1] + 1e-16))
    x = jnp.concatenate(parts, axis=1) + b_ref[...]
    x = jnp.maximum(x, 0.0)
    hb = jnp.dot(x, w_ref[...], preferred_element_type=jnp.float32)
    h_ref[...] = hb
    as_ref[...] = jnp.dot(hb, asw_ref[...], preferred_element_type=jnp.float32)
    ad_ref[...] = jnp.dot(hb, adw_ref[...], preferred_element_type=jnp.float32)


def _mid1(a0, a1, a2, a3, b, w, asw, adw):
    grid = NROWS // RB
    acc_spec = pl.BlockSpec((NC, RB, 80), lambda i: (0, i, 0))
    return pl.pallas_call(
        _mid1_body,
        grid=(grid,),
        in_specs=[acc_spec, acc_spec, acc_spec, acc_spec,
                  pl.BlockSpec((1, 4 * HID), lambda i: (0, 0)),
                  pl.BlockSpec((4 * HID, HID), lambda i: (0, 0)),
                  pl.BlockSpec((HID, 8), lambda i: (0, 0)),
                  pl.BlockSpec((HID, 8), lambda i: (0, 0))],
        out_specs=[pl.BlockSpec((RB, HID), lambda i: (i, 0)),
                   pl.BlockSpec((RB, 8), lambda i: (i, 0)),
                   pl.BlockSpec((RB, 8), lambda i: (i, 0))],
        out_shape=[jax.ShapeDtypeStruct((NROWS, HID), jnp.float32),
                   jax.ShapeDtypeStruct((NROWS, 8), jnp.float32),
                   jax.ShapeDtypeStruct((NROWS, 8), jnp.float32)],
    )(a0, a1, a2, a3, b, w, asw, adw)


def _mid2_body(a_ref, b_ref, w_ref, asw_ref, adw_ref, h_ref, as_ref, ad_ref):
    a = a_ref[0] + a_ref[1]
    x = a[:, :HID] / (a[:, HID:HID + 1] + 1e-16) + b_ref[...]
    x = jnp.maximum(x, 0.0)
    hb = jnp.dot(x, w_ref[...], preferred_element_type=jnp.float32)
    h_ref[...] = hb
    as_ref[...] = jnp.dot(hb, asw_ref[...], preferred_element_type=jnp.float32)
    ad_ref[...] = jnp.dot(hb, adw_ref[...], preferred_element_type=jnp.float32)


def _mid2(acc, b, w, asw, adw):
    grid = NROWS // RB
    return pl.pallas_call(
        _mid2_body,
        grid=(grid,),
        in_specs=[pl.BlockSpec((NC, RB, 80), lambda i: (0, i, 0)),
                  pl.BlockSpec((1, HID), lambda i: (0, 0)),
                  pl.BlockSpec((HID, HID), lambda i: (0, 0)),
                  pl.BlockSpec((HID, 8), lambda i: (0, 0)),
                  pl.BlockSpec((HID, 8), lambda i: (0, 0))],
        out_specs=[pl.BlockSpec((RB, HID), lambda i: (i, 0)),
                   pl.BlockSpec((RB, 8), lambda i: (i, 0)),
                   pl.BlockSpec((RB, 8), lambda i: (i, 0))],
        out_shape=[jax.ShapeDtypeStruct((NROWS, HID), jnp.float32),
                   jax.ShapeDtypeStruct((NROWS, 8), jnp.float32),
                   jax.ShapeDtypeStruct((NROWS, 8), jnp.float32)],
    )(acc, b, w, asw, adw)


def _post3_body(a_ref, b_ref, x_ref):
    a = a_ref[0] + a_ref[1]
    x = a[:, :HID] / (a[:, HID:HID + 1] + 1e-16) + b_ref[...]
    x_ref[...] = jnp.maximum(x, 0.0)


def _post3(acc, b):
    grid = NROWS // RB
    return pl.pallas_call(
        _post3_body,
        grid=(grid,),
        in_specs=[pl.BlockSpec((NC, RB, 80), lambda i: (0, i, 0)),
                  pl.BlockSpec((1, HID), lambda i: (0, 0))],
        out_specs=pl.BlockSpec((RB, HID), lambda i: (i, 0)),
        out_shape=jax.ShapeDtypeStruct((NROWS, HID), jnp.float32),
    )(acc, b)


def _mlp_body(x_ref, a1_ref, b1_ref, a2_ref, b2_ref, a3_ref, b3_ref, n_ref,
              act_ref, lp_ref):
    x = jnp.maximum(jnp.dot(x_ref[...], a1_ref[...],
                            preferred_element_type=jnp.float32) + b1_ref[...], 0.0)
    x = jnp.maximum(jnp.dot(x, a2_ref[...],
                            preferred_element_type=jnp.float32) + b2_ref[...], 0.0)
    logits = jnp.dot(x, a3_ref[...], preferred_element_type=jnp.float32) + b3_ref[...]
    m = jnp.max(logits, axis=1, keepdims=True)
    e = jnp.exp(logits - m)
    sm = e / jnp.sum(e, axis=1, keepdims=True)
    noise = n_ref[...]
    act_ref[...] = sm + noise * jnp.sqrt(AVAR)
    quad = jnp.sum(noise * noise, axis=1, keepdims=True)
    lp = -0.5 * (ADIM * jnp.log(2.0 * jnp.pi) + ADIM * jnp.log(AVAR) + quad)
    lp_ref[...] = jnp.broadcast_to(lp, lp_ref.shape)


def _mlp(xg, a1, b1, a2, b2, a3, b3, noise):
    g = xg.shape[0]
    return pl.pallas_call(
        _mlp_body,
        out_shape=[jax.ShapeDtypeStruct((g, ADIM), jnp.float32),
                   jax.ShapeDtypeStruct((g, ADIM), jnp.float32)],
    )(xg, a1, b1, a2, b2, a3, b3, noise)



def _block_diag_alpha(avec, heads):
    m = jnp.zeros((heads * HID, 8), jnp.float32)
    for h in range(heads):
        m = m.at[h * HID:(h + 1) * HID, h].set(avec[0, h])
    return m


def kernel(node_features, edge_index, W1, as1, ad1, b1, W2, as2, ad2, b2,
           W3, as3, ad3, b3, A1, ab1, A2, ab2, A3, ab3, noise):
    n = node_features.shape[0]
    e = edge_index.shape[1]
    ea = e + n
    blk_per_w = -(-ea // (NW * K))
    epad = NW * K * blk_per_w

    loops = jnp.arange(n, dtype=jnp.int32)
    src = jnp.concatenate([edge_index[0].astype(jnp.int32), loops,
                           jnp.zeros((epad - ea,), jnp.int32)])
    dst = jnp.concatenate([edge_index[1].astype(jnp.int32), loops,
                           jnp.full((epad - ea,), n, jnp.int32)])
    src3 = src.reshape(NW, blk_per_w, K)
    dst3 = dst.reshape(NW, blk_per_w, K)

    x0 = jnp.pad(node_features, ((0, NROWS - n), (0, 0)))
    asw1 = _block_diag_alpha(as1, 4)
    adw1 = _block_diag_alpha(ad1, 4)
    asw2 = _block_diag_alpha(as2, 1)
    adw2 = _block_diag_alpha(ad2, 1)
    asw3 = _block_diag_alpha(as3, 1)
    adw3 = _block_diag_alpha(ad3, 1)

    gat_agg = _make_gat_agg(blk_per_w)

    h0, h1, h2, h3, asrc, adst = _pre1(x0, W1, asw1, adw1)
    accs = [gat_agg(hh, asrc[:, h], adst[:, h], src3, dst3)
            for h, hh in enumerate((h0, h1, h2, h3))]

    h_2, asrc2, adst2 = _mid1(accs[0], accs[1], accs[2], accs[3],
                              b1.reshape(1, -1), W2, asw2, adw2)
    acc2 = gat_agg(h_2, asrc2[:, 0], adst2[:, 0], src3, dst3)

    h_3, asrc3, adst3 = _mid2(acc2, b2.reshape(1, -1), W3, asw3, adw3)
    acc3 = gat_agg(h_3, asrc3[:, 0], adst3[:, 0], src3, dst3)

    x3 = _post3(acc3, b3.reshape(1, -1))
    xg = x3[:n].reshape(n // (LOCAL + 1), HID * (LOCAL + 1))
    action, lp8 = _mlp(xg, A1, ab1.reshape(1, -1), A2, ab2.reshape(1, -1),
                       A3, ab3.reshape(1, -1), noise)
    return action, lp8[:, 0]

# --- scband reference (transcript-rebuilt; emitter-appended) ---
"""Pipeline reference for scband-actor-critic-19104014532995 (READ-ONLY COPY).

The authoritative reference and input builder live on the scoring server;
editing this copy changes nothing except your own understanding.
"""

import jax, jax.numpy as jnp
import numpy as np

N = 10000
E = 320000
F = 128
HID = 64
LOCAL = 9
ADIM = 8
AVAR = 0.25  # action_std_init ** 2


def gat_conv(x, edge_index, W, a_src, a_dst, b, heads, outc):
    # Faithful re-implementation of torch_geometric GATConv (concat=True,
    # negative_slope=0.2, add_self_loops=True, bias=True).
    n = x.shape[0]
    loops = jnp.arange(n, dtype=edge_index.dtype)
    src = jnp.concatenate([edge_index[0], loops])
    dst = jnp.concatenate([edge_index[1], loops])
    h = (x @ W).reshape(n, heads, outc)
    alpha_src = jnp.sum(h * a_src, axis=-1)  # [n, heads]
    alpha_dst = jnp.sum(h * a_dst, axis=-1)  # [n, heads]
    alpha = alpha_src[src] + alpha_dst[dst]  # [e, heads]
    alpha = jax.nn.leaky_relu(alpha, 0.2)
    amax = jax.ops.segment_max(alpha, dst, num_segments=n)
    amax = jnp.where(jnp.isfinite(amax), amax, 0.0)
    ex = jnp.exp(alpha - amax[dst])
    denom = jax.ops.segment_sum(ex, dst, num_segments=n)
    coef = ex / (denom[dst] + 1e-16)
    out = jax.ops.segment_sum(coef[:, :, None] * h[src], dst, num_segments=n)
    return out.reshape(n, heads * outc) + b


def _act_core(node_features, edge_index, params, noise):
    (W1, as1, ad1, b1, W2, as2, ad2, b2, W3, as3, ad3, b3,
     A1, ab1, A2, ab2, A3, ab3) = params
    x = jax.nn.relu(gat_conv(node_features, edge_index, W1, as1, ad1, b1, 4, HID))
    x = jax.nn.relu(gat_conv(x, edge_index, W2, as2, ad2, b2, 1, HID))
    x = jax.nn.relu(gat_conv(x, edge_index, W3, as3, ad3, b3, 1, HID))
    x_gat = x.reshape(-1, HID * (LOCAL + 1))
    x = jax.nn.relu(x_gat @ A1 + ab1)
    x = jax.nn.relu(x @ A2 + ab2)
    action_mean = jax.nn.softmax(x @ A3 + ab3, axis=-1)
    # MultivariateNormal(mean, diag(action_var)) sample with fixed noise:
    std = jnp.sqrt(AVAR)
    action = action_mean + noise * std
    diff = action - action_mean
    logdet = ADIM * jnp.log(AVAR)
    quad = jnp.sum(diff * diff, axis=-1) / AVAR
    logprob = -0.5 * (ADIM * jnp.log(2.0 * jnp.pi) + logdet + quad)
    return action, logprob


def setup_inputs(seed: int = 0):
    key = jax.random.key(seed)
    ks = jax.random.split(key, 24)
    s = 0.1
    inp = {}
    inp['node_features'] = jax.random.normal(ks[0], (N, F), dtype=jnp.float32)
    inp['edge_index'] = jax.random.randint(ks[1], (2, E), 0, N, dtype=jnp.int32)
    # gat1: in=128 -> heads=4, out=64 (concat -> 256)
    inp['W1'] = jax.random.normal(ks[2], (F, 4 * HID), dtype=jnp.float32) * s
    inp['as1'] = jax.random.normal(ks[3], (1, 4, HID), dtype=jnp.float32) * s
    inp['ad1'] = jax.random.normal(ks[4], (1, 4, HID), dtype=jnp.float32) * s
    inp['b1'] = jnp.zeros((4 * HID,), dtype=jnp.float32)
    # gat2: in=256 -> heads=1, out=64
    inp['W2'] = jax.random.normal(ks[5], (4 * HID, HID), dtype=jnp.float32) * s
    inp['as2'] = jax.random.normal(ks[6], (1, 1, HID), dtype=jnp.float32) * s
    inp['ad2'] = jax.random.normal(ks[7], (1, 1, HID), dtype=jnp.float32) * s
    inp['b2'] = jnp.zeros((HID,), dtype=jnp.float32)
    # gat3: in=64 -> heads=1, out=64
    inp['W3'] = jax.random.normal(ks[8], (HID, HID), dtype=jnp.float32) * s
    inp['as3'] = jax.random.normal(ks[9], (1, 1, HID), dtype=jnp.float32) * s
    inp['ad3'] = jax.random.normal(ks[10], (1, 1, HID), dtype=jnp.float32) * s
    inp['b3'] = jnp.zeros((HID,), dtype=jnp.float32)
    # actor MLP: 640 -> 64 -> 32 -> 8
    inp['A1'] = jax.random.normal(ks[11], (HID * (LOCAL + 1), 64), dtype=jnp.float32) * s
    inp['ab1'] = jnp.zeros((64,), dtype=jnp.float32)
    inp['A2'] = jax.random.normal(ks[12], (64, 32), dtype=jnp.float32) * s
    inp['ab2'] = jnp.zeros((32,), dtype=jnp.float32)
    inp['A3'] = jax.random.normal(ks[13], (32, ADIM), dtype=jnp.float32) * s
    inp['ab3'] = jnp.zeros((ADIM,), dtype=jnp.float32)
    # fixed gaussian noise standing in for dist.sample()
    inp['noise'] = jax.random.normal(ks[14], (N // (LOCAL + 1), ADIM), dtype=jnp.float32)
    return inp


def reference(node_features, edge_index, W1, as1, ad1, b1, W2, as2, ad2, b2,
              W3, as3, ad3, b3, A1, ab1, A2, ab2, A3, ab3, noise):
    params = (W1, as1, ad1, b1, W2, as2, ad2, b2, W3, as3, ad3, b3,
              A1, ab1, A2, ab2, A3, ab3)
    return _act_core(node_features, edge_index, params, noise)

if __name__ == "__main__":
    import jax
    _d = setup_inputs()
    print(jax.jit(kernel)(*tuple(_d.values())))

</pallas_src>

<mosaic_0001>
#map = affine_map<(d0, d1) -> (0, 0)>
#map1 = affine_map<(d0, d1) -> (0)>
#map2 = affine_map<(d0, d1) -> (0, 0, 0)>
module attributes {stable_mosaic.version = 14 : i64} {
  func.func @gat_agg(%arg0: i32, %arg1: i32, %arg2: memref<10240x64xf32, #tpu.memory_space<hbm>>, %arg3: memref<10240xf32, #tpu.memory_space<hbm>>, %arg4: memref<10240xf32, #tpu.memory_space<hbm>>, %arg5: memref<32x81x128xi32, #tpu.memory_space<hbm>>, %arg6: memref<32x81x128xi32, #tpu.memory_space<hbm>>, %arg7: memref<2x10240x80xf32, #tpu.memory_space<hbm>>, %arg8: memref<10240x80xf32, #tpu.memory_space<vmem_shared>>, %arg9: memref<81x128xi32, #tpu.memory_space<vmem>>, %arg10: memref<81x128xi32, #tpu.memory_space<vmem>>, %arg11: memref<10240xf32, #tpu.memory_space<vmem>>, %arg12: memref<10240xf32, #tpu.memory_space<vmem>>, %arg13: memref<128xf32, #tpu.memory_space<vmem>>, %arg14: memref<128x64xf32, #tpu.memory_space<vmem>>, %arg15: memref<128x80xf32, #tpu.memory_space<vmem>>, %arg16: memref<!tpu.dma_semaphore, #tpu.memory_space<semaphore_mem>>) attributes {dimension_semantics = [#tpu.dimension_semantics<core_parallel>, #tpu.dimension_semantics<subcore_parallel>], iteration_bounds = array<i64: 2, 16>, scalar_prefetch = 0 : i64, scratch_operands = 9 : i64, tpu.core_type = #tpu.core_type<sc_vector_subcore>, window_params = [{transform_indices = #map}, {transform_indices = #map1}, {transform_indices = #map1}, {transform_indices = #map2}, {transform_indices = #map2}, {transform_indices = #map2}]} {
    %mul3A = arith.constant 16 : i32
    %mul3A_0 = arith.muli %arg0, %mul3A : i32
    %add3A = arith.addi %mul3A_0, %arg1 : i32
    "tpu.region"() ({
      %run_scoped3A = tpu.sem_alloc : memref<!tpu.dma_semaphore, #tpu.memory_space<semaphore_mem>>
      %dma_start3A = arith.constant 0 : i32
      %dma_start3A_25 = arith.constant 0 : i32
      %dma_start3A_26 = tpu.memref_slice %arg5[%add3A, %dma_start3A, %dma_start3A_25] : memref<32x81x128xi32, #tpu.memory_space<hbm>> -> memref<1x81x128xi32, #tpu.memory_space<hbm>>
      %dma_start3A_27 = tpu.memref_squeeze %dma_start3A_26 : memref<1x81x128xi32, #tpu.memory_space<hbm>> -> memref<81x128xi32, #tpu.memory_space<hbm>>
      %dma_start3A_28 = arith.constant 0 : i32
      %dma_start3A_29 = arith.constant 0 : i32
      %dma_start3A_30 = tpu.memref_slice %arg5[%add3A, %dma_start3A_28, %dma_start3A_29] : memref<32x81x128xi32, #tpu.memory_space<hbm>> -> memref<1x81x128xi32, #tpu.memory_space<hbm>>
      %dma_start3A_31 = tpu.memref_squeeze %dma_start3A_30 : memref<1x81x128xi32, #tpu.memory_space<hbm>> -> memref<81x128xi32, #tpu.memory_space<hbm>>
      tpu.enqueue_dma source(%dma_start3A_31 : memref<81x128xi32, #tpu.memory_space<hbm>>) target(%arg9 : memref<81x128xi32, #tpu.memory_space<vmem>>) target_semaphore(%run_scoped3A : memref<!tpu.dma_semaphore, #tpu.memory_space<semaphore_mem>>)
      %dma_wait3A = arith.constant 0 : i32
      %dma_wait3A_32 = arith.constant 0 : i32
      %dma_wait3A_33 = tpu.memref_slice %arg5[%add3A, %dma_wait3A, %dma_wait3A_32] : memref<32x81x128xi32, #tpu.memory_space<hbm>> -> memref<1x81x128xi32, #tpu.memory_space<hbm>>
      %dma_wait3A_34 = tpu.memref_squeeze %dma_wait3A_33 : memref<1x81x128xi32, #tpu.memory_space<hbm>> -> memref<81x128xi32, #tpu.memory_space<hbm>>
      %dma_wait3A_35 = arith.constant 0 : i32
      %dma_wait3A_36 = arith.constant 0 : i32
      %dma_wait3A_37 = tpu.memref_slice %arg5[%add3A, %dma_wait3A_35, %dma_wait3A_36] : memref<32x81x128xi32, #tpu.memory_space<hbm>> -> memref<1x81x128xi32, #tpu.memory_space<hbm>>
      %dma_wait3A_38 = tpu.memref_squeeze %dma_wait3A_37 : memref<1x81x128xi32, #tpu.memory_space<hbm>> -> memref<81x128xi32, #tpu.memory_space<hbm>>
      tpu.wait_dma2 semaphore(%run_scoped3A : memref<!tpu.dma_semaphore, #tpu.memory_space<semaphore_mem>>) src(%dma_wait3A_38 : memref<81x128xi32, #tpu.memory_space<hbm>>) dst(%arg9 : memref<81x128xi32, #tpu.memory_space<vmem>>)
      tpu.yield
    }) : () -> ()
    "tpu.region"() ({
      %run_scoped3A = tpu.sem_alloc : memref<!tpu.dma_semaphore, #tpu.memory_space<semaphore_mem>>
      %dma_start3A = arith.constant 0 : i32
      %dma_start3A_25 = arith.constant 0 : i32
      %dma_start3A_26 = tpu.memref_slice %arg6[%add3A, %dma_start3A, %dma_start3A_25] : memref<32x81x128xi32, #tpu.memory_space<hbm>> -> memref<1x81x128xi32, #tpu.memory_space<hbm>>
      %dma_start3A_27 = tpu.memref_squeeze %dma_start3A_26 : memref<1x81x128xi32, #tpu.memory_space<hbm>> -> memref<81x128xi32, #tpu.memory_space<hbm>>
      %dma_start3A_28 = arith.constant 0 : i32
      %dma_start3A_29 = arith.constant 0 : i32
      %dma_start3A_30 = tpu.memref_slice %arg6[%add3A, %dma_start3A_28, %dma_start3A_29] : memref<32x81x128xi32, #tpu.memory_space<hbm>> -> memref<1x81x128xi32, #tpu.memory_space<hbm>>
      %dma_start3A_31 = tpu.memref_squeeze %dma_start3A_30 : memref<1x81x128xi32, #tpu.memory_space<hbm>> -> memref<81x128xi32, #tpu.memory_space<hbm>>
      tpu.enqueue_dma source(%dma_start3A_31 : memref<81x128xi32, #tpu.memory_space<hbm>>) target(%arg10 : memref<81x128xi32, #tpu.memory_space<vmem>>) target_semaphore(%run_scoped3A : memref<!tpu.dma_semaphore, #tpu.memory_space<semaphore_mem>>)
      %dma_wait3A = arith.constant 0 : i32
      %dma_wait3A_32 = arith.constant 0 : i32
      %dma_wait3A_33 = tpu.memref_slice %arg6[%add3A, %dma_wait3A, %dma_wait3A_32] : memref<32x81x128xi32, #tpu.memory_space<hbm>> -> memref<1x81x128xi32, #tpu.memory_space<hbm>>
      %dma_wait3A_34 = tpu.memref_squeeze %dma_wait3A_33 : memref<1x81x128xi32, #tpu.memory_space<hbm>> -> memref<81x128xi32, #tpu.memory_space<hbm>>
      %dma_wait3A_35 = arith.constant 0 : i32
      %dma_wait3A_36 = arith.constant 0 : i32
      %dma_wait3A_37 = tpu.memref_slice %arg6[%add3A, %dma_wait3A_35, %dma_wait3A_36] : memref<32x81x128xi32, #tpu.memory_space<hbm>> -> memref<1x81x128xi32, #tpu.memory_space<hbm>>
      %dma_wait3A_38 = tpu.memref_squeeze %dma_wait3A_37 : memref<1x81x128xi32, #tpu.memory_space<hbm>> -> memref<81x128xi32, #tpu.memory_space<hbm>>
      tpu.wait_dma2 semaphore(%run_scoped3A : memref<!tpu.dma_semaphore, #tpu.memory_space<semaphore_mem>>) src(%dma_wait3A_38 : memref<81x128xi32, #tpu.memory_space<hbm>>) dst(%arg10 : memref<81x128xi32, #tpu.memory_space<vmem>>)
      tpu.yield
    }) : () -> ()
    "tpu.region"() ({
      %run_scoped3A = tpu.sem_alloc : memref<!tpu.dma_semaphore, #tpu.memory_space<semaphore_mem>>
      tpu.enqueue_dma source(%arg3 : memref<10240xf32, #tpu.memory_space<hbm>>) target(%arg11 : memref<10240xf32, #tpu.memory_space<vmem>>) target_semaphore(%run_scoped3A : memref<!tpu.dma_semaphore, #tpu.memory_space<semaphore_mem>>)
      tpu.wait_dma2 semaphore(%run_scoped3A : memref<!tpu.dma_semaphore, #tpu.memory_space<semaphore_mem>>) src(%arg3 : memref<10240xf32, #tpu.memory_space<hbm>>) dst(%arg11 : memref<10240xf32, #tpu.memory_space<vmem>>)
      tpu.yield
    }) : () -> ()
    "tpu.region"() ({
      %run_scoped3A = tpu.sem_alloc : memref<!tpu.dma_semaphore, #tpu.memory_space<semaphore_mem>>
      tpu.enqueue_dma source(%arg4 : memref<10240xf32, #tpu.memory_space<hbm>>) target(%arg12 : memref<10240xf32, #tpu.memory_space<vmem>>) target_semaphore(%run_scoped3A : memref<!tpu.dma_semaphore, #tpu.memory_space<semaphore_mem>>)
      tpu.wait_dma2 semaphore(%run_scoped3A : memref<!tpu.dma_semaphore, #tpu.memory_space<semaphore_mem>>) src(%arg4 : memref<10240xf32, #tpu.memory_space<hbm>>) dst(%arg12 : memref<10240xf32, #tpu.memory_space<vmem>>)
      tpu.yield
    }) : () -> ()
    %scan3A = arith.constant 0 : i32
    %scan3A_1 = arith.constant 0 : i32
    %scan3A_2 = arith.constant 128 : i32
    %scan3A_3 = arith.addi %scan3A_1, %scan3A_2 : i32
    %scan3A_4 = arith.constant 1 : i32
    scf.for %scan3A_25 = %scan3A_1 to %scan3A_3 step %scan3A_4  : i32 {
      %broadcast_in_dim3A = arith.constant 0.000000e+00 : f32
      %broadcast_in_dim3A_26 = vector.broadcast %broadcast_in_dim3A : f32 to vector<16xf32>
      %swap3A = arith.index_cast %scan3A_25 : i32 to index
      %swap3A_27 = arith.constant 0 : index
      %swap3A_28 = tpu.vector_load %arg15[%swap3A, %swap3A_27] {strides = array<i32>} : memref<128x80xf32, #tpu.memory_space<vmem>>, vector<16xf32>,
      tpu.vector_store %arg15[%swap3A, %swap3A_27], %broadcast_in_dim3A_26 {strides = array<i32>} : memref<128x80xf32, #tpu.memory_space<vmem>>, vector<16xf32>,
      %broadcast_in_dim3A_29 = arith.constant 0.000000e+00 : f32
      %broadcast_in_dim3A_30 = vector.broadcast %broadcast_in_dim3A_29 : f32 to vector<16xf32>
      %swap3A_31 = arith.index_cast %scan3A_25 : i32 to index
      %swap3A_32 = arith.constant 16 : index
      %swap3A_33 = tpu.vector_load %arg15[%swap3A_31, %swap3A_32] {strides = array<i32>} : memref<128x80xf32, #tpu.memory_space<vmem>>, vector<16xf32>,
      tpu.vector_store %arg15[%swap3A_31, %swap3A_32], %broadcast_in_dim3A_30 {strides = array<i32>} : memref<128x80xf32, #tpu.memory_space<vmem>>, vector<16xf32>,
      %broadcast_in_dim3A_34 = arith.constant 0.000000e+00 : f32
      %broadcast_in_dim3A_35 = vector.broadcast %broadcast_in_dim3A_34 : f32 to vector<16xf32>
      %swap3A_36 = arith.index_cast %scan3A_25 : i32 to index
      %swap3A_37 = arith.constant 32 : index
      %swap3A_38 = tpu.vector_load %arg15[%swap3A_36, %swap3A_37] {strides = array<i32>} : memref<128x80xf32, #tpu.memory_space<vmem>>, vector<16xf32>,
      tpu.vector_store %arg15[%swap3A_36, %swap3A_37], %broadcast_in_dim3A_35 {strides = array<i32>} : memref<128x80xf32, #tpu.memory_space<vmem>>, vector<16xf32>,
      %broadcast_in_dim3A_39 = arith.constant 0.000000e+00 : f32
      %broadcast_in_dim3A_40 = vector.broadcast %broadcast_in_dim3A_39 : f32 to vector<16xf32>
      %swap3A_41 = arith.index_cast %scan3A_25 : i32 to index
      %swap3A_42 = arith.constant 48 : index
      %swap3A_43 = tpu.vector_load %arg15[%swap3A_41, %swap3A_42] {strides = array<i32>} : memref<128x80xf32, #tpu.memory_space<vmem>>, vector<16xf32>,
      tpu.vector_store %arg15[%swap3A_41, %swap3A_42], %broadcast_in_dim3A_40 {strides = array<i32>} : memref<128x80xf32, #tpu.memory_space<vmem>>, vector<16xf32>,
      %broadcast_in_dim3A_44 = arith.constant 0.000000e+00 : f32
      %broadcast_in_dim3A_45 = vector.broadcast %broadcast_in_dim3A_44 : f32 to vector<16xf32>
      %swap3A_46 = arith.index_cast %scan3A_25 : i32 to index
      %swap3A_47 = arith.constant 64 : index
      %swap3A_48 = tpu.vector_load %arg15[%swap3A_46, %swap3A_47] {strides = array<i32>} : memref<128x80xf32, #tpu.memory_space<vmem>>, vector<16xf32>,
      tpu.vector_store %arg15[%swap3A_46, %swap3A_47], %broadcast_in_dim3A_45 {strides = array<i32>} : memref<128x80xf32, #tpu.memory_space<vmem>>, vector<16xf32>,
    }
    %scan3A_5 = arith.constant 128 : i32
    %mul3A_6 = arith.constant 640 : i32
    %mul3A_7 = arith.muli %arg1, %mul3A_6 : i32
    %add3A_8 = arith.constant 0 : i32
    %add3A_9 = arith.addi %mul3A_7, %add3A_8 : i32
    "tpu.region"() ({
      %run_scoped3A = tpu.sem_alloc : memref<!tpu.dma_semaphore, #tpu.memory_space<semaphore_mem>>
      %dma_start3A = arith.constant 0 : i32
      %dma_start3A_25 = tpu.memref_slice %arg8[%add3A_9, %dma_start3A] : memref<10240x80xf32, #tpu.memory_space<vmem_shared>> -> memref<128x80xf32, #tpu.memory_space<vmem_shared>>
      %dma_start3A_26 = arith.constant 0 : i32
      %dma_start3A_27 = tpu.memref_slice %arg8[%add3A_9, %dma_start3A_26] : memref<10240x80xf32, #tpu.memory_space<vmem_shared>> -> memref<128x80xf32, #tpu.memory_space<vmem_shared>>
      tpu.enqueue_dma source(%arg15 : memref<128x80xf32, #tpu.memory_space<vmem>>) target(%dma_start3A_27 : memref<128x80xf32, #tpu.memory_space<vmem_shared>>) target_semaphore(%run_scoped3A : memref<!tpu.dma_semaphore, #tpu.memory_space<semaphore_mem>>)
      %dma_wait3A = arith.constant 0 : i32
      %dma_wait3A_28 = tpu.memref_slice %arg8[%add3A_9, %dma_wait3A] : memref<10240x80xf32, #tpu.memory_space<vmem_shared>> -> memref<128x80xf32, #tpu.memory_space<vmem_shared>>
      %dma_wait3A_29 = arith.constant 0 : i32
      %dma_wait3A_30 = tpu.memref_slice %arg8[%add3A_9, %dma_wait3A_29] : memref<10240x80xf32, #tpu.memory_space<vmem_shared>> -> memref<128x80xf32, #tpu.memory_space<vmem_shared>>
      tpu.wait_dma2 semaphore(%run_scoped3A : memref<!tpu.dma_semaphore, #tpu.memory_space<semaphore_mem>>) src(%arg15 : memref<128x80xf32, #tpu.memory_space<vmem>>) dst(%dma_wait3A_30 : memref<128x80xf32, #tpu.memory_space<vmem_shared>>)
      tpu.yield
    }) : () -> ()
    %add3A_10 = arith.constant 128 : i32
    %add3A_11 = arith.addi %mul3A_7, %add3A_10 : i32
    "tpu.region"() ({
      %run_scoped3A = tpu.sem_alloc : memref<!tpu.dma_semaphore, #tpu.memory_space<semaphore_mem>>
      %dma_start3A = arith.constant 0 : i32
      %dma_start3A_25 = tpu.memref_slice %arg8[%add3A_11, %dma_start3A] : memref<10240x80xf32, #tpu.memory_space<vmem_shared>> -> memref<128x80xf32, #tpu.memory_space<vmem_shared>>
      %dma_start3A_26 = arith.constant 0 : i32
      %dma_start3A_27 = tpu.memref_slice %arg8[%add3A_11, %dma_start3A_26] : memref<10240x80xf32, #tpu.memory_space<vmem_shared>> -> memref<128x80xf32, #tpu.memory_space<vmem_shared>>
      tpu.enqueue_dma source(%arg15 : memref<128x80xf32, #tpu.memory_space<vmem>>) target(%dma_start3A_27 : memref<128x80xf32, #tpu.memory_space<vmem_shared>>) target_semaphore(%run_scoped3A : memref<!tpu.dma_semaphore, #tpu.memory_space<semaphore_mem>>)
      %dma_wait3A = arith.constant 0 : i32
      %dma_wait3A_28 = tpu.memref_slice %arg8[%add3A_11, %dma_wait3A] : memref<10240x80xf32, #tpu.memory_space<vmem_shared>> -> memref<128x80xf32, #tpu.memory_space<vmem_shared>>
      %dma_wait3A_29 = arith.constant 0 : i32
      %dma_wait3A_30 = tpu.memref_slice %arg8[%add3A_11, %dma_wait3A_29] : memref<10240x80xf32, #tpu.memory_space<vmem_shared>> -> memref<128x80xf32, #tpu.memory_space<vmem_shared>>
      tpu.wait_dma2 semaphore(%run_scoped3A : memref<!tpu.dma_semaphore, #tpu.memory_space<semaphore_mem>>) src(%arg15 : memref<128x80xf32, #tpu.memory_space<vmem>>) dst(%dma_wait3A_30 : memref<128x80xf32, #tpu.memory_space<vmem_shared>>)
      tpu.yield
    }) : () -> ()
    %add3A_12 = arith.constant 256 : i32
    %add3A_13 = arith.addi %mul3A_7, %add3A_12 : i32
    "tpu.region"() ({
      %run_scoped3A = tpu.sem_alloc : memref<!tpu.dma_semaphore, #tpu.memory_space<semaphore_mem>>
      %dma_start3A = arith.constant 0 : i32
      %dma_start3A_25 = tpu.memref_slice %arg8[%add3A_13, %dma_start3A] : memref<10240x80xf32, #tpu.memory_space<vmem_shared>> -> memref<128x80xf32, #tpu.memory_space<vmem_shared>>
      %dma_start3A_26 = arith.constant 0 : i32
      %dma_start3A_27 = tpu.memref_slice %arg8[%add3A_13, %dma_start3A_26] : memref<10240x80xf32, #tpu.memory_space<vmem_shared>> -> memref<128x80xf32, #tpu.memory_space<vmem_shared>>
      tpu.enqueue_dma source(%arg15 : memref<128x80xf32, #tpu.memory_space<vmem>>) target(%dma_start3A_27 : memref<128x80xf32, #tpu.memory_space<vmem_shared>>) target_semaphore(%run_scoped3A : memref<!tpu.dma_semaphore, #tpu.memory_space<semaphore_mem>>)
      %dma_wait3A = arith.constant 0 : i32
      %dma_wait3A_28 = tpu.memref_slice %arg8[%add3A_13, %dma_wait3A] : memref<10240x80xf32, #tpu.memory_space<vmem_shared>> -> memref<128x80xf32, #tpu.memory_space<vmem_shared>>
      %dma_wait3A_29 = arith.constant 0 : i32
      %dma_wait3A_30 = tpu.memref_slice %arg8[%add3A_13, %dma_wait3A_29] : memref<10240x80xf32, #tpu.memory_space<vmem_shared>> -> memref<128x80xf32, #tpu.memory_space<vmem_shared>>
      tpu.wait_dma2 semaphore(%run_scoped3A : memref<!tpu.dma_semaphore, #tpu.memory_space<semaphore_mem>>) src(%arg15 : memref<128x80xf32, #tpu.memory_space<vmem>>) dst(%dma_wait3A_30 : memref<128x80xf32, #tpu.memory_space<vmem_shared>>)
      tpu.yield
    }) : () -> ()
    %add3A_14 = arith.constant 384 : i32
    %add3A_15 = arith.addi %mul3A_7, %add3A_14 : i32
    "tpu.region"() ({
      %run_scoped3A = tpu.sem_alloc : memref<!tpu.dma_semaphore, #tpu.memory_space<semaphore_mem>>
      %dma_start3A = arith.constant 0 : i32
      %dma_start3A_25 = tpu.memref_slice %arg8[%add3A_15, %dma_start3A] : memref<10240x80xf32, #tpu.memory_space<vmem_shared>> -> memref<128x80xf32, #tpu.memory_space<vmem_shared>>
      %dma_start3A_26 = arith.constant 0 : i32
      %dma_start3A_27 = tpu.memref_slice %arg8[%add3A_15, %dma_start3A_26] : memref<10240x80xf32, #tpu.memory_space<vmem_shared>> -> memref<128x80xf32, #tpu.memory_space<vmem_shared>>
      tpu.enqueue_dma source(%arg15 : memref<128x80xf32, #tpu.memory_space<vmem>>) target(%dma_start3A_27 : memref<128x80xf32, #tpu.memory_space<vmem_shared>>) target_semaphore(%run_scoped3A : memref<!tpu.dma_semaphore, #tpu.memory_space<semaphore_mem>>)
      %dma_wait3A = arith.constant 0 : i32
      %dma_wait3A_28 = tpu.memref_slice %arg8[%add3A_15, %dma_wait3A] : memref<10240x80xf32, #tpu.memory_space<vmem_shared>> -> memref<128x80xf32, #tpu.memory_space<vmem_shared>>
      %dma_wait3A_29 = arith.constant 0 : i32
      %dma_wait3A_30 = tpu.memref_slice %arg8[%add3A_15, %dma_wait3A_29] : memref<10240x80xf32, #tpu.memory_space<vmem_shared>> -> memref<128x80xf32, #tpu.memory_space<vmem_shared>>
      tpu.wait_dma2 semaphore(%run_scoped3A : memref<!tpu.dma_semaphore, #tpu.memory_space<semaphore_mem>>) src(%arg15 : memref<128x80xf32, #tpu.memory_space<vmem>>) dst(%dma_wait3A_30 : memref<128x80xf32, #tpu.memory_space<vmem_shared>>)
      tpu.yield
    }) : () -> ()
    %add3A_16 = arith.constant 512 : i32
    %add3A_17 = arith.addi %mul3A_7, %add3A_16 : i32
    "tpu.region"() ({
      %run_scoped3A = tpu.sem_alloc : memref<!tpu.dma_semaphore, #tpu.memory_space<semaphore_mem>>
      %dma_start3A = arith.constant 0 : i32
      %dma_start3A_25 = tpu.memref_slice %arg8[%add3A_17, %dma_start3A] : memref<10240x80xf32, #tpu.memory_space<vmem_shared>> -> memref<128x80xf32, #tpu.memory_space<vmem_shared>>
      %dma_start3A_26 = arith.constant 0 : i32
      %dma_start3A_27 = tpu.memref_slice %arg8[%add3A_17, %dma_start3A_26] : memref<10240x80xf32, #tpu.memory_space<vmem_shared>> -> memref<128x80xf32, #tpu.memory_space<vmem_shared>>
      tpu.enqueue_dma source(%arg15 : memref<128x80xf32, #tpu.memory_space<vmem>>) target(%dma_start3A_27 : memref<128x80xf32, #tpu.memory_space<vmem_shared>>) target_semaphore(%run_scoped3A : memref<!tpu.dma_semaphore, #tpu.memory_space<semaphore_mem>>)
      %dma_wait3A = arith.constant 0 : i32
      %dma_wait3A_28 = tpu.memref_slice %arg8[%add3A_17, %dma_wait3A] : memref<10240x80xf32, #tpu.memory_space<vmem_shared>> -> memref<128x80xf32, #tpu.memory_space<vmem_shared>>
      %dma_wait3A_29 = arith.constant 0 : i32
      %dma_wait3A_30 = tpu.memref_slice %arg8[%add3A_17, %dma_wait3A_29] : memref<10240x80xf32, #tpu.memory_space<vmem_shared>> -> memref<128x80xf32, #tpu.memory_space<vmem_shared>>
      tpu.wait_dma2 semaphore(%run_scoped3A : memref<!tpu.dma_semaphore, #tpu.memory_space<semaphore_mem>>) src(%arg15 : memref<128x80xf32, #tpu.memory_space<vmem>>) dst(%dma_wait3A_30 : memref<128x80xf32, #tpu.memory_space<vmem_shared>>)
      tpu.yield
    }) : () -> ()
    %barrier3A = arith.constant 0 : index
    tpu.barrier barrier_id(%barrier3A)
    %scan3A_18 = arith.constant 0 : i32
    %scan3A_19 = arith.constant 0 : i32
    %scan3A_20 = arith.constant 81 : i32
    %scan3A_21 = arith.addi %scan3A_19, %scan3A_20 : i32
    %scan3A_22 = arith.constant 1 : i32
    scf.for %scan3A_25 = %scan3A_19 to %scan3A_21 step %scan3A_22  : i32 {
      %dma_start3A = arith.constant 0 : i32
      %dma_start3A_26 = tpu.memref_slice %arg9[%scan3A_25, %dma_start3A] : memref<81x128xi32, #tpu.memory_space<vmem>> -> memref<1x128xi32, #tpu.memory_space<vmem>>
      %dma_start3A_27 = tpu.memref_squeeze %dma_start3A_26 : memref<1x128xi32, #tpu.memory_space<vmem>> -> memref<128xi32, #tpu.memory_space<vmem>>
      %dma_start3A_28 = arith.constant 0 : i32
      %dma_start3A_29 = arith.constant 0 : i32
      %dma_start3A_30 = tpu.memref_slice %arg2[%dma_start3A_28, %dma_start3A_29] : memref<10240x64xf32, #tpu.memory_space<hbm>> -> memref<10240x64xf32, #tpu.memory_space<hbm>>
      tpu.enqueue_indirect_dma source(%dma_start3A_30 : memref<10240x64xf32, #tpu.memory_space<hbm>>) target(%arg14 : memref<128x64xf32, #tpu.memory_space<vmem>>) offsets(%dma_start3A_27 : memref<128xi32, #tpu.memory_space<vmem>>) semaphore(%arg16 : memref<!tpu.dma_semaphore, #tpu.memory_space<semaphore_mem>>)
      %dma_wait3A = arith.constant 0 : i32
      %dma_wait3A_31 = tpu.memref_slice %arg9[%scan3A_25, %dma_wait3A] : memref<81x128xi32, #tpu.memory_space<vmem>> -> memref<1x128xi32, #tpu.memory_space<vmem>>
      %dma_wait3A_32 = tpu.memref_squeeze %dma_wait3A_31 : memref<1x128xi32, #tpu.memory_space<vmem>> -> memref<128xi32, #tpu.memory_space<vmem>>
      %dma_wait3A_33 = arith.constant 0 : i32
      %dma_wait3A_34 = arith.constant 0 : i32
      %dma_wait3A_35 = tpu.memref_slice %arg2[%dma_wait3A_33, %dma_wait3A_34] : memref<10240x64xf32, #tpu.memory_space<hbm>> -> memref<10240x64xf32, #tpu.memory_space<hbm>>
      tpu.wait_indirect_dma semaphore(%arg16 : memref<!tpu.dma_semaphore, #tpu.memory_space<semaphore_mem>>) src(%dma_wait3A_35 : memref<10240x64xf32, #tpu.memory_space<hbm>>) dst(%arg14 : memref<128x64xf32, #tpu.memory_space<vmem>>)
      %get3A = arith.index_cast %scan3A_25 : i32 to index
      %get3A_36 = arith.constant 0 : index
      %get3A_37 = tpu.vector_load %arg9[%get3A, %get3A_36] {strides = array<i32>} : memref<81x128xi32, #tpu.memory_space<vmem>>, vector<16xi32>,
      %get3A_38 = arith.index_cast %scan3A_25 : i32 to index
      %get3A_39 = arith.constant 0 : index
      %get3A_40 = tpu.vector_load %arg10[%get3A_38, %get3A_39] {strides = array<i32>} : memref<81x128xi32, #tpu.memory_space<vmem>>, vector<16xi32>,
      %gather3A = tpu.vector_load_idx %arg11[%get3A_37] : memref<10240xf32, #tpu.memory_space<vmem>>[vector<16xi32>], vector<16xf32>,
      %gather3A_41 = tpu.vector_load_idx %arg12[%get3A_40] : memref<10240xf32, #tpu.memory_space<vmem>>[vector<16xi32>], vector<16xf32>,
      %add3A_42 = arith.addf %gather3A, %gather3A_41 : vector<16xf32>
      %gt3A = arith.constant 0.000000e+00 : f32
      %gt3A_43 = vector.broadcast %gt3A : f32 to vector<16xf32>
      %gt3A_44 = arith.cmpf ogt, %add3A_42, %gt3A_43 : vector<16xf32>
      %mul3A_45 = arith.constant 2.000000e-01 : f32
      %mul3A_46 = vector.broadcast %mul3A_45 : f32 to vector<16xf32>
      %mul3A_47 = arith.mulf %mul3A_46, %add3A_42 : vector<16xf32>
      %select_n3A = arith.select %gt3A_44, %add3A_42, %mul3A_47 : vector<16xi1>, vector<16xf32>
      %exp3A = math.exp %select_n3A : vector<16xf32>
      %swap3A = arith.constant 0 : index
      %swap3A_48 = tpu.vector_load %arg13[%swap3A] {strides = array<i32>} : memref<128xf32, #tpu.memory_space<vmem>>, vector<16xf32>,
      tpu.vector_store %arg13[%swap3A], %exp3A {strides = array<i32>} : memref<128xf32, #tpu.memory_space<vmem>>, vector<16xf32>,
      %get3A_49 = arith.index_cast %scan3A_25 : i32 to index
      %get3A_50 = arith.constant 16 : index
      %get3A_51 = tpu.vector_load %arg9[%get3A_49, %get3A_50] {strides = array<i32>} : memref<81x128xi32, #tpu.memory_space<vmem>>, vector<16xi32>,
      %get3A_52 = arith.index_cast %scan3A_25 : i32 to index
      %get3A_53 = arith.constant 16 : index
      %get3A_54 = tpu.vector_load %arg10[%get3A_52, %get3A_53] {strides = array<i32>} : memref<81x128xi32, #tpu.memory_space<vmem>>, vector<16xi32>,
      %gather3A_55 = tpu.vector_load_idx %arg11[%get3A_51] : memref<10240xf32, #tpu.memory_space<vmem>>[vector<16xi32>], vector<16xf32>,
      %gather3A_56 = tpu.vector_load_idx %arg12[%get3A_54] : memref<10240xf32, #tpu.memory_space<vmem>>[vector<16xi32>], vector<16xf32>,
      %add3A_57 = arith.addf %gather3A_55, %gather3A_56 : vector<16xf32>
      %gt3A_58 = arith.constant 0.000000e+00 : f32
      %gt3A_59 = vector.broadcast %gt3A_58 : f32 to vector<16xf32>
      %gt3A_60 = arith.cmpf ogt, %add3A_57, %gt3A_59 : vector<16xf32>
      %mul3A_61 = arith.constant 2.000000e-01 : f32
      %mul3A_62 = vector.broadcast %mul3A_61 : f32 to vector<16xf32>
      %mul3A_63 = arith.mulf %mul3A_62, %add3A_57 : vector<16xf32>
      %select_n3A_64 = arith.select %gt3A_60, %add3A_57, %mul3A_63 : vector<16xi1>, vector<16xf32>
      %exp3A_65 = math.exp %select_n3A_64 : vector<16xf32>
      %swap3A_66 = arith.constant 16 : index
      %swap3A_67 = tpu.vector_load %arg13[%swap3A_66] {strides = array<i32>} : memref<128xf32, #tpu.memory_space<vmem>>, vector<16xf32>,
      tpu.vector_store %arg13[%swap3A_66], %exp3A_65 {strides = array<i32>} : memref<128xf32, #tpu.memory_space<vmem>>, vector<16xf32>,
      %get3A_68 = arith.index_cast %scan3A_25 : i32 to index
      %get3A_69 = arith.constant 32 : index
      %get3A_70 = tpu.vector_load %arg9[%get3A_68, %get3A_69] {strides = array<i32>} : memref<81x128xi32, #tpu.memory_space<vmem>>, vector<16xi32>,
      %get3A_71 = arith.index_cast %scan3A_25 : i32 to index
      %get3A_72 = arith.constant 32 : index
      %get3A_73 = tpu.vector_load %arg10[%get3A_71, %get3A_72] {strides = array<i32>} : memref<81x128xi32, #tpu.memory_space<vmem>>, vector<16xi32>,
      %gather3A_74 = tpu.vector_load_idx %arg11[%get3A_70] : memref<10240xf32, #tpu.memory_space<vmem>>[vector<16xi32>], vector<16xf32>,
      %gather3A_75 = tpu.vector_load_idx %arg12[%get3A_73] : memref<10240xf32, #tpu.memory_space<vmem>>[vector<16xi32>], vector<16xf32>,
      %add3A_76 = arith.addf %gather3A_74, %gather3A_75 : vector<16xf32>
      %gt3A_77 = arith.constant 0.000000e+00 : f32
      %gt3A_78 = vector.broadcast %gt3A_77 : f32 to vector<16xf32>
      %gt3A_79 = arith.cmpf ogt, %add3A_76, %gt3A_78 : vector<16xf32>
      %mul3A_80 = arith.constant 2.000000e-01 : f32
      %mul3A_81 = vector.broadcast %mul3A_80 : f32 to vector<16xf32>
      %mul3A_82 = arith.mulf %mul3A_81, %add3A_76 : vector<16xf32>
      %select_n3A_83 = arith.select %gt3A_79, %add3A_76, %mul3A_82 : vector<16xi1>, vector<16xf32>
      %exp3A_84 = math.exp %select_n3A_83 : vector<16xf32>
      %swap3A_85 = arith.constant 32 : index
      %swap3A_86 = tpu.vector_load %arg13[%swap3A_85] {strides = array<i32>} : memref<128xf32, #tpu.memory_space<vmem>>, vector<16xf32>,
      tpu.vector_store %arg13[%swap3A_85], %exp3A_84 {strides = array<i32>} : memref<128xf32, #tpu.memory_space<vmem>>, vector<16xf32>,
      %get3A_87 = arith.index_cast %scan3A_25 : i32 to index
      %get3A_88 = arith.constant 48 : index
      %get3A_89 = tpu.vector_load %arg9[%get3A_87, %get3A_88] {strides = array<i32>} : memref<81x128xi32, #tpu.memory_space<vmem>>, vector<16xi32>,
      %get3A_90 = arith.index_cast %scan3A_25 : i32 to index
      %get3A_91 = arith.constant 48 : index
      %get3A_92 = tpu.vector_load %arg10[%get3A_90, %get3A_91] {strides = array<i32>} : memref<81x128xi32, #tpu.memory_space<vmem>>, vector<16xi32>,
      %gather3A_93 = tpu.vector_load_idx %arg11[%get3A_89] : memref<10240xf32, #tpu.memory_space<vmem>>[vector<16xi32>], vector<16xf32>,
      %gather3A_94 = tpu.vector_load_idx %arg12[%get3A_92] : memref<10240xf32, #tpu.memory_space<vmem>>[vector<16xi32>], vector<16xf32>,
      %add3A_95 = arith.addf %gather3A_93, %gather3A_94 : vector<16xf32>
      %gt3A_96 = arith.constant 0.000000e+00 : f32
      %gt3A_97 = vector.broadcast %gt3A_96 : f32 to vector<16xf32>
      %gt3A_98 = arith.cmpf ogt, %add3A_95, %gt3A_97 : vector<16xf32>
      %mul3A_99 = arith.constant 2.000000e-01 : f32
      %mul3A_100 = vector.broadcast %mul3A_99 : f32 to vector<16xf32>
      %mul3A_101 = arith.mulf %mul3A_100, %add3A_95 : vector<16xf32>
      %select_n3A_102 = arith.select %gt3A_98, %add3A_95, %mul3A_101 : vector<16xi1>, vector<16xf32>
      %exp3A_103 = math.exp %select_n3A_102 : vector<16xf32>
      %swap3A_104 = arith.constant 48 : index
      %swap3A_105 = tpu.vector_load %arg13[%swap3A_104] {strides = array<i32>} : memref<128xf32, #tpu.memory_space<vmem>>, vector<16xf32>,
      tpu.vector_store %arg13[%swap3A_104], %exp3A_103 {strides = array<i32>} : memref<128xf32, #tpu.memory_space<vmem>>, vector<16xf32>,
      %get3A_106 = arith.index_cast %scan3A_25 : i32 to index
      %get3A_107 = arith.constant 64 : index
      %get3A_108 = tpu.vector_load %arg9[%get3A_106, %get3A_107] {strides = array<i32>} : memref<81x128xi32, #tpu.memory_space<vmem>>, vector<16xi32>,
      %get3A_109 = arith.index_cast %scan3A_25 : i32 to index
      %get3A_110 = arith.constant 64 : index
      %get3A_111 = tpu.vector_load %arg10[%get3A_109, %get3A_110] {strides = array<i32>} : memref<81x128xi32, #tpu.memory_space<vmem>>, vector<16xi32>,
      %gather3A_112 = tpu.vector_load_idx %arg11[%get3A_108] : memref<10240xf32, #tpu.memory_space<vmem>>[vector<16xi32>], vector<16xf32>,
      %gather3A_113 = tpu.vector_load_idx %arg12[%get3A_111] : memref<10240xf32, #tpu.memory_space<vmem>>[vector<16xi32>], vector<16xf32>,
      %add3A_114 = arith.addf %gather3A_112, %gather3A_113 : vector<16xf32>
      %gt3A_115 = arith.constant 0.000000e+00 : f32
      %gt3A_116 = vector.broadcast %gt3A_115 : f32 to vector<16xf32>
      %gt3A_117 = arith.cmpf ogt, %add3A_114, %gt3A_116 : vector<16xf32>
      %mul3A_118 = arith.constant 2.000000e-01 : f32
      %mul3A_119 = vector.broadcast %mul3A_118 : f32 to vector<16xf32>
      %mul3A_120 = arith.mulf %mul3A_119, %add3A_114 : vector<16xf32>
      %select_n3A_121 = arith.select %gt3A_117, %add3A_114, %mul3A_120 : vector<16xi1>, vector<16xf32>
      %exp3A_122 = math.exp %select_n3A_121 : vector<16xf32>
      %swap3A_123 = arith.constant 64 : index
      %swap3A_124 = tpu.vector_load %arg13[%swap3A_123] {strides = array<i32>} : memref<128xf32, #tpu.memory_space<vmem>>, vector<16xf32>,
      tpu.vector_store %arg13[%swap3A_123], %exp3A_122 {strides = array<i32>} : memref<128xf32, #tpu.memory_space<vmem>>, vector<16xf32>,
      %get3A_125 = arith.index_cast %scan3A_25 : i32 to index
      %get3A_126 = arith.constant 80 : index
      %get3A_127 = tpu.vector_load %arg9[%get3A_125, %get3A_126] {strides = array<i32>} : memref<81x128xi32, #tpu.memory_space<vmem>>, vector<16xi32>,
      %get3A_128 = arith.index_cast %scan3A_25 : i32 to index
      %get3A_129 = arith.constant 80 : index
      %get3A_130 = tpu.vector_load %arg10[%get3A_128, %get3A_129] {strides = array<i32>} : memref<81x128xi32, #tpu.memory_space<vmem>>, vector<16xi32>,
      %gather3A_131 = tpu.vector_load_idx %arg11[%get3A_127] : memref<10240xf32, #tpu.memory_space<vmem>>[vector<16xi32>], vector<16xf32>,
      %gather3A_132 = tpu.vector_load_idx %arg12[%get3A_130] : memref<10240xf32, #tpu.memory_space<vmem>>[vector<16xi32>], vector<16xf32>,
      %add3A_133 = arith.addf %gather3A_131, %gather3A_132 : vector<16xf32>
      %gt3A_134 = arith.constant 0.000000e+00 : f32
      %gt3A_135 = vector.broadcast %gt3A_134 : f32 to vector<16xf32>
      %gt3A_136 = arith.cmpf ogt, %add3A_133, %gt3A_135 : vector<16xf32>
      %mul3A_137 = arith.constant 2.000000e-01 : f32
      %mul3A_138 = vector.broadcast %mul3A_137 : f32 to vector<16xf32>
      %mul3A_139 = arith.mulf %mul3A_138, %add3A_133 : vector<16xf32>
      %select_n3A_140 = arith.select %gt3A_136, %add3A_133, %mul3A_139 : vector<16xi1>, vector<16xf32>
      %exp3A_141 = math.exp %select_n3A_140 : vector<16xf32>
      %swap3A_142 = arith.constant 80 : index
      %swap3A_143 = tpu.vector_load %arg13[%swap3A_142] {strides = array<i32>} : memref<128xf32, #tpu.memory_space<vmem>>, vector<16xf32>,
      tpu.vector_store %arg13[%swap3A_142], %exp3A_141 {strides = array<i32>} : memref<128xf32, #tpu.memory_space<vmem>>, vector<16xf32>,
      %get3A_144 = arith.index_cast %scan3A_25 : i32 to index
      %get3A_145 = arith.constant 96 : index
      %get3A_146 = tpu.vector_load %arg9[%get3A_144, %get3A_145] {strides = array<i32>} : memref<81x128xi32, #tpu.memory_space<vmem>>, vector<16xi32>,
      %get3A_147 = arith.index_cast %scan3A_25 : i32 to index
      %get3A_148 = arith.constant 96 : index
      %get3A_149 = tpu.vector_load %arg10[%get3A_147, %get3A_148] {strides = array<i32>} : memref<81x128xi32, #tpu.memory_space<vmem>>, vector<16xi32>,
      %gather3A_150 = tpu.vector_load_idx %arg11[%get3A_146] : memref<10240xf32, #tpu.memory_space<vmem>>[vector<16xi32>], vector<16xf32>,
      %gather3A_151 = tpu.vector_load_idx %arg12[%get3A_149] : memref<10240xf32, #tpu.memory_space<vmem>>[vector<16xi32>], vector<16xf32>,
      %add3A_152 = arith.addf %gather3A_150, %gather3A_151 : vector<16xf32>
      %gt3A_153 = arith.constant 0.000000e+00 : f32
      %gt3A_154 = vector.broadcast %gt3A_153 : f32 to vector<16xf32>
      %gt3A_155 = arith.cmpf ogt, %add3A_152, %gt3A_154 : vector<16xf32>
      %mul3A_156 = arith.constant 2.000000e-01 : f32
      %mul3A_157 = vector.broadcast %mul3A_156 : f32 to vector<16xf32>
      %mul3A_158 = arith.mulf %mul3A_157, %add3A_152 : vector<16xf32>
      %select_n3A_159 = arith.select %gt3A_155, %add3A_152, %mul3A_158 : vector<16xi1>, vector<16xf32>
      %exp3A_160 = math.exp %select_n3A_159 : vector<16xf32>
      %swap3A_161 = arith.constant 96 : index
      %swap3A_162 = tpu.vector_load %arg13[%swap3A_161] {strides = array<i32>} : memref<128xf32, #tpu.memory_space<vmem>>, vector<16xf32>,
      tpu.vector_store %arg13[%swap3A_161], %exp3A_160 {strides = array<i32>} : memref<128xf32, #tpu.memory_space<vmem>>, vector<16xf32>,
      %get3A_163 = arith.index_cast %scan3A_25 : i32 to index
      %get3A_164 = arith.constant 112 : index
      %get3A_165 = tpu.vector_load %arg9[%get3A_163, %get3A_164] {strides = array<i32>} : memref<81x128xi32, #tpu.memory_space<vmem>>, vector<16xi32>,
      %get3A_166 = arith.index_cast %scan3A_25 : i32 to index
      %get3A_167 = arith.constant 112 : index
      %get3A_168 = tpu.vector_load %arg10[%get3A_166, %get3A_167] {strides = array<i32>} : memref<81x128xi32, #tpu.memory_space<vmem>>, vector<16xi32>,
      %gather3A_169 = tpu.vector_load_idx %arg11[%get3A_165] : memref<10240xf32, #tpu.memory_space<vmem>>[vector<16xi32>], vector<16xf32>,
      %gather3A_170 = tpu.vector_load_idx %arg12[%get3A_168] : memref<10240xf32, #tpu.memory_space<vmem>>[vector<16xi32>], vector<16xf32>,
      %add3A_171 = arith.addf %gather3A_169, %gather3A_170 : vector<16xf32>
      %gt3A_172 = arith.constant 0.000000e+00 : f32
      %gt3A_173 = vector.broadcast %gt3A_172 : f32 to vector<16xf32>
      %gt3A_174 = arith.cmpf ogt, %add3A_171, %gt3A_173 : vector<16xf32>
      %mul3A_175 = arith.constant 2.000000e-01 : f32
      %mul3A_176 = vector.broadcast %mul3A_175 : f32 to vector<16xf32>
      %mul3A_177 = arith.mulf %mul3A_176, %add3A_171 : vector<16xf32>
      %select_n3A_178 = arith.select %gt3A_174, %add3A_171, %mul3A_177 : vector<16xi1>, vector<16xf32>
      %exp3A_179 = math.exp %select_n3A_178 : vector<16xf32>
      %swap3A_180 = arith.constant 112 : index
      %swap3A_181 = tpu.vector_load %arg13[%swap3A_180] {strides = array<i32>} : memref<128xf32, #tpu.memory_space<vmem>>, vector<16xf32>,
      tpu.vector_store %arg13[%swap3A_180], %exp3A_179 {strides = array<i32>} : memref<128xf32, #tpu.memory_space<vmem>>, vector<16xf32>,
      %scan3A_182 = arith.constant 0 : i32
      %scan3A_183 = arith.constant 0 : i32
      %scan3A_184 = arith.constant 128 : i32
      %scan3A_185 = arith.addi %scan3A_183, %scan3A_184 : i32
      %scan3A_186 = arith.constant 1 : i32
      scf.for %scan3A_188 = %scan3A_183 to %scan3A_185 step %scan3A_186  : i32 {
        %broadcast_in_dim3A = vector.broadcast %scan3A_188 : i32 to vector<16xi32>
        %gather3A_189 = tpu.vector_load_idx %arg13[%broadcast_in_dim3A] : memref<128xf32, #tpu.memory_space<vmem>>[vector<16xi32>], vector<16xf32>,
        %get3A_190 = arith.index_cast %scan3A_188 : i32 to index
        %get3A_191 = arith.constant 0 : index
        %get3A_192 = tpu.vector_load %arg14[%get3A_190, %get3A_191] {strides = array<i32>} : memref<128x64xf32, #tpu.memory_space<vmem>>, vector<16xf32>,
        %mul3A_193 = arith.mulf %get3A_192, %gather3A_189 : vector<16xf32>
        %swap3A_194 = arith.index_cast %scan3A_188 : i32 to index
        %swap3A_195 = arith.constant 0 : index
        %swap3A_196 = tpu.vector_load %arg15[%swap3A_194, %swap3A_195] {strides = array<i32>} : memref<128x80xf32, #tpu.memory_space<vmem>>, vector<16xf32>,
        tpu.vector_store %arg15[%swap3A_194, %swap3A_195], %mul3A_193 {strides = array<i32>} : memref<128x80xf32, #tpu.memory_space<vmem>>, vector<16xf32>,
        %get3A_197 = arith.index_cast %scan3A_188 : i32 to index
        %get3A_198 = arith.constant 16 : index
        %get3A_199 = tpu.vector_load %arg14[%get3A_197, %get3A_198] {strides = array<i32>} : memref<128x64xf32, #tpu.memory_space<vmem>>, vector<16xf32>,
        %mul3A_200 = arith.mulf %get3A_199, %gather3A_189 : vector<16xf32>
        %swap3A_201 = arith.index_cast %scan3A_188 : i32 to index
        %swap3A_202 = arith.constant 16 : index
        %swap3A_203 = tpu.vector_load %arg15[%swap3A_201, %swap3A_202] {strides = array<i32>} : memref<128x80xf32, #tpu.memory_space<vmem>>, vector<16xf32>,
        tpu.vector_store %arg15[%swap3A_201, %swap3A_202], %mul3A_200 {strides = array<i32>} : memref<128x80xf32, #tpu.memory_space<vmem>>, vector<16xf32>,
        %get3A_204 = arith.index_cast %scan3A_188 : i32 to index
        %get3A_205 = arith.constant 32 : index
        %get3A_206 = tpu.vector_load %arg14[%get3A_204, %get3A_205] {strides = array<i32>} : memref<128x64xf32, #tpu.memory_space<vmem>>, vector<16xf32>,
        %mul3A_207 = arith.mulf %get3A_206, %gather3A_189 : vector<16xf32>
        %swap3A_208 = arith.index_cast %scan3A_188 : i32 to index
        %swap3A_209 = arith.constant 32 : index
        %swap3A_210 = tpu.vector_load %arg15[%swap3A_208, %swap3A_209] {strides = array<i32>} : memref<128x80xf32, #tpu.memory_space<vmem>>, vector<16xf32>,
        tpu.vector_store %arg15[%swap3A_208, %swap3A_209], %mul3A_207 {strides = array<i32>} : memref<128x80xf32, #tpu.memory_space<vmem>>, vector<16xf32>,
        %get3A_211 = arith.index_cast %scan3A_188 : i32 to index
        %get3A_212 = arith.constant 48 : index
        %get3A_213 = tpu.vector_load %arg14[%get3A_211, %get3A_212] {strides = array<i32>} : memref<128x64xf32, #tpu.memory_space<vmem>>, vector<16xf32>,
        %mul3A_214 = arith.mulf %get3A_213, %gather3A_189 : vector<16xf32>
        %swap3A_215 = arith.index_cast %scan3A_188 : i32 to index
        %swap3A_216 = arith.constant 48 : index
        %swap3A_217 = tpu.vector_load %arg15[%swap3A_215, %swap3A_216] {strides = array<i32>} : memref<128x80xf32, #tpu.memory_space<vmem>>, vector<16xf32>,
        tpu.vector_store %arg15[%swap3A_215, %swap3A_216], %mul3A_214 {strides = array<i32>} : memref<128x80xf32, #tpu.memory_space<vmem>>, vector<16xf32>,
        %swap3A_218 = arith.index_cast %scan3A_188 : i32 to index
        %swap3A_219 = arith.constant 64 : index
        %swap3A_220 = tpu.vector_load %arg15[%swap3A_218, %swap3A_219] {strides = array<i32>} : memref<128x80xf32, #tpu.memory_space<vmem>>, vector<16xf32>,
        tpu.vector_store %arg15[%swap3A_218, %swap3A_219], %gather3A_189 {strides = array<i32>} : memref<128x80xf32, #tpu.memory_space<vmem>>, vector<16xf32>,
      }
      %scan3A_187 = arith.constant 128 : i32
      "tpu.region"() ({
        %run_scoped3A = tpu.sem_alloc : memref<!tpu.dma_semaphore, #tpu.memory_space<semaphore_mem>>
        %dma_start3A_188 = arith.constant 0 : i32
        %dma_start3A_189 = tpu.memref_slice %arg10[%scan3A_25, %dma_start3A_188] : memref<81x128xi32, #tpu.memory_space<vmem>> -> memref<1x128xi32, #tpu.memory_space<vmem>>
        %dma_start3A_190 = tpu.memref_squeeze %dma_start3A_189 : memref<1x128xi32, #tpu.memory_space<vmem>> -> memref<128xi32, #tpu.memory_space<vmem>>
        %dma_start3A_191 = arith.constant 0 : i32
        %dma_start3A_192 = arith.constant 0 : i32
        %dma_start3A_193 = tpu.memref_slice %arg8[%dma_start3A_191, %dma_start3A_192] : memref<10240x80xf32, #tpu.memory_space<vmem_shared>> -> memref<10240x80xf32, #tpu.memory_space<vmem_shared>>
        tpu.enqueue_indirect_dma source(%arg15 : memref<128x80xf32, #tpu.memory_space<vmem>>) target(%dma_start3A_193 : memref<10240x80xf32, #tpu.memory_space<vmem_shared>>) offsets(%dma_start3A_190 : memref<128xi32, #tpu.memory_space<vmem>>) semaphore(%run_scoped3A : memref<!tpu.dma_semaphore, #tpu.memory_space<semaphore_mem>>) {add = true}
        %dma_wait3A_194 = arith.constant 0 : i32
        %dma_wait3A_195 = tpu.memref_slice %arg10[%scan3A_25, %dma_wait3A_194] : memref<81x128xi32, #tpu.memory_space<vmem>> -> memref<1x128xi32, #tpu.memory_space<vmem>>
        %dma_wait3A_196 = tpu.memref_squeeze %dma_wait3A_195 : memref<1x128xi32, #tpu.memory_space<vmem>> -> memref<128xi32, #tpu.memory_space<vmem>>
        %dma_wait3A_197 = arith.constant 0 : i32
        %dma_wait3A_198 = arith.constant 0 : i32
        %dma_wait3A_199 = tpu.memref_slice %arg8[%dma_wait3A_197, %dma_wait3A_198] : memref<10240x80xf32, #tpu.memory_space<vmem_shared>> -> memref<10240x80xf32, #tpu.memory_space<vmem_shared>>
        tpu.wait_indirect_dma semaphore(%run_scoped3A : memref<!tpu.dma_semaphore, #tpu.memory_space<semaphore_mem>>) src(%arg15 : memref<128x80xf32, #tpu.memory_space<vmem>>) dst(%dma_wait3A_199 : memref<10240x80xf32, #tpu.memory_space<vmem_shared>>)
        tpu.yield
      }) : () -> ()
    }
    %scan3A_23 = arith.constant 81 : i32
    %barrier3A_24 = arith.constant 0 : index
    tpu.barrier barrier_id(%barrier3A_24)
    "tpu.region"() ({
      %run_scoped3A = tpu.sem_alloc : memref<!tpu.dma_semaphore, #tpu.memory_space<semaphore_mem>>
      %dma_start3A = arith.constant 0 : i32
      %dma_start3A_25 = tpu.memref_slice %arg7[%arg0, %mul3A_7, %dma_start3A] : memref<2x10240x80xf32, #tpu.memory_space<hbm>> -> memref<1x640x80xf32, #tpu.memory_space<hbm>>
      %dma_start3A_26 = tpu.memref_squeeze %dma_start3A_25 : memref<1x640x80xf32, #tpu.memory_space<hbm>> -> memref<640x80xf32, #tpu.memory_space<hbm>>
      %dma_start3A_27 = arith.constant 0 : i32
      %dma_start3A_28 = tpu.memref_slice %arg8[%mul3A_7, %dma_start3A_27] : memref<10240x80xf32, #tpu.memory_space<vmem_shared>> -> memref<640x80xf32, #tpu.memory_space<vmem_shared>>
      tpu.enqueue_dma source(%dma_start3A_28 : memref<640x80xf32, #tpu.memory_space<vmem_shared>>) target(%dma_start3A_26 : memref<640x80xf32, #tpu.memory_space<hbm>>) target_semaphore(%run_scoped3A : memref<!tpu.dma_semaphore, #tpu.memory_space<semaphore_mem>>)
      %dma_wait3A = arith.constant 0 : i32
      %dma_wait3A_29 = tpu.memref_slice %arg7[%arg0, %mul3A_7, %dma_wait3A] : memref<2x10240x80xf32, #tpu.memory_space<hbm>> -> memref<1x640x80xf32, #tpu.memory_space<hbm>>
      %dma_wait3A_30 = tpu.memref_squeeze %dma_wait3A_29 : memref<1x640x80xf32, #tpu.memory_space<hbm>> -> memref<640x80xf32, #tpu.memory_space<hbm>>
      %dma_wait3A_31 = arith.constant 0 : i32
      %dma_wait3A_32 = tpu.memref_slice %arg8[%mul3A_7, %dma_wait3A_31] : memref<10240x80xf32, #tpu.memory_space<vmem_shared>> -> memref<640x80xf32, #tpu.memory_space<vmem_shared>>
      tpu.wait_dma2 semaphore(%run_scoped3A : memref<!tpu.dma_semaphore, #tpu.memory_space<semaphore_mem>>) src(%dma_wait3A_32 : memref<640x80xf32, #tpu.memory_space<vmem_shared>>) dst(%dma_wait3A_30 : memref<640x80xf32, #tpu.memory_space<hbm>>)
      tpu.yield
    }) : () -> ()
    return
  }
}

#map = affine_map<(d0, d1) -> (0, 0)>
#map1 = affine_map<(d0, d1) -> (0)>
#map2 = affine_map<(d0, d1) -> (0, 0, 0)>
module attributes {stable_mosaic.version = 14 : i64} {
  func.func @gat_agg(%arg0: i32, %arg1: i32, %arg2: memref<10240x64xf32, #tpu.memory_space<hbm>>, %arg3: memref<10240xf32, #tpu.memory_space<hbm>>, %arg4: memref<10240xf32, #tpu.memory_space<hbm>>, %arg5: memref<32x81x128xi32, #tpu.memory_space<hbm>>, %arg6: memref<32x81x128xi32, #tpu.memory_space<hbm>>, %arg7: memref<2x10240x80xf32, #tpu.memory_space<hbm>>, %arg8: memref<10240x80xf32, #tpu.memory_space<vmem_shared>>, %arg9: memref<81x128xi32, #tpu.memory_space<vmem>>, %arg10: memref<81x128xi32, #tpu.memory_space<vmem>>, %arg11: memref<10240xf32, #tpu.memory_space<vmem>>, %arg12: memref<10240xf32, #tpu.memory_space<vmem>>, %arg13: memref<128xf32, #tpu.memory_space<vmem>>, %arg14: memref<128x64xf32, #tpu.memory_space<vmem>>, %arg15: memref<128x80xf32, #tpu.memory_space<vmem>>, %arg16: memref<!tpu.dma_semaphore, #tpu.memory_space<semaphore_mem>>) attributes {dimension_semantics = [#tpu.dimension_semantics<core_parallel>, #tpu.dimension_semantics<subcore_parallel>], iteration_bounds = array<i64: 2, 16>, scalar_prefetch = 0 : i64, scratch_operands = 9 : i64, tpu.core_type = #tpu.core_type<sc_vector_subcore>, window_params = [{transform_indices = #map}, {transform_indices = #map1}, {transform_indices = #map1}, {transform_indices = #map2}, {transform_indices = #map2}, {transform_indices = #map2}]} {
    %mul3A = arith.constant 16 : i32
    %mul3A_0 = arith.muli %arg0, %mul3A : i32
    %add3A = arith.addi %mul3A_0, %arg1 : i32
    "tpu.region"() ({
      %run_scoped3A = tpu.sem_alloc : memref<!tpu.dma_semaphore, #tpu.memory_space<semaphore_mem>>
      %dma_start3A = arith.constant 0 : i32
      %dma_start3A_25 = arith.constant 0 : i32
      %dma_start3A_26 = tpu.memref_slice %arg5[%add3A, %dma_start3A, %dma_start3A_25] : memref<32x81x128xi32, #tpu.memory_space<hbm>> -> memref<1x81x128xi32, #tpu.memory_space<hbm>>
      %dma_start3A_27 = tpu.memref_squeeze %dma_start3A_26 : memref<1x81x128xi32, #tpu.memory_space<hbm>> -> memref<81x128xi32, #tpu.memory_space<hbm>>
      %dma_start3A_28 = arith.constant 0 : i32
      %dma_start3A_29 = arith.constant 0 : i32
      %dma_start3A_30 = tpu.memref_slice %arg5[%add3A, %dma_start3A_28, %dma_start3A_29] : memref<32x81x128xi32, #tpu.memory_space<hbm>> -> memref<1x81x128xi32, #tpu.memory_space<hbm>>
      %dma_start3A_31 = tpu.memref_squeeze %dma_start3A_30 : memref<1x81x128xi32, #tpu.memory_space<hbm>> -> memref<81x128xi32, #tpu.memory_space<hbm>>
      tpu.enqueue_dma source(%dma_start3A_31 : memref<81x128xi32, #tpu.memory_space<hbm>>) target(%arg9 : memref<81x128xi32, #tpu.memory_space<vmem>>) target_semaphore(%run_scoped3A : memref<!tpu.dma_semaphore, #tpu.memory_space<semaphore_mem>>)
      %dma_wait3A = arith.constant 0 : i32
      %dma_wait3A_32 = arith.constant 0 : i32
      %dma_wait3A_33 = tpu.memref_slice %arg5[%add3A, %dma_wait3A, %dma_wait3A_32] : memref<32x81x128xi32, #tpu.memory_space<hbm>> -> memref<1x81x128xi32, #tpu.memory_space<hbm>>
      %dma_wait3A_34 = tpu.memref_squeeze %dma_wait3A_33 : memref<1x81x128xi32, #tpu.memory_space<hbm>> -> memref<81x128xi32, #tpu.memory_space<hbm>>
      %dma_wait3A_35 = arith.constant 0 : i32
      %dma_wait3A_36 = arith.constant 0 : i32
      %dma_wait3A_37 = tpu.memref_slice %arg5[%add3A, %dma_wait3A_35, %dma_wait3A_36] : memref<32x81x128xi32, #tpu.memory_space<hbm>> -> memref<1x81x128xi32, #tpu.memory_space<hbm>>
      %dma_wait3A_38 = tpu.memref_squeeze %dma_wait3A_37 : memref<1x81x128xi32, #tpu.memory_space<hbm>> -> memref<81x128xi32, #tpu.memory_space<hbm>>
      tpu.wait_dma2 semaphore(%run_scoped3A : memref<!tpu.dma_semaphore, #tpu.memory_space<semaphore_mem>>) src(%dma_wait3A_38 : memref<81x128xi32, #tpu.memory_space<hbm>>) dst(%arg9 : memref<81x128xi32, #tpu.memory_space<vmem>>)
      tpu.yield
    }) : () -> ()
    "tpu.region"() ({
      %run_scoped3A = tpu.sem_alloc : memref<!tpu.dma_semaphore, #tpu.memory_space<semaphore_mem>>
      %dma_start3A = arith.constant 0 : i32
      %dma_start3A_25 = arith.constant 0 : i32
      %dma_start3A_26 = tpu.memref_slice %arg6[%add3A, %dma_start3A, %dma_start3A_25] : memref<32x81x128xi32, #tpu.memory_space<hbm>> -> memref<1x81x128xi32, #tpu.memory_space<hbm>>
      %dma_start3A_27 = tpu.memref_squeeze %dma_start3A_26 : memref<1x81x128xi32, #tpu.memory_space<hbm>> -> memref<81x128xi32, #tpu.memory_space<hbm>>
      %dma_start3A_28 = arith.constant 0 : i32
      %dma_start3A_29 = arith.constant 0 : i32
      %dma_start3A_30 = tpu.memref_slice %arg6[%add3A, %dma_start3A_28, %dma_start3A_29] : memref<32x81x128xi32, #tpu.memory_space<hbm>> -> memref<1x81x128xi32, #tpu.memory_space<hbm>>
      %dma_start3A_31 = tpu.memref_squeeze %dma_start3A_30 : memref<1x81x128xi32, #tpu.memory_space<hbm>> -> memref<81x128xi32, #tpu.memory_space<hbm>>
      tpu.enqueue_dma source(%dma_start3A_31 : memref<81x128xi32, #tpu.memory_space<hbm>>) target(%arg10 : memref<81x128xi32, #tpu.memory_space<vmem>>) target_semaphore(%run_scoped3A : memref<!tpu.dma_semaphore, #tpu.memory_space<semaphore_mem>>)
      %dma_wait3A = arith.constant 0 : i32
      %dma_wait3A_32 = arith.constant 0 : i32
      %dma_wait3A_33 = tpu.memref_slice %arg6[%add3A, %dma_wait3A, %dma_wait3A_32] : memref<32x81x128xi32, #tpu.memory_space<hbm>> -> memref<1x81x128xi32, #tpu.memory_space<hbm>>
      %dma_wait3A_34 = tpu.memref_squeeze %dma_wait3A_33 : memref<1x81x128xi32, #tpu.memory_space<hbm>> -> memref<81x128xi32, #tpu.memory_space<hbm>>
      %dma_wait3A_35 = arith.constant 0 : i32
      %dma_wait3A_36 = arith.constant 0 : i32
      %dma_wait3A_37 = tpu.memref_slice %arg6[%add3A, %dma_wait3A_35, %dma_wait3A_36] : memref<32x81x128xi32, #tpu.memory_space<hbm>> -> memref<1x81x128xi32, #tpu.memory_space<hbm>>
      %dma_wait3A_38 = tpu.memref_squeeze %dma_wait3A_37 : memref<1x81x128xi32, #tpu.memory_space<hbm>> -> memref<81x128xi32, #tpu.memory_space<hbm>>
      tpu.wait_dma2 semaphore(%run_scoped3A : memref<!tpu.dma_semaphore, #tpu.memory_space<semaphore_mem>>) src(%dma_wait3A_38 : memref<81x128xi32, #tpu.memory_space<hbm>>) dst(%arg10 : memref<81x128xi32, #tpu.memory_space<vmem>>)
      tpu.yield
    }) : () -> ()
    "tpu.region"() ({
      %run_scoped3A = tpu.sem_alloc : memref<!tpu.dma_semaphore, #tpu.memory_space<semaphore_mem>>
      tpu.enqueue_dma source(%arg3 : memref<10240xf32, #tpu.memory_space<hbm>>) target(%arg11 : memref<10240xf32, #tpu.memory_space<vmem>>) target_semaphore(%run_scoped3A : memref<!tpu.dma_semaphore, #tpu.memory_space<semaphore_mem>>)
      tpu.wait_dma2 semaphore(%run_scoped3A : memref<!tpu.dma_semaphore, #tpu.memory_space<semaphore_mem>>) src(%arg3 : memref<10240xf32, #tpu.memory_space<hbm>>) dst(%arg11 : memref<10240xf32, #tpu.memory_space<vmem>>)
      tpu.yield
    }) : () -> ()
    "tpu.region"() ({
      %run_scoped3A = tpu.sem_alloc : memref<!tpu.dma_semaphore, #tpu.memory_space<semaphore_mem>>
      tpu.enqueue_dma source(%arg4 : memref<10240xf32, #tpu.memory_space<hbm>>) target(%arg12 : memref<10240xf32, #tpu.memory_space<vmem>>) target_semaphore(%run_scoped3A : memref<!tpu.dma_semaphore, #tpu.memory_space<semaphore_mem>>)
      tpu.wait_dma2 semaphore(%run_scoped3A : memref<!tpu.dma_semaphore, #tpu.memory_space<semaphore_mem>>) src(%arg4 : memref<10240xf32, #tpu.memory_space<hbm>>) dst(%arg12 : memref<10240xf32, #tpu.memory_space<vmem>>)
      tpu.yield
    }) : () -> ()
    %scan3A = arith.constant 0 : i32
    %scan3A_1 = arith.constant 0 : i32
    %scan3A_2 = arith.constant 128 : i32
    %scan3A_3 = arith.addi %scan3A_1, %scan3A_2 : i32
    %scan3A_4 = arith.constant 1 : i32
    scf.for %scan3A_25 = %scan3A_1 to %scan3A_3 step %scan3A_4  : i32 {
      %broadcast_in_dim3A = arith.constant 0.000000e+00 : f32
      %broadcast_in_dim3A_26 = vector.broadcast %broadcast_in_dim3A : f32 to vector<16xf32>
      %swap3A = arith.index_cast %scan3A_25 : i32 to index
      %swap3A_27 = arith.constant 0 : index
      %swap3A_28 = tpu.vector_load %arg15[%swap3A, %swap3A_27] {strides = array<i32>} : memref<128x80xf32, #tpu.memory_space<vmem>>, vector<16xf32>,
      tpu.vector_store %arg15[%swap3A, %swap3A_27], %broadcast_in_dim3A_26 {strides = array<i32>} : memref<128x80xf32, #tpu.memory_space<vmem>>, vector<16xf32>,
      %broadcast_in_dim3A_29 = arith.constant 0.000000e+00 : f32
      %broadcast_in_dim3A_30 = vector.broadcast %broadcast_in_dim3A_29 : f32 to vector<16xf32>
      %swap3A_31 = arith.index_cast %scan3A_25 : i32 to index
      %swap3A_32 = arith.constant 16 : index
      %swap3A_33 = tpu.vector_load %arg15[%swap3A_31, %swap3A_32] {strides = array<i32>} : memref<128x80xf32, #tpu.memory_space<vmem>>, vector<16xf32>,
      tpu.vector_store %arg15[%swap3A_31, %swap3A_32], %broadcast_in_dim3A_30 {strides = array<i32>} : memref<128x80xf32, #tpu.memory_space<vmem>>, vector<16xf32>,
      %broadcast_in_dim3A_34 = arith.constant 0.000000e+00 : f32
      %broadcast_in_dim3A_35 = vector.broadcast %broadcast_in_dim3A_34 : f32 to vector<16xf32>
      %swap3A_36 = arith.index_cast %scan3A_25 : i32 to index
      %swap3A_37 = arith.constant 32 : index
      %swap3A_38 = tpu.vector_load %arg15[%swap3A_36, %swap3A_37] {strides = array<i32>} : memref<128x80xf32, #tpu.memory_space<vmem>>, vector<16xf32>,
      tpu.vector_store %arg15[%swap3A_36, %swap3A_37], %broadcast_in_dim3A_35 {strides = array<i32>} : memref<128x80xf32, #tpu.memory_space<vmem>>, vector<16xf32>,
      %broadcast_in_dim3A_39 = arith.constant 0.000000e+00 : f32
      %broadcast_in_dim3A_40 = vector.broadcast %broadcast_in_dim3A_39 : f32 to vector<16xf32>
      %swap3A_41 = arith.index_cast %scan3A_25 : i32 to index
      %swap3A_42 = arith.constant 48 : index
      %swap3A_43 = tpu.vector_load %arg15[%swap3A_41, %swap3A_42] {strides = array<i32>} : memref<128x80xf32, #tpu.memory_space<vmem>>, vector<16xf32>,
      tpu.vector_store %arg15[%swap3A_41, %swap3A_42], %broadcast_in_dim3A_40 {strides = array<i32>} : memref<128x80xf32, #tpu.memory_space<vmem>>, vector<16xf32>,
      %broadcast_in_dim3A_44 = arith.constant 0.000000e+00 : f32
      %broadcast_in_dim3A_45 = vector.broadcast %broadcast_in_dim3A_44 : f32 to vector<16xf32>
      %swap3A_46 = arith.index_cast %scan3A_25 : i32 to index
      %swap3A_47 = arith.constant 64 : index
      %swap3A_48 = tpu.vector_load %arg15[%swap3A_46, %swap3A_47] {strides = array<i32>} : memref<128x80xf32, #tpu.memory_space<vmem>>, vector<16xf32>,
      tpu.vector_store %arg15[%swap3A_46, %swap3A_47], %broadcast_in_dim3A_45 {strides = array<i32>} : memref<128x80xf32, #tpu.memory_space<vmem>>, vector<16xf32>,
    }
    %scan3A_5 = arith.constant 128 : i32
    %mul3A_6 = arith.constant 640 : i32
    %mul3A_7 = arith.muli %arg1, %mul3A_6 : i32
    %add3A_8 = arith.constant 0 : i32
    %add3A_9 = arith.addi %mul3A_7, %add3A_8 : i32
    "tpu.region"() ({
      %run_scoped3A = tpu.sem_alloc : memref<!tpu.dma_semaphore, #tpu.memory_space<semaphore_mem>>
      %dma_start3A = arith.constant 0 : i32
      %dma_start3A_25 = tpu.memref_slice %arg8[%add3A_9, %dma_start3A] : memref<10240x80xf32, #tpu.memory_space<vmem_shared>> -> memref<128x80xf32, #tpu.memory_space<vmem_shared>>
      %dma_start3A_26 = arith.constant 0 : i32
      %dma_start3A_27 = tpu.memref_slice %arg8[%add3A_9, %dma_start3A_26] : memref<10240x80xf32, #tpu.memory_space<vmem_shared>> -> memref<128x80xf32, #tpu.memory_space<vmem_shared>>
      tpu.enqueue_dma source(%arg15 : memref<128x80xf32, #tpu.memory_space<vmem>>) target(%dma_start3A_27 : memref<128x80xf32, #tpu.memory_space<vmem_shared>>) target_semaphore(%run_scoped3A : memref<!tpu.dma_semaphore, #tpu.memory_space<semaphore_mem>>)
      %dma_wait3A = arith.constant 0 : i32
      %dma_wait3A_28 = tpu.memref_slice %arg8[%add3A_9, %dma_wait3A] : memref<10240x80xf32, #tpu.memory_space<vmem_shared>> -> memref<128x80xf32, #tpu.memory_space<vmem_shared>>
      %dma_wait3A_29 = arith.constant 0 : i32
      %dma_wait3A_30 = tpu.memref_slice %arg8[%add3A_9, %dma_wait3A_29] : memref<10240x80xf32, #tpu.memory_space<vmem_shared>> -> memref<128x80xf32, #tpu.memory_space<vmem_shared>>
      tpu.wait_dma2 semaphore(%run_scoped3A : memref<!tpu.dma_semaphore, #tpu.memory_space<semaphore_mem>>) src(%arg15 : memref<128x80xf32, #tpu.memory_space<vmem>>) dst(%dma_wait3A_30 : memref<128x80xf32, #tpu.memory_space<vmem_shared>>)
      tpu.yield
    }) : () -> ()
    %add3A_10 = arith.constant 128 : i32
    %add3A_11 = arith.addi %mul3A_7, %add3A_10 : i32
    "tpu.region"() ({
      %run_scoped3A = tpu.sem_alloc : memref<!tpu.dma_semaphore, #tpu.memory_space<semaphore_mem>>
      %dma_start3A = arith.constant 0 : i32
      %dma_start3A_25 = tpu.memref_slice %arg8[%add3A_11, %dma_start3A] : memref<10240x80xf32, #tpu.memory_space<vmem_shared>> -> memref<128x80xf32, #tpu.memory_space<vmem_shared>>
      %dma_start3A_26 = arith.constant 0 : i32
      %dma_start3A_27 = tpu.memref_slice %arg8[%add3A_11, %dma_start3A_26] : memref<10240x80xf32, #tpu.memory_space<vmem_shared>> -> memref<128x80xf32, #tpu.memory_space<vmem_shared>>
      tpu.enqueue_dma source(%arg15 : memref<128x80xf32, #tpu.memory_space<vmem>>) target(%dma_start3A_27 : memref<128x80xf32, #tpu.memory_space<vmem_shared>>) target_semaphore(%run_scoped3A : memref<!tpu.dma_semaphore, #tpu.memory_space<semaphore_mem>>)
      %dma_wait3A = arith.constant 0 : i32
      %dma_wait3A_28 = tpu.memref_slice %arg8[%add3A_11, %dma_wait3A] : memref<10240x80xf32, #tpu.memory_space<vmem_shared>> -> memref<128x80xf32, #tpu.memory_space<vmem_shared>>
      %dma_wait3A_29 = arith.constant 0 : i32
      %dma_wait3A_30 = tpu.memref_slice %arg8[%add3A_11, %dma_wait3A_29] : memref<10240x80xf32, #tpu.memory_space<vmem_shared>> -> memref<128x80xf32, #tpu.memory_space<vmem_shared>>
      tpu.wait_dma2 semaphore(%run_scoped3A : memref<!tpu.dma_semaphore, #tpu.memory_space<semaphore_mem>>) src(%arg15 : memref<128x80xf32, #tpu.memory_space<vmem>>) dst(%dma_wait3A_30 : memref<128x80xf32, #tpu.memory_space<vmem_shared>>)
      tpu.yield
    }) : () -> ()
    %add3A_12 = arith.constant 256 : i32
    %add3A_13 = arith.addi %mul3A_7, %add3A_12 : i32
    "tpu.region"() ({
      %run_scoped3A = tpu.sem_alloc : memref<!tpu.dma_semaphore, #tpu.memory_space<semaphore_mem>>
      %dma_start3A = arith.constant 0 : i32
      %dma_start3A_25 = tpu.memref_slice %arg8[%add3A_13, %dma_start3A] : memref<10240x80xf32, #tpu.memory_space<vmem_shared>> -> memref<128x80xf32, #tpu.memory_space<vmem_shared>>
      %dma_start3A_26 = arith.constant 0 : i32
      %dma_start3A_27 = tpu.memref_slice %arg8[%add3A_13, %dma_start3A_26] : memref<10240x80xf32, #tpu.memory_space<vmem_shared>> -> memref<128x80xf32, #tpu.memory_space<vmem_shared>>
      tpu.enqueue_dma source(%arg15 : memref<128x80xf32, #tpu.memory_space<vmem>>) target(%dma_start3A_27 : memref<128x80xf32, #tpu.memory_space<vmem_shared>>) target_semaphore(%run_scoped3A : memref<!tpu.dma_semaphore, #tpu.memory_space<semaphore_mem>>)
      %dma_wait3A = arith.constant 0 : i32
      %dma_wait3A_28 = tpu.memref_slice %arg8[%add3A_13, %dma_wait3A] : memref<10240x80xf32, #tpu.memory_space<vmem_shared>> -> memref<128x80xf32, #tpu.memory_space<vmem_shared>>
      %dma_wait3A_29 = arith.constant 0 : i32
      %dma_wait3A_30 = tpu.memref_slice %arg8[%add3A_13, %dma_wait3A_29] : memref<10240x80xf32, #tpu.memory_space<vmem_shared>> -> memref<128x80xf32, #tpu.memory_space<vmem_shared>>
      tpu.wait_dma2 semaphore(%run_scoped3A : memref<!tpu.dma_semaphore, #tpu.memory_space<semaphore_mem>>) src(%arg15 : memref<128x80xf32, #tpu.memory_space<vmem>>) dst(%dma_wait3A_30 : memref<128x80xf32, #tpu.memory_space<vmem_shared>>)
      tpu.yield
    }) : () -> ()
    %add3A_14 = arith.constant 384 : i32
    %add3A_15 = arith.addi %mul3A_7, %add3A_14 : i32
    "tpu.region"() ({
      %run_scoped3A = tpu.sem_alloc : memref<!tpu.dma_semaphore, #tpu.memory_space<semaphore_mem>>
      %dma_start3A = arith.constant 0 : i32
      %dma_start3A_25 = tpu.memref_slice %arg8[%add3A_15, %dma_start3A] : memref<10240x80xf32, #tpu.memory_space<vmem_shared>> -> memref<128x80xf32, #tpu.memory_space<vmem_shared>>
      %dma_start3A_26 = arith.constant 0 : i32
      %dma_start3A_27 = tpu.memref_slice %arg8[%add3A_15, %dma_start3A_26] : memref<10240x80xf32, #tpu.memory_space<vmem_shared>> -> memref<128x80xf32, #tpu.memory_space<vmem_shared>>
      tpu.enqueue_dma source(%arg15 : memref<128x80xf32, #tpu.memory_space<vmem>>) target(%dma_start3A_27 : memref<128x80xf32, #tpu.memory_space<vmem_shared>>) target_semaphore(%run_scoped3A : memref<!tpu.dma_semaphore, #tpu.memory_space<semaphore_mem>>)
      %dma_wait3A = arith.constant 0 : i32
      %dma_wait3A_28 = tpu.memref_slice %arg8[%add3A_15, %dma_wait3A] : memref<10240x80xf32, #tpu.memory_space<vmem_shared>> -> memref<128x80xf32, #tpu.memory_space<vmem_shared>>
      %dma_wait3A_29 = arith.constant 0 : i32
      %dma_wait3A_30 = tpu.memref_slice %arg8[%add3A_15, %dma_wait3A_29] : memref<10240x80xf32, #tpu.memory_space<vmem_shared>> -> memref<128x80xf32, #tpu.memory_space<vmem_shared>>
      tpu.wait_dma2 semaphore(%run_scoped3A : memref<!tpu.dma_semaphore, #tpu.memory_space<semaphore_mem>>) src(%arg15 : memref<128x80xf32, #tpu.memory_space<vmem>>) dst(%dma_wait3A_30 : memref<128x80xf32, #tpu.memory_space<vmem_shared>>)
      tpu.yield
    }) : () -> ()
    %add3A_16 = arith.constant 512 : i32
    %add3A_17 = arith.addi %mul3A_7, %add3A_16 : i32
    "tpu.region"() ({
      %run_scoped3A = tpu.sem_alloc : memref<!tpu.dma_semaphore, #tpu.memory_space<semaphore_mem>>
      %dma_start3A = arith.constant 0 : i32
      %dma_start3A_25 = tpu.memref_slice %arg8[%add3A_17, %dma_start3A] : memref<10240x80xf32, #tpu.memory_space<vmem_shared>> -> memref<128x80xf32, #tpu.memory_space<vmem_shared>>
      %dma_start3A_26 = arith.constant 0 : i32
      %dma_start3A_27 = tpu.memref_slice %arg8[%add3A_17, %dma_start3A_26] : memref<10240x80xf32, #tpu.memory_space<vmem_shared>> -> memref<128x80xf32, #tpu.memory_space<vmem_shared>>
      tpu.enqueue_dma source(%arg15 : memref<128x80xf32, #tpu.memory_space<vmem>>) target(%dma_start3A_27 : memref<128x80xf32, #tpu.memory_space<vmem_shared>>) target_semaphore(%run_scoped3A : memref<!tpu.dma_semaphore, #tpu.memory_space<semaphore_mem>>)
      %dma_wait3A = arith.constant 0 : i32
      %dma_wait3A_28 = tpu.memref_slice %arg8[%add3A_17, %dma_wait3A] : memref<10240x80xf32, #tpu.memory_space<vmem_shared>> -> memref<128x80xf32, #tpu.memory_space<vmem_shared>>
      %dma_wait3A_29 = arith.constant 0 : i32
      %dma_wait3A_30 = tpu.memref_slice %arg8[%add3A_17, %dma_wait3A_29] : memref<10240x80xf32, #tpu.memory_space<vmem_shared>> -> memref<128x80xf32, #tpu.memory_space<vmem_shared>>
      tpu.wait_dma2 semaphore(%run_scoped3A : memref<!tpu.dma_semaphore, #tpu.memory_space<semaphore_mem>>) src(%arg15 : memref<128x80xf32, #tpu.memory_space<vmem>>) dst(%dma_wait3A_30 : memref<128x80xf32, #tpu.memory_space<vmem_shared>>)
      tpu.yield
    }) : () -> ()
    %barrier3A = arith.constant 0 : index
    tpu.barrier barrier_id(%barrier3A)
    %scan3A_18 = arith.constant 0 : i32
    %scan3A_19 = arith.constant 0 : i32
    %scan3A_20 = arith.constant 81 : i32
    %scan3A_21 = arith.addi %scan3A_19, %scan3A_20 : i32
    %scan3A_22 = arith.constant 1 : i32
    scf.for %scan3A_25 = %scan3A_19 to %scan3A_21 step %scan3A_22  : i32 {
      %dma_start3A = arith.constant 0 : i32
      %dma_start3A_26 = tpu.memref_slice %arg9[%scan3A_25, %dma_start3A] : memref<81x128xi32, #tpu.memory_space<vmem>> -> memref<1x128xi32, #tpu.memory_space<vmem>>
      %dma_start3A_27 = tpu.memref_squeeze %dma_start3A_26 : memref<1x128xi32, #tpu.memory_space<vmem>> -> memref<128xi32, #tpu.memory_space<vmem>>
      %dma_start3A_28 = arith.constant 0 : i32
      %dma_start3A_29 = arith.constant 0 : i32
      %dma_start3A_30 = tpu.memref_slice %arg2[%dma_start3A_28, %dma_start3A_29] : memref<10240x64xf32, #tpu.memory_space<hbm>> -> memref<10240x64xf32, #tpu.memory_space<hbm>>
      tpu.enqueue_indirect_dma source(%dma_start3A_30 : memref<10240x64xf32, #tpu.memory_space<hbm>>) target(%arg14 : memref<128x64xf32, #tpu.memory_space<vmem>>) offsets(%dma_start3A_27 : memref<128xi32, #tpu.memory_space<vmem>>) semaphore(%arg16 : memref<!tpu.dma_semaphore, #tpu.memory_space<semaphore_mem>>)
      %dma_wait3A = arith.constant 0 : i32
      %dma_wait3A_31 = tpu.memref_slice %arg9[%scan3A_25, %dma_wait3A] : memref<81x128xi32, #tpu.memory_space<vmem>> -> memref<1x128xi32, #tpu.memory_space<vmem>>
      %dma_wait3A_32 = tpu.memref_squeeze %dma_wait3A_31 : memref<1x128xi32, #tpu.memory_space<vmem>> -> memref<128xi32, #tpu.memory_space<vmem>>
      %dma_wait3A_33 = arith.constant 0 : i32
      %dma_wait3A_34 = arith.constant 0 : i32
      %dma_wait3A_35 = tpu.memref_slice %arg2[%dma_wait3A_33, %dma_wait3A_34] : memref<10240x64xf32, #tpu.memory_space<hbm>> -> memref<10240x64xf32, #tpu.memory_space<hbm>>
      tpu.wait_indirect_dma semaphore(%arg16 : memref<!tpu.dma_semaphore, #tpu.memory_space<semaphore_mem>>) src(%dma_wait3A_35 : memref<10240x64xf32, #tpu.memory_space<hbm>>) dst(%arg14 : memref<128x64xf32, #tpu.memory_space<vmem>>)
      %get3A = arith.index_cast %scan3A_25 : i32 to index
      %get3A_36 = arith.constant 0 : index
      %get3A_37 = tpu.vector_load %arg9[%get3A, %get3A_36] {strides = array<i32>} : memref<81x128xi32, #tpu.memory_space<vmem>>, vector<16xi32>,
      %get3A_38 = arith.index_cast %scan3A_25 : i32 to index
      %get3A_39 = arith.constant 0 : index
      %get3A_40 = tpu.vector_load %arg10[%get3A_38, %get3A_39] {strides = array<i32>} : memref<81x128xi32, #tpu.memory_space<vmem>>, vector<16xi32>,
      %gather3A = tpu.vector_load_idx %arg11[%get3A_37] : memref<10240xf32, #tpu.memory_space<vmem>>[vector<16xi32>], vector<16xf32>,
      %gather3A_41 = tpu.vector_load_idx %arg12[%get3A_40] : memref<10240xf32, #tpu.memory_space<vmem>>[vector<16xi32>], vector<16xf32>,
      %add3A_42 = arith.addf %gather3A, %gather3A_41 : vector<16xf32>
      %gt3A = arith.constant 0.000000e+00 : f32
      %gt3A_43 = vector.broadcast %gt3A : f32 to vector<16xf32>
      %gt3A_44 = arith.cmpf ogt, %add3A_42, %gt3A_43 : vector<16xf32>
      %mul3A_45 = arith.constant 2.000000e-01 : f32
      %mul3A_46 = vector.broadcast %mul3A_45 : f32 to vector<16xf32>
      %mul3A_47 = arith.mulf %mul3A_46, %add3A_42 : vector<16xf32>
      %select_n3A = arith.select %gt3A_44, %add3A_42, %mul3A_47 : vector<16xi1>, vector<16xf32>
      %exp3A = math.exp %select_n3A : vector<16xf32>
      %swap3A = arith.constant 0 : index
      %swap3A_48 = tpu.vector_load %arg13[%swap3A] {strides = array<i32>} : memref<128xf32, #tpu.memory_space<vmem>>, vector<16xf32>,
      tpu.vector_store %arg13[%swap3A], %exp3A {strides = array<i32>} : memref<128xf32, #tpu.memory_space<vmem>>, vector<16xf32>,
      %get3A_49 = arith.index_cast %scan3A_25 : i32 to index
      %get3A_50 = arith.constant 16 : index
      %get3A_51 = tpu.vector_load %arg9[%get3A_49, %get3A_50] {strides = array<i32>} : memref<81x128xi32, #tpu.memory_space<vmem>>, vector<16xi32>,
      %get3A_52 = arith.index_cast %scan3A_25 : i32 to index
      %get3A_53 = arith.constant 16 : index
      %get3A_54 = tpu.vector_load %arg10[%get3A_52, %get3A_53] {strides = array<i32>} : memref<81x128xi32, #tpu.memory_space<vmem>>, vector<16xi32>,
      %gather3A_55 = tpu.vector_load_idx %arg11[%get3A_51] : memref<10240xf32, #tpu.memory_space<vmem>>[vector<16xi32>], vector<16xf32>,
      %gather3A_56 = tpu.vector_load_idx %arg12[%get3A_54] : memref<10240xf32, #tpu.memory_space<vmem>>[vector<16xi32>], vector<16xf32>,
      %add3A_57 = arith.addf %gather3A_55, %gather3A_56 : vector<16xf32>
      %gt3A_58 = arith.constant 0.000000e+00 : f32
      %gt3A_59 = vector.broadcast %gt3A_58 : f32 to vector<16xf32>
      %gt3A_60 = arith.cmpf ogt, %add3A_57, %gt3A_59 : vector<16xf32>
      %mul3A_61 = arith.constant 2.000000e-01 : f32
      %mul3A_62 = vector.broadcast %mul3A_61 : f32 to vector<16xf32>
      %mul3A_63 = arith.mulf %mul3A_62, %add3A_57 : vector<16xf32>
      %select_n3A_64 = arith.select %gt3A_60, %add3A_57, %mul3A_63 : vector<16xi1>, vector<16xf32>
      %exp3A_65 = math.exp %select_n3A_64 : vector<16xf32>
      %swap3A_66 = arith.constant 16 : index
      %swap3A_67 = tpu.vector_load %arg13[%swap3A_66] {strides = array<i32>} : memref<128xf32, #tpu.memory_space<vmem>>, vector<16xf32>,
      tpu.vector_store %arg13[%swap3A_66], %exp3A_65 {strides = array<i32>} : memref<128xf32, #tpu.memory_space<vmem>>, vector<16xf32>,
      %get3A_68 = arith.index_cast %scan3A_25 : i32 to index
      %get3A_69 = arith.constant 32 : index
      %get3A_70 = tpu.vector_load %arg9[%get3A_68, %get3A_69] {strides = array<i32>} : memref<81x128xi32, #tpu.memory_space<vmem>>, vector<16xi32>,
      %get3A_71 = arith.index_cast %scan3A_25 : i32 to index
      %get3A_72 = arith.constant 32 : index
      %get3A_73 = tpu.vector_load %arg10[%get3A_71, %get3A_72] {strides = array<i32>} : memref<81x128xi32, #tpu.memory_space<vmem>>, vector<16xi32>,
      %gather3A_74 = tpu.vector_load_idx %arg11[%get3A_70] : memref<10240xf32, #tpu.memory_space<vmem>>[vector<16xi32>], vector<16xf32>,
      %gather3A_75 = tpu.vector_load_idx %arg12[%get3A_73] : memref<10240xf32, #tpu.memory_space<vmem>>[vector<16xi32>], vector<16xf32>,
      %add3A_76 = arith.addf %gather3A_74, %gather3A_75 : vector<16xf32>
      %gt3A_77 = arith.constant 0.000000e+00 : f32
      %gt3A_78 = vector.broadcast %gt3A_77 : f32 to vector<16xf32>
      %gt3A_79 = arith.cmpf ogt, %add3A_76, %gt3A_78 : vector<16xf32>
      %mul3A_80 = arith.constant 2.000000e-01 : f32
      %mul3A_81 = vector.broadcast %mul3A_80 : f32 to vector<16xf32>
      %mul3A_82 = arith.mulf %mul3A_81, %add3A_76 : vector<16xf32>
      %select_n3A_83 = arith.select %gt3A_79, %add3A_76, %mul3A_82 : vector<16xi1>, vector<16xf32>
      %exp3A_84 = math.exp %select_n3A_83 : vector<16xf32>
      %swap3A_85 = arith.constant 32 : index
      %swap3A_86 = tpu.vector_load %arg13[%swap3A_85] {strides = array<i32>} : memref<128xf32, #tpu.memory_space<vmem>>, vector<16xf32>,
      tpu.vector_store %arg13[%swap3A_85], %exp3A_84 {strides = array<i32>} : memref<128xf32, #tpu.memory_space<vmem>>, vector<16xf32>,
      %get3A_87 = arith.index_cast %scan3A_25 : i32 to index
      %get3A_88 = arith.constant 48 : index
      %get3A_89 = tpu.vector_load %arg9[%get3A_87, %get3A_88] {strides = array<i32>} : memref<81x128xi32, #tpu.memory_space<vmem>>, vector<16xi32>,
      %get3A_90 = arith.index_cast %scan3A_25 : i32 to index
      %get3A_91 = arith.constant 48 : index
      %get3A_92 = tpu.vector_load %arg10[%get3A_90, %get3A_91] {strides = array<i32>} : memref<81x128xi32, #tpu.memory_space<vmem>>, vector<16xi32>,
      %gather3A_93 = tpu.vector_load_idx %arg11[%get3A_89] : memref<10240xf32, #tpu.memory_space<vmem>>[vector<16xi32>], vector<16xf32>,
      %gather3A_94 = tpu.vector_load_idx %arg12[%get3A_92] : memref<10240xf32, #tpu.memory_space<vmem>>[vector<16xi32>], vector<16xf32>,
      %add3A_95 = arith.addf %gather3A_93, %gather3A_94 : vector<16xf32>
      %gt3A_96 = arith.constant 0.000000e+00 : f32
      %gt3A_97 = vector.broadcast %gt3A_96 : f32 to vector<16xf32>
      %gt3A_98 = arith.cmpf ogt, %add3A_95, %gt3A_97 : vector<16xf32>
      %mul3A_99 = arith.constant 2.000000e-01 : f32
      %mul3A_100 = vector.broadcast %mul3A_99 : f32 to vector<16xf32>
      %mul3A_101 = arith.mulf %mul3A_100, %add3A_95 : vector<16xf32>
      %select_n3A_102 = arith.select %gt3A_98, %add3A_95, %mul3A_101 : vector<16xi1>, vector<16xf32>
      %exp3A_103 = math.exp %select_n3A_102 : vector<16xf32>
      %swap3A_104 = arith.constant 48 : index
      %swap3A_105 = tpu.vector_load %arg13[%swap3A_104] {strides = array<i32>} : memref<128xf32, #tpu.memory_space<vmem>>, vector<16xf32>,
      tpu.vector_store %arg13[%swap3A_104], %exp3A_103 {strides = array<i32>} : memref<128xf32, #tpu.memory_space<vmem>>, vector<16xf32>,
      %get3A_106 = arith.index_cast %scan3A_25 : i32 to index
      %get3A_107 = arith.constant 64 : index
      %get3A_108 = tpu.vector_load %arg9[%get3A_106, %get3A_107] {strides = array<i32>} : memref<81x128xi32, #tpu.memory_space<vmem>>, vector<16xi32>,
      %get3A_109 = arith.index_cast %scan3A_25 : i32 to index
      %get3A_110 = arith.constant 64 : index
      %get3A_111 = tpu.vector_load %arg10[%get3A_109, %get3A_110] {strides = array<i32>} : memref<81x128xi32, #tpu.memory_space<vmem>>, vector<16xi32>,
      %gather3A_112 = tpu.vector_load_idx %arg11[%get3A_108] : memref<10240xf32, #tpu.memory_space<vmem>>[vector<16xi32>], vector<16xf32>,
      %gather3A_113 = tpu.vector_load_idx %arg12[%get3A_111] : memref<10240xf32, #tpu.memory_space<vmem>>[vector<16xi32>], vector<16xf32>,
      %add3A_114 = arith.addf %gather3A_112, %gather3A_113 : vector<16xf32>
      %gt3A_115 = arith.constant 0.000000e+00 : f32
      %gt3A_116 = vector.broadcast %gt3A_115 : f32 to vector<16xf32>
      %gt3A_117 = arith.cmpf ogt, %add3A_114, %gt3A_116 : vector<16xf32>
      %mul3A_118 = arith.constant 2.000000e-01 : f32
      %mul3A_119 = vector.broadcast %mul3A_118 : f32 to vector<16xf32>
      %mul3A_120 = arith.mulf %mul3A_119, %add3A_114 : vector<16xf32>
      %select_n3A_121 = arith.select %gt3A_117, %add3A_114, %mul3A_120 : vector<16xi1>, vector<16xf32>
      %exp3A_122 = math.exp %select_n3A_121 : vector<16xf32>
      %swap3A_123 = arith.constant 64 : index
      %swap3A_124 = tpu.vector_load %arg13[%swap3A_123] {strides = array<i32>} : memref<128xf32, #tpu.memory_space<vmem>>, vector<16xf32>,
      tpu.vector_store %arg13[%swap3A_123], %exp3A_122 {strides = array<i32>} : memref<128xf32, #tpu.memory_space<vmem>>, vector<16xf32>,
      %get3A_125 = arith.index_cast %scan3A_25 : i32 to index
      %get3A_126 = arith.constant 80 : index
      %get3A_127 = tpu.vector_load %arg9[%get3A_125, %get3A_126] {strides = array<i32>} : memref<81x128xi32, #tpu.memory_space<vmem>>, vector<16xi32>,
      %get3A_128 = arith.index_cast %scan3A_25 : i32 to index
      %get3A_129 = arith.constant 80 : index
      %get3A_130 = tpu.vector_load %arg10[%get3A_128, %get3A_129] {strides = array<i32>} : memref<81x128xi32, #tpu.memory_space<vmem>>, vector<16xi32>,
      %gather3A_131 = tpu.vector_load_idx %arg11[%get3A_127] : memref<10240xf32, #tpu.memory_space<vmem>>[vector<16xi32>], vector<16xf32>,
      %gather3A_132 = tpu.vector_load_idx %arg12[%get3A_130] : memref<10240xf32, #tpu.memory_space<vmem>>[vector<16xi32>], vector<16xf32>,
      %add3A_133 = arith.addf %gather3A_131, %gather3A_132 : vector<16xf32>
      %gt3A_134 = arith.constant 0.000000e+00 : f32
      %gt3A_135 = vector.broadcast %gt3A_134 : f32 to vector<16xf32>
      %gt3A_136 = arith.cmpf ogt, %add3A_133, %gt3A_135 : vector<16xf32>
      %mul3A_137 = arith.constant 2.000000e-01 : f32
      %mul3A_138 = vector.broadcast %mul3A_137 : f32 to vector<16xf32>
      %mul3A_139 = arith.mulf %mul3A_138, %add3A_133 : vector<16xf32>
      %select_n3A_140 = arith.select %gt3A_136, %add3A_133, %mul3A_139 : vector<16xi1>, vector<16xf32>
      %exp3A_141 = math.exp %select_n3A_140 : vector<16xf32>
      %swap3A_142 = arith.constant 80 : index
      %swap3A_143 = tpu.vector_load %arg13[%swap3A_142] {strides = array<i32>} : memref<128xf32, #tpu.memory_space<vmem>>, vector<16xf32>,
      tpu.vector_store %arg13[%swap3A_142], %exp3A_141 {strides = array<i32>} : memref<128xf32, #tpu.memory_space<vmem>>, vector<16xf32>,
      %get3A_144 = arith.index_cast %scan3A_25 : i32 to index
      %get3A_145 = arith.constant 96 : index
      %get3A_146 = tpu.vector_load %arg9[%get3A_144, %get3A_145] {strides = array<i32>} : memref<81x128xi32, #tpu.memory_space<vmem>>, vector<16xi32>,
      %get3A_147 = arith.index_cast %scan3A_25 : i32 to index
      %get3A_148 = arith.constant 96 : index
      %get3A_149 = tpu.vector_load %arg10[%get3A_147, %get3A_148] {strides = array<i32>} : memref<81x128xi32, #tpu.memory_space<vmem>>, vector<16xi32>,
      %gather3A_150 = tpu.vector_load_idx %arg11[%get3A_146] : memref<10240xf32, #tpu.memory_space<vmem>>[vector<16xi32>], vector<16xf32>,
      %gather3A_151 = tpu.vector_load_idx %arg12[%get3A_149] : memref<10240xf32, #tpu.memory_space<vmem>>[vector<16xi32>], vector<16xf32>,
      %add3A_152 = arith.addf %gather3A_150, %gather3A_151 : vector<16xf32>
      %gt3A_153 = arith.constant 0.000000e+00 : f32
      %gt3A_154 = vector.broadcast %gt3A_153 : f32 to vector<16xf32>
      %gt3A_155 = arith.cmpf ogt, %add3A_152, %gt3A_154 : vector<16xf32>
      %mul3A_156 = arith.constant 2.000000e-01 : f32
      %mul3A_157 = vector.broadcast %mul3A_156 : f32 to vector<16xf32>
      %mul3A_158 = arith.mulf %mul3A_157, %add3A_152 : vector<16xf32>
      %select_n3A_159 = arith.select %gt3A_155, %add3A_152, %mul3A_158 : vector<16xi1>, vector<16xf32>
      %exp3A_160 = math.exp %select_n3A_159 : vector<16xf32>
      %swap3A_161 = arith.constant 96 : index
      %swap3A_162 = tpu.vector_load %arg13[%swap3A_161] {strides = array<i32>} : memref<128xf32, #tpu.memory_space<vmem>>, vector<16xf32>,
      tpu.vector_store %arg13[%swap3A_161], %exp3A_160 {strides = array<i32>} : memref<128xf32, #tpu.memory_space<vmem>>, vector<16xf32>,
      %get3A_163 = arith.index_cast %scan3A_25 : i32 to index
      %get3A_164 = arith.constant 112 : index
      %get3A_165 = tpu.vector_load %arg9[%get3A_163, %get3A_164] {strides = array<i32>} : memref<81x128xi32, #tpu.memory_space<vmem>>, vector<16xi32>,
      %get3A_166 = arith.index_cast %scan3A_25 : i32 to index
      %get3A_167 = arith.constant 112 : index
      %get3A_168 = tpu.vector_load %arg10[%get3A_166, %get3A_167] {strides = array<i32>} : memref<81x128xi32, #tpu.memory_space<vmem>>, vector<16xi32>,
      %gather3A_169 = tpu.vector_load_idx %arg11[%get3A_165] : memref<10240xf32, #tpu.memory_space<vmem>>[vector<16xi32>], vector<16xf32>,
      %gather3A_170 = tpu.vector_load_idx %arg12[%get3A_168] : memref<10240xf32, #tpu.memory_space<vmem>>[vector<16xi32>], vector<16xf32>,
      %add3A_171 = arith.addf %gather3A_169, %gather3A_170 : vector<16xf32>
      %gt3A_172 = arith.constant 0.000000e+00 : f32
      %gt3A_173 = vector.broadcast %gt3A_172 : f32 to vector<16xf32>
      %gt3A_174 = arith.cmpf ogt, %add3A_171, %gt3A_173 : vector<16xf32>
      %mul3A_175 = arith.constant 2.000000e-01 : f32
      %mul3A_176 = vector.broadcast %mul3A_175 : f32 to vector<16xf32>
      %mul3A_177 = arith.mulf %mul3A_176, %add3A_171 : vector<16xf32>
      %select_n3A_178 = arith.select %gt3A_174, %add3A_171, %mul3A_177 : vector<16xi1>, vector<16xf32>
      %exp3A_179 = math.exp %select_n3A_178 : vector<16xf32>
      %swap3A_180 = arith.constant 112 : index
      %swap3A_181 = tpu.vector_load %arg13[%swap3A_180] {strides = array<i32>} : memref<128xf32, #tpu.memory_space<vmem>>, vector<16xf32>,
      tpu.vector_store %arg13[%swap3A_180], %exp3A_179 {strides = array<i32>} : memref<128xf32, #tpu.memory_space<vmem>>, vector<16xf32>,
      %scan3A_182 = arith.constant 0 : i32
      %scan3A_183 = arith.constant 0 : i32
      %scan3A_184 = arith.constant 128 : i32
      %scan3A_185 = arith.addi %scan3A_183, %scan3A_184 : i32
      %scan3A_186 = arith.constant 1 : i32
      scf.for %scan3A_188 = %scan3A_183 to %scan3A_185 step %scan3A_186  : i32 {
        %broadcast_in_dim3A = vector.broadcast %scan3A_188 : i32 to vector<16xi32>
        %gather3A_189 = tpu.vector_load_idx %arg13[%broadcast_in_dim3A] : memref<128xf32, #tpu.memory_space<vmem>>[vector<16xi32>], vector<16xf32>,
        %get3A_190 = arith.index_cast %scan3A_188 : i32 to index
        %get3A_191 = arith.constant 0 : index
        %get3A_192 = tpu.vector_load %arg14[%get3A_190, %get3A_191] {strides = array<i32>} : memref<128x64xf32, #tpu.memory_space<vmem>>, vector<16xf32>,
        %mul3A_193 = arith.mulf %get3A_192, %gather3A_189 : vector<16xf32>
        %swap3A_194 = arith.index_cast %scan3A_188 : i32 to index
        %swap3A_195 = arith.constant 0 : index
        %swap3A_196 = tpu.vector_load %arg15[%swap3A_194, %swap3A_195] {strides = array<i32>} : memref<128x80xf32, #tpu.memory_space<vmem>>, vector<16xf32>,
        tpu.vector_store %arg15[%swap3A_194, %swap3A_195], %mul3A_193 {strides = array<i32>} : memref<128x80xf32, #tpu.memory_space<vmem>>, vector<16xf32>,
        %get3A_197 = arith.index_cast %scan3A_188 : i32 to index
        %get3A_198 = arith.constant 16 : index
        %get3A_199 = tpu.vector_load %arg14[%get3A_197, %get3A_198] {strides = array<i32>} : memref<128x64xf32, #tpu.memory_space<vmem>>, vector<16xf32>,
        %mul3A_200 = arith.mulf %get3A_199, %gather3A_189 : vector<16xf32>
        %swap3A_201 = arith.index_cast %scan3A_188 : i32 to index
        %swap3A_202 = arith.constant 16 : index
        %swap3A_203 = tpu.vector_load %arg15[%swap3A_201, %swap3A_202] {strides = array<i32>} : memref<128x80xf32, #tpu.memory_space<vmem>>, vector<16xf32>,
        tpu.vector_store %arg15[%swap3A_201, %swap3A_202], %mul3A_200 {strides = array<i32>} : memref<128x80xf32, #tpu.memory_space<vmem>>, vector<16xf32>,
        %get3A_204 = arith.index_cast %scan3A_188 : i32 to index
        %get3A_205 = arith.constant 32 : index
        %get3A_206 = tpu.vector_load %arg14[%get3A_204, %get3A_205] {strides = array<i32>} : memref<128x64xf32, #tpu.memory_space<vmem>>, vector<16xf32>,
        %mul3A_207 = arith.mulf %get3A_206, %gather3A_189 : vector<16xf32>
        %swap3A_208 = arith.index_cast %scan3A_188 : i32 to index
        %swap3A_209 = arith.constant 32 : index
        %swap3A_210 = tpu.vector_load %arg15[%swap3A_208, %swap3A_209] {strides = array<i32>} : memref<128x80xf32, #tpu.memory_space<vmem>>, vector<16xf32>,
        tpu.vector_store %arg15[%swap3A_208, %swap3A_209], %mul3A_207 {strides = array<i32>} : memref<128x80xf32, #tpu.memory_space<vmem>>, vector<16xf32>,
        %get3A_211 = arith.index_cast %scan3A_188 : i32 to index
        %get3A_212 = arith.constant 48 : index
        %get3A_213 = tpu.vector_load %arg14[%get3A_211, %get3A_212] {strides = array<i32>} : memref<128x64xf32, #tpu.memory_space<vmem>>, vector<16xf32>,
        %mul3A_214 = arith.mulf %get3A_213, %gather3A_189 : vector<16xf32>
        %swap3A_215 = arith.index_cast %scan3A_188 : i32 to index
        %swap3A_216 = arith.constant 48 : index
        %swap3A_217 = tpu.vector_load %arg15[%swap3A_215, %swap3A_216] {strides = array<i32>} : memref<128x80xf32, #tpu.memory_space<vmem>>, vector<16xf32>,
        tpu.vector_store %arg15[%swap3A_215, %swap3A_216], %mul3A_214 {strides = array<i32>} : memref<128x80xf32, #tpu.memory_space<vmem>>, vector<16xf32>,
        %swap3A_218 = arith.index_cast %scan3A_188 : i32 to index
        %swap3A_219 = arith.constant 64 : index
        %swap3A_220 = tpu.vector_load %arg15[%swap3A_218, %swap3A_219] {strides = array<i32>} : memref<128x80xf32, #tpu.memory_space<vmem>>, vector<16xf32>,
        tpu.vector_store %arg15[%swap3A_218, %swap3A_219], %gather3A_189 {strides = array<i32>} : memref<128x80xf32, #tpu.memory_space<vmem>>, vector<16xf32>,
      }
      %scan3A_187 = arith.constant 128 : i32
      "tpu.region"() ({
        %run_scoped3A = tpu.sem_alloc : memref<!tpu.dma_semaphore, #tpu.memory_space<semaphore_mem>>
        %dma_start3A_188 = arith.constant 0 : i32
        %dma_start3A_189 = tpu.memref_slice %arg10[%scan3A_25, %dma_start3A_188] : memref<81x128xi32, #tpu.memory_space<vmem>> -> memref<1x128xi32, #tpu.memory_space<vmem>>
        %dma_start3A_190 = tpu.memref_squeeze %dma_start3A_189 : memref<1x128xi32, #tpu.memory_space<vmem>> -> memref<128xi32, #tpu.memory_space<vmem>>
        %dma_start3A_191 = arith.constant 0 : i32
        %dma_start3A_192 = arith.constant 0 : i32
        %dma_start3A_193 = tpu.memref_slice %arg8[%dma_start3A_191, %dma_start3A_192] : memref<10240x80xf32, #tpu.memory_space<vmem_shared>> -> memref<10240x80xf32, #tpu.memory_space<vmem_shared>>
        tpu.enqueue_indirect_dma source(%arg15 : memref<128x80xf32, #tpu.memory_space<vmem>>) target(%dma_start3A_193 : memref<10240x80xf32, #tpu.memory_space<vmem_shared>>) offsets(%dma_start3A_190 : memref<128xi32, #tpu.memory_space<vmem>>) semaphore(%run_scoped3A : memref<!tpu.dma_semaphore, #tpu.memory_space<semaphore_mem>>) {add = true}
        %dma_wait3A_194 = arith.constant 0 : i32
        %dma_wait3A_195 = tpu.memref_slice %arg10[%scan3A_25, %dma_wait3A_194] : memref<81x128xi32, #tpu.memory_space<vmem>> -> memref<1x128xi32, #tpu.memory_space<vmem>>
        %dma_wait3A_196 = tpu.memref_squeeze %dma_wait3A_195 : memref<1x128xi32, #tpu.memory_space<vmem>> -> memref<128xi32, #tpu.memory_space<vmem>>
        %dma_wait3A_197 = arith.constant 0 : i32
        %dma_wait3A_198 = arith.constant 0 : i32
        %dma_wait3A_199 = tpu.memref_slice %arg8[%dma_wait3A_197, %dma_wait3A_198] : memref<10240x80xf32, #tpu.memory_space<vmem_shared>> -> memref<10240x80xf32, #tpu.memory_space<vmem_shared>>
        tpu.wait_indirect_dma semaphore(%run_scoped3A : memref<!tpu.dma_semaphore, #tpu.memory_space<semaphore_mem>>) src(%arg15 : memref<128x80xf32, #tpu.memory_space<vmem>>) dst(%dma_wait3A_199 : memref<10240x80xf32, #tpu.memory_space<vmem_shared>>)
        tpu.yield
      }) : () -> ()
    }
    %scan3A_23 = arith.constant 81 : i32
    %barrier3A_24 = arith.constant 0 : index
    tpu.barrier barrier_id(%barrier3A_24)
    "tpu.region"() ({
      %run_scoped3A = tpu.sem_alloc : memref<!tpu.dma_semaphore, #tpu.memory_space<semaphore_mem>>
      %dma_start3A = arith.constant 0 : i32
      %dma_start3A_25 = tpu.memref_slice %arg7[%arg0, %mul3A_7, %dma_start3A] : memref<2x10240x80xf32, #tpu.memory_space<hbm>> -> memref<1x640x80xf32, #tpu.memory_space<hbm>>
      %dma_start3A_26 = tpu.memref_squeeze %dma_start3A_25 : memref<1x640x80xf32, #tpu.memory_space<hbm>> -> memref<640x80xf32, #tpu.memory_space<hbm>>
      %dma_start3A_27 = arith.constant 0 : i32
      %dma_start3A_28 = tpu.memref_slice %arg8[%mul3A_7, %dma_start3A_27] : memref<10240x80xf32, #tpu.memory_space<vmem_shared>> -> memref<640x80xf32, #tpu.memory_space<vmem_shared>>
      tpu.enqueue_dma source(%dma_start3A_28 : memref<640x80xf32, #tpu.memory_space<vmem_shared>>) target(%dma_start3A_26 : memref<640x80xf32, #tpu.memory_space<hbm>>) target_semaphore(%run_scoped3A : memref<!tpu.dma_semaphore, #tpu.memory_space<semaphore_mem>>)
      %dma_wait3A = arith.constant 0 : i32
      %dma_wait3A_29 = tpu.memref_slice %arg7[%arg0, %mul3A_7, %dma_wait3A] : memref<2x10240x80xf32, #tpu.memory_space<hbm>> -> memref<1x640x80xf32, #tpu.memory_space<hbm>>
      %dma_wait3A_30 = tpu.memref_squeeze %dma_wait3A_29 : memref<1x640x80xf32, #tpu.memory_space<hbm>> -> memref<640x80xf32, #tpu.memory_space<hbm>>
      %dma_wait3A_31 = arith.constant 0 : i32
      %dma_wait3A_32 = tpu.memref_slice %arg8[%mul3A_7, %dma_wait3A_31] : memref<10240x80xf32, #tpu.memory_space<vmem_shared>> -> memref<640x80xf32, #tpu.memory_space<vmem_shared>>
      tpu.wait_dma2 semaphore(%run_scoped3A : memref<!tpu.dma_semaphore, #tpu.memory_space<semaphore_mem>>) src(%dma_wait3A_32 : memref<640x80xf32, #tpu.memory_space<vmem_shared>>) dst(%dma_wait3A_30 : memref<640x80xf32, #tpu.memory_space<hbm>>)
      tpu.yield
    }) : () -> ()
    return
  }
}

#map = affine_map<(d0, d1) -> (0, 0)>
#map1 = affine_map<(d0, d1) -> (0)>
#map2 = affine_map<(d0, d1) -> (0, 0, 0)>
module attributes {stable_mosaic.version = 14 : i64} {
  func.func @gat_agg(%arg0: i32, %arg1: i32, %arg2: memref<10240x64xf32, #tpu.memory_space<hbm>>, %arg3: memref<10240xf32, #tpu.memory_space<hbm>>, %arg4: memref<10240xf32, #tpu.memory_space<hbm>>, %arg5: memref<32x81x128xi32, #tpu.memory_space<hbm>>, %arg6: memref<32x81x128xi32, #tpu.memory_space<hbm>>, %arg7: memref<2x10240x80xf32, #tpu.memory_space<hbm>>, %arg8: memref<10240x80xf32, #tpu.memory_space<vmem_shared>>, %arg9: memref<81x128xi32, #tpu.memory_space<vmem>>, %arg10: memref<81x128xi32, #tpu.memory_space<vmem>>, %arg11: memref<10240xf32, #tpu.memory_space<vmem>>, %arg12: memref<10240xf32, #tpu.memory_space<vmem>>, %arg13: memref<128xf32, #tpu.memory_space<vmem>>, %arg14: memref<128x64xf32, #tpu.memory_space<vmem>>, %arg15: memref<128x80xf32, #tpu.memory_space<vmem>>, %arg16: memref<!tpu.dma_semaphore, #tpu.memory_space<semaphore_mem>>) attributes {dimension_semantics = [#tpu.dimension_semantics<core_parallel>, #tpu.dimension_semantics<subcore_parallel>], iteration_bounds = array<i64: 2, 16>, scalar_prefetch = 0 : i64, scratch_operands = 9 : i64, tpu.core_type = #tpu.core_type<sc_vector_subcore>, window_params = [{transform_indices = #map}, {transform_indices = #map1}, {transform_indices = #map1}, {transform_indices = #map2}, {transform_indices = #map2}, {transform_indices = #map2}]} {
    %mul3A = arith.constant 16 : i32
    %mul3A_0 = arith.muli %arg0, %mul3A : i32
    %add3A = arith.addi %mul3A_0, %arg1 : i32
    "tpu.region"() ({
      %run_scoped3A = tpu.sem_alloc : memref<!tpu.dma_semaphore, #tpu.memory_space<semaphore_mem>>
      %dma_start3A = arith.constant 0 : i32
      %dma_start3A_25 = arith.constant 0 : i32
      %dma_start3A_26 = tpu.memref_slice %arg5[%add3A, %dma_start3A, %dma_start3A_25] : memref<32x81x128xi32, #tpu.memory_space<hbm>> -> memref<1x81x128xi32, #tpu.memory_space<hbm>>
      %dma_start3A_27 = tpu.memref_squeeze %dma_start3A_26 : memref<1x81x128xi32, #tpu.memory_space<hbm>> -> memref<81x128xi32, #tpu.memory_space<hbm>>
      %dma_start3A_28 = arith.constant 0 : i32
      %dma_start3A_29 = arith.constant 0 : i32
      %dma_start3A_30 = tpu.memref_slice %arg5[%add3A, %dma_start3A_28, %dma_start3A_29] : memref<32x81x128xi32, #tpu.memory_space<hbm>> -> memref<1x81x128xi32, #tpu.memory_space<hbm>>
      %dma_start3A_31 = tpu.memref_squeeze %dma_start3A_30 : memref<1x81x128xi32, #tpu.memory_space<hbm>> -> memref<81x128xi32, #tpu.memory_space<hbm>>
      tpu.enqueue_dma source(%dma_start3A_31 : memref<81x128xi32, #tpu.memory_space<hbm>>) target(%arg9 : memref<81x128xi32, #tpu.memory_space<vmem>>) target_semaphore(%run_scoped3A : memref<!tpu.dma_semaphore, #tpu.memory_space<semaphore_mem>>)
      %dma_wait3A = arith.constant 0 : i32
      %dma_wait3A_32 = arith.constant 0 : i32
      %dma_wait3A_33 = tpu.memref_slice %arg5[%add3A, %dma_wait3A, %dma_wait3A_32] : memref<32x81x128xi32, #tpu.memory_space<hbm>> -> memref<1x81x128xi32, #tpu.memory_space<hbm>>
      %dma_wait3A_34 = tpu.memref_squeeze %dma_wait3A_33 : memref<1x81x128xi32, #tpu.memory_space<hbm>> -> memref<81x128xi32, #tpu.memory_space<hbm>>
      %dma_wait3A_35 = arith.constant 0 : i32
      %dma_wait3A_36 = arith.constant 0 : i32
      %dma_wait3A_37 = tpu.memref_slice %arg5[%add3A, %dma_wait3A_35, %dma_wait3A_36] : memref<32x81x128xi32, #tpu.memory_space<hbm>> -> memref<1x81x128xi32, #tpu.memory_space<hbm>>
      %dma_wait3A_38 = tpu.memref_squeeze %dma_wait3A_37 : memref<1x81x128xi32, #tpu.memory_space<hbm>> -> memref<81x128xi32, #tpu.memory_space<hbm>>
      tpu.wait_dma2 semaphore(%run_scoped3A : memref<!tpu.dma_semaphore, #tpu.memory_space<semaphore_mem>>) src(%dma_wait3A_38 : memref<81x128xi32, #tpu.memory_space<hbm>>) dst(%arg9 : memref<81x128xi32, #tpu.memory_space<vmem>>)
      tpu.yield
    }) : () -> ()
    "tpu.region"() ({
      %run_scoped3A = tpu.sem_alloc : memref<!tpu.dma_semaphore, #tpu.memory_space<semaphore_mem>>
      %dma_start3A = arith.constant 0 : i32
      %dma_start3A_25 = arith.constant 0 : i32
      %dma_start3A_26 = tpu.memref_slice %arg6[%add3A, %dma_start3A, %dma_start3A_25] : memref<32x81x128xi32, #tpu.memory_space<hbm>> -> memref<1x81x128xi32, #tpu.memory_space<hbm>>
      %dma_start3A_27 = tpu.memref_squeeze %dma_start3A_26 : memref<1x81x128xi32, #tpu.memory_space<hbm>> -> memref<81x128xi32, #tpu.memory_space<hbm>>
      %dma_start3A_28 = arith.constant 0 : i32
      %dma_start3A_29 = arith.constant 0 : i32
      %dma_start3A_30 = tpu.memref_slice %arg6[%add3A, %dma_start3A_28, %dma_start3A_29] : memref<32x81x128xi32, #tpu.memory_space<hbm>> -> memref<1x81x128xi32, #tpu.memory_space<hbm>>
      %dma_start3A_31 = tpu.memref_squeeze %dma_start3A_30 : memref<1x81x128xi32, #tpu.memory_space<hbm>> -> memref<81x128xi32, #tpu.memory_space<hbm>>
      tpu.enqueue_dma source(%dma_start3A_31 : memref<81x128xi32, #tpu.memory_space<hbm>>) target(%arg10 : memref<81x128xi32, #tpu.memory_space<vmem>>) target_semaphore(%run_scoped3A : memref<!tpu.dma_semaphore, #tpu.memory_space<semaphore_mem>>)
      %dma_wait3A = arith.constant 0 : i32
      %dma_wait3A_32 = arith.constant 0 : i32
      %dma_wait3A_33 = tpu.memref_slice %arg6[%add3A, %dma_wait3A, %dma_wait3A_32] : memref<32x81x128xi32, #tpu.memory_space<hbm>> -> memref<1x81x128xi32, #tpu.memory_space<hbm>>
      %dma_wait3A_34 = tpu.memref_squeeze %dma_wait3A_33 : memref<1x81x128xi32, #tpu.memory_space<hbm>> -> memref<81x128xi32, #tpu.memory_space<hbm>>
      %dma_wait3A_35 = arith.constant 0 : i32
      %dma_wait3A_36 = arith.constant 0 : i32
      %dma_wait3A_37 = tpu.memref_slice %arg6[%add3A, %dma_wait3A_35, %dma_wait3A_36] : memref<32x81x128xi32, #tpu.memory_space<hbm>> -> memref<1x81x128xi32, #tpu.memory_space<hbm>>
      %dma_wait3A_38 = tpu.memref_squeeze %dma_wait3A_37 : memref<1x81x128xi32, #tpu.memory_space<hbm>> -> memref<81x128xi32, #tpu.memory_space<hbm>>
      tpu.wait_dma2 semaphore(%run_scoped3A : memref<!tpu.dma_semaphore, #tpu.memory_space<semaphore_mem>>) src(%dma_wait3A_38 : memref<81x128xi32, #tpu.memory_space<hbm>>) dst(%arg10 : memref<81x128xi32, #tpu.memory_space<vmem>>)
      tpu.yield
    }) : () -> ()
    "tpu.region"() ({
      %run_scoped3A = tpu.sem_alloc : memref<!tpu.dma_semaphore, #tpu.memory_space<semaphore_mem>>
      tpu.enqueue_dma source(%arg3 : memref<10240xf32, #tpu.memory_space<hbm>>) target(%arg11 : memref<10240xf32, #tpu.memory_space<vmem>>) target_semaphore(%run_scoped3A : memref<!tpu.dma_semaphore, #tpu.memory_space<semaphore_mem>>)
      tpu.wait_dma2 semaphore(%run_scoped3A : memref<!tpu.dma_semaphore, #tpu.memory_space<semaphore_mem>>) src(%arg3 : memref<10240xf32, #tpu.memory_space<hbm>>) dst(%arg11 : memref<10240xf32, #tpu.memory_space<vmem>>)
      tpu.yield
    }) : () -> ()
    "tpu.region"() ({
      %run_scoped3A = tpu.sem_alloc : memref<!tpu.dma_semaphore, #tpu.memory_space<semaphore_mem>>
      tpu.enqueue_dma source(%arg4 : memref<10240xf32, #tpu.memory_space<hbm>>) target(%arg12 : memref<10240xf32, #tpu.memory_space<vmem>>) target_semaphore(%run_scoped3A : memref<!tpu.dma_semaphore, #tpu.memory_space<semaphore_mem>>)
      tpu.wait_dma2 semaphore(%run_scoped3A : memref<!tpu.dma_semaphore, #tpu.memory_space<semaphore_mem>>) src(%arg4 : memref<10240xf32, #tpu.memory_space<hbm>>) dst(%arg12 : memref<10240xf32, #tpu.memory_space<vmem>>)
      tpu.yield
    }) : () -> ()
    %scan3A = arith.constant 0 : i32
    %scan3A_1 = arith.constant 0 : i32
    %scan3A_2 = arith.constant 128 : i32
    %scan3A_3 = arith.addi %scan3A_1, %scan3A_2 : i32
    %scan3A_4 = arith.constant 1 : i32
    scf.for %scan3A_25 = %scan3A_1 to %scan3A_3 step %scan3A_4  : i32 {
      %broadcast_in_dim3A = arith.constant 0.000000e+00 : f32
      %broadcast_in_dim3A_26 = vector.broadcast %broadcast_in_dim3A : f32 to vector<16xf32>
      %swap3A = arith.index_cast %scan3A_25 : i32 to index
      %swap3A_27 = arith.constant 0 : index
      %swap3A_28 = tpu.vector_load %arg15[%swap3A, %swap3A_27] {strides = array<i32>} : memref<128x80xf32, #tpu.memory_space<vmem>>, vector<16xf32>,
      tpu.vector_store %arg15[%swap3A, %swap3A_27], %broadcast_in_dim3A_26 {strides = array<i32>} : memref<128x80xf32, #tpu.memory_space<vmem>>, vector<16xf32>,
      %broadcast_in_dim3A_29 = arith.constant 0.000000e+00 : f32
      %broadcast_in_dim3A_30 = vector.broadcast %broadcast_in_dim3A_29 : f32 to vector<16xf32>
      %swap3A_31 = arith.index_cast %scan3A_25 : i32 to index
      %swap3A_32 = arith.constant 16 : index
      %swap3A_33 = tpu.vector_load %arg15[%swap3A_31, %swap3A_32] {strides = array<i32>} : memref<128x80xf32, #tpu.memory_space<vmem>>, vector<16xf32>,
      tpu.vector_store %arg15[%swap3A_31, %swap3A_32], %broadcast_in_dim3A_30 {strides = array<i32>} : memref<128x80xf32, #tpu.memory_space<vmem>>, vector<16xf32>,
      %broadcast_in_dim3A_34 = arith.constant 0.000000e+00 : f32
      %broadcast_in_dim3A_35 = vector.broadcast %broadcast_in_dim3A_34 : f32 to vector<16xf32>
      %swap3A_36 = arith.index_cast %scan3A_25 : i32 to index
      %swap3A_37 = arith.constant 32 : index
      %swap3A_38 = tpu.vector_load %arg15[%swap3A_36, %swap3A_37] {strides = array<i32>} : memref<128x80xf32, #tpu.memory_space<vmem>>, vector<16xf32>,
      tpu.vector_store %arg15[%swap3A_36, %swap3A_37], %broadcast_in_dim3A_35 {strides = array<i32>} : memref<128x80xf32, #tpu.memory_space<vmem>>, vector<16xf32>,
      %broadcast_in_dim3A_39 = arith.constant 0.000000e+00 : f32
      %broadcast_in_dim3A_40 = vector.broadcast %broadcast_in_dim3A_39 : f32 to vector<16xf32>
      %swap3A_41 = arith.index_cast %scan3A_25 : i32 to index
      %swap3A_42 = arith.constant 48 : index
      %swap3A_43 = tpu.vector_load %arg15[%swap3A_41, %swap3A_42] {strides = array<i32>} : memref<128x80xf32, #tpu.memory_space<vmem>>, vector<16xf32>,
      tpu.vector_store %arg15[%swap3A_41, %swap3A_42], %broadcast_in_dim3A_40 {strides = array<i32>} : memref<128x80xf32, #tpu.memory_space<vmem>>, vector<16xf32>,
      %broadcast_in_dim3A_44 = arith.constant 0.000000e+00 : f32
      %broadcast_in_dim3A_45 = vector.broadcast %broadcast_in_dim3A_44 : f32 to vector<16xf32>
      %swap3A_46 = arith.index_cast %scan3A_25 : i32 to index
      %swap3A_47 = arith.constant 64 : index
      %swap3A_48 = tpu.vector_load %arg15[%swap3A_46, %swap3A_47] {strides = array<i32>} : memref<128x80xf32, #tpu.memory_space<vmem>>, vector<16xf32>,
      tpu.vector_store %arg15[%swap3A_46, %swap3A_47], %broadcast_in_dim3A_45 {strides = array<i32>} : memref<128x80xf32, #tpu.memory_space<vmem>>, vector<16xf32>,
    }
    %scan3A_5 = arith.constant 128 : i32
    %mul3A_6 = arith.constant 640 : i32
    %mul3A_7 = arith.muli %arg1, %mul3A_6 : i32
    %add3A_8 = arith.constant 0 : i32
    %add3A_9 = arith.addi %mul3A_7, %add3A_8 : i32
    "tpu.region"() ({
      %run_scoped3A = tpu.sem_alloc : memref<!tpu.dma_semaphore, #tpu.memory_space<semaphore_mem>>
      %dma_start3A = arith.constant 0 : i32
      %dma_start3A_25 = tpu.memref_slice %arg8[%add3A_9, %dma_start3A] : memref<10240x80xf32, #tpu.memory_space<vmem_shared>> -> memref<128x80xf32, #tpu.memory_space<vmem_shared>>
      %dma_start3A_26 = arith.constant 0 : i32
      %dma_start3A_27 = tpu.memref_slice %arg8[%add3A_9, %dma_start3A_26] : memref<10240x80xf32, #tpu.memory_space<vmem_shared>> -> memref<128x80xf32, #tpu.memory_space<vmem_shared>>
      tpu.enqueue_dma source(%arg15 : memref<128x80xf32, #tpu.memory_space<vmem>>) target(%dma_start3A_27 : memref<128x80xf32, #tpu.memory_space<vmem_shared>>) target_semaphore(%run_scoped3A : memref<!tpu.dma_semaphore, #tpu.memory_space<semaphore_mem>>)
      %dma_wait3A = arith.constant 0 : i32
      %dma_wait3A_28 = tpu.memref_slice %arg8[%add3A_9, %dma_wait3A] : memref<10240x80xf32, #tpu.memory_space<vmem_shared>> -> memref<128x80xf32, #tpu.memory_space<vmem_shared>>
      %dma_wait3A_29 = arith.constant 0 : i32
      %dma_wait3A_30 = tpu.memref_slice %arg8[%add3A_9, %dma_wait3A_29] : memref<10240x80xf32, #tpu.memory_space<vmem_shared>> -> memref<128x80xf32, #tpu.memory_space<vmem_shared>>
      tpu.wait_dma2 semaphore(%run_scoped3A : memref<!tpu.dma_semaphore, #tpu.memory_space<semaphore_mem>>) src(%arg15 : memref<128x80xf32, #tpu.memory_space<vmem>>) dst(%dma_wait3A_30 : memref<128x80xf32, #tpu.memory_space<vmem_shared>>)
      tpu.yield
    }) : () -> ()
    %add3A_10 = arith.constant 128 : i32
    %add3A_11 = arith.addi %mul3A_7, %add3A_10 : i32
    "tpu.region"() ({
      %run_scoped3A = tpu.sem_alloc : memref<!tpu.dma_semaphore, #tpu.memory_space<semaphore_mem>>
      %dma_start3A = arith.constant 0 : i32
      %dma_start3A_25 = tpu.memref_slice %arg8[%add3A_11, %dma_start3A] : memref<10240x80xf32, #tpu.memory_space<vmem_shared>> -> memref<128x80xf32, #tpu.memory_space<vmem_shared>>
      %dma_start3A_26 = arith.constant 0 : i32
      %dma_start3A_27 = tpu.memref_slice %arg8[%add3A_11, %dma_start3A_26] : memref<10240x80xf32, #tpu.memory_space<vmem_shared>> -> memref<128x80xf32, #tpu.memory_space<vmem_shared>>
      tpu.enqueue_dma source(%arg15 : memref<128x80xf32, #tpu.memory_space<vmem>>) target(%dma_start3A_27 : memref<128x80xf32, #tpu.memory_space<vmem_shared>>) target_semaphore(%run_scoped3A : memref<!tpu.dma_semaphore, #tpu.memory_space<semaphore_mem>>)
      %dma_wait3A = arith.constant 0 : i32
      %dma_wait3A_28 = tpu.memref_slice %arg8[%add3A_11, %dma_wait3A] : memref<10240x80xf32, #tpu.memory_space<vmem_shared>> -> memref<128x80xf32, #tpu.memory_space<vmem_shared>>
      %dma_wait3A_29 = arith.constant 0 : i32
      %dma_wait3A_30 = tpu.memref_slice %arg8[%add3A_11, %dma_wait3A_29] : memref<10240x80xf32, #tpu.memory_space<vmem_shared>> -> memref<128x80xf32, #tpu.memory_space<vmem_shared>>
      tpu.wait_dma2 semaphore(%run_scoped3A : memref<!tpu.dma_semaphore, #tpu.memory_space<semaphore_mem>>) src(%arg15 : memref<128x80xf32, #tpu.memory_space<vmem>>) dst(%dma_wait3A_30 : memref<128x80xf32, #tpu.memory_space<vmem_shared>>)
      tpu.yield
    }) : () -> ()
    %add3A_12 = arith.constant 256 : i32
    %add3A_13 = arith.addi %mul3A_7, %add3A_12 : i32
    "tpu.region"() ({
      %run_scoped3A = tpu.sem_alloc : memref<!tpu.dma_semaphore, #tpu.memory_space<semaphore_mem>>
      %dma_start3A = arith.constant 0 : i32
      %dma_start3A_25 = tpu.memref_slice %arg8[%add3A_13, %dma_start3A] : memref<10240x80xf32, #tpu.memory_space<vmem_shared>> -> memref<128x80xf32, #tpu.memory_space<vmem_shared>>
      %dma_start3A_26 = arith.constant 0 : i32
      %dma_start3A_27 = tpu.memref_slice %arg8[%add3A_13, %dma_start3A_26] : memref<10240x80xf32, #tpu.memory_space<vmem_shared>> -> memref<128x80xf32, #tpu.memory_space<vmem_shared>>
      tpu.enqueue_dma source(%arg15 : memref<128x80xf32, #tpu.memory_space<vmem>>) target(%dma_start3A_27 : memref<128x80xf32, #tpu.memory_space<vmem_shared>>) target_semaphore(%run_scoped3A : memref<!tpu.dma_semaphore, #tpu.memory_space<semaphore_mem>>)
      %dma_wait3A = arith.constant 0 : i32
      %dma_wait3A_28 = tpu.memref_slice %arg8[%add3A_13, %dma_wait3A] : memref<10240x80xf32, #tpu.memory_space<vmem_shared>> -> memref<128x80xf32, #tpu.memory_space<vmem_shared>>
      %dma_wait3A_29 = arith.constant 0 : i32
      %dma_wait3A_30 = tpu.memref_slice %arg8[%add3A_13, %dma_wait3A_29] : memref<10240x80xf32, #tpu.memory_space<vmem_shared>> -> memref<128x80xf32, #tpu.memory_space<vmem_shared>>
      tpu.wait_dma2 semaphore(%run_scoped3A : memref<!tpu.dma_semaphore, #tpu.memory_space<semaphore_mem>>) src(%arg15 : memref<128x80xf32, #tpu.memory_space<vmem>>) dst(%dma_wait3A_30 : memref<128x80xf32, #tpu.memory_space<vmem_shared>>)
      tpu.yield
    }) : () -> ()
    %add3A_14 = arith.constant 384 : i32
    %add3A_15 = arith.addi %mul3A_7, %add3A_14 : i32
    "tpu.region"() ({
      %run_scoped3A = tpu.sem_alloc : memref<!tpu.dma_semaphore, #tpu.memory_space<semaphore_mem>>
      %dma_start3A = arith.constant 0 : i32
      %dma_start3A_25 = tpu.memref_slice %arg8[%add3A_15, %dma_start3A] : memref<10240x80xf32, #tpu.memory_space<vmem_shared>> -> memref<128x80xf32, #tpu.memory_space<vmem_shared>>
      %dma_start3A_26 = arith.constant 0 : i32
      %dma_start3A_27 = tpu.memref_slice %arg8[%add3A_15, %dma_start3A_26] : memref<10240x80xf32, #tpu.memory_space<vmem_shared>> -> memref<128x80xf32, #tpu.memory_space<vmem_shared>>
      tpu.enqueue_dma source(%arg15 : memref<128x80xf32, #tpu.memory_space<vmem>>) target(%dma_start3A_27 : memref<128x80xf32, #tpu.memory_space<vmem_shared>>) target_semaphore(%run_scoped3A : memref<!tpu.dma_semaphore, #tpu.memory_space<semaphore_mem>>)
      %dma_wait3A = arith.constant 0 : i32
      %dma_wait3A_28 = tpu.memref_slice %arg8[%add3A_15, %dma_wait3A] : memref<10240x80xf32, #tpu.memory_space<vmem_shared>> -> memref<128x80xf32, #tpu.memory_space<vmem_shared>>
      %dma_wait3A_29 = arith.constant 0 : i32
      %dma_wait3A_30 = tpu.memref_slice %arg8[%add3A_15, %dma_wait3A_29] : memref<10240x80xf32, #tpu.memory_space<vmem_shared>> -> memref<128x80xf32, #tpu.memory_space<vmem_shared>>
      tpu.wait_dma2 semaphore(%run_scoped3A : memref<!tpu.dma_semaphore, #tpu.memory_space<semaphore_mem>>) src(%arg15 : memref<128x80xf32, #tpu.memory_space<vmem>>) dst(%dma_wait3A_30 : memref<128x80xf32, #tpu.memory_space<vmem_shared>>)
      tpu.yield
    }) : () -> ()
    %add3A_16 = arith.constant 512 : i32
    %add3A_17 = arith.addi %mul3A_7, %add3A_16 : i32
    "tpu.region"() ({
      %run_scoped3A = tpu.sem_alloc : memref<!tpu.dma_semaphore, #tpu.memory_space<semaphore_mem>>
      %dma_start3A = arith.constant 0 : i32
      %dma_start3A_25 = tpu.memref_slice %arg8[%add3A_17, %dma_start3A] : memref<10240x80xf32, #tpu.memory_space<vmem_shared>> -> memref<128x80xf32, #tpu.memory_space<vmem_shared>>
      %dma_start3A_26 = arith.constant 0 : i32
      %dma_start3A_27 = tpu.memref_slice %arg8[%add3A_17, %dma_start3A_26] : memref<10240x80xf32, #tpu.memory_space<vmem_shared>> -> memref<128x80xf32, #tpu.memory_space<vmem_shared>>
      tpu.enqueue_dma source(%arg15 : memref<128x80xf32, #tpu.memory_space<vmem>>) target(%dma_start3A_27 : memref<128x80xf32, #tpu.memory_space<vmem_shared>>) target_semaphore(%run_scoped3A : memref<!tpu.dma_semaphore, #tpu.memory_space<semaphore_mem>>)
      %dma_wait3A = arith.constant 0 : i32
      %dma_wait3A_28 = tpu.memref_slice %arg8[%add3A_17, %dma_wait3A] : memref<10240x80xf32, #tpu.memory_space<vmem_shared>> -> memref<128x80xf32, #tpu.memory_space<vmem_shared>>
      %dma_wait3A_29 = arith.constant 0 : i32
      %dma_wait3A_30 = tpu.memref_slice %arg8[%add3A_17, %dma_wait3A_29] : memref<10240x80xf32, #tpu.memory_space<vmem_shared>> -> memref<128x80xf32, #tpu.memory_space<vmem_shared>>
      tpu.wait_dma2 semaphore(%run_scoped3A : memref<!tpu.dma_semaphore, #tpu.memory_space<semaphore_mem>>) src(%arg15 : memref<128x80xf32, #tpu.memory_space<vmem>>) dst(%dma_wait3A_30 : memref<128x80xf32, #tpu.memory_space<vmem_shared>>)
      tpu.yield
    }) : () -> ()
    %barrier3A = arith.constant 0 : index
    tpu.barrier barrier_id(%barrier3A)
    %scan3A_18 = arith.constant 0 : i32
    %scan3A_19 = arith.constant 0 : i32
    %scan3A_20 = arith.constant 81 : i32
    %scan3A_21 = arith.addi %scan3A_19, %scan3A_20 : i32
    %scan3A_22 = arith.constant 1 : i32
    scf.for %scan3A_25 = %scan3A_19 to %scan3A_21 step %scan3A_22  : i32 {
      %dma_start3A = arith.constant 0 : i32
      %dma_start3A_26 = tpu.memref_slice %arg9[%scan3A_25, %dma_start3A] : memref<81x128xi32, #tpu.memory_space<vmem>> -> memref<1x128xi32, #tpu.memory_space<vmem>>
      %dma_start3A_27 = tpu.memref_squeeze %dma_start3A_26 : memref<1x128xi32, #tpu.memory_space<vmem>> -> memref<128xi32, #tpu.memory_space<vmem>>
      %dma_start3A_28 = arith.constant 0 : i32
      %dma_start3A_29 = arith.constant 0 : i32
      %dma_start3A_30 = tpu.memref_slice %arg2[%dma_start3A_28, %dma_start3A_29] : memref<10240x64xf32, #tpu.memory_space<hbm>> -> memref<10240x64xf32, #tpu.memory_space<hbm>>
      tpu.enqueue_indirect_dma source(%dma_start3A_30 : memref<10240x64xf32, #tpu.memory_space<hbm>>) target(%arg14 : memref<128x64xf32, #tpu.memory_space<vmem>>) offsets(%dma_start3A_27 : memref<128xi32, #tpu.memory_space<vmem>>) semaphore(%arg16 : memref<!tpu.dma_semaphore, #tpu.memory_space<semaphore_mem>>)
      %dma_wait3A = arith.constant 0 : i32
      %dma_wait3A_31 = tpu.memref_slice %arg9[%scan3A_25, %dma_wait3A] : memref<81x128xi32, #tpu.memory_space<vmem>> -> memref<1x128xi32, #tpu.memory_space<vmem>>
      %dma_wait3A_32 = tpu.memref_squeeze %dma_wait3A_31 : memref<1x128xi32, #tpu.memory_space<vmem>> -> memref<128xi32, #tpu.memory_space<vmem>>
      %dma_wait3A_33 = arith.constant 0 : i32
      %dma_wait3A_34 = arith.constant 0 : i32
      %dma_wait3A_35 = tpu.memref_slice %arg2[%dma_wait3A_33, %dma_wait3A_34] : memref<10240x64xf32, #tpu.memory_space<hbm>> -> memref<10240x64xf32, #tpu.memory_space<hbm>>
      tpu.wait_indirect_dma semaphore(%arg16 : memref<!tpu.dma_semaphore, #tpu.memory_space<semaphore_mem>>) src(%dma_wait3A_35 : memref<10240x64xf32, #tpu.memory_space<hbm>>) dst(%arg14 : memref<128x64xf32, #tpu.memory_space<vmem>>)
      %get3A = arith.index_cast %scan3A_25 : i32 to index
      %get3A_36 = arith.constant 0 : index
      %get3A_37 = tpu.vector_load %arg9[%get3A, %get3A_36] {strides = array<i32>} : memref<81x128xi32, #tpu.memory_space<vmem>>, vector<16xi32>,
      %get3A_38 = arith.index_cast %scan3A_25 : i32 to index
      %get3A_39 = arith.constant 0 : index
      %get3A_40 = tpu.vector_load %arg10[%get3A_38, %get3A_39] {strides = array<i32>} : memref<81x128xi32, #tpu.memory_space<vmem>>, vector<16xi32>,
      %gather3A = tpu.vector_load_idx %arg11[%get3A_37] : memref<10240xf32, #tpu.memory_space<vmem>>[vector<16xi32>], vector<16xf32>,
      %gather3A_41 = tpu.vector_load_idx %arg12[%get3A_40] : memref<10240xf32, #tpu.memory_space<vmem>>[vector<16xi32>], vector<16xf32>,
      %add3A_42 = arith.addf %gather3A, %gather3A_41 : vector<16xf32>
      %gt3A = arith.constant 0.000000e+00 : f32
      %gt3A_43 = vector.broadcast %gt3A : f32 to vector<16xf32>
      %gt3A_44 = arith.cmpf ogt, %add3A_42, %gt3A_43 : vector<16xf32>
      %mul3A_45 = arith.constant 2.000000e-01 : f32
      %mul3A_46 = vector.broadcast %mul3A_45 : f32 to vector<16xf32>
      %mul3A_47 = arith.mulf %mul3A_46, %add3A_42 : vector<16xf32>
      %select_n3A = arith.select %gt3A_44, %add3A_42, %mul3A_47 : vector<16xi1>, vector<16xf32>
      %exp3A = math.exp %select_n3A : vector<16xf32>
      %swap3A = arith.constant 0 : index
      %swap3A_48 = tpu.vector_load %arg13[%swap3A] {strides = array<i32>} : memref<128xf32, #tpu.memory_space<vmem>>, vector<16xf32>,
      tpu.vector_store %arg13[%swap3A], %exp3A {strides = array<i32>} : memref<128xf32, #tpu.memory_space<vmem>>, vector<16xf32>,
      %get3A_49 = arith.index_cast %scan3A_25 : i32 to index
      %get3A_50 = arith.constant 16 : index
      %get3A_51 = tpu.vector_load %arg9[%get3A_49, %get3A_50] {strides = array<i32>} : memref<81x128xi32, #tpu.memory_space<vmem>>, vector<16xi32>,
      %get3A_52 = arith.index_cast %scan3A_25 : i32 to index
      %get3A_53 = arith.constant 16 : index
      %get3A_54 = tpu.vector_load %arg10[%get3A_52, %get3A_53] {strides = array<i32>} : memref<81x128xi32, #tpu.memory_space<vmem>>, vector<16xi32>,
      %gather3A_55 = tpu.vector_load_idx %arg11[%get3A_51] : memref<10240xf32, #tpu.memory_space<vmem>>[vector<16xi32>], vector<16xf32>,
      %gather3A_56 = tpu.vector_load_idx %arg12[%get3A_54] : memref<10240xf32, #tpu.memory_space<vmem>>[vector<16xi32>], vector<16xf32>,
      %add3A_57 = arith.addf %gather3A_55, %gather3A_56 : vector<16xf32>
      %gt3A_58 = arith.constant 0.000000e+00 : f32
      %gt3A_59 = vector.broadcast %gt3A_58 : f32 to vector<16xf32>
      %gt3A_60 = arith.cmpf ogt, %add3A_57, %gt3A_59 : vector<16xf32>
      %mul3A_61 = arith.constant 2.000000e-01 : f32
      %mul3A_62 = vector.broadcast %mul3A_61 : f32 to vector<16xf32>
      %mul3A_63 = arith.mulf %mul3A_62, %add3A_57 : vector<16xf32>
      %select_n3A_64 = arith.select %gt3A_60, %add3A_57, %mul3A_63 : vector<16xi1>, vector<16xf32>
      %exp3A_65 = math.exp %select_n3A_64 : vector<16xf32>
      %swap3A_66 = arith.constant 16 : index
      %swap3A_67 = tpu.vector_load %arg13[%swap3A_66] {strides = array<i32>} : memref<128xf32, #tpu.memory_space<vmem>>, vector<16xf32>,
      tpu.vector_store %arg13[%swap3A_66], %exp3A_65 {strides = array<i32>} : memref<128xf32, #tpu.memory_space<vmem>>, vector<16xf32>,
      %get3A_68 = arith.index_cast %scan3A_25 : i32 to index
      %get3A_69 = arith.constant 32 : index
      %get3A_70 = tpu.vector_load %arg9[%get3A_68, %get3A_69] {strides = array<i32>} : memref<81x128xi32, #tpu.memory_space<vmem>>, vector<16xi32>,
      %get3A_71 = arith.index_cast %scan3A_25 : i32 to index
      %get3A_72 = arith.constant 32 : index
      %get3A_73 = tpu.vector_load %arg10[%get3A_71, %get3A_72] {strides = array<i32>} : memref<81x128xi32, #tpu.memory_space<vmem>>, vector<16xi32>,
      %gather3A_74 = tpu.vector_load_idx %arg11[%get3A_70] : memref<10240xf32, #tpu.memory_space<vmem>>[vector<16xi32>], vector<16xf32>,
      %gather3A_75 = tpu.vector_load_idx %arg12[%get3A_73] : memref<10240xf32, #tpu.memory_space<vmem>>[vector<16xi32>], vector<16xf32>,
      %add3A_76 = arith.addf %gather3A_74, %gather3A_75 : vector<16xf32>
      %gt3A_77 = arith.constant 0.000000e+00 : f32
      %gt3A_78 = vector.broadcast %gt3A_77 : f32 to vector<16xf32>
      %gt3A_79 = arith.cmpf ogt, %add3A_76, %gt3A_78 : vector<16xf32>
      %mul3A_80 = arith.constant 2.000000e-01 : f32
      %mul3A_81 = vector.broadcast %mul3A_80 : f32 to vector<16xf32>
      %mul3A_82 = arith.mulf %mul3A_81, %add3A_76 : vector<16xf32>
      %select_n3A_83 = arith.select %gt3A_79, %add3A_76, %mul3A_82 : vector<16xi1>, vector<16xf32>
      %exp3A_84 = math.exp %select_n3A_83 : vector<16xf32>
      %swap3A_85 = arith.constant 32 : index
      %swap3A_86 = tpu.vector_load %arg13[%swap3A_85] {strides = array<i32>} : memref<128xf32, #tpu.memory_space<vmem>>, vector<16xf32>,
      tpu.vector_store %arg13[%swap3A_85], %exp3A_84 {strides = array<i32>} : memref<128xf32, #tpu.memory_space<vmem>>, vector<16xf32>,
      %get3A_87 = arith.index_cast %scan3A_25 : i32 to index
      %get3A_88 = arith.constant 48 : index
      %get3A_89 = tpu.vector_load %arg9[%get3A_87, %get3A_88] {strides = array<i32>} : memref<81x128xi32, #tpu.memory_space<vmem>>, vector<16xi32>,
      %get3A_90 = arith.index_cast %scan3A_25 : i32 to index
      %get3A_91 = arith.constant 48 : index
      %get3A_92 = tpu.vector_load %arg10[%get3A_90, %get3A_91] {strides = array<i32>} : memref<81x128xi32, #tpu.memory_space<vmem>>, vector<16xi32>,
      %gather3A_93 = tpu.vector_load_idx %arg11[%get3A_89] : memref<10240xf32, #tpu.memory_space<vmem>>[vector<16xi32>], vector<16xf32>,
      %gather3A_94 = tpu.vector_load_idx %arg12[%get3A_92] : memref<10240xf32, #tpu.memory_space<vmem>>[vector<16xi32>], vector<16xf32>,
      %add3A_95 = arith.addf %gather3A_93, %gather3A_94 : vector<16xf32>
      %gt3A_96 = arith.constant 0.000000e+00 : f32
      %gt3A_97 = vector.broadcast %gt3A_96 : f32 to vector<16xf32>
      %gt3A_98 = arith.cmpf ogt, %add3A_95, %gt3A_97 : vector<16xf32>
      %mul3A_99 = arith.constant 2.000000e-01 : f32
      %mul3A_100 = vector.broadcast %mul3A_99 : f32 to vector<16xf32>
      %mul3A_101 = arith.mulf %mul3A_100, %add3A_95 : vector<16xf32>
      %select_n3A_102 = arith.select %gt3A_98, %add3A_95, %mul3A_101 : vector<16xi1>, vector<16xf32>
      %exp3A_103 = math.exp %select_n3A_102 : vector<16xf32>
      %swap3A_104 = arith.constant 48 : index
      %swap3A_105 = tpu.vector_load %arg13[%swap3A_104] {strides = array<i32>} : memref<128xf32, #tpu.memory_space<vmem>>, vector<16xf32>,
      tpu.vector_store %arg13[%swap3A_104], %exp3A_103 {strides = array<i32>} : memref<128xf32, #tpu.memory_space<vmem>>, vector<16xf32>,
      %get3A_106 = arith.index_cast %scan3A_25 : i32 to index
      %get3A_107 = arith.constant 64 : index
      %get3A_108 = tpu.vector_load %arg9[%get3A_106, %get3A_107] {strides = array<i32>} : memref<81x128xi32, #tpu.memory_space<vmem>>, vector<16xi32>,
      %get3A_109 = arith.index_cast %scan3A_25 : i32 to index
      %get3A_110 = arith.constant 64 : index
      %get3A_111 = tpu.vector_load %arg10[%get3A_109, %get3A_110] {strides = array<i32>} : memref<81x128xi32, #tpu.memory_space<vmem>>, vector<16xi32>,
      %gather3A_112 = tpu.vector_load_idx %arg11[%get3A_108] : memref<10240xf32, #tpu.memory_space<vmem>>[vector<16xi32>], vector<16xf32>,
      %gather3A_113 = tpu.vector_load_idx %arg12[%get3A_111] : memref<10240xf32, #tpu.memory_space<vmem>>[vector<16xi32>], vector<16xf32>,
      %add3A_114 = arith.addf %gather3A_112, %gather3A_113 : vector<16xf32>
      %gt3A_115 = arith.constant 0.000000e+00 : f32
      %gt3A_116 = vector.broadcast %gt3A_115 : f32 to vector<16xf32>
      %gt3A_117 = arith.cmpf ogt, %add3A_114, %gt3A_116 : vector<16xf32>
      %mul3A_118 = arith.constant 2.000000e-01 : f32
      %mul3A_119 = vector.broadcast %mul3A_118 : f32 to vector<16xf32>
      %mul3A_120 = arith.mulf %mul3A_119, %add3A_114 : vector<16xf32>
      %select_n3A_121 = arith.select %gt3A_117, %add3A_114, %mul3A_120 : vector<16xi1>, vector<16xf32>
      %exp3A_122 = math.exp %select_n3A_121 : vector<16xf32>
      %swap3A_123 = arith.constant 64 : index
      %swap3A_124 = tpu.vector_load %arg13[%swap3A_123] {strides = array<i32>} : memref<128xf32, #tpu.memory_space<vmem>>, vector<16xf32>,
      tpu.vector_store %arg13[%swap3A_123], %exp3A_122 {strides = array<i32>} : memref<128xf32, #tpu.memory_space<vmem>>, vector<16xf32>,
      %get3A_125 = arith.index_cast %scan3A_25 : i32 to index
      %get3A_126 = arith.constant 80 : index
      %get3A_127 = tpu.vector_load %arg9[%get3A_125, %get3A_126] {strides = array<i32>} : memref<81x128xi32, #tpu.memory_space<vmem>>, vector<16xi32>,
      %get3A_128 = arith.index_cast %scan3A_25 : i32 to index
      %get3A_129 = arith.constant 80 : index
      %get3A_130 = tpu.vector_load %arg10[%get3A_128, %get3A_129] {strides = array<i32>} : memref<81x128xi32, #tpu.memory_space<vmem>>, vector<16xi32>,
      %gather3A_131 = tpu.vector_load_idx %arg11[%get3A_127] : memref<10240xf32, #tpu.memory_space<vmem>>[vector<16xi32>], vector<16xf32>,
      %gather3A_132 = tpu.vector_load_idx %arg12[%get3A_130] : memref<10240xf32, #tpu.memory_space<vmem>>[vector<16xi32>], vector<16xf32>,
      %add3A_133 = arith.addf %gather3A_131, %gather3A_132 : vector<16xf32>
      %gt3A_134 = arith.constant 0.000000e+00 : f32
      %gt3A_135 = vector.broadcast %gt3A_134 : f32 to vector<16xf32>
      %gt3A_136 = arith.cmpf ogt, %add3A_133, %gt3A_135 : vector<16xf32>
      %mul3A_137 = arith.constant 2.000000e-01 : f32
      %mul3A_138 = vector.broadcast %mul3A_137 : f32 to vector<16xf32>
      %mul3A_139 = arith.mulf %mul3A_138, %add3A_133 : vector<16xf32>
      %select_n3A_140 = arith.select %gt3A_136, %add3A_133, %mul3A_139 : vector<16xi1>, vector<16xf32>
      %exp3A_141 = math.exp %select_n3A_140 : vector<16xf32>
      %swap3A_142 = arith.constant 80 : index
      %swap3A_143 = tpu.vector_load %arg13[%swap3A_142] {strides = array<i32>} : memref<128xf32, #tpu.memory_space<vmem>>, vector<16xf32>,
      tpu.vector_store %arg13[%swap3A_142], %exp3A_141 {strides = array<i32>} : memref<128xf32, #tpu.memory_space<vmem>>, vector<16xf32>,
      %get3A_144 = arith.index_cast %scan3A_25 : i32 to index
      %get3A_145 = arith.constant 96 : index
      %get3A_146 = tpu.vector_load %arg9[%get3A_144, %get3A_145] {strides = array<i32>} : memref<81x128xi32, #tpu.memory_space<vmem>>, vector<16xi32>,
      %get3A_147 = arith.index_cast %scan3A_25 : i32 to index
      %get3A_148 = arith.constant 96 : index
      %get3A_149 = tpu.vector_load %arg10[%get3A_147, %get3A_148] {strides = array<i32>} : memref<81x128xi32, #tpu.memory_space<vmem>>, vector<16xi32>,
      %gather3A_150 = tpu.vector_load_idx %arg11[%get3A_146] : memref<10240xf32, #tpu.memory_space<vmem>>[vector<16xi32>], vector<16xf32>,
      %gather3A_151 = tpu.vector_load_idx %arg12[%get3A_149] : memref<10240xf32, #tpu.memory_space<vmem>>[vector<16xi32>], vector<16xf32>,
      %add3A_152 = arith.addf %gather3A_150, %gather3A_151 : vector<16xf32>
      %gt3A_153 = arith.constant 0.000000e+00 : f32
      %gt3A_154 = vector.broadcast %gt3A_153 : f32 to vector<16xf32>
      %gt3A_155 = arith.cmpf ogt, %add3A_152, %gt3A_154 : vector<16xf32>
      %mul3A_156 = arith.constant 2.000000e-01 : f32
      %mul3A_157 = vector.broadcast %mul3A_156 : f32 to vector<16xf32>
      %mul3A_158 = arith.mulf %mul3A_157, %add3A_152 : vector<16xf32>
      %select_n3A_159 = arith.select %gt3A_155, %add3A_152, %mul3A_158 : vector<16xi1>, vector<16xf32>
      %exp3A_160 = math.exp %select_n3A_159 : vector<16xf32>
      %swap3A_161 = arith.constant 96 : index
      %swap3A_162 = tpu.vector_load %arg13[%swap3A_161] {strides = array<i32>} : memref<128xf32, #tpu.memory_space<vmem>>, vector<16xf32>,
      tpu.vector_store %arg13[%swap3A_161], %exp3A_160 {strides = array<i32>} : memref<128xf32, #tpu.memory_space<vmem>>, vector<16xf32>,
      %get3A_163 = arith.index_cast %scan3A_25 : i32 to index
      %get3A_164 = arith.constant 112 : index
      %get3A_165 = tpu.vector_load %arg9[%get3A_163, %get3A_164] {strides = array<i32>} : memref<81x128xi32, #tpu.memory_space<vmem>>, vector<16xi32>,
      %get3A_166 = arith.index_cast %scan3A_25 : i32 to index
      %get3A_167 = arith.constant 112 : index
      %get3A_168 = tpu.vector_load %arg10[%get3A_166, %get3A_167] {strides = array<i32>} : memref<81x128xi32, #tpu.memory_space<vmem>>, vector<16xi32>,
      %gather3A_169 = tpu.vector_load_idx %arg11[%get3A_165] : memref<10240xf32, #tpu.memory_space<vmem>>[vector<16xi32>], vector<16xf32>,
      %gather3A_170 = tpu.vector_load_idx %arg12[%get3A_168] : memref<10240xf32, #tpu.memory_space<vmem>>[vector<16xi32>], vector<16xf32>,
      %add3A_171 = arith.addf %gather3A_169, %gather3A_170 : vector<16xf32>
      %gt3A_172 = arith.constant 0.000000e+00 : f32
      %gt3A_173 = vector.broadcast %gt3A_172 : f32 to vector<16xf32>
      %gt3A_174 = arith.cmpf ogt, %add3A_171, %gt3A_173 : vector<16xf32>
      %mul3A_175 = arith.constant 2.000000e-01 : f32
      %mul3A_176 = vector.broadcast %mul3A_175 : f32 to vector<16xf32>
      %mul3A_177 = arith.mulf %mul3A_176, %add3A_171 : vector<16xf32>
      %select_n3A_178 = arith.select %gt3A_174, %add3A_171, %mul3A_177 : vector<16xi1>, vector<16xf32>
      %exp3A_179 = math.exp %select_n3A_178 : vector<16xf32>
      %swap3A_180 = arith.constant 112 : index
      %swap3A_181 = tpu.vector_load %arg13[%swap3A_180] {strides = array<i32>} : memref<128xf32, #tpu.memory_space<vmem>>, vector<16xf32>,
      tpu.vector_store %arg13[%swap3A_180], %exp3A_179 {strides = array<i32>} : memref<128xf32, #tpu.memory_space<vmem>>, vector<16xf32>,
      %scan3A_182 = arith.constant 0 : i32
      %scan3A_183 = arith.constant 0 : i32
      %scan3A_184 = arith.constant 128 : i32
      %scan3A_185 = arith.addi %scan3A_183, %scan3A_184 : i32
      %scan3A_186 = arith.constant 1 : i32
      scf.for %scan3A_188 = %scan3A_183 to %scan3A_185 step %scan3A_186  : i32 {
        %broadcast_in_dim3A = vector.broadcast %scan3A_188 : i32 to vector<16xi32>
        %gather3A_189 = tpu.vector_load_idx %arg13[%broadcast_in_dim3A] : memref<128xf32, #tpu.memory_space<vmem>>[vector<16xi32>], vector<16xf32>,
        %get3A_190 = arith.index_cast %scan3A_188 : i32 to index
        %get3A_191 = arith.constant 0 : index
        %get3A_192 = tpu.vector_load %arg14[%get3A_190, %get3A_191] {strides = array<i32>} : memref<128x64xf32, #tpu.memory_space<vmem>>, vector<16xf32>,
        %mul3A_193 = arith.mulf %get3A_192, %gather3A_189 : vector<16xf32>
        %swap3A_194 = arith.index_cast %scan3A_188 : i32 to index
        %swap3A_195 = arith.constant 0 : index
        %swap3A_196 = tpu.vector_load %arg15[%swap3A_194, %swap3A_195] {strides = array<i32>} : memref<128x80xf32, #tpu.memory_space<vmem>>, vector<16xf32>,
        tpu.vector_store %arg15[%swap3A_194, %swap3A_195], %mul3A_193 {strides = array<i32>} : memref<128x80xf32, #tpu.memory_space<vmem>>, vector<16xf32>,
        %get3A_197 = arith.index_cast %scan3A_188 : i32 to index
        %get3A_198 = arith.constant 16 : index
        %get3A_199 = tpu.vector_load %arg14[%get3A_197, %get3A_198] {strides = array<i32>} : memref<128x64xf32, #tpu.memory_space<vmem>>, vector<16xf32>,
        %mul3A_200 = arith.mulf %get3A_199, %gather3A_189 : vector<16xf32>
        %swap3A_201 = arith.index_cast %scan3A_188 : i32 to index
        %swap3A_202 = arith.constant 16 : index
        %swap3A_203 = tpu.vector_load %arg15[%swap3A_201, %swap3A_202] {strides = array<i32>} : memref<128x80xf32, #tpu.memory_space<vmem>>, vector<16xf32>,
        tpu.vector_store %arg15[%swap3A_201, %swap3A_202], %mul3A_200 {strides = array<i32>} : memref<128x80xf32, #tpu.memory_space<vmem>>, vector<16xf32>,
        %get3A_204 = arith.index_cast %scan3A_188 : i32 to index
        %get3A_205 = arith.constant 32 : index
        %get3A_206 = tpu.vector_load %arg14[%get3A_204, %get3A_205] {strides = array<i32>} : memref<128x64xf32, #tpu.memory_space<vmem>>, vector<16xf32>,
        %mul3A_207 = arith.mulf %get3A_206, %gather3A_189 : vector<16xf32>
        %swap3A_208 = arith.index_cast %scan3A_188 : i32 to index
        %swap3A_209 = arith.constant 32 : index
        %swap3A_210 = tpu.vector_load %arg15[%swap3A_208, %swap3A_209] {strides = array<i32>} : memref<128x80xf32, #tpu.memory_space<vmem>>, vector<16xf32>,
        tpu.vector_store %arg15[%swap3A_208, %swap3A_209], %mul3A_207 {strides = array<i32>} : memref<128x80xf32, #tpu.memory_space<vmem>>, vector<16xf32>,
        %get3A_211 = arith.index_cast %scan3A_188 : i32 to index
        %get3A_212 = arith.constant 48 : index
        %get3A_213 = tpu.vector_load %arg14[%get3A_211, %get3A_212] {strides = array<i32>} : memref<128x64xf32, #tpu.memory_space<vmem>>, vector<16xf32>,
        %mul3A_214 = arith.mulf %get3A_213, %gather3A_189 : vector<16xf32>
        %swap3A_215 = arith.index_cast %scan3A_188 : i32 to index
        %swap3A_216 = arith.constant 48 : index
        %swap3A_217 = tpu.vector_load %arg15[%swap3A_215, %swap3A_216] {strides = array<i32>} : memref<128x80xf32, #tpu.memory_space<vmem>>, vector<16xf32>,
        tpu.vector_store %arg15[%swap3A_215, %swap3A_216], %mul3A_214 {strides = array<i32>} : memref<128x80xf32, #tpu.memory_space<vmem>>, vector<16xf32>,
        %swap3A_218 = arith.index_cast %scan3A_188 : i32 to index
        %swap3A_219 = arith.constant 64 : index
        %swap3A_220 = tpu.vector_load %arg15[%swap3A_218, %swap3A_219] {strides = array<i32>} : memref<128x80xf32, #tpu.memory_space<vmem>>, vector<16xf32>,
        tpu.vector_store %arg15[%swap3A_218, %swap3A_219], %gather3A_189 {strides = array<i32>} : memref<128x80xf32, #tpu.memory_space<vmem>>, vector<16xf32>,
      }
      %scan3A_187 = arith.constant 128 : i32
      "tpu.region"() ({
        %run_scoped3A = tpu.sem_alloc : memref<!tpu.dma_semaphore, #tpu.memory_space<semaphore_mem>>
        %dma_start3A_188 = arith.constant 0 : i32
        %dma_start3A_189 = tpu.memref_slice %arg10[%scan3A_25, %dma_start3A_188] : memref<81x128xi32, #tpu.memory_space<vmem>> -> memref<1x128xi32, #tpu.memory_space<vmem>>
        %dma_start3A_190 = tpu.memref_squeeze %dma_start3A_189 : memref<1x128xi32, #tpu.memory_space<vmem>> -> memref<128xi32, #tpu.memory_space<vmem>>
        %dma_start3A_191 = arith.constant 0 : i32
        %dma_start3A_192 = arith.constant 0 : i32
        %dma_start3A_193 = tpu.memref_slice %arg8[%dma_start3A_191, %dma_start3A_192] : memref<10240x80xf32, #tpu.memory_space<vmem_shared>> -> memref<10240x80xf32, #tpu.memory_space<vmem_shared>>
        tpu.enqueue_indirect_dma source(%arg15 : memref<128x80xf32, #tpu.memory_space<vmem>>) target(%dma_start3A_193 : memref<10240x80xf32, #tpu.memory_space<vmem_shared>>) offsets(%dma_start3A_190 : memref<128xi32, #tpu.memory_space<vmem>>) semaphore(%run_scoped3A : memref<!tpu.dma_semaphore, #tpu.memory_space<semaphore_mem>>) {add = true}
        %dma_wait3A_194 = arith.constant 0 : i32
        %dma_wait3A_195 = tpu.memref_slice %arg10[%scan3A_25, %dma_wait3A_194] : memref<81x128xi32, #tpu.memory_space<vmem>> -> memref<1x128xi32, #tpu.memory_space<vmem>>
        %dma_wait3A_196 = tpu.memref_squeeze %dma_wait3A_195 : memref<1x128xi32, #tpu.memory_space<vmem>> -> memref<128xi32, #tpu.memory_space<vmem>>
        %dma_wait3A_197 = arith.constant 0 : i32
        %dma_wait3A_198 = arith.constant 0 : i32
        %dma_wait3A_199 = tpu.memref_slice %arg8[%dma_wait3A_197, %dma_wait3A_198] : memref<10240x80xf32, #tpu.memory_space<vmem_shared>> -> memref<10240x80xf32, #tpu.memory_space<vmem_shared>>
        tpu.wait_indirect_dma semaphore(%run_scoped3A : memref<!tpu.dma_semaphore, #tpu.memory_space<semaphore_mem>>) src(%arg15 : memref<128x80xf32, #tpu.memory_space<vmem>>) dst(%dma_wait3A_199 : memref<10240x80xf32, #tpu.memory_space<vmem_shared>>)
        tpu.yield
      }) : () -> ()
    }
    %scan3A_23 = arith.constant 81 : i32
    %barrier3A_24 = arith.constant 0 : index
    tpu.barrier barrier_id(%barrier3A_24)
    "tpu.region"() ({
      %run_scoped3A = tpu.sem_alloc : memref<!tpu.dma_semaphore, #tpu.memory_space<semaphore_mem>>
      %dma_start3A = arith.constant 0 : i32
      %dma_start3A_25 = tpu.memref_slice %arg7[%arg0, %mul3A_7, %dma_start3A] : memref<2x10240x80xf32, #tpu.memory_space<hbm>> -> memref<1x640x80xf32, #tpu.memory_space<hbm>>
      %dma_start3A_26 = tpu.memref_squeeze %dma_start3A_25 : memref<1x640x80xf32, #tpu.memory_space<hbm>> -> memref<640x80xf32, #tpu.memory_space<hbm>>
      %dma_start3A_27 = arith.constant 0 : i32
      %dma_start3A_28 = tpu.memref_slice %arg8[%mul3A_7, %dma_start3A_27] : memref<10240x80xf32, #tpu.memory_space<vmem_shared>> -> memref<640x80xf32, #tpu.memory_space<vmem_shared>>
      tpu.enqueue_dma source(%dma_start3A_28 : memref<640x80xf32, #tpu.memory_space<vmem_shared>>) target(%dma_start3A_26 : memref<640x80xf32, #tpu.memory_space<hbm>>) target_semaphore(%run_scoped3A : memref<!tpu.dma_semaphore, #tpu.memory_space<semaphore_mem>>)
      %dma_wait3A = arith.constant 0 : i32
      %dma_wait3A_29 = tpu.memref_slice %arg7[%arg0, %mul3A_7, %dma_wait3A] : memref<2x10240x80xf32, #tpu.memory_space<hbm>> -> memref<1x640x80xf32, #tpu.memory_space<hbm>>
      %dma_wait3A_30 = tpu.memref_squeeze %dma_wait3A_29 : memref<1x640x80xf32, #tpu.memory_space<hbm>> -> memref<640x80xf32, #tpu.memory_space<hbm>>
      %dma_wait3A_31 = arith.constant 0 : i32
      %dma_wait3A_32 = tpu.memref_slice %arg8[%mul3A_7, %dma_wait3A_31] : memref<10240x80xf32, #tpu.memory_space<vmem_shared>> -> memref<640x80xf32, #tpu.memory_space<vmem_shared>>
      tpu.wait_dma2 semaphore(%run_scoped3A : memref<!tpu.dma_semaphore, #tpu.memory_space<semaphore_mem>>) src(%dma_wait3A_32 : memref<640x80xf32, #tpu.memory_space<vmem_shared>>) dst(%dma_wait3A_30 : memref<640x80xf32, #tpu.memory_space<hbm>>)
      tpu.yield
    }) : () -> ()
    return
  }
}

#map = affine_map<(d0, d1) -> (0, 0)>
#map1 = affine_map<(d0, d1) -> (0)>
#map2 = affine_map<(d0, d1) -> (0, 0, 0)>
module attributes {stable_mosaic.version = 14 : i64} {
  func.func @gat_agg(%arg0: i32, %arg1: i32, %arg2: memref<10240x64xf32, #tpu.memory_space<hbm>>, %arg3: memref<10240xf32, #tpu.memory_space<hbm>>, %arg4: memref<10240xf32, #tpu.memory_space<hbm>>, %arg5: memref<32x81x128xi32, #tpu.memory_space<hbm>>, %arg6: memref<32x81x128xi32, #tpu.memory_space<hbm>>, %arg7: memref<2x10240x80xf32, #tpu.memory_space<hbm>>, %arg8: memref<10240x80xf32, #tpu.memory_space<vmem_shared>>, %arg9: memref<81x128xi32, #tpu.memory_space<vmem>>, %arg10: memref<81x128xi32, #tpu.memory_space<vmem>>, %arg11: memref<10240xf32, #tpu.memory_space<vmem>>, %arg12: memref<10240xf32, #tpu.memory_space<vmem>>, %arg13: memref<128xf32, #tpu.memory_space<vmem>>, %arg14: memref<128x64xf32, #tpu.memory_space<vmem>>, %arg15: memref<128x80xf32, #tpu.memory_space<vmem>>, %arg16: memref<!tpu.dma_semaphore, #tpu.memory_space<semaphore_mem>>) attributes {dimension_semantics = [#tpu.dimension_semantics<core_parallel>, #tpu.dimension_semantics<subcore_parallel>], iteration_bounds = array<i64: 2, 16>, scalar_prefetch = 0 : i64, scratch_operands = 9 : i64, tpu.core_type = #tpu.core_type<sc_vector_subcore>, window_params = [{transform_indices = #map}, {transform_indices = #map1}, {transform_indices = #map1}, {transform_indices = #map2}, {transform_indices = #map2}, {transform_indices = #map2}]} {
    %mul3A = arith.constant 16 : i32
    %mul3A_0 = arith.muli %arg0, %mul3A : i32
    %add3A = arith.addi %mul3A_0, %arg1 : i32
    "tpu.region"() ({
      %run_scoped3A = tpu.sem_alloc : memref<!tpu.dma_semaphore, #tpu.memory_space<semaphore_mem>>
      %dma_start3A = arith.constant 0 : i32
      %dma_start3A_25 = arith.constant 0 : i32
      %dma_start3A_26 = tpu.memref_slice %arg5[%add3A, %dma_start3A, %dma_start3A_25] : memref<32x81x128xi32, #tpu.memory_space<hbm>> -> memref<1x81x128xi32, #tpu.memory_space<hbm>>
      %dma_start3A_27 = tpu.memref_squeeze %dma_start3A_26 : memref<1x81x128xi32, #tpu.memory_space<hbm>> -> memref<81x128xi32, #tpu.memory_space<hbm>>
      %dma_start3A_28 = arith.constant 0 : i32
      %dma_start3A_29 = arith.constant 0 : i32
      %dma_start3A_30 = tpu.memref_slice %arg5[%add3A, %dma_start3A_28, %dma_start3A_29] : memref<32x81x128xi32, #tpu.memory_space<hbm>> -> memref<1x81x128xi32, #tpu.memory_space<hbm>>
      %dma_start3A_31 = tpu.memref_squeeze %dma_start3A_30 : memref<1x81x128xi32, #tpu.memory_space<hbm>> -> memref<81x128xi32, #tpu.memory_space<hbm>>
      tpu.enqueue_dma source(%dma_start3A_31 : memref<81x128xi32, #tpu.memory_space<hbm>>) target(%arg9 : memref<81x128xi32, #tpu.memory_space<vmem>>) target_semaphore(%run_scoped3A : memref<!tpu.dma_semaphore, #tpu.memory_space<semaphore_mem>>)
      %dma_wait3A = arith.constant 0 : i32
      %dma_wait3A_32 = arith.constant 0 : i32
      %dma_wait3A_33 = tpu.memref_slice %arg5[%add3A, %dma_wait3A, %dma_wait3A_32] : memref<32x81x128xi32, #tpu.memory_space<hbm>> -> memref<1x81x128xi32, #tpu.memory_space<hbm>>
      %dma_wait3A_34 = tpu.memref_squeeze %dma_wait3A_33 : memref<1x81x128xi32, #tpu.memory_space<hbm>> -> memref<81x128xi32, #tpu.memory_space<hbm>>
      %dma_wait3A_35 = arith.constant 0 : i32
      %dma_wait3A_36 = arith.constant 0 : i32
      %dma_wait3A_37 = tpu.memref_slice %arg5[%add3A, %dma_wait3A_35, %dma_wait3A_36] : memref<32x81x128xi32, #tpu.memory_space<hbm>> -> memref<1x81x128xi32, #tpu.memory_space<hbm>>
      %dma_wait3A_38 = tpu.memref_squeeze %dma_wait3A_37 : memref<1x81x128xi32, #tpu.memory_space<hbm>> -> memref<81x128xi32, #tpu.memory_space<hbm>>
      tpu.wait_dma2 semaphore(%run_scoped3A : memref<!tpu.dma_semaphore, #tpu.memory_space<semaphore_mem>>) src(%dma_wait3A_38 : memref<81x128xi32, #tpu.memory_space<hbm>>) dst(%arg9 : memref<81x128xi32, #tpu.memory_space<vmem>>)
      tpu.yield
    }) : () -> ()
    "tpu.region"() ({
      %run_scoped3A = tpu.sem_alloc : memref<!tpu.dma_semaphore, #tpu.memory_space<semaphore_mem>>
      %dma_start3A = arith.constant 0 : i32
      %dma_start3A_25 = arith.constant 0 : i32
      %dma_start3A_26 = tpu.memref_slice %arg6[%add3A, %dma_start3A, %dma_start3A_25] : memref<32x81x128xi32, #tpu.memory_space<hbm>> -> memref<1x81x128xi32, #tpu.memory_space<hbm>>
      %dma_start3A_27 = tpu.memref_squeeze %dma_start3A_26 : memref<1x81x128xi32, #tpu.memory_space<hbm>> -> memref<81x128xi32, #tpu.memory_space<hbm>>
      %dma_start3A_28 = arith.constant 0 : i32
      %dma_start3A_29 = arith.constant 0 : i32
      %dma_start3A_30 = tpu.memref_slice %arg6[%add3A, %dma_start3A_28, %dma_start3A_29] : memref<32x81x128xi32, #tpu.memory_space<hbm>> -> memref<1x81x128xi32, #tpu.memory_space<hbm>>
      %dma_start3A_31 = tpu.memref_squeeze %dma_start3A_30 : memref<1x81x128xi32, #tpu.memory_space<hbm>> -> memref<81x128xi32, #tpu.memory_space<hbm>>
      tpu.enqueue_dma source(%dma_start3A_31 : memref<81x128xi32, #tpu.memory_space<hbm>>) target(%arg10 : memref<81x128xi32, #tpu.memory_space<vmem>>) target_semaphore(%run_scoped3A : memref<!tpu.dma_semaphore, #tpu.memory_space<semaphore_mem>>)
      %dma_wait3A = arith.constant 0 : i32
      %dma_wait3A_32 = arith.constant 0 : i32
      %dma_wait3A_33 = tpu.memref_slice %arg6[%add3A, %dma_wait3A, %dma_wait3A_32] : memref<32x81x128xi32, #tpu.memory_space<hbm>> -> memref<1x81x128xi32, #tpu.memory_space<hbm>>
      %dma_wait3A_34 = tpu.memref_squeeze %dma_wait3A_33 : memref<1x81x128xi32, #tpu.memory_space<hbm>> -> memref<81x128xi32, #tpu.memory_space<hbm>>
      %dma_wait3A_35 = arith.constant 0 : i32
      %dma_wait3A_36 = arith.constant 0 : i32
      %dma_wait3A_37 = tpu.memref_slice %arg6[%add3A, %dma_wait3A_35, %dma_wait3A_36] : memref<32x81x128xi32, #tpu.memory_space<hbm>> -> memref<1x81x128xi32, #tpu.memory_space<hbm>>
      %dma_wait3A_38 = tpu.memref_squeeze %dma_wait3A_37 : memref<1x81x128xi32, #tpu.memory_space<hbm>> -> memref<81x128xi32, #tpu.memory_space<hbm>>
      tpu.wait_dma2 semaphore(%run_scoped3A : memref<!tpu.dma_semaphore, #tpu.memory_space<semaphore_mem>>) src(%dma_wait3A_38 : memref<81x128xi32, #tpu.memory_space<hbm>>) dst(%arg10 : memref<81x128xi32, #tpu.memory_space<vmem>>)
      tpu.yield
    }) : () -> ()
    "tpu.region"() ({
      %run_scoped3A = tpu.sem_alloc : memref<!tpu.dma_semaphore, #tpu.memory_space<semaphore_mem>>
      tpu.enqueue_dma source(%arg3 : memref<10240xf32, #tpu.memory_space<hbm>>) target(%arg11 : memref<10240xf32, #tpu.memory_space<vmem>>) target_semaphore(%run_scoped3A : memref<!tpu.dma_semaphore, #tpu.memory_space<semaphore_mem>>)
      tpu.wait_dma2 semaphore(%run_scoped3A : memref<!tpu.dma_semaphore, #tpu.memory_space<semaphore_mem>>) src(%arg3 : memref<10240xf32, #tpu.memory_space<hbm>>) dst(%arg11 : memref<10240xf32, #tpu.memory_space<vmem>>)
      tpu.yield
    }) : () -> ()
    "tpu.region"() ({
      %run_scoped3A = tpu.sem_alloc : memref<!tpu.dma_semaphore, #tpu.memory_space<semaphore_mem>>
      tpu.enqueue_dma source(%arg4 : memref<10240xf32, #tpu.memory_space<hbm>>) target(%arg12 : memref<10240xf32, #tpu.memory_space<vmem>>) target_semaphore(%run_scoped3A : memref<!tpu.dma_semaphore, #tpu.memory_space<semaphore_mem>>)
      tpu.wait_dma2 semaphore(%run_scoped3A : memref<!tpu.dma_semaphore, #tpu.memory_space<semaphore_mem>>) src(%arg4 : memref<10240xf32, #tpu.memory_space<hbm>>) dst(%arg12 : memref<10240xf32, #tpu.memory_space<vmem>>)
      tpu.yield
    }) : () -> ()
    %scan3A = arith.constant 0 : i32
    %scan3A_1 = arith.constant 0 : i32
    %scan3A_2 = arith.constant 128 : i32
    %scan3A_3 = arith.addi %scan3A_1, %scan3A_2 : i32
    %scan3A_4 = arith.constant 1 : i32
    scf.for %scan3A_25 = %scan3A_1 to %scan3A_3 step %scan3A_4  : i32 {
      %broadcast_in_dim3A = arith.constant 0.000000e+00 : f32
      %broadcast_in_dim3A_26 = vector.broadcast %broadcast_in_dim3A : f32 to vector<16xf32>
      %swap3A = arith.index_cast %scan3A_25 : i32 to index
      %swap3A_27 = arith.constant 0 : index
      %swap3A_28 = tpu.vector_load %arg15[%swap3A, %swap3A_27] {strides = array<i32>} : memref<128x80xf32, #tpu.memory_space<vmem>>, vector<16xf32>,
      tpu.vector_store %arg15[%swap3A, %swap3A_27], %broadcast_in_dim3A_26 {strides = array<i32>} : memref<128x80xf32, #tpu.memory_space<vmem>>, vector<16xf32>,
      %broadcast_in_dim3A_29 = arith.constant 0.000000e+00 : f32
      %broadcast_in_dim3A_30 = vector.broadcast %broadcast_in_dim3A_29 : f32 to vector<16xf32>
      %swap3A_31 = arith.index_cast %scan3A_25 : i32 to index
      %swap3A_32 = arith.constant 16 : index
      %swap3A_33 = tpu.vector_load %arg15[%swap3A_31, %swap3A_32] {strides = array<i32>} : memref<128x80xf32, #tpu.memory_space<vmem>>, vector<16xf32>,
      tpu.vector_store %arg15[%swap3A_31, %swap3A_32], %broadcast_in_dim3A_30 {strides = array<i32>} : memref<128x80xf32, #tpu.memory_space<vmem>>, vector<16xf32>,
      %broadcast_in_dim3A_34 = arith.constant 0.000000e+00 : f32
      %broadcast_in_dim3A_35 = vector.broadcast %broadcast_in_dim3A_34 : f32 to vector<16xf32>
      %swap3A_36 = arith.index_cast %scan3A_25 : i32 to index
      %swap3A_37 = arith.constant 32 : index
      %swap3A_38 = tpu.vector_load %arg15[%swap3A_36, %swap3A_37] {strides = array<i32>} : memref<128x80xf32, #tpu.memory_space<vmem>>, vector<16xf32>,
      tpu.vector_store %arg15[%swap3A_36, %swap3A_37], %broadcast_in_dim3A_35 {strides = array<i32>} : memref<128x80xf32, #tpu.memory_space<vmem>>, vector<16xf32>,
      %broadcast_in_dim3A_39 = arith.constant 0.000000e+00 : f32
      %broadcast_in_dim3A_40 = vector.broadcast %broadcast_in_dim3A_39 : f32 to vector<16xf32>
      %swap3A_41 = arith.index_cast %scan3A_25 : i32 to index
      %swap3A_42 = arith.constant 48 : index
      %swap3A_43 = tpu.vector_load %arg15[%swap3A_41, %swap3A_42] {strides = array<i32>} : memref<128x80xf32, #tpu.memory_space<vmem>>, vector<16xf32>,
      tpu.vector_store %arg15[%swap3A_41, %swap3A_42], %broadcast_in_dim3A_40 {strides = array<i32>} : memref<128x80xf32, #tpu.memory_space<vmem>>, vector<16xf32>,
      %broadcast_in_dim3A_44 = arith.constant 0.000000e+00 : f32
      %broadcast_in_dim3A_45 = vector.broadcast %broadcast_in_dim3A_44 : f32 to vector<16xf32>
      %swap3A_46 = arith.index_cast %scan3A_25 : i32 to index
      %swap3A_47 = arith.constant 64 : index
      %swap3A_48 = tpu.vector_load %arg15[%swap3A_46, %swap3A_47] {strides = array<i32>} : memref<128x80xf32, #tpu.memory_space<vmem>>, vector<16xf32>,
      tpu.vector_store %arg15[%swap3A_46, %swap3A_47], %broadcast_in_dim3A_45 {strides = array<i32>} : memref<128x80xf32, #tpu.memory_space<vmem>>, vector<16xf32>,
    }
    %scan3A_5 = arith.constant 128 : i32
    %mul3A_6 = arith.constant 640 : i32
    %mul3A_7 = arith.muli %arg1, %mul3A_6 : i32
    %add3A_8 = arith.constant 0 : i32
    %add3A_9 = arith.addi %mul3A_7, %add3A_8 : i32
    "tpu.region"() ({
      %run_scoped3A = tpu.sem_alloc : memref<!tpu.dma_semaphore, #tpu.memory_space<semaphore_mem>>
      %dma_start3A = arith.constant 0 : i32
      %dma_start3A_25 = tpu.memref_slice %arg8[%add3A_9, %dma_start3A] : memref<10240x80xf32, #tpu.memory_space<vmem_shared>> -> memref<128x80xf32, #tpu.memory_space<vmem_shared>>
      %dma_start3A_26 = arith.constant 0 : i32
      %dma_start3A_27 = tpu.memref_slice %arg8[%add3A_9, %dma_start3A_26] : memref<10240x80xf32, #tpu.memory_space<vmem_shared>> -> memref<128x80xf32, #tpu.memory_space<vmem_shared>>
      tpu.enqueue_dma source(%arg15 : memref<128x80xf32, #tpu.memory_space<vmem>>) target(%dma_start3A_27 : memref<128x80xf32, #tpu.memory_space<vmem_shared>>) target_semaphore(%run_scoped3A : memref<!tpu.dma_semaphore, #tpu.memory_space<semaphore_mem>>)
      %dma_wait3A = arith.constant 0 : i32
      %dma_wait3A_28 = tpu.memref_slice %arg8[%add3A_9, %dma_wait3A] : memref<10240x80xf32, #tpu.memory_space<vmem_shared>> -> memref<128x80xf32, #tpu.memory_space<vmem_shared>>
      %dma_wait3A_29 = arith.constant 0 : i32
      %dma_wait3A_30 = tpu.memref_slice %arg8[%add3A_9, %dma_wait3A_29] : memref<10240x80xf32, #tpu.memory_space<vmem_shared>> -> memref<128x80xf32, #tpu.memory_space<vmem_shared>>
      tpu.wait_dma2 semaphore(%run_scoped3A : memref<!tpu.dma_semaphore, #tpu.memory_space<semaphore_mem>>) src(%arg15 : memref<128x80xf32, #tpu.memory_space<vmem>>) dst(%dma_wait3A_30 : memref<128x80xf32, #tpu.memory_space<vmem_shared>>)
      tpu.yield
    }) : () -> ()
    %add3A_10 = arith.constant 128 : i32
    %add3A_11 = arith.addi %mul3A_7, %add3A_10 : i32
    "tpu.region"() ({
      %run_scoped3A = tpu.sem_alloc : memref<!tpu.dma_semaphore, #tpu.memory_space<semaphore_mem>>
      %dma_start3A = arith.constant 0 : i32
      %dma_start3A_25 = tpu.memref_slice %arg8[%add3A_11, %dma_start3A] : memref<10240x80xf32, #tpu.memory_space<vmem_shared>> -> memref<128x80xf32, #tpu.memory_space<vmem_shared>>
      %dma_start3A_26 = arith.constant 0 : i32
      %dma_start3A_27 = tpu.memref_slice %arg8[%add3A_11, %dma_start3A_26] : memref<10240x80xf32, #tpu.memory_space<vmem_shared>> -> memref<128x80xf32, #tpu.memory_space<vmem_shared>>
      tpu.enqueue_dma source(%arg15 : memref<128x80xf32, #tpu.memory_space<vmem>>) target(%dma_start3A_27 : memref<128x80xf32, #tpu.memory_space<vmem_shared>>) target_semaphore(%run_scoped3A : memref<!tpu.dma_semaphore, #tpu.memory_space<semaphore_mem>>)
      %dma_wait3A = arith.constant 0 : i32
      %dma_wait3A_28 = tpu.memref_slice %arg8[%add3A_11, %dma_wait3A] : memref<10240x80xf32, #tpu.memory_space<vmem_shared>> -> memref<128x80xf32, #tpu.memory_space<vmem_shared>>
      %dma_wait3A_29 = arith.constant 0 : i32
      %dma_wait3A_30 = tpu.memref_slice %arg8[%add3A_11, %dma_wait3A_29] : memref<10240x80xf32, #tpu.memory_space<vmem_shared>> -> memref<128x80xf32, #tpu.memory_space<vmem_shared>>
      tpu.wait_dma2 semaphore(%run_scoped3A : memref<!tpu.dma_semaphore, #tpu.memory_space<semaphore_mem>>) src(%arg15 : memref<128x80xf32, #tpu.memory_space<vmem>>) dst(%dma_wait3A_30 : memref<128x80xf32, #tpu.memory_space<vmem_shared>>)
      tpu.yield
    }) : () -> ()
    %add3A_12 = arith.constant 256 : i32
    %add3A_13 = arith.addi %mul3A_7, %add3A_12 : i32
    "tpu.region"() ({
      %run_scoped3A = tpu.sem_alloc : memref<!tpu.dma_semaphore, #tpu.memory_space<semaphore_mem>>
      %dma_start3A = arith.constant 0 : i32
      %dma_start3A_25 = tpu.memref_slice %arg8[%add3A_13, %dma_start3A] : memref<10240x80xf32, #tpu.memory_space<vmem_shared>> -> memref<128x80xf32, #tpu.memory_space<vmem_shared>>
      %dma_start3A_26 = arith.constant 0 : i32
      %dma_start3A_27 = tpu.memref_slice %arg8[%add3A_13, %dma_start3A_26] : memref<10240x80xf32, #tpu.memory_space<vmem_shared>> -> memref<128x80xf32, #tpu.memory_space<vmem_shared>>
      tpu.enqueue_dma source(%arg15 : memref<128x80xf32, #tpu.memory_space<vmem>>) target(%dma_start3A_27 : memref<128x80xf32, #tpu.memory_space<vmem_shared>>) target_semaphore(%run_scoped3A : memref<!tpu.dma_semaphore, #tpu.memory_space<semaphore_mem>>)
      %dma_wait3A = arith.constant 0 : i32
      %dma_wait3A_28 = tpu.memref_slice %arg8[%add3A_13, %dma_wait3A] : memref<10240x80xf32, #tpu.memory_space<vmem_shared>> -> memref<128x80xf32, #tpu.memory_space<vmem_shared>>
      %dma_wait3A_29 = arith.constant 0 : i32
      %dma_wait3A_30 = tpu.memref_slice %arg8[%add3A_13, %dma_wait3A_29] : memref<10240x80xf32, #tpu.memory_space<vmem_shared>> -> memref<128x80xf32, #tpu.memory_space<vmem_shared>>
      tpu.wait_dma2 semaphore(%run_scoped3A : memref<!tpu.dma_semaphore, #tpu.memory_space<semaphore_mem>>) src(%arg15 : memref<128x80xf32, #tpu.memory_space<vmem>>) dst(%dma_wait3A_30 : memref<128x80xf32, #tpu.memory_space<vmem_shared>>)
      tpu.yield
    }) : () -> ()
    %add3A_14 = arith.constant 384 : i32
    %add3A_15 = arith.addi %mul3A_7, %add3A_14 : i32
    "tpu.region"() ({
      %run_scoped3A = tpu.sem_alloc : memref<!tpu.dma_semaphore, #tpu.memory_space<semaphore_mem>>
      %dma_start3A = arith.constant 0 : i32
      %dma_start3A_25 = tpu.memref_slice %arg8[%add3A_15, %dma_start3A] : memref<10240x80xf32, #tpu.memory_space<vmem_shared>> -> memref<128x80xf32, #tpu.memory_space<vmem_shared>>
      %dma_start3A_26 = arith.constant 0 : i32
      %dma_start3A_27 = tpu.memref_slice %arg8[%add3A_15, %dma_start3A_26] : memref<10240x80xf32, #tpu.memory_space<vmem_shared>> -> memref<128x80xf32, #tpu.memory_space<vmem_shared>>
      tpu.enqueue_dma source(%arg15 : memref<128x80xf32, #tpu.memory_space<vmem>>) target(%dma_start3A_27 : memref<128x80xf32, #tpu.memory_space<vmem_shared>>) target_semaphore(%run_scoped3A : memref<!tpu.dma_semaphore, #tpu.memory_space<semaphore_mem>>)
      %dma_wait3A = arith.constant 0 : i32
      %dma_wait3A_28 = tpu.memref_slice %arg8[%add3A_15, %dma_wait3A] : memref<10240x80xf32, #tpu.memory_space<vmem_shared>> -> memref<128x80xf32, #tpu.memory_space<vmem_shared>>
      %dma_wait3A_29 = arith.constant 0 : i32
      %dma_wait3A_30 = tpu.memref_slice %arg8[%add3A_15, %dma_wait3A_29] : memref<10240x80xf32, #tpu.memory_space<vmem_shared>> -> memref<128x80xf32, #tpu.memory_space<vmem_shared>>
      tpu.wait_dma2 semaphore(%run_scoped3A : memref<!tpu.dma_semaphore, #tpu.memory_space<semaphore_mem>>) src(%arg15 : memref<128x80xf32, #tpu.memory_space<vmem>>) dst(%dma_wait3A_30 : memref<128x80xf32, #tpu.memory_space<vmem_shared>>)
      tpu.yield
    }) : () -> ()
    %add3A_16 = arith.constant 512 : i32
    %add3A_17 = arith.addi %mul3A_7, %add3A_16 : i32
    "tpu.region"() ({
      %run_scoped3A = tpu.sem_alloc : memref<!tpu.dma_semaphore, #tpu.memory_space<semaphore_mem>>
      %dma_start3A = arith.constant 0 : i32
      %dma_start3A_25 = tpu.memref_slice %arg8[%add3A_17, %dma_start3A] : memref<10240x80xf32, #tpu.memory_space<vmem_shared>> -> memref<128x80xf32, #tpu.memory_space<vmem_shared>>
      %dma_start3A_26 = arith.constant 0 : i32
      %dma_start3A_27 = tpu.memref_slice %arg8[%add3A_17, %dma_start3A_26] : memref<10240x80xf32, #tpu.memory_space<vmem_shared>> -> memref<128x80xf32, #tpu.memory_space<vmem_shared>>
      tpu.enqueue_dma source(%arg15 : memref<128x80xf32, #tpu.memory_space<vmem>>) target(%dma_start3A_27 : memref<128x80xf32, #tpu.memory_space<vmem_shared>>) target_semaphore(%run_scoped3A : memref<!tpu.dma_semaphore, #tpu.memory_space<semaphore_mem>>)
      %dma_wait3A = arith.constant 0 : i32
      %dma_wait3A_28 = tpu.memref_slice %arg8[%add3A_17, %dma_wait3A] : memref<10240x80xf32, #tpu.memory_space<vmem_shared>> -> memref<128x80xf32, #tpu.memory_space<vmem_shared>>
      %dma_wait3A_29 = arith.constant 0 : i32
      %dma_wait3A_30 = tpu.memref_slice %arg8[%add3A_17, %dma_wait3A_29] : memref<10240x80xf32, #tpu.memory_space<vmem_shared>> -> memref<128x80xf32, #tpu.memory_space<vmem_shared>>
      tpu.wait_dma2 semaphore(%run_scoped3A : memref<!tpu.dma_semaphore, #tpu.memory_space<semaphore_mem>>) src(%arg15 : memref<128x80xf32, #tpu.memory_space<vmem>>) dst(%dma_wait3A_30 : memref<128x80xf32, #tpu.memory_space<vmem_shared>>)
      tpu.yield
    }) : () -> ()
    %barrier3A = arith.constant 0 : index
    tpu.barrier barrier_id(%barrier3A)
    %scan3A_18 = arith.constant 0 : i32
    %scan3A_19 = arith.constant 0 : i32
    %scan3A_20 = arith.constant 81 : i32
    %scan3A_21 = arith.addi %scan3A_19, %scan3A_20 : i32
    %scan3A_22 = arith.constant 1 : i32
    scf.for %scan3A_25 = %scan3A_19 to %scan3A_21 step %scan3A_22  : i32 {
      %dma_start3A = arith.constant 0 : i32
      %dma_start3A_26 = tpu.memref_slice %arg9[%scan3A_25, %dma_start3A] : memref<81x128xi32, #tpu.memory_space<vmem>> -> memref<1x128xi32, #tpu.memory_space<vmem>>
      %dma_start3A_27 = tpu.memref_squeeze %dma_start3A_26 : memref<1x128xi32, #tpu.memory_space<vmem>> -> memref<128xi32, #tpu.memory_space<vmem>>
      %dma_start3A_28 = arith.constant 0 : i32
      %dma_start3A_29 = arith.constant 0 : i32
      %dma_start3A_30 = tpu.memref_slice %arg2[%dma_start3A_28, %dma_start3A_29] : memref<10240x64xf32, #tpu.memory_space<hbm>> -> memref<10240x64xf32, #tpu.memory_space<hbm>>
      tpu.enqueue_indirect_dma source(%dma_start3A_30 : memref<10240x64xf32, #tpu.memory_space<hbm>>) target(%arg14 : memref<128x64xf32, #tpu.memory_space<vmem>>) offsets(%dma_start3A_27 : memref<128xi32, #tpu.memory_space<vmem>>) semaphore(%arg16 : memref<!tpu.dma_semaphore, #tpu.memory_space<semaphore_mem>>)
      %dma_wait3A = arith.constant 0 : i32
      %dma_wait3A_31 = tpu.memref_slice %arg9[%scan3A_25, %dma_wait3A] : memref<81x128xi32, #tpu.memory_space<vmem>> -> memref<1x128xi32, #tpu.memory_space<vmem>>
      %dma_wait3A_32 = tpu.memref_squeeze %dma_wait3A_31 : memref<1x128xi32, #tpu.memory_space<vmem>> -> memref<128xi32, #tpu.memory_space<vmem>>
      %dma_wait3A_33 = arith.constant 0 : i32
      %dma_wait3A_34 = arith.constant 0 : i32
      %dma_wait3A_35 = tpu.memref_slice %arg2[%dma_wait3A_33, %dma_wait3A_34] : memref<10240x64xf32, #tpu.memory_space<hbm>> -> memref<10240x64xf32, #tpu.memory_space<hbm>>
      tpu.wait_indirect_dma semaphore(%arg16 : memref<!tpu.dma_semaphore, #tpu.memory_space<semaphore_mem>>) src(%dma_wait3A_35 : memref<10240x64xf32, #tpu.memory_space<hbm>>) dst(%arg14 : memref<128x64xf32, #tpu.memory_space<vmem>>)
      %get3A = arith.index_cast %scan3A_25 : i32 to index
      %get3A_36 = arith.constant 0 : index
      %get3A_37 = tpu.vector_load %arg9[%get3A, %get3A_36] {strides = array<i32>} : memref<81x128xi32, #tpu.memory_space<vmem>>, vector<16xi32>,
      %get3A_38 = arith.index_cast %scan3A_25 : i32 to index
      %get3A_39 = arith.constant 0 : index
      %get3A_40 = tpu.vector_load %arg10[%get3A_38, %get3A_39] {strides = array<i32>} : memref<81x128xi32, #tpu.memory_space<vmem>>, vector<16xi32>,
      %gather3A = tpu.vector_load_idx %arg11[%get3A_37] : memref<10240xf32, #tpu.memory_space<vmem>>[vector<16xi32>], vector<16xf32>,
      %gather3A_41 = tpu.vector_load_idx %arg12[%get3A_40] : memref<10240xf32, #tpu.memory_space<vmem>>[vector<16xi32>], vector<16xf32>,
      %add3A_42 = arith.addf %gather3A, %gather3A_41 : vector<16xf32>
      %gt3A = arith.constant 0.000000e+00 : f32
      %gt3A_43 = vector.broadcast %gt3A : f32 to vector<16xf32>
      %gt3A_44 = arith.cmpf ogt, %add3A_42, %gt3A_43 : vector<16xf32>
      %mul3A_45 = arith.constant 2.000000e-01 : f32
      %mul3A_46 = vector.broadcast %mul3A_45 : f32 to vector<16xf32>
      %mul3A_47 = arith.mulf %mul3A_46, %add3A_42 : vector<16xf32>
      %select_n3A = arith.select %gt3A_44, %add3A_42, %mul3A_47 : vector<16xi1>, vector<16xf32>
      %exp3A = math.exp %select_n3A : vector<16xf32>
      %swap3A = arith.constant 0 : index
      %swap3A_48 = tpu.vector_load %arg13[%swap3A] {strides = array<i32>} : memref<128xf32, #tpu.memory_space<vmem>>, vector<16xf32>,
      tpu.vector_store %arg13[%swap3A], %exp3A {strides = array<i32>} : memref<128xf32, #tpu.memory_space<vmem>>, vector<16xf32>,
      %get3A_49 = arith.index_cast %scan3A_25 : i32 to index
      %get3A_50 = arith.constant 16 : index
      %get3A_51 = tpu.vector_load %arg9[%get3A_49, %get3A_50] {strides = array<i32>} : memref<81x128xi32, #tpu.memory_space<vmem>>, vector<16xi32>,
      %get3A_52 = arith.index_cast %scan3A_25 : i32 to index
      %get3A_53 = arith.constant 16 : index
      %get3A_54 = tpu.vector_load %arg10[%get3A_52, %get3A_53] {strides = array<i32>} : memref<81x128xi32, #tpu.memory_space<vmem>>, vector<16xi32>,
      %gather3A_55 = tpu.vector_load_idx %arg11[%get3A_51] : memref<10240xf32, #tpu.memory_space<vmem>>[vector<16xi32>], vector<16xf32>,
      %gather3A_56 = tpu.vector_load_idx %arg12[%get3A_54] : memref<10240xf32, #tpu.memory_space<vmem>>[vector<16xi32>], vector<16xf32>,
      %add3A_57 = arith.addf %gather3A_55, %gather3A_56 : vector<16xf32>
      %gt3A_58 = arith.constant 0.000000e+00 : f32
      %gt3A_59 = vector.broadcast %gt3A_58 : f32 to vector<16xf32>
      %gt3A_60 = arith.cmpf ogt, %add3A_57, %gt3A_59 : vector<16xf32>
      %mul3A_61 = arith.constant 2.000000e-01 : f32
      %mul3A_62 = vector.broadcast %mul3A_61 : f32 to vector<16xf32>
      %mul3A_63 = arith.mulf %mul3A_62, %add3A_57 : vector<16xf32>
      %select_n3A_64 = arith.select %gt3A_60, %add3A_57, %mul3A_63 : vector<16xi1>, vector<16xf32>
      %exp3A_65 = math.exp %select_n3A_64 : vector<16xf32>
      %swap3A_66 = arith.constant 16 : index
      %swap3A_67 = tpu.vector_load %arg13[%swap3A_66] {strides = array<i32>} : memref<128xf32, #tpu.memory_space<vmem>>, vector<16xf32>,
      tpu.vector_store %arg13[%swap3A_66], %exp3A_65 {strides = array<i32>} : memref<128xf32, #tpu.memory_space<vmem>>, vector<16xf32>,
      %get3A_68 = arith.index_cast %scan3A_25 : i32 to index
      %get3A_69 = arith.constant 32 : index
      %get3A_70 = tpu.vector_load %arg9[%get3A_68, %get3A_69] {strides = array<i32>} : memref<81x128xi32, #tpu.memory_space<vmem>>, vector<16xi32>,
      %get3A_71 = arith.index_cast %scan3A_25 : i32 to index
      %get3A_72 = arith.constant 32 : index
      %get3A_73 = tpu.vector_load %arg10[%get3A_71, %get3A_72] {strides = array<i32>} : memref<81x128xi32, #tpu.memory_space<vmem>>, vector<16xi32>,
      %gather3A_74 = tpu.vector_load_idx %arg11[%get3A_70] : memref<10240xf32, #tpu.memory_space<vmem>>[vector<16xi32>], vector<16xf32>,
      %gather3A_75 = tpu.vector_load_idx %arg12[%get3A_73] : memref<10240xf32, #tpu.memory_space<vmem>>[vector<16xi32>], vector<16xf32>,
      %add3A_76 = arith.addf %gather3A_74, %gather3A_75 : vector<16xf32>
      %gt3A_77 = arith.constant 0.000000e+00 : f32
      %gt3A_78 = vector.broadcast %gt3A_77 : f32 to vector<16xf32>
      %gt3A_79 = arith.cmpf ogt, %add3A_76, %gt3A_78 : vector<16xf32>
      %mul3A_80 = arith.constant 2.000000e-01 : f32
      %mul3A_81 = vector.broadcast %mul3A_80 : f32 to vector<16xf32>
      %mul3A_82 = arith.mulf %mul3A_81, %add3A_76 : vector<16xf32>
      %select_n3A_83 = arith.select %gt3A_79, %add3A_76, %mul3A_82 : vector<16xi1>, vector<16xf32>
      %exp3A_84 = math.exp %select_n3A_83 : vector<16xf32>
      %swap3A_85 = arith.constant 32 : index
      %swap3A_86 = tpu.vector_load %arg13[%swap3A_85] {strides = array<i32>} : memref<128xf32, #tpu.memory_space<vmem>>, vector<16xf32>,
      tpu.vector_store %arg13[%swap3A_85], %exp3A_84 {strides = array<i32>} : memref<128xf32, #tpu.memory_space<vmem>>, vector<16xf32>,
      %get3A_87 = arith.index_cast %scan3A_25 : i32 to index
      %get3A_88 = arith.constant 48 : index
      %get3A_89 = tpu.vector_load %arg9[%get3A_87, %get3A_88] {strides = array<i32>} : memref<81x128xi32, #tpu.memory_space<vmem>>, vector<16xi32>,
      %get3A_90 = arith.index_cast %scan3A_25 : i32 to index
      %get3A_91 = arith.constant 48 : index
      %get3A_92 = tpu.vector_load %arg10[%get3A_90, %get3A_91] {strides = array<i32>} : memref<81x128xi32, #tpu.memory_space<vmem>>, vector<16xi32>,
      %gather3A_93 = tpu.vector_load_idx %arg11[%get3A_89] : memref<10240xf32, #tpu.memory_space<vmem>>[vector<16xi32>], vector<16xf32>,
      %gather3A_94 = tpu.vector_load_idx %arg12[%get3A_92] : memref<10240xf32, #tpu.memory_space<vmem>>[vector<16xi32>], vector<16xf32>,
      %add3A_95 = arith.addf %gather3A_93, %gather3A_94 : vector<16xf32>
      %gt3A_96 = arith.constant 0.000000e+00 : f32
      %gt3A_97 = vector.broadcast %gt3A_96 : f32 to vector<16xf32>
      %gt3A_98 = arith.cmpf ogt, %add3A_95, %gt3A_97 : vector<16xf32>
      %mul3A_99 = arith.constant 2.000000e-01 : f32
      %mul3A_100 = vector.broadcast %mul3A_99 : f32 to vector<16xf32>
      %mul3A_101 = arith.mulf %mul3A_100, %add3A_95 : vector<16xf32>
      %select_n3A_102 = arith.select %gt3A_98, %add3A_95, %mul3A_101 : vector<16xi1>, vector<16xf32>
      %exp3A_103 = math.exp %select_n3A_102 : vector<16xf32>
      %swap3A_104 = arith.constant 48 : index
      %swap3A_105 = tpu.vector_load %arg13[%swap3A_104] {strides = array<i32>} : memref<128xf32, #tpu.memory_space<vmem>>, vector<16xf32>,
      tpu.vector_store %arg13[%swap3A_104], %exp3A_103 {strides = array<i32>} : memref<128xf32, #tpu.memory_space<vmem>>, vector<16xf32>,
      %get3A_106 = arith.index_cast %scan3A_25 : i32 to index
      %get3A_107 = arith.constant 64 : index
      %get3A_108 = tpu.vector_load %arg9[%get3A_106, %get3A_107] {strides = array<i32>} : memref<81x128xi32, #tpu.memory_space<vmem>>, vector<16xi32>,
      %get3A_109 = arith.index_cast %scan3A_25 : i32 to index
      %get3A_110 = arith.constant 64 : index
      %get3A_111 = tpu.vector_load %arg10[%get3A_109, %get3A_110] {strides = array<i32>} : memref<81x128xi32, #tpu.memory_space<vmem>>, vector<16xi32>,
      %gather3A_112 = tpu.vector_load_idx %arg11[%get3A_108] : memref<10240xf32, #tpu.memory_space<vmem>>[vector<16xi32>], vector<16xf32>,
      %gather3A_113 = tpu.vector_load_idx %arg12[%get3A_111] : memref<10240xf32, #tpu.memory_space<vmem>>[vector<16xi32>], vector<16xf32>,
      %add3A_114 = arith.addf %gather3A_112, %gather3A_113 : vector<16xf32>
      %gt3A_115 = arith.constant 0.000000e+00 : f32
      %gt3A_116 = vector.broadcast %gt3A_115 : f32 to vector<16xf32>
      %gt3A_117 = arith.cmpf ogt, %add3A_114, %gt3A_116 : vector<16xf32>
      %mul3A_118 = arith.constant 2.000000e-01 : f32
      %mul3A_119 = vector.broadcast %mul3A_118 : f32 to vector<16xf32>
      %mul3A_120 = arith.mulf %mul3A_119, %add3A_114 : vector<16xf32>
      %select_n3A_121 = arith.select %gt3A_117, %add3A_114, %mul3A_120 : vector<16xi1>, vector<16xf32>
      %exp3A_122 = math.exp %select_n3A_121 : vector<16xf32>
      %swap3A_123 = arith.constant 64 : index
      %swap3A_124 = tpu.vector_load %arg13[%swap3A_123] {strides = array<i32>} : memref<128xf32, #tpu.memory_space<vmem>>, vector<16xf32>,
      tpu.vector_store %arg13[%swap3A_123], %exp3A_122 {strides = array<i32>} : memref<128xf32, #tpu.memory_space<vmem>>, vector<16xf32>,
      %get3A_125 = arith.index_cast %scan3A_25 : i32 to index
      %get3A_126 = arith.constant 80 : index
      %get3A_127 = tpu.vector_load %arg9[%get3A_125, %get3A_126] {strides = array<i32>} : memref<81x128xi32, #tpu.memory_space<vmem>>, vector<16xi32>,
      %get3A_128 = arith.index_cast %scan3A_25 : i32 to index
      %get3A_129 = arith.constant 80 : index
      %get3A_130 = tpu.vector_load %arg10[%get3A_128, %get3A_129] {strides = array<i32>} : memref<81x128xi32, #tpu.memory_space<vmem>>, vector<16xi32>,
      %gather3A_131 = tpu.vector_load_idx %arg11[%get3A_127] : memref<10240xf32, #tpu.memory_space<vmem>>[vector<16xi32>], vector<16xf32>,
      %gather3A_132 = tpu.vector_load_idx %arg12[%get3A_130] : memref<10240xf32, #tpu.memory_space<vmem>>[vector<16xi32>], vector<16xf32>,
      %add3A_133 = arith.addf %gather3A_131, %gather3A_132 : vector<16xf32>
      %gt3A_134 = arith.constant 0.000000e+00 : f32
      %gt3A_135 = vector.broadcast %gt3A_134 : f32 to vector<16xf32>
      %gt3A_136 = arith.cmpf ogt, %add3A_133, %gt3A_135 : vector<16xf32>
      %mul3A_137 = arith.constant 2.000000e-01 : f32
      %mul3A_138 = vector.broadcast %mul3A_137 : f32 to vector<16xf32>
      %mul3A_139 = arith.mulf %mul3A_138, %add3A_133 : vector<16xf32>
      %select_n3A_140 = arith.select %gt3A_136, %add3A_133, %mul3A_139 : vector<16xi1>, vector<16xf32>
      %exp3A_141 = math.exp %select_n3A_140 : vector<16xf32>
      %swap3A_142 = arith.constant 80 : index
      %swap3A_143 = tpu.vector_load %arg13[%swap3A_142] {strides = array<i32>} : memref<128xf32, #tpu.memory_space<vmem>>, vector<16xf32>,
      tpu.vector_store %arg13[%swap3A_142], %exp3A_141 {strides = array<i32>} : memref<128xf32, #tpu.memory_space<vmem>>, vector<16xf32>,
      %get3A_144 = arith.index_cast %scan3A_25 : i32 to index
      %get3A_145 = arith.constant 96 : index
      %get3A_146 = tpu.vector_load %arg9[%get3A_144, %get3A_145] {strides = array<i32>} : memref<81x128xi32, #tpu.memory_space<vmem>>, vector<16xi32>,
      %get3A_147 = arith.index_cast %scan3A_25 : i32 to index
      %get3A_148 = arith.constant 96 : index
      %get3A_149 = tpu.vector_load %arg10[%get3A_147, %get3A_148] {strides = array<i32>} : memref<81x128xi32, #tpu.memory_space<vmem>>, vector<16xi32>,
      %gather3A_150 = tpu.vector_load_idx %arg11[%get3A_146] : memref<10240xf32, #tpu.memory_space<vmem>>[vector<16xi32>], vector<16xf32>,
      %gather3A_151 = tpu.vector_load_idx %arg12[%get3A_149] : memref<10240xf32, #tpu.memory_space<vmem>>[vector<16xi32>], vector<16xf32>,
      %add3A_152 = arith.addf %gather3A_150, %gather3A_151 : vector<16xf32>
      %gt3A_153 = arith.constant 0.000000e+00 : f32
      %gt3A_154 = vector.broadcast %gt3A_153 : f32 to vector<16xf32>
      %gt3A_155 = arith.cmpf ogt, %add3A_152, %gt3A_154 : vector<16xf32>
      %mul3A_156 = arith.constant 2.000000e-01 : f32
      %mul3A_157 = vector.broadcast %mul3A_156 : f32 to vector<16xf32>
      %mul3A_158 = arith.mulf %mul3A_157, %add3A_152 : vector<16xf32>
      %select_n3A_159 = arith.select %gt3A_155, %add3A_152, %mul3A_158 : vector<16xi1>, vector<16xf32>
      %exp3A_160 = math.exp %select_n3A_159 : vector<16xf32>
      %swap3A_161 = arith.constant 96 : index
      %swap3A_162 = tpu.vector_load %arg13[%swap3A_161] {strides = array<i32>} : memref<128xf32, #tpu.memory_space<vmem>>, vector<16xf32>,
      tpu.vector_store %arg13[%swap3A_161], %exp3A_160 {strides = array<i32>} : memref<128xf32, #tpu.memory_space<vmem>>, vector<16xf32>,
      %get3A_163 = arith.index_cast %scan3A_25 : i32 to index
      %get3A_164 = arith.constant 112 : index
      %get3A_165 = tpu.vector_load %arg9[%get3A_163, %get3A_164] {strides = array<i32>} : memref<81x128xi32, #tpu.memory_space<vmem>>, vector<16xi32>,
      %get3A_166 = arith.index_cast %scan3A_25 : i32 to index
      %get3A_167 = arith.constant 112 : index
      %get3A_168 = tpu.vector_load %arg10[%get3A_166, %get3A_167] {strides = array<i32>} : memref<81x128xi32, #tpu.memory_space<vmem>>, vector<16xi32>,
      %gather3A_169 = tpu.vector_load_idx %arg11[%get3A_165] : memref<10240xf32, #tpu.memory_space<vmem>>[vector<16xi32>], vector<16xf32>,
      %gather3A_170 = tpu.vector_load_idx %arg12[%get3A_168] : memref<10240xf32, #tpu.memory_space<vmem>>[vector<16xi32>], vector<16xf32>,
      %add3A_171 = arith.addf %gather3A_169, %gather3A_170 : vector<16xf32>
      %gt3A_172 = arith.constant 0.000000e+00 : f32
      %gt3A_173 = vector.broadcast %gt3A_172 : f32 to vector<16xf32>
      %gt3A_174 = arith.cmpf ogt, %add3A_171, %gt3A_173 : vector<16xf32>
      %mul3A_175 = arith.constant 2.000000e-01 : f32
      %mul3A_176 = vector.broadcast %mul3A_175 : f32 to vector<16xf32>
      %mul3A_177 = arith.mulf %mul3A_176, %add3A_171 : vector<16xf32>
      %select_n3A_178 = arith.select %gt3A_174, %add3A_171, %mul3A_177 : vector<16xi1>, vector<16xf32>
      %exp3A_179 = math.exp %select_n3A_178 : vector<16xf32>
      %swap3A_180 = arith.constant 112 : index
      %swap3A_181 = tpu.vector_load %arg13[%swap3A_180] {strides = array<i32>} : memref<128xf32, #tpu.memory_space<vmem>>, vector<16xf32>,
      tpu.vector_store %arg13[%swap3A_180], %exp3A_179 {strides = array<i32>} : memref<128xf32, #tpu.memory_space<vmem>>, vector<16xf32>,
      %scan3A_182 = arith.constant 0 : i32
      %scan3A_183 = arith.constant 0 : i32
      %scan3A_184 = arith.constant 128 : i32
      %scan3A_185 = arith.addi %scan3A_183, %scan3A_184 : i32
      %scan3A_186 = arith.constant 1 : i32
      scf.for %scan3A_188 = %scan3A_183 to %scan3A_185 step %scan3A_186  : i32 {
        %broadcast_in_dim3A = vector.broadcast %scan3A_188 : i32 to vector<16xi32>
        %gather3A_189 = tpu.vector_load_idx %arg13[%broadcast_in_dim3A] : memref<128xf32, #tpu.memory_space<vmem>>[vector<16xi32>], vector<16xf32>,
        %get3A_190 = arith.index_cast %scan3A_188 : i32 to index
        %get3A_191 = arith.constant 0 : index
        %get3A_192 = tpu.vector_load %arg14[%get3A_190, %get3A_191] {strides = array<i32>} : memref<128x64xf32, #tpu.memory_space<vmem>>, vector<16xf32>,
        %mul3A_193 = arith.mulf %get3A_192, %gather3A_189 : vector<16xf32>
        %swap3A_194 = arith.index_cast %scan3A_188 : i32 to index
        %swap3A_195 = arith.constant 0 : index
        %swap3A_196 = tpu.vector_load %arg15[%swap3A_194, %swap3A_195] {strides = array<i32>} : memref<128x80xf32, #tpu.memory_space<vmem>>, vector<16xf32>,
        tpu.vector_store %arg15[%swap3A_194, %swap3A_195], %mul3A_193 {strides = array<i32>} : memref<128x80xf32, #tpu.memory_space<vmem>>, vector<16xf32>,
        %get3A_197 = arith.index_cast %scan3A_188 : i32 to index
        %get3A_198 = arith.constant 16 : index
        %get3A_199 = tpu.vector_load %arg14[%get3A_197, %get3A_198] {strides = array<i32>} : memref<128x64xf32, #tpu.memory_space<vmem>>, vector<16xf32>,
        %mul3A_200 = arith.mulf %get3A_199, %gather3A_189 : vector<16xf32>
        %swap3A_201 = arith.index_cast %scan3A_188 : i32 to index
        %swap3A_202 = arith.constant 16 : index
        %swap3A_203 = tpu.vector_load %arg15[%swap3A_201, %swap3A_202] {strides = array<i32>} : memref<128x80xf32, #tpu.memory_space<vmem>>, vector<16xf32>,
        tpu.vector_store %arg15[%swap3A_201, %swap3A_202], %mul3A_200 {strides = array<i32>} : memref<128x80xf32, #tpu.memory_space<vmem>>, vector<16xf32>,
        %get3A_204 = arith.index_cast %scan3A_188 : i32 to index
        %get3A_205 = arith.constant 32 : index
        %get3A_206 = tpu.vector_load %arg14[%get3A_204, %get3A_205] {strides = array<i32>} : memref<128x64xf32, #tpu.memory_space<vmem>>, vector<16xf32>,
        %mul3A_207 = arith.mulf %get3A_206, %gather3A_189 : vector<16xf32>
        %swap3A_208 = arith.index_cast %scan3A_188 : i32 to index
        %swap3A_209 = arith.constant 32 : index
        %swap3A_210 = tpu.vector_load %arg15[%swap3A_208, %swap3A_209] {strides = array<i32>} : memref<128x80xf32, #tpu.memory_space<vmem>>, vector<16xf32>,
        tpu.vector_store %arg15[%swap3A_208, %swap3A_209], %mul3A_207 {strides = array<i32>} : memref<128x80xf32, #tpu.memory_space<vmem>>, vector<16xf32>,
        %get3A_211 = arith.index_cast %scan3A_188 : i32 to index
        %get3A_212 = arith.constant 48 : index
        %get3A_213 = tpu.vector_load %arg14[%get3A_211, %get3A_212] {strides = array<i32>} : memref<128x64xf32, #tpu.memory_space<vmem>>, vector<16xf32>,
        %mul3A_214 = arith.mulf %get3A_213, %gather3A_189 : vector<16xf32>
        %swap3A_215 = arith.index_cast %scan3A_188 : i32 to index
        %swap3A_216 = arith.constant 48 : index
        %swap3A_217 = tpu.vector_load %arg15[%swap3A_215, %swap3A_216] {strides = array<i32>} : memref<128x80xf32, #tpu.memory_space<vmem>>, vector<16xf32>,
        tpu.vector_store %arg15[%swap3A_215, %swap3A_216], %mul3A_214 {strides = array<i32>} : memref<128x80xf32, #tpu.memory_space<vmem>>, vector<16xf32>,
        %swap3A_218 = arith.index_cast %scan3A_188 : i32 to index
        %swap3A_219 = arith.constant 64 : index
        %swap3A_220 = tpu.vector_load %arg15[%swap3A_218, %swap3A_219] {strides = array<i32>} : memref<128x80xf32, #tpu.memory_space<vmem>>, vector<16xf32>,
        tpu.vector_store %arg15[%swap3A_218, %swap3A_219], %gather3A_189 {strides = array<i32>} : memref<128x80xf32, #tpu.memory_space<vmem>>, vector<16xf32>,
      }
      %scan3A_187 = arith.constant 128 : i32
      "tpu.region"() ({
        %run_scoped3A = tpu.sem_alloc : memref<!tpu.dma_semaphore, #tpu.memory_space<semaphore_mem>>
        %dma_start3A_188 = arith.constant 0 : i32
        %dma_start3A_189 = tpu.memref_slice %arg10[%scan3A_25, %dma_start3A_188] : memref<81x128xi32, #tpu.memory_space<vmem>> -> memref<1x128xi32, #tpu.memory_space<vmem>>
        %dma_start3A_190 = tpu.memref_squeeze %dma_start3A_189 : memref<1x128xi32, #tpu.memory_space<vmem>> -> memref<128xi32, #tpu.memory_space<vmem>>
        %dma_start3A_191 = arith.constant 0 : i32
        %dma_start3A_192 = arith.constant 0 : i32
        %dma_start3A_193 = tpu.memref_slice %arg8[%dma_start3A_191, %dma_start3A_192] : memref<10240x80xf32, #tpu.memory_space<vmem_shared>> -> memref<10240x80xf32, #tpu.memory_space<vmem_shared>>
        tpu.enqueue_indirect_dma source(%arg15 : memref<128x80xf32, #tpu.memory_space<vmem>>) target(%dma_start3A_193 : memref<10240x80xf32, #tpu.memory_space<vmem_shared>>) offsets(%dma_start3A_190 : memref<128xi32, #tpu.memory_space<vmem>>) semaphore(%run_scoped3A : memref<!tpu.dma_semaphore, #tpu.memory_space<semaphore_mem>>) {add = true}
        %dma_wait3A_194 = arith.constant 0 : i32
        %dma_wait3A_195 = tpu.memref_slice %arg10[%scan3A_25, %dma_wait3A_194] : memref<81x128xi32, #tpu.memory_space<vmem>> -> memref<1x128xi32, #tpu.memory_space<vmem>>
        %dma_wait3A_196 = tpu.memref_squeeze %dma_wait3A_195 : memref<1x128xi32, #tpu.memory_space<vmem>> -> memref<128xi32, #tpu.memory_space<vmem>>
        %dma_wait3A_197 = arith.constant 0 : i32
        %dma_wait3A_198 = arith.constant 0 : i32
        %dma_wait3A_199 = tpu.memref_slice %arg8[%dma_wait3A_197, %dma_wait3A_198] : memref<10240x80xf32, #tpu.memory_space<vmem_shared>> -> memref<10240x80xf32, #tpu.memory_space<vmem_shared>>
        tpu.wait_indirect_dma semaphore(%run_scoped3A : memref<!tpu.dma_semaphore, #tpu.memory_space<semaphore_mem>>) src(%arg15 : memref<128x80xf32, #tpu.memory_space<vmem>>) dst(%dma_wait3A_199 : memref<10240x80xf32, #tpu.memory_space<vmem_shared>>)
        tpu.yield
      }) : () -> ()
    }
    %scan3A_23 = arith.constant 81 : i32
    %barrier3A_24 = arith.constant 0 : index
    tpu.barrier barrier_id(%barrier3A_24)
    "tpu.region"() ({
      %run_scoped3A = tpu.sem_alloc : memref<!tpu.dma_semaphore, #tpu.memory_space<semaphore_mem>>
      %dma_start3A = arith.constant 0 : i32
      %dma_start3A_25 = tpu.memref_slice %arg7[%arg0, %mul3A_7, %dma_start3A] : memref<2x10240x80xf32, #tpu.memory_space<hbm>> -> memref<1x640x80xf32, #tpu.memory_space<hbm>>
      %dma_start3A_26 = tpu.memref_squeeze %dma_start3A_25 : memref<1x640x80xf32, #tpu.memory_space<hbm>> -> memref<640x80xf32, #tpu.memory_space<hbm>>
      %dma_start3A_27 = arith.constant 0 : i32
      %dma_start3A_28 = tpu.memref_slice %arg8[%mul3A_7, %dma_start3A_27] : memref<10240x80xf32, #tpu.memory_space<vmem_shared>> -> memref<640x80xf32, #tpu.memory_space<vmem_shared>>
      tpu.enqueue_dma source(%dma_start3A_28 : memref<640x80xf32, #tpu.memory_space<vmem_shared>>) target(%dma_start3A_26 : memref<640x80xf32, #tpu.memory_space<hbm>>) target_semaphore(%run_scoped3A : memref<!tpu.dma_semaphore, #tpu.memory_space<semaphore_mem>>)
      %dma_wait3A = arith.constant 0 : i32
      %dma_wait3A_29 = tpu.memref_slice %arg7[%arg0, %mul3A_7, %dma_wait3A] : memref<2x10240x80xf32, #tpu.memory_space<hbm>> -> memref<1x640x80xf32, #tpu.memory_space<hbm>>
      %dma_wait3A_30 = tpu.memref_squeeze %dma_wait3A_29 : memref<1x640x80xf32, #tpu.memory_space<hbm>> -> memref<640x80xf32, #tpu.memory_space<hbm>>
      %dma_wait3A_31 = arith.constant 0 : i32
      %dma_wait3A_32 = tpu.memref_slice %arg8[%mul3A_7, %dma_wait3A_31] : memref<10240x80xf32, #tpu.memory_space<vmem_shared>> -> memref<640x80xf32, #tpu.memory_space<vmem_shared>>
      tpu.wait_dma2 semaphore(%run_scoped3A : memref<!tpu.dma_semaphore, #tpu.memory_space<semaphore_mem>>) src(%dma_wait3A_32 : memref<640x80xf32, #tpu.memory_space<vmem_shared>>) dst(%dma_wait3A_30 : memref<640x80xf32, #tpu.memory_space<hbm>>)
      tpu.yield
    }) : () -> ()
    return
  }
}

#map = affine_map<(d0, d1) -> (0, 0)>
#map1 = affine_map<(d0, d1) -> (0)>
#map2 = affine_map<(d0, d1) -> (0, 0, 0)>
module attributes {stable_mosaic.version = 14 : i64} {
  func.func @gat_agg(%arg0: i32, %arg1: i32, %arg2: memref<10240x64xf32, #tpu.memory_space<hbm>>, %arg3: memref<10240xf32, #tpu.memory_space<hbm>>, %arg4: memref<10240xf32, #tpu.memory_space<hbm>>, %arg5: memref<32x81x128xi32, #tpu.memory_space<hbm>>, %arg6: memref<32x81x128xi32, #tpu.memory_space<hbm>>, %arg7: memref<2x10240x80xf32, #tpu.memory_space<hbm>>, %arg8: memref<10240x80xf32, #tpu.memory_space<vmem_shared>>, %arg9: memref<81x128xi32, #tpu.memory_space<vmem>>, %arg10: memref<81x128xi32, #tpu.memory_space<vmem>>, %arg11: memref<10240xf32, #tpu.memory_space<vmem>>, %arg12: memref<10240xf32, #tpu.memory_space<vmem>>, %arg13: memref<128xf32, #tpu.memory_space<vmem>>, %arg14: memref<128x64xf32, #tpu.memory_space<vmem>>, %arg15: memref<128x80xf32, #tpu.memory_space<vmem>>, %arg16: memref<!tpu.dma_semaphore, #tpu.memory_space<semaphore_mem>>) attributes {dimension_semantics = [#tpu.dimension_semantics<core_parallel>, #tpu.dimension_semantics<subcore_parallel>], iteration_bounds = array<i64: 2, 16>, scalar_prefetch = 0 : i64, scratch_operands = 9 : i64, tpu.core_type = #tpu.core_type<sc_vector_subcore>, window_params = [{transform_indices = #map}, {transform_indices = #map1}, {transform_indices = #map1}, {transform_indices = #map2}, {transform_indices = #map2}, {transform_indices = #map2}]} {
    %mul3A = arith.constant 16 : i32
    %mul3A_0 = arith.muli %arg0, %mul3A : i32
    %add3A = arith.addi %mul3A_0, %arg1 : i32
    "tpu.region"() ({
      %run_scoped3A = tpu.sem_alloc : memref<!tpu.dma_semaphore, #tpu.memory_space<semaphore_mem>>
      %dma_start3A = arith.constant 0 : i32
      %dma_start3A_25 = arith.constant 0 : i32
      %dma_start3A_26 = tpu.memref_slice %arg5[%add3A, %dma_start3A, %dma_start3A_25] : memref<32x81x128xi32, #tpu.memory_space<hbm>> -> memref<1x81x128xi32, #tpu.memory_space<hbm>>
      %dma_start3A_27 = tpu.memref_squeeze %dma_start3A_26 : memref<1x81x128xi32, #tpu.memory_space<hbm>> -> memref<81x128xi32, #tpu.memory_space<hbm>>
      %dma_start3A_28 = arith.constant 0 : i32
      %dma_start3A_29 = arith.constant 0 : i32
      %dma_start3A_30 = tpu.memref_slice %arg5[%add3A, %dma_start3A_28, %dma_start3A_29] : memref<32x81x128xi32, #tpu.memory_space<hbm>> -> memref<1x81x128xi32, #tpu.memory_space<hbm>>
      %dma_start3A_31 = tpu.memref_squeeze %dma_start3A_30 : memref<1x81x128xi32, #tpu.memory_space<hbm>> -> memref<81x128xi32, #tpu.memory_space<hbm>>
      tpu.enqueue_dma source(%dma_start3A_31 : memref<81x128xi32, #tpu.memory_space<hbm>>) target(%arg9 : memref<81x128xi32, #tpu.memory_space<vmem>>) target_semaphore(%run_scoped3A : memref<!tpu.dma_semaphore, #tpu.memory_space<semaphore_mem>>)
      %dma_wait3A = arith.constant 0 : i32
      %dma_wait3A_32 = arith.constant 0 : i32
      %dma_wait3A_33 = tpu.memref_slice %arg5[%add3A, %dma_wait3A, %dma_wait3A_32] : memref<32x81x128xi32, #tpu.memory_space<hbm>> -> memref<1x81x128xi32, #tpu.memory_space<hbm>>
      %dma_wait3A_34 = tpu.memref_squeeze %dma_wait3A_33 : memref<1x81x128xi32, #tpu.memory_space<hbm>> -> memref<81x128xi32, #tpu.memory_space<hbm>>
      %dma_wait3A_35 = arith.constant 0 : i32
      %dma_wait3A_36 = arith.constant 0 : i32
      %dma_wait3A_37 = tpu.memref_slice %arg5[%add3A, %dma_wait3A_35, %dma_wait3A_36] : memref<32x81x128xi32, #tpu.memory_space<hbm>> -> memref<1x81x128xi32, #tpu.memory_space<hbm>>
      %dma_wait3A_38 = tpu.memref_squeeze %dma_wait3A_37 : memref<1x81x128xi32, #tpu.memory_space<hbm>> -> memref<81x128xi32, #tpu.memory_space<hbm>>
      tpu.wait_dma2 semaphore(%run_scoped3A : memref<!tpu.dma_semaphore, #tpu.memory_space<semaphore_mem>>) src(%dma_wait3A_38 : memref<81x128xi32, #tpu.memory_space<hbm>>) dst(%arg9 : memref<81x128xi32, #tpu.memory_space<vmem>>)
      tpu.yield
    }) : () -> ()
    "tpu.region"() ({
      %run_scoped3A = tpu.sem_alloc : memref<!tpu.dma_semaphore, #tpu.memory_space<semaphore_mem>>
      %dma_start3A = arith.constant 0 : i32
      %dma_start3A_25 = arith.constant 0 : i32
      %dma_start3A_26 = tpu.memref_slice %arg6[%add3A, %dma_start3A, %dma_start3A_25] : memref<32x81x128xi32, #tpu.memory_space<hbm>> -> memref<1x81x128xi32, #tpu.memory_space<hbm>>
      %dma_start3A_27 = tpu.memref_squeeze %dma_start3A_26 : memref<1x81x128xi32, #tpu.memory_space<hbm>> -> memref<81x128xi32, #tpu.memory_space<hbm>>
      %dma_start3A_28 = arith.constant 0 : i32
      %dma_start3A_29 = arith.constant 0 : i32
      %dma_start3A_30 = tpu.memref_slice %arg6[%add3A, %dma_start3A_28, %dma_start3A_29] : memref<32x81x128xi32, #tpu.memory_space<hbm>> -> memref<1x81x128xi32, #tpu.memory_space<hbm>>
      %dma_start3A_31 = tpu.memref_squeeze %dma_start3A_30 : memref<1x81x128xi32, #tpu.memory_space<hbm>> -> memref<81x128xi32, #tpu.memory_space<hbm>>
      tpu.enqueue_dma source(%dma_start3A_31 : memref<81x128xi32, #tpu.memory_space<hbm>>) target(%arg10 : memref<81x128xi32, #tpu.memory_space<vmem>>) target_semaphore(%run_scoped3A : memref<!tpu.dma_semaphore, #tpu.memory_space<semaphore_mem>>)
      %dma_wait3A = arith.constant 0 : i32
      %dma_wait3A_32 = arith.constant 0 : i32
      %dma_wait3A_33 = tpu.memref_slice %arg6[%add3A, %dma_wait3A, %dma_wait3A_32] : memref<32x81x128xi32, #tpu.memory_space<hbm>> -> memref<1x81x128xi32, #tpu.memory_space<hbm>>
      %dma_wait3A_34 = tpu.memref_squeeze %dma_wait3A_33 : memref<1x81x128xi32, #tpu.memory_space<hbm>> -> memref<81x128xi32, #tpu.memory_space<hbm>>
      %dma_wait3A_35 = arith.constant 0 : i32
      %dma_wait3A_36 = arith.constant 0 : i32
      %dma_wait3A_37 = tpu.memref_slice %arg6[%add3A, %dma_wait3A_35, %dma_wait3A_36] : memref<32x81x128xi32, #tpu.memory_space<hbm>> -> memref<1x81x128xi32, #tpu.memory_space<hbm>>
      %dma_wait3A_38 = tpu.memref_squeeze %dma_wait3A_37 : memref<1x81x128xi32, #tpu.memory_space<hbm>> -> memref<81x128xi32, #tpu.memory_space<hbm>>
      tpu.wait_dma2 semaphore(%run_scoped3A : memref<!tpu.dma_semaphore, #tpu.memory_space<semaphore_mem>>) src(%dma_wait3A_38 : memref<81x128xi32, #tpu.memory_space<hbm>>) dst(%arg10 : memref<81x128xi32, #tpu.memory_space<vmem>>)
      tpu.yield
    }) : () -> ()
    "tpu.region"() ({
      %run_scoped3A = tpu.sem_alloc : memref<!tpu.dma_semaphore, #tpu.memory_space<semaphore_mem>>
      tpu.enqueue_dma source(%arg3 : memref<10240xf32, #tpu.memory_space<hbm>>) target(%arg11 : memref<10240xf32, #tpu.memory_space<vmem>>) target_semaphore(%run_scoped3A : memref<!tpu.dma_semaphore, #tpu.memory_space<semaphore_mem>>)
      tpu.wait_dma2 semaphore(%run_scoped3A : memref<!tpu.dma_semaphore, #tpu.memory_space<semaphore_mem>>) src(%arg3 : memref<10240xf32, #tpu.memory_space<hbm>>) dst(%arg11 : memref<10240xf32, #tpu.memory_space<vmem>>)
      tpu.yield
    }) : () -> ()
    "tpu.region"() ({
      %run_scoped3A = tpu.sem_alloc : memref<!tpu.dma_semaphore, #tpu.memory_space<semaphore_mem>>
      tpu.enqueue_dma source(%arg4 : memref<10240xf32, #tpu.memory_space<hbm>>) target(%arg12 : memref<10240xf32, #tpu.memory_space<vmem>>) target_semaphore(%run_scoped3A : memref<!tpu.dma_semaphore, #tpu.memory_space<semaphore_mem>>)
      tpu.wait_dma2 semaphore(%run_scoped3A : memref<!tpu.dma_semaphore, #tpu.memory_space<semaphore_mem>>) src(%arg4 : memref<10240xf32, #tpu.memory_space<hbm>>) dst(%arg12 : memref<10240xf32, #tpu.memory_space<vmem>>)
      tpu.yield
    }) : () -> ()
    %scan3A = arith.constant 0 : i32
    %scan3A_1 = arith.constant 0 : i32
    %scan3A_2 = arith.constant 128 : i32
    %scan3A_3 = arith.addi %scan3A_1, %scan3A_2 : i32
    %scan3A_4 = arith.constant 1 : i32
    scf.for %scan3A_25 = %scan3A_1 to %scan3A_3 step %scan3A_4  : i32 {
      %broadcast_in_dim3A = arith.constant 0.000000e+00 : f32
      %broadcast_in_dim3A_26 = vector.broadcast %broadcast_in_dim3A : f32 to vector<16xf32>
      %swap3A = arith.index_cast %scan3A_25 : i32 to index
      %swap3A_27 = arith.constant 0 : index
      %swap3A_28 = tpu.vector_load %arg15[%swap3A, %swap3A_27] {strides = array<i32>} : memref<128x80xf32, #tpu.memory_space<vmem>>, vector<16xf32>,
      tpu.vector_store %arg15[%swap3A, %swap3A_27], %broadcast_in_dim3A_26 {strides = array<i32>} : memref<128x80xf32, #tpu.memory_space<vmem>>, vector<16xf32>,
      %broadcast_in_dim3A_29 = arith.constant 0.000000e+00 : f32
      %broadcast_in_dim3A_30 = vector.broadcast %broadcast_in_dim3A_29 : f32 to vector<16xf32>
      %swap3A_31 = arith.index_cast %scan3A_25 : i32 to index
      %swap3A_32 = arith.constant 16 : index
      %swap3A_33 = tpu.vector_load %arg15[%swap3A_31, %swap3A_32] {strides = array<i32>} : memref<128x80xf32, #tpu.memory_space<vmem>>, vector<16xf32>,
      tpu.vector_store %arg15[%swap3A_31, %swap3A_32], %broadcast_in_dim3A_30 {strides = array<i32>} : memref<128x80xf32, #tpu.memory_space<vmem>>, vector<16xf32>,
      %broadcast_in_dim3A_34 = arith.constant 0.000000e+00 : f32
      %broadcast_in_dim3A_35 = vector.broadcast %broadcast_in_dim3A_34 : f32 to vector<16xf32>
      %swap3A_36 = arith.index_cast %scan3A_25 : i32 to index
      %swap3A_37 = arith.constant 32 : index
      %swap3A_38 = tpu.vector_load %arg15[%swap3A_36, %swap3A_37] {strides = array<i32>} : memref<128x80xf32, #tpu.memory_space<vmem>>, vector<16xf32>,
      tpu.vector_store %arg15[%swap3A_36, %swap3A_37], %broadcast_in_dim3A_35 {strides = array<i32>} : memref<128x80xf32, #tpu.memory_space<vmem>>, vector<16xf32>,
      %broadcast_in_dim3A_39 = arith.constant 0.000000e+00 : f32
      %broadcast_in_dim3A_40 = vector.broadcast %broadcast_in_dim3A_39 : f32 to vector<16xf32>
      %swap3A_41 = arith.index_cast %scan3A_25 : i32 to index
      %swap3A_42 = arith.constant 48 : index
      %swap3A_43 = tpu.vector_load %arg15[%swap3A_41, %swap3A_42] {strides = array<i32>} : memref<128x80xf32, #tpu.memory_space<vmem>>, vector<16xf32>,
      tpu.vector_store %arg15[%swap3A_41, %swap3A_42], %broadcast_in_dim3A_40 {strides = array<i32>} : memref<128x80xf32, #tpu.memory_space<vmem>>, vector<16xf32>,
      %broadcast_in_dim3A_44 = arith.constant 0.000000e+00 : f32
      %broadcast_in_dim3A_45 = vector.broadcast %broadcast_in_dim3A_44 : f32 to vector<16xf32>
      %swap3A_46 = arith.index_cast %scan3A_25 : i32 to index
      %swap3A_47 = arith.constant 64 : index
      %swap3A_48 = tpu.vector_load %arg15[%swap3A_46, %swap3A_47] {strides = array<i32>} : memref<128x80xf32, #tpu.memory_space<vmem>>, vector<16xf32>,
      tpu.vector_store %arg15[%swap3A_46, %swap3A_47], %broadcast_in_dim3A_45 {strides = array<i32>} : memref<128x80xf32, #tpu.memory_space<vmem>>, vector<16xf32>,
    }
    %scan3A_5 = arith.constant 128 : i32
    %mul3A_6 = arith.constant 640 : i32
    %mul3A_7 = arith.muli %arg1, %mul3A_6 : i32
    %add3A_8 = arith.constant 0 : i32
    %add3A_9 = arith.addi %mul3A_7, %add3A_8 : i32
    "tpu.region"() ({
      %run_scoped3A = tpu.sem_alloc : memref<!tpu.dma_semaphore, #tpu.memory_space<semaphore_mem>>
      %dma_start3A = arith.constant 0 : i32
      %dma_start3A_25 = tpu.memref_slice %arg8[%add3A_9, %dma_start3A] : memref<10240x80xf32, #tpu.memory_space<vmem_shared>> -> memref<128x80xf32, #tpu.memory_space<vmem_shared>>
      %dma_start3A_26 = arith.constant 0 : i32
      %dma_start3A_27 = tpu.memref_slice %arg8[%add3A_9, %dma_start3A_26] : memref<10240x80xf32, #tpu.memory_space<vmem_shared>> -> memref<128x80xf32, #tpu.memory_space<vmem_shared>>
      tpu.enqueue_dma source(%arg15 : memref<128x80xf32, #tpu.memory_space<vmem>>) target(%dma_start3A_27 : memref<128x80xf32, #tpu.memory_space<vmem_shared>>) target_semaphore(%run_scoped3A : memref<!tpu.dma_semaphore, #tpu.memory_space<semaphore_mem>>)
      %dma_wait3A = arith.constant 0 : i32
      %dma_wait3A_28 = tpu.memref_slice %arg8[%add3A_9, %dma_wait3A] : memref<10240x80xf32, #tpu.memory_space<vmem_shared>> -> memref<128x80xf32, #tpu.memory_space<vmem_shared>>
      %dma_wait3A_29 = arith.constant 0 : i32
      %dma_wait3A_30 = tpu.memref_slice %arg8[%add3A_9, %dma_wait3A_29] : memref<10240x80xf32, #tpu.memory_space<vmem_shared>> -> memref<128x80xf32, #tpu.memory_space<vmem_shared>>
      tpu.wait_dma2 semaphore(%run_scoped3A : memref<!tpu.dma_semaphore, #tpu.memory_space<semaphore_mem>>) src(%arg15 : memref<128x80xf32, #tpu.memory_space<vmem>>) dst(%dma_wait3A_30 : memref<128x80xf32, #tpu.memory_space<vmem_shared>>)
      tpu.yield
    }) : () -> ()
    %add3A_10 = arith.constant 128 : i32
    %add3A_11 = arith.addi %mul3A_7, %add3A_10 : i32
    "tpu.region"() ({
      %run_scoped3A = tpu.sem_alloc : memref<!tpu.dma_semaphore, #tpu.memory_space<semaphore_mem>>
      %dma_start3A = arith.constant 0 : i32
      %dma_start3A_25 = tpu.memref_slice %arg8[%add3A_11, %dma_start3A] : memref<10240x80xf32, #tpu.memory_space<vmem_shared>> -> memref<128x80xf32, #tpu.memory_space<vmem_shared>>
      %dma_start3A_26 = arith.constant 0 : i32
      %dma_start3A_27 = tpu.memref_slice %arg8[%add3A_11, %dma_start3A_26] : memref<10240x80xf32, #tpu.memory_space<vmem_shared>> -> memref<128x80xf32, #tpu.memory_space<vmem_shared>>
      tpu.enqueue_dma source(%arg15 : memref<128x80xf32, #tpu.memory_space<vmem>>) target(%dma_start3A_27 : memref<128x80xf32, #tpu.memory_space<vmem_shared>>) target_semaphore(%run_scoped3A : memref<!tpu.dma_semaphore, #tpu.memory_space<semaphore_mem>>)
      %dma_wait3A = arith.constant 0 : i32
      %dma_wait3A_28 = tpu.memref_slice %arg8[%add3A_11, %dma_wait3A] : memref<10240x80xf32, #tpu.memory_space<vmem_shared>> -> memref<128x80xf32, #tpu.memory_space<vmem_shared>>
      %dma_wait3A_29 = arith.constant 0 : i32
      %dma_wait3A_30 = tpu.memref_slice %arg8[%add3A_11, %dma_wait3A_29] : memref<10240x80xf32, #tpu.memory_space<vmem_shared>> -> memref<128x80xf32, #tpu.memory_space<vmem_shared>>
      tpu.wait_dma2 semaphore(%run_scoped3A : memref<!tpu.dma_semaphore, #tpu.memory_space<semaphore_mem>>) src(%arg15 : memref<128x80xf32, #tpu.memory_space<vmem>>) dst(%dma_wait3A_30 : memref<128x80xf32, #tpu.memory_space<vmem_shared>>)
      tpu.yield
    }) : () -> ()
    %add3A_12 = arith.constant 256 : i32
    %add3A_13 = arith.addi %mul3A_7, %add3A_12 : i32
    "tpu.region"() ({
      %run_scoped3A = tpu.sem_alloc : memref<!tpu.dma_semaphore, #tpu.memory_space<semaphore_mem>>
      %dma_start3A = arith.constant 0 : i32
      %dma_start3A_25 = tpu.memref_slice %arg8[%add3A_13, %dma_start3A] : memref<10240x80xf32, #tpu.memory_space<vmem_shared>> -> memref<128x80xf32, #tpu.memory_space<vmem_shared>>
      %dma_start3A_26 = arith.constant 0 : i32
      %dma_start3A_27 = tpu.memref_slice %arg8[%add3A_13, %dma_start3A_26] : memref<10240x80xf32, #tpu.memory_space<vmem_shared>> -> memref<128x80xf32, #tpu.memory_space<vmem_shared>>
      tpu.enqueue_dma source(%arg15 : memref<128x80xf32, #tpu.memory_space<vmem>>) target(%dma_start3A_27 : memref<128x80xf32, #tpu.memory_space<vmem_shared>>) target_semaphore(%run_scoped3A : memref<!tpu.dma_semaphore, #tpu.memory_space<semaphore_mem>>)
      %dma_wait3A = arith.constant 0 : i32
      %dma_wait3A_28 = tpu.memref_slice %arg8[%add3A_13, %dma_wait3A] : memref<10240x80xf32, #tpu.memory_space<vmem_shared>> -> memref<128x80xf32, #tpu.memory_space<vmem_shared>>
      %dma_wait3A_29 = arith.constant 0 : i32
      %dma_wait3A_30 = tpu.memref_slice %arg8[%add3A_13, %dma_wait3A_29] : memref<10240x80xf32, #tpu.memory_space<vmem_shared>> -> memref<128x80xf32, #tpu.memory_space<vmem_shared>>
      tpu.wait_dma2 semaphore(%run_scoped3A : memref<!tpu.dma_semaphore, #tpu.memory_space<semaphore_mem>>) src(%arg15 : memref<128x80xf32, #tpu.memory_space<vmem>>) dst(%dma_wait3A_30 : memref<128x80xf32, #tpu.memory_space<vmem_shared>>)
      tpu.yield
    }) : () -> ()
    %add3A_14 = arith.constant 384 : i32
    %add3A_15 = arith.addi %mul3A_7, %add3A_14 : i32
    "tpu.region"() ({
      %run_scoped3A = tpu.sem_alloc : memref<!tpu.dma_semaphore, #tpu.memory_space<semaphore_mem>>
      %dma_start3A = arith.constant 0 : i32
      %dma_start3A_25 = tpu.memref_slice %arg8[%add3A_15, %dma_start3A] : memref<10240x80xf32, #tpu.memory_space<vmem_shared>> -> memref<128x80xf32, #tpu.memory_space<vmem_shared>>
      %dma_start3A_26 = arith.constant 0 : i32
      %dma_start3A_27 = tpu.memref_slice %arg8[%add3A_15, %dma_start3A_26] : memref<10240x80xf32, #tpu.memory_space<vmem_shared>> -> memref<128x80xf32, #tpu.memory_space<vmem_shared>>
      tpu.enqueue_dma source(%arg15 : memref<128x80xf32, #tpu.memory_space<vmem>>) target(%dma_start3A_27 : memref<128x80xf32, #tpu.memory_space<vmem_shared>>) target_semaphore(%run_scoped3A : memref<!tpu.dma_semaphore, #tpu.memory_space<semaphore_mem>>)
      %dma_wait3A = arith.constant 0 : i32
      %dma_wait3A_28 = tpu.memref_slice %arg8[%add3A_15, %dma_wait3A] : memref<10240x80xf32, #tpu.memory_space<vmem_shared>> -> memref<128x80xf32, #tpu.memory_space<vmem_shared>>
      %dma_wait3A_29 = arith.constant 0 : i32
      %dma_wait3A_30 = tpu.memref_slice %arg8[%add3A_15, %dma_wait3A_29] : memref<10240x80xf32, #tpu.memory_space<vmem_shared>> -> memref<128x80xf32, #tpu.memory_space<vmem_shared>>
      tpu.wait_dma2 semaphore(%run_scoped3A : memref<!tpu.dma_semaphore, #tpu.memory_space<semaphore_mem>>) src(%arg15 : memref<128x80xf32, #tpu.memory_space<vmem>>) dst(%dma_wait3A_30 : memref<128x80xf32, #tpu.memory_space<vmem_shared>>)
      tpu.yield
    }) : () -> ()
    %add3A_16 = arith.constant 512 : i32
    %add3A_17 = arith.addi %mul3A_7, %add3A_16 : i32
    "tpu.region"() ({
      %run_scoped3A = tpu.sem_alloc : memref<!tpu.dma_semaphore, #tpu.memory_space<semaphore_mem>>
      %dma_start3A = arith.constant 0 : i32
      %dma_start3A_25 = tpu.memref_slice %arg8[%add3A_17, %dma_start3A] : memref<10240x80xf32, #tpu.memory_space<vmem_shared>> -> memref<128x80xf32, #tpu.memory_space<vmem_shared>>
      %dma_start3A_26 = arith.constant 0 : i32
      %dma_start3A_27 = tpu.memref_slice %arg8[%add3A_17, %dma_start3A_26] : memref<10240x80xf32, #tpu.memory_space<vmem_shared>> -> memref<128x80xf32, #tpu.memory_space<vmem_shared>>
      tpu.enqueue_dma source(%arg15 : memref<128x80xf32, #tpu.memory_space<vmem>>) target(%dma_start3A_27 : memref<128x80xf32, #tpu.memory_space<vmem_shared>>) target_semaphore(%run_scoped3A : memref<!tpu.dma_semaphore, #tpu.memory_space<semaphore_mem>>)
      %dma_wait3A = arith.constant 0 : i32
      %dma_wait3A_28 = tpu.memref_slice %arg8[%add3A_17, %dma_wait3A] : memref<10240x80xf32, #tpu.memory_space<vmem_shared>> -> memref<128x80xf32, #tpu.memory_space<vmem_shared>>
      %dma_wait3A_29 = arith.constant 0 : i32
      %dma_wait3A_30 = tpu.memref_slice %arg8[%add3A_17, %dma_wait3A_29] : memref<10240x80xf32, #tpu.memory_space<vmem_shared>> -> memref<128x80xf32, #tpu.memory_space<vmem_shared>>
      tpu.wait_dma2 semaphore(%run_scoped3A : memref<!tpu.dma_semaphore, #tpu.memory_space<semaphore_mem>>) src(%arg15 : memref<128x80xf32, #tpu.memory_space<vmem>>) dst(%dma_wait3A_30 : memref<128x80xf32, #tpu.memory_space<vmem_shared>>)
      tpu.yield
    }) : () -> ()
    %barrier3A = arith.constant 0 : index
    tpu.barrier barrier_id(%barrier3A)
    %scan3A_18 = arith.constant 0 : i32
    %scan3A_19 = arith.constant 0 : i32
    %scan3A_20 = arith.constant 81 : i32
    %scan3A_21 = arith.addi %scan3A_19, %scan3A_20 : i32
    %scan3A_22 = arith.constant 1 : i32
    scf.for %scan3A_25 = %scan3A_19 to %scan3A_21 step %scan3A_22  : i32 {
      %dma_start3A = arith.constant 0 : i32
      %dma_start3A_26 = tpu.memref_slice %arg9[%scan3A_25, %dma_start3A] : memref<81x128xi32, #tpu.memory_space<vmem>> -> memref<1x128xi32, #tpu.memory_space<vmem>>
      %dma_start3A_27 = tpu.memref_squeeze %dma_start3A_26 : memref<1x128xi32, #tpu.memory_space<vmem>> -> memref<128xi32, #tpu.memory_space<vmem>>
      %dma_start3A_28 = arith.constant 0 : i32
      %dma_start3A_29 = arith.constant 0 : i32
      %dma_start3A_30 = tpu.memref_slice %arg2[%dma_start3A_28, %dma_start3A_29] : memref<10240x64xf32, #tpu.memory_space<hbm>> -> memref<10240x64xf32, #tpu.memory_space<hbm>>
      tpu.enqueue_indirect_dma source(%dma_start3A_30 : memref<10240x64xf32, #tpu.memory_space<hbm>>) target(%arg14 : memref<128x64xf32, #tpu.memory_space<vmem>>) offsets(%dma_start3A_27 : memref<128xi32, #tpu.memory_space<vmem>>) semaphore(%arg16 : memref<!tpu.dma_semaphore, #tpu.memory_space<semaphore_mem>>)
      %dma_wait3A = arith.constant 0 : i32
      %dma_wait3A_31 = tpu.memref_slice %arg9[%scan3A_25, %dma_wait3A] : memref<81x128xi32, #tpu.memory_space<vmem>> -> memref<1x128xi32, #tpu.memory_space<vmem>>
      %dma_wait3A_32 = tpu.memref_squeeze %dma_wait3A_31 : memref<1x128xi32, #tpu.memory_space<vmem>> -> memref<128xi32, #tpu.memory_space<vmem>>
      %dma_wait3A_33 = arith.constant 0 : i32
      %dma_wait3A_34 = arith.constant 0 : i32
      %dma_wait3A_35 = tpu.memref_slice %arg2[%dma_wait3A_33, %dma_wait3A_34] : memref<10240x64xf32, #tpu.memory_space<hbm>> -> memref<10240x64xf32, #tpu.memory_space<hbm>>
      tpu.wait_indirect_dma semaphore(%arg16 : memref<!tpu.dma_semaphore, #tpu.memory_space<semaphore_mem>>) src(%dma_wait3A_35 : memref<10240x64xf32, #tpu.memory_space<hbm>>) dst(%arg14 : memref<128x64xf32, #tpu.memory_space<vmem>>)
      %get3A = arith.index_cast %scan3A_25 : i32 to index
      %get3A_36 = arith.constant 0 : index
      %get3A_37 = tpu.vector_load %arg9[%get3A, %get3A_36] {strides = array<i32>} : memref<81x128xi32, #tpu.memory_space<vmem>>, vector<16xi32>,
      %get3A_38 = arith.index_cast %scan3A_25 : i32 to index
      %get3A_39 = arith.constant 0 : index
      %get3A_40 = tpu.vector_load %arg10[%get3A_38, %get3A_39] {strides = array<i32>} : memref<81x128xi32, #tpu.memory_space<vmem>>, vector<16xi32>,
      %gather3A = tpu.vector_load_idx %arg11[%get3A_37] : memref<10240xf32, #tpu.memory_space<vmem>>[vector<16xi32>], vector<16xf32>,
      %gather3A_41 = tpu.vector_load_idx %arg12[%get3A_40] : memref<10240xf32, #tpu.memory_space<vmem>>[vector<16xi32>], vector<16xf32>,
      %add3A_42 = arith.addf %gather3A, %gather3A_41 : vector<16xf32>
      %gt3A = arith.constant 0.000000e+00 : f32
      %gt3A_43 = vector.broadcast %gt3A : f32 to vector<16xf32>
      %gt3A_44 = arith.cmpf ogt, %add3A_42, %gt3A_43 : vector<16xf32>
      %mul3A_45 = arith.constant 2.000000e-01 : f32
      %mul3A_46 = vector.broadcast %mul3A_45 : f32 to vector<16xf32>
      %mul3A_47 = arith.mulf %mul3A_46, %add3A_42 : vector<16xf32>
      %select_n3A = arith.select %gt3A_44, %add3A_42, %mul3A_47 : vector<16xi1>, vector<16xf32>
      %exp3A = math.exp %select_n3A : vector<16xf32>
      %swap3A = arith.constant 0 : index
      %swap3A_48 = tpu.vector_load %arg13[%swap3A] {strides = array<i32>} : memref<128xf32, #tpu.memory_space<vmem>>, vector<16xf32>,
      tpu.vector_store %arg13[%swap3A], %exp3A {strides = array<i32>} : memref<128xf32, #tpu.memory_space<vmem>>, vector<16xf32>,
      %get3A_49 = arith.index_cast %scan3A_25 : i32 to index
      %get3A_50 = arith.constant 16 : index
      %get3A_51 = tpu.vector_load %arg9[%get3A_49, %get3A_50] {strides = array<i32>} : memref<81x128xi32, #tpu.memory_space<vmem>>, vector<16xi32>,
      %get3A_52 = arith.index_cast %scan3A_25 : i32 to index
      %get3A_53 = arith.constant 16 : index
      %get3A_54 = tpu.vector_load %arg10[%get3A_52, %get3A_53] {strides = array<i32>} : memref<81x128xi32, #tpu.memory_space<vmem>>, vector<16xi32>,
      %gather3A_55 = tpu.vector_load_idx %arg11[%get3A_51] : memref<10240xf32, #tpu.memory_space<vmem>>[vector<16xi32>], vector<16xf32>,
      %gather3A_56 = tpu.vector_load_idx %arg12[%get3A_54] : memref<10240xf32, #tpu.memory_space<vmem>>[vector<16xi32>], vector<16xf32>,
      %add3A_57 = arith.addf %gather3A_55, %gather3A_56 : vector<16xf32>
      %gt3A_58 = arith.constant 0.000000e+00 : f32
      %gt3A_59 = vector.broadcast %gt3A_58 : f32 to vector<16xf32>
      %gt3A_60 = arith.cmpf ogt, %add3A_57, %gt3A_59 : vector<16xf32>
      %mul3A_61 = arith.constant 2.000000e-01 : f32
      %mul3A_62 = vector.broadcast %mul3A_61 : f32 to vector<16xf32>
      %mul3A_63 = arith.mulf %mul3A_62, %add3A_57 : vector<16xf32>
      %select_n3A_64 = arith.select %gt3A_60, %add3A_57, %mul3A_63 : vector<16xi1>, vector<16xf32>
      %exp3A_65 = math.exp %select_n3A_64 : vector<16xf32>
      %swap3A_66 = arith.constant 16 : index
      %swap3A_67 = tpu.vector_load %arg13[%swap3A_66] {strides = array<i32>} : memref<128xf32, #tpu.memory_space<vmem>>, vector<16xf32>,
      tpu.vector_store %arg13[%swap3A_66], %exp3A_65 {strides = array<i32>} : memref<128xf32, #tpu.memory_space<vmem>>, vector<16xf32>,
      %get3A_68 = arith.index_cast %scan3A_25 : i32 to index
      %get3A_69 = arith.constant 32 : index
      %get3A_70 = tpu.vector_load %arg9[%get3A_68, %get3A_69] {strides = array<i32>} : memref<81x128xi32, #tpu.memory_space<vmem>>, vector<16xi32>,
      %get3A_71 = arith.index_cast %scan3A_25 : i32 to index
      %get3A_72 = arith.constant 32 : index
      %get3A_73 = tpu.vector_load %arg10[%get3A_71, %get3A_72] {strides = array<i32>} : memref<81x128xi32, #tpu.memory_space<vmem>>, vector<16xi32>,
      %gather3A_74 = tpu.vector_load_idx %arg11[%get3A_70] : memref<10240xf32, #tpu.memory_space<vmem>>[vector<16xi32>], vector<16xf32>,
      %gather3A_75 = tpu.vector_load_idx %arg12[%get3A_73] : memref<10240xf32, #tpu.memory_space<vmem>>[vector<16xi32>], vector<16xf32>,
      %add3A_76 = arith.addf %gather3A_74, %gather3A_75 : vector<16xf32>
      %gt3A_77 = arith.constant 0.000000e+00 : f32
      %gt3A_78 = vector.broadcast %gt3A_77 : f32 to vector<16xf32>
      %gt3A_79 = arith.cmpf ogt, %add3A_76, %gt3A_78 : vector<16xf32>
      %mul3A_80 = arith.constant 2.000000e-01 : f32
      %mul3A_81 = vector.broadcast %mul3A_80 : f32 to vector<16xf32>
      %mul3A_82 = arith.mulf %mul3A_81, %add3A_76 : vector<16xf32>
      %select_n3A_83 = arith.select %gt3A_79, %add3A_76, %mul3A_82 : vector<16xi1>, vector<16xf32>
      %exp3A_84 = math.exp %select_n3A_83 : vector<16xf32>
      %swap3A_85 = arith.constant 32 : index
      %swap3A_86 = tpu.vector_load %arg13[%swap3A_85] {strides = array<i32>} : memref<128xf32, #tpu.memory_space<vmem>>, vector<16xf32>,
      tpu.vector_store %arg13[%swap3A_85], %exp3A_84 {strides = array<i32>} : memref<128xf32, #tpu.memory_space<vmem>>, vector<16xf32>,
      %get3A_87 = arith.index_cast %scan3A_25 : i32 to index
      %get3A_88 = arith.constant 48 : index
      %get3A_89 = tpu.vector_load %arg9[%get3A_87, %get3A_88] {strides = array<i32>} : memref<81x128xi32, #tpu.memory_space<vmem>>, vector<16xi32>,
      %get3A_90 = arith.index_cast %scan3A_25 : i32 to index
      %get3A_91 = arith.constant 48 : index
      %get3A_92 = tpu.vector_load %arg10[%get3A_90, %get3A_91] {strides = array<i32>} : memref<81x128xi32, #tpu.memory_space<vmem>>, vector<16xi32>,
      %gather3A_93 = tpu.vector_load_idx %arg11[%get3A_89] : memref<10240xf32, #tpu.memory_space<vmem>>[vector<16xi32>], vector<16xf32>,
      %gather3A_94 = tpu.vector_load_idx %arg12[%get3A_92] : memref<10240xf32, #tpu.memory_space<vmem>>[vector<16xi32>], vector<16xf32>,
      %add3A_95 = arith.addf %gather3A_93, %gather3A_94 : vector<16xf32>
      %gt3A_96 = arith.constant 0.000000e+00 : f32
      %gt3A_97 = vector.broadcast %gt3A_96 : f32 to vector<16xf32>
      %gt3A_98 = arith.cmpf ogt, %add3A_95, %gt3A_97 : vector<16xf32>
      %mul3A_99 = arith.constant 2.000000e-01 : f32
      %mul3A_100 = vector.broadcast %mul3A_99 : f32 to vector<16xf32>
      %mul3A_101 = arith.mulf %mul3A_100, %add3A_95 : vector<16xf32>
      %select_n3A_102 = arith.select %gt3A_98, %add3A_95, %mul3A_101 : vector<16xi1>, vector<16xf32>
      %exp3A_103 = math.exp %select_n3A_102 : vector<16xf32>
      %swap3A_104 = arith.constant 48 : index
      %swap3A_105 = tpu.vector_load %arg13[%swap3A_104] {strides = array<i32>} : memref<128xf32, #tpu.memory_space<vmem>>, vector<16xf32>,
      tpu.vector_store %arg13[%swap3A_104], %exp3A_103 {strides = array<i32>} : memref<128xf32, #tpu.memory_space<vmem>>, vector<16xf32>,
      %get3A_106 = arith.index_cast %scan3A_25 : i32 to index
      %get3A_107 = arith.constant 64 : index
      %get3A_108 = tpu.vector_load %arg9[%get3A_106, %get3A_107] {strides = array<i32>} : memref<81x128xi32, #tpu.memory_space<vmem>>, vector<16xi32>,
      %get3A_109 = arith.index_cast %scan3A_25 : i32 to index
      %get3A_110 = arith.constant 64 : index
      %get3A_111 = tpu.vector_load %arg10[%get3A_109, %get3A_110] {strides = array<i32>} : memref<81x128xi32, #tpu.memory_space<vmem>>, vector<16xi32>,
      %gather3A_112 = tpu.vector_load_idx %arg11[%get3A_108] : memref<10240xf32, #tpu.memory_space<vmem>>[vector<16xi32>], vector<16xf32>,
      %gather3A_113 = tpu.vector_load_idx %arg12[%get3A_111] : memref<10240xf32, #tpu.memory_space<vmem>>[vector<16xi32>], vector<16xf32>,
      %add3A_114 = arith.addf %gather3A_112, %gather3A_113 : vector<16xf32>
      %gt3A_115 = arith.constant 0.000000e+00 : f32
      %gt3A_116 = vector.broadcast %gt3A_115 : f32 to vector<16xf32>
      %gt3A_117 = arith.cmpf ogt, %add3A_114, %gt3A_116 : vector<16xf32>
      %mul3A_118 = arith.constant 2.000000e-01 : f32
      %mul3A_119 = vector.broadcast %mul3A_118 : f32 to vector<16xf32>
      %mul3A_120 = arith.mulf %mul3A_119, %add3A_114 : vector<16xf32>
      %select_n3A_121 = arith.select %gt3A_117, %add3A_114, %mul3A_120 : vector<16xi1>, vector<16xf32>
      %exp3A_122 = math.exp %select_n3A_121 : vector<16xf32>
      %swap3A_123 = arith.constant 64 : index
      %swap3A_124 = tpu.vector_load %arg13[%swap3A_123] {strides = array<i32>} : memref<128xf32, #tpu.memory_space<vmem>>, vector<16xf32>,
      tpu.vector_store %arg13[%swap3A_123], %exp3A_122 {strides = array<i32>} : memref<128xf32, #tpu.memory_space<vmem>>, vector<16xf32>,
      %get3A_125 = arith.index_cast %scan3A_25 : i32 to index
      %get3A_126 = arith.constant 80 : index
      %get3A_127 = tpu.vector_load %arg9[%get3A_125, %get3A_126] {strides = array<i32>} : memref<81x128xi32, #tpu.memory_space<vmem>>, vector<16xi32>,
      %get3A_128 = arith.index_cast %scan3A_25 : i32 to index
      %get3A_129 = arith.constant 80 : index
      %get3A_130 = tpu.vector_load %arg10[%get3A_128, %get3A_129] {strides = array<i32>} : memref<81x128xi32, #tpu.memory_space<vmem>>, vector<16xi32>,
      %gather3A_131 = tpu.vector_load_idx %arg11[%get3A_127] : memref<10240xf32, #tpu.memory_space<vmem>>[vector<16xi32>], vector<16xf32>,
      %gather3A_132 = tpu.vector_load_idx %arg12[%get3A_130] : memref<10240xf32, #tpu.memory_space<vmem>>[vector<16xi32>], vector<16xf32>,
      %add3A_133 = arith.addf %gather3A_131, %gather3A_132 : vector<16xf32>
      %gt3A_134 = arith.constant 0.000000e+00 : f32
      %gt3A_135 = vector.broadcast %gt3A_134 : f32 to vector<16xf32>
      %gt3A_136 = arith.cmpf ogt, %add3A_133, %gt3A_135 : vector<16xf32>
      %mul3A_137 = arith.constant 2.000000e-01 : f32
      %mul3A_138 = vector.broadcast %mul3A_137 : f32 to vector<16xf32>
      %mul3A_139 = arith.mulf %mul3A_138, %add3A_133 : vector<16xf32>
      %select_n3A_140 = arith.select %gt3A_136, %add3A_133, %mul3A_139 : vector<16xi1>, vector<16xf32>
      %exp3A_141 = math.exp %select_n3A_140 : vector<16xf32>
      %swap3A_142 = arith.constant 80 : index
      %swap3A_143 = tpu.vector_load %arg13[%swap3A_142] {strides = array<i32>} : memref<128xf32, #tpu.memory_space<vmem>>, vector<16xf32>,
      tpu.vector_store %arg13[%swap3A_142], %exp3A_141 {strides = array<i32>} : memref<128xf32, #tpu.memory_space<vmem>>, vector<16xf32>,
      %get3A_144 = arith.index_cast %scan3A_25 : i32 to index
      %get3A_145 = arith.constant 96 : index
      %get3A_146 = tpu.vector_load %arg9[%get3A_144, %get3A_145] {strides = array<i32>} : memref<81x128xi32, #tpu.memory_space<vmem>>, vector<16xi32>,
      %get3A_147 = arith.index_cast %scan3A_25 : i32 to index
      %get3A_148 = arith.constant 96 : index
      %get3A_149 = tpu.vector_load %arg10[%get3A_147, %get3A_148] {strides = array<i32>} : memref<81x128xi32, #tpu.memory_space<vmem>>, vector<16xi32>,
      %gather3A_150 = tpu.vector_load_idx %arg11[%get3A_146] : memref<10240xf32, #tpu.memory_space<vmem>>[vector<16xi32>], vector<16xf32>,
      %gather3A_151 = tpu.vector_load_idx %arg12[%get3A_149] : memref<10240xf32, #tpu.memory_space<vmem>>[vector<16xi32>], vector<16xf32>,
      %add3A_152 = arith.addf %gather3A_150, %gather3A_151 : vector<16xf32>
      %gt3A_153 = arith.constant 0.000000e+00 : f32
      %gt3A_154 = vector.broadcast %gt3A_153 : f32 to vector<16xf32>
      %gt3A_155 = arith.cmpf ogt, %add3A_152, %gt3A_154 : vector<16xf32>
      %mul3A_156 = arith.constant 2.000000e-01 : f32
      %mul3A_157 = vector.broadcast %mul3A_156 : f32 to vector<16xf32>
      %mul3A_158 = arith.mulf %mul3A_157, %add3A_152 : vector<16xf32>
      %select_n3A_159 = arith.select %gt3A_155, %add3A_152, %mul3A_158 : vector<16xi1>, vector<16xf32>
      %exp3A_160 = math.exp %select_n3A_159 : vector<16xf32>
      %swap3A_161 = arith.constant 96 : index
      %swap3A_162 = tpu.vector_load %arg13[%swap3A_161] {strides = array<i32>} : memref<128xf32, #tpu.memory_space<vmem>>, vector<16xf32>,
      tpu.vector_store %arg13[%swap3A_161], %exp3A_160 {strides = array<i32>} : memref<128xf32, #tpu.memory_space<vmem>>, vector<16xf32>,
      %get3A_163 = arith.index_cast %scan3A_25 : i32 to index
      %get3A_164 = arith.constant 112 : index
      %get3A_165 = tpu.vector_load %arg9[%get3A_163, %get3A_164] {strides = array<i32>} : memref<81x128xi32, #tpu.memory_space<vmem>>, vector<16xi32>,
      %get3A_166 = arith.index_cast %scan3A_25 : i32 to index
      %get3A_167 = arith.constant 112 : index
      %get3A_168 = tpu.vector_load %arg10[%get3A_166, %get3A_167] {strides = array<i32>} : memref<81x128xi32, #tpu.memory_space<vmem>>, vector<16xi32>,
      %gather3A_169 = tpu.vector_load_idx %arg11[%get3A_165] : memref<10240xf32, #tpu.memory_space<vmem>>[vector<16xi32>], vector<16xf32>,
      %gather3A_170 = tpu.vector_load_idx %arg12[%get3A_168] : memref<10240xf32, #tpu.memory_space<vmem>>[vector<16xi32>], vector<16xf32>,
      %add3A_171 = arith.addf %gather3A_169, %gather3A_170 : vector<16xf32>
      %gt3A_172 = arith.constant 0.000000e+00 : f32
      %gt3A_173 = vector.broadcast %gt3A_172 : f32 to vector<16xf32>
      %gt3A_174 = arith.cmpf ogt, %add3A_171, %gt3A_173 : vector<16xf32>
      %mul3A_175 = arith.constant 2.000000e-01 : f32
      %mul3A_176 = vector.broadcast %mul3A_175 : f32 to vector<16xf32>
      %mul3A_177 = arith.mulf %mul3A_176, %add3A_171 : vector<16xf32>
      %select_n3A_178 = arith.select %gt3A_174, %add3A_171, %mul3A_177 : vector<16xi1>, vector<16xf32>
      %exp3A_179 = math.exp %select_n3A_178 : vector<16xf32>
      %swap3A_180 = arith.constant 112 : index
      %swap3A_181 = tpu.vector_load %arg13[%swap3A_180] {strides = array<i32>} : memref<128xf32, #tpu.memory_space<vmem>>, vector<16xf32>,
      tpu.vector_store %arg13[%swap3A_180], %exp3A_179 {strides = array<i32>} : memref<128xf32, #tpu.memory_space<vmem>>, vector<16xf32>,
      %scan3A_182 = arith.constant 0 : i32
      %scan3A_183 = arith.constant 0 : i32
      %scan3A_184 = arith.constant 128 : i32
      %scan3A_185 = arith.addi %scan3A_183, %scan3A_184 : i32
      %scan3A_186 = arith.constant 1 : i32
      scf.for %scan3A_188 = %scan3A_183 to %scan3A_185 step %scan3A_186  : i32 {
        %broadcast_in_dim3A = vector.broadcast %scan3A_188 : i32 to vector<16xi32>
        %gather3A_189 = tpu.vector_load_idx %arg13[%broadcast_in_dim3A] : memref<128xf32, #tpu.memory_space<vmem>>[vector<16xi32>], vector<16xf32>,
        %get3A_190 = arith.index_cast %scan3A_188 : i32 to index
        %get3A_191 = arith.constant 0 : index
        %get3A_192 = tpu.vector_load %arg14[%get3A_190, %get3A_191] {strides = array<i32>} : memref<128x64xf32, #tpu.memory_space<vmem>>, vector<16xf32>,
        %mul3A_193 = arith.mulf %get3A_192, %gather3A_189 : vector<16xf32>
        %swap3A_194 = arith.index_cast %scan3A_188 : i32 to index
        %swap3A_195 = arith.constant 0 : index
        %swap3A_196 = tpu.vector_load %arg15[%swap3A_194, %swap3A_195] {strides = array<i32>} : memref<128x80xf32, #tpu.memory_space<vmem>>, vector<16xf32>,
        tpu.vector_store %arg15[%swap3A_194, %swap3A_195], %mul3A_193 {strides = array<i32>} : memref<128x80xf32, #tpu.memory_space<vmem>>, vector<16xf32>,
        %get3A_197 = arith.index_cast %scan3A_188 : i32 to index
        %get3A_198 = arith.constant 16 : index
        %get3A_199 = tpu.vector_load %arg14[%get3A_197, %get3A_198] {strides = array<i32>} : memref<128x64xf32, #tpu.memory_space<vmem>>, vector<16xf32>,
        %mul3A_200 = arith.mulf %get3A_199, %gather3A_189 : vector<16xf32>
        %swap3A_201 = arith.index_cast %scan3A_188 : i32 to index
        %swap3A_202 = arith.constant 16 : index
        %swap3A_203 = tpu.vector_load %arg15[%swap3A_201, %swap3A_202] {strides = array<i32>} : memref<128x80xf32, #tpu.memory_space<vmem>>, vector<16xf32>,
        tpu.vector_store %arg15[%swap3A_201, %swap3A_202], %mul3A_200 {strides = array<i32>} : memref<128x80xf32, #tpu.memory_space<vmem>>, vector<16xf32>,
        %get3A_204 = arith.index_cast %scan3A_188 : i32 to index
        %get3A_205 = arith.constant 32 : index
        %get3A_206 = tpu.vector_load %arg14[%get3A_204, %get3A_205] {strides = array<i32>} : memref<128x64xf32, #tpu.memory_space<vmem>>, vector<16xf32>,
        %mul3A_207 = arith.mulf %get3A_206, %gather3A_189 : vector<16xf32>
        %swap3A_208 = arith.index_cast %scan3A_188 : i32 to index
        %swap3A_209 = arith.constant 32 : index
        %swap3A_210 = tpu.vector_load %arg15[%swap3A_208, %swap3A_209] {strides = array<i32>} : memref<128x80xf32, #tpu.memory_space<vmem>>, vector<16xf32>,
        tpu.vector_store %arg15[%swap3A_208, %swap3A_209], %mul3A_207 {strides = array<i32>} : memref<128x80xf32, #tpu.memory_space<vmem>>, vector<16xf32>,
        %get3A_211 = arith.index_cast %scan3A_188 : i32 to index
        %get3A_212 = arith.constant 48 : index
        %get3A_213 = tpu.vector_load %arg14[%get3A_211, %get3A_212] {strides = array<i32>} : memref<128x64xf32, #tpu.memory_space<vmem>>, vector<16xf32>,
        %mul3A_214 = arith.mulf %get3A_213, %gather3A_189 : vector<16xf32>
        %swap3A_215 = arith.index_cast %scan3A_188 : i32 to index
        %swap3A_216 = arith.constant 48 : index
        %swap3A_217 = tpu.vector_load %arg15[%swap3A_215, %swap3A_216] {strides = array<i32>} : memref<128x80xf32, #tpu.memory_space<vmem>>, vector<16xf32>,
        tpu.vector_store %arg15[%swap3A_215, %swap3A_216], %mul3A_214 {strides = array<i32>} : memref<128x80xf32, #tpu.memory_space<vmem>>, vector<16xf32>,
        %swap3A_218 = arith.index_cast %scan3A_188 : i32 to index
        %swap3A_219 = arith.constant 64 : index
        %swap3A_220 = tpu.vector_load %arg15[%swap3A_218, %swap3A_219] {strides = array<i32>} : memref<128x80xf32, #tpu.memory_space<vmem>>, vector<16xf32>,
        tpu.vector_store %arg15[%swap3A_218, %swap3A_219], %gather3A_189 {strides = array<i32>} : memref<128x80xf32, #tpu.memory_space<vmem>>, vector<16xf32>,
      }
      %scan3A_187 = arith.constant 128 : i32
      "tpu.region"() ({
        %run_scoped3A = tpu.sem_alloc : memref<!tpu.dma_semaphore, #tpu.memory_space<semaphore_mem>>
        %dma_start3A_188 = arith.constant 0 : i32
        %dma_start3A_189 = tpu.memref_slice %arg10[%scan3A_25, %dma_start3A_188] : memref<81x128xi32, #tpu.memory_space<vmem>> -> memref<1x128xi32, #tpu.memory_space<vmem>>
        %dma_start3A_190 = tpu.memref_squeeze %dma_start3A_189 : memref<1x128xi32, #tpu.memory_space<vmem>> -> memref<128xi32, #tpu.memory_space<vmem>>
        %dma_start3A_191 = arith.constant 0 : i32
        %dma_start3A_192 = arith.constant 0 : i32
        %dma_start3A_193 = tpu.memref_slice %arg8[%dma_start3A_191, %dma_start3A_192] : memref<10240x80xf32, #tpu.memory_space<vmem_shared>> -> memref<10240x80xf32, #tpu.memory_space<vmem_shared>>
        tpu.enqueue_indirect_dma source(%arg15 : memref<128x80xf32, #tpu.memory_space<vmem>>) target(%dma_start3A_193 : memref<10240x80xf32, #tpu.memory_space<vmem_shared>>) offsets(%dma_start3A_190 : memref<128xi32, #tpu.memory_space<vmem>>) semaphore(%run_scoped3A : memref<!tpu.dma_semaphore, #tpu.memory_space<semaphore_mem>>) {add = true}
        %dma_wait3A_194 = arith.constant 0 : i32
        %dma_wait3A_195 = tpu.memref_slice %arg10[%scan3A_25, %dma_wait3A_194] : memref<81x128xi32, #tpu.memory_space<vmem>> -> memref<1x128xi32, #tpu.memory_space<vmem>>
        %dma_wait3A_196 = tpu.memref_squeeze %dma_wait3A_195 : memref<1x128xi32, #tpu.memory_space<vmem>> -> memref<128xi32, #tpu.memory_space<vmem>>
        %dma_wait3A_197 = arith.constant 0 : i32
        %dma_wait3A_198 = arith.constant 0 : i32
        %dma_wait3A_199 = tpu.memref_slice %arg8[%dma_wait3A_197, %dma_wait3A_198] : memref<10240x80xf32, #tpu.memory_space<vmem_shared>> -> memref<10240x80xf32, #tpu.memory_space<vmem_shared>>
        tpu.wait_indirect_dma semaphore(%run_scoped3A : memref<!tpu.dma_semaphore, #tpu.memory_space<semaphore_mem>>) src(%arg15 : memref<128x80xf32, #tpu.memory_space<vmem>>) dst(%dma_wait3A_199 : memref<10240x80xf32, #tpu.memory_space<vmem_shared>>)
        tpu.yield
      }) : () -> ()
    }
    %scan3A_23 = arith.constant 81 : i32
    %barrier3A_24 = arith.constant 0 : index
    tpu.barrier barrier_id(%barrier3A_24)
    "tpu.region"() ({
      %run_scoped3A = tpu.sem_alloc : memref<!tpu.dma_semaphore, #tpu.memory_space<semaphore_mem>>
      %dma_start3A = arith.constant 0 : i32
      %dma_start3A_25 = tpu.memref_slice %arg7[%arg0, %mul3A_7, %dma_start3A] : memref<2x10240x80xf32, #tpu.memory_space<hbm>> -> memref<1x640x80xf32, #tpu.memory_space<hbm>>
      %dma_start3A_26 = tpu.memref_squeeze %dma_start3A_25 : memref<1x640x80xf32, #tpu.memory_space<hbm>> -> memref<640x80xf32, #tpu.memory_space<hbm>>
      %dma_start3A_27 = arith.constant 0 : i32
      %dma_start3A_28 = tpu.memref_slice %arg8[%mul3A_7, %dma_start3A_27] : memref<10240x80xf32, #tpu.memory_space<vmem_shared>> -> memref<640x80xf32, #tpu.memory_space<vmem_shared>>
      tpu.enqueue_dma source(%dma_start3A_28 : memref<640x80xf32, #tpu.memory_space<vmem_shared>>) target(%dma_start3A_26 : memref<640x80xf32, #tpu.memory_space<hbm>>) target_semaphore(%run_scoped3A : memref<!tpu.dma_semaphore, #tpu.memory_space<semaphore_mem>>)
      %dma_wait3A = arith.constant 0 : i32
      %dma_wait3A_29 = tpu.memref_slice %arg7[%arg0, %mul3A_7, %dma_wait3A] : memref<2x10240x80xf32, #tpu.memory_space<hbm>> -> memref<1x640x80xf32, #tpu.memory_space<hbm>>
      %dma_wait3A_30 = tpu.memref_squeeze %dma_wait3A_29 : memref<1x640x80xf32, #tpu.memory_space<hbm>> -> memref<640x80xf32, #tpu.memory_space<hbm>>
      %dma_wait3A_31 = arith.constant 0 : i32
      %dma_wait3A_32 = tpu.memref_slice %arg8[%mul3A_7, %dma_wait3A_31] : memref<10240x80xf32, #tpu.memory_space<vmem_shared>> -> memref<640x80xf32, #tpu.memory_space<vmem_shared>>
      tpu.wait_dma2 semaphore(%run_scoped3A : memref<!tpu.dma_semaphore, #tpu.memory_space<semaphore_mem>>) src(%dma_wait3A_32 : memref<640x80xf32, #tpu.memory_space<vmem_shared>>) dst(%dma_wait3A_30 : memref<640x80xf32, #tpu.memory_space<hbm>>)
      tpu.yield
    }) : () -> ()
    return
  }
}

#map = affine_map<(d0, d1) -> (0, 0)>
#map1 = affine_map<(d0, d1) -> (0)>
#map2 = affine_map<(d0, d1) -> (0, 0, 0)>
module attributes {stable_mosaic.version = 14 : i64} {
  func.func @gat_agg(%arg0: i32, %arg1: i32, %arg2: memref<10240x64xf32, #tpu.memory_space<hbm>>, %arg3: memref<10240xf32, #tpu.memory_space<hbm>>, %arg4: memref<10240xf32, #tpu.memory_space<hbm>>, %arg5: memref<32x81x128xi32, #tpu.memory_space<hbm>>, %arg6: memref<32x81x128xi32, #tpu.memory_space<hbm>>, %arg7: memref<2x10240x80xf32, #tpu.memory_space<hbm>>, %arg8: memref<10240x80xf32, #tpu.memory_space<vmem_shared>>, %arg9: memref<81x128xi32, #tpu.memory_space<vmem>>, %arg10: memref<81x128xi32, #tpu.memory_space<vmem>>, %arg11: memref<10240xf32, #tpu.memory_space<vmem>>, %arg12: memref<10240xf32, #tpu.memory_space<vmem>>, %arg13: memref<128xf32, #tpu.memory_space<vmem>>, %arg14: memref<128x64xf32, #tpu.memory_space<vmem>>, %arg15: memref<128x80xf32, #tpu.memory_space<vmem>>, %arg16: memref<!tpu.dma_semaphore, #tpu.memory_space<semaphore_mem>>) attributes {dimension_semantics = [#tpu.dimension_semantics<core_parallel>, #tpu.dimension_semantics<subcore_parallel>], iteration_bounds = array<i64: 2, 16>, scalar_prefetch = 0 : i64, scratch_operands = 9 : i64, tpu.core_type = #tpu.core_type<sc_vector_subcore>, window_params = [{transform_indices = #map}, {transform_indices = #map1}, {transform_indices = #map1}, {transform_indices = #map2}, {transform_indices = #map2}, {transform_indices = #map2}]} {
    %mul3A = arith.constant 16 : i32
    %mul3A_0 = arith.muli %arg0, %mul3A : i32
    %add3A = arith.addi %mul3A_0, %arg1 : i32
    "tpu.region"() ({
      %run_scoped3A = tpu.sem_alloc : memref<!tpu.dma_semaphore, #tpu.memory_space<semaphore_mem>>
      %dma_start3A = arith.constant 0 : i32
      %dma_start3A_25 = arith.constant 0 : i32
      %dma_start3A_26 = tpu.memref_slice %arg5[%add3A, %dma_start3A, %dma_start3A_25] : memref<32x81x128xi32, #tpu.memory_space<hbm>> -> memref<1x81x128xi32, #tpu.memory_space<hbm>>
      %dma_start3A_27 = tpu.memref_squeeze %dma_start3A_26 : memref<1x81x128xi32, #tpu.memory_space<hbm>> -> memref<81x128xi32, #tpu.memory_space<hbm>>
      %dma_start3A_28 = arith.constant 0 : i32
      %dma_start3A_29 = arith.constant 0 : i32
      %dma_start3A_30 = tpu.memref_slice %arg5[%add3A, %dma_start3A_28, %dma_start3A_29] : memref<32x81x128xi32, #tpu.memory_space<hbm>> -> memref<1x81x128xi32, #tpu.memory_space<hbm>>
      %dma_start3A_31 = tpu.memref_squeeze %dma_start3A_30 : memref<1x81x128xi32, #tpu.memory_space<hbm>> -> memref<81x128xi32, #tpu.memory_space<hbm>>
      tpu.enqueue_dma source(%dma_start3A_31 : memref<81x128xi32, #tpu.memory_space<hbm>>) target(%arg9 : memref<81x128xi32, #tpu.memory_space<vmem>>) target_semaphore(%run_scoped3A : memref<!tpu.dma_semaphore, #tpu.memory_space<semaphore_mem>>)
      %dma_wait3A = arith.constant 0 : i32
      %dma_wait3A_32 = arith.constant 0 : i32
      %dma_wait3A_33 = tpu.memref_slice %arg5[%add3A, %dma_wait3A, %dma_wait3A_32] : memref<32x81x128xi32, #tpu.memory_space<hbm>> -> memref<1x81x128xi32, #tpu.memory_space<hbm>>
      %dma_wait3A_34 = tpu.memref_squeeze %dma_wait3A_33 : memref<1x81x128xi32, #tpu.memory_space<hbm>> -> memref<81x128xi32, #tpu.memory_space<hbm>>
      %dma_wait3A_35 = arith.constant 0 : i32
      %dma_wait3A_36 = arith.constant 0 : i32
      %dma_wait3A_37 = tpu.memref_slice %arg5[%add3A, %dma_wait3A_35, %dma_wait3A_36] : memref<32x81x128xi32, #tpu.memory_space<hbm>> -> memref<1x81x128xi32, #tpu.memory_space<hbm>>
      %dma_wait3A_38 = tpu.memref_squeeze %dma_wait3A_37 : memref<1x81x128xi32, #tpu.memory_space<hbm>> -> memref<81x128xi32, #tpu.memory_space<hbm>>
      tpu.wait_dma2 semaphore(%run_scoped3A : memref<!tpu.dma_semaphore, #tpu.memory_space<semaphore_mem>>) src(%dma_wait3A_38 : memref<81x128xi32, #tpu.memory_space<hbm>>) dst(%arg9 : memref<81x128xi32, #tpu.memory_space<vmem>>)
      tpu.yield
    }) : () -> ()
    "tpu.region"() ({
      %run_scoped3A = tpu.sem_alloc : memref<!tpu.dma_semaphore, #tpu.memory_space<semaphore_mem>>
      %dma_start3A = arith.constant 0 : i32
      %dma_start3A_25 = arith.constant 0 : i32
      %dma_start3A_26 = tpu.memref_slice %arg6[%add3A, %dma_start3A, %dma_start3A_25] : memref<32x81x128xi32, #tpu.memory_space<hbm>> -> memref<1x81x128xi32, #tpu.memory_space<hbm>>
      %dma_start3A_27 = tpu.memref_squeeze %dma_start3A_26 : memref<1x81x128xi32, #tpu.memory_space<hbm>> -> memref<81x128xi32, #tpu.memory_space<hbm>>
      %dma_start3A_28 = arith.constant 0 : i32
      %dma_start3A_29 = arith.constant 0 : i32
      %dma_start3A_30 = tpu.memref_slice %arg6[%add3A, %dma_start3A_28, %dma_start3A_29] : memref<32x81x128xi32, #tpu.memory_space<hbm>> -> memref<1x81x128xi32, #tpu.memory_space<hbm>>
      %dma_start3A_31 = tpu.memref_squeeze %dma_start3A_30 : memref<1x81x128xi32, #tpu.memory_space<hbm>> -> memref<81x128xi32, #tpu.memory_space<hbm>>
      tpu.enqueue_dma source(%dma_start3A_31 : memref<81x128xi32, #tpu.memory_space<hbm>>) target(%arg10 : memref<81x128xi32, #tpu.memory_space<vmem>>) target_semaphore(%run_scoped3A : memref<!tpu.dma_semaphore, #tpu.memory_space<semaphore_mem>>)
      %dma_wait3A = arith.constant 0 : i32
      %dma_wait3A_32 = arith.constant 0 : i32
      %dma_wait3A_33 = tpu.memref_slice %arg6[%add3A, %dma_wait3A, %dma_wait3A_32] : memref<32x81x128xi32, #tpu.memory_space<hbm>> -> memref<1x81x128xi32, #tpu.memory_space<hbm>>
      %dma_wait3A_34 = tpu.memref_squeeze %dma_wait3A_33 : memref<1x81x128xi32, #tpu.memory_space<hbm>> -> memref<81x128xi32, #tpu.memory_space<hbm>>
      %dma_wait3A_35 = arith.constant 0 : i32
      %dma_wait3A_36 = arith.constant 0 : i32
      %dma_wait3A_37 = tpu.memref_slice %arg6[%add3A, %dma_wait3A_35, %dma_wait3A_36] : memref<32x81x128xi32, #tpu.memory_space<hbm>> -> memref<1x81x128xi32, #tpu.memory_space<hbm>>
      %dma_wait3A_38 = tpu.memref_squeeze %dma_wait3A_37 : memref<1x81x128xi32, #tpu.memory_space<hbm>> -> memref<81x128xi32, #tpu.memory_space<hbm>>
      tpu.wait_dma2 semaphore(%run_scoped3A : memref<!tpu.dma_semaphore, #tpu.memory_space<semaphore_mem>>) src(%dma_wait3A_38 : memref<81x128xi32, #tpu.memory_space<hbm>>) dst(%arg10 : memref<81x128xi32, #tpu.memory_space<vmem>>)
      tpu.yield
    }) : () -> ()
    "tpu.region"() ({
      %run_scoped3A = tpu.sem_alloc : memref<!tpu.dma_semaphore, #tpu.memory_space<semaphore_mem>>
      tpu.enqueue_dma source(%arg3 : memref<10240xf32, #tpu.memory_space<hbm>>) target(%arg11 : memref<10240xf32, #tpu.memory_space<vmem>>) target_semaphore(%run_scoped3A : memref<!tpu.dma_semaphore, #tpu.memory_space<semaphore_mem>>)
      tpu.wait_dma2 semaphore(%run_scoped3A : memref<!tpu.dma_semaphore, #tpu.memory_space<semaphore_mem>>) src(%arg3 : memref<10240xf32, #tpu.memory_space<hbm>>) dst(%arg11 : memref<10240xf32, #tpu.memory_space<vmem>>)
      tpu.yield
    }) : () -> ()
    "tpu.region"() ({
      %run_scoped3A = tpu.sem_alloc : memref<!tpu.dma_semaphore, #tpu.memory_space<semaphore_mem>>
      tpu.enqueue_dma source(%arg4 : memref<10240xf32, #tpu.memory_space<hbm>>) target(%arg12 : memref<10240xf32, #tpu.memory_space<vmem>>) target_semaphore(%run_scoped3A : memref<!tpu.dma_semaphore, #tpu.memory_space<semaphore_mem>>)
      tpu.wait_dma2 semaphore(%run_scoped3A : memref<!tpu.dma_semaphore, #tpu.memory_space<semaphore_mem>>) src(%arg4 : memref<10240xf32, #tpu.memory_space<hbm>>) dst(%arg12 : memref<10240xf32, #tpu.memory_space<vmem>>)
      tpu.yield
    }) : () -> ()
    %scan3A = arith.constant 0 : i32
    %scan3A_1 = arith.constant 0 : i32
    %scan3A_2 = arith.constant 128 : i32
    %scan3A_3 = arith.addi %scan3A_1, %scan3A_2 : i32
    %scan3A_4 = arith.constant 1 : i32
    scf.for %scan3A_25 = %scan3A_1 to %scan3A_3 step %scan3A_4  : i32 {
      %broadcast_in_dim3A = arith.constant 0.000000e+00 : f32
      %broadcast_in_dim3A_26 = vector.broadcast %broadcast_in_dim3A : f32 to vector<16xf32>
      %swap3A = arith.index_cast %scan3A_25 : i32 to index
      %swap3A_27 = arith.constant 0 : index
      %swap3A_28 = tpu.vector_load %arg15[%swap3A, %swap3A_27] {strides = array<i32>} : memref<128x80xf32, #tpu.memory_space<vmem>>, vector<16xf32>,
      tpu.vector_store %arg15[%swap3A, %swap3A_27], %broadcast_in_dim3A_26 {strides = array<i32>} : memref<128x80xf32, #tpu.memory_space<vmem>>, vector<16xf32>,
      %broadcast_in_dim3A_29 = arith.constant 0.000000e+00 : f32
      %broadcast_in_dim3A_30 = vector.broadcast %broadcast_in_dim3A_29 : f32 to vector<16xf32>
      %swap3A_31 = arith.index_cast %scan3A_25 : i32 to index
      %swap3A_32 = arith.constant 16 : index
      %swap3A_33 = tpu.vector_load %arg15[%swap3A_31, %swap3A_32] {strides = array<i32>} : memref<128x80xf32, #tpu.memory_space<vmem>>, vector<16xf32>,
      tpu.vector_store %arg15[%swap3A_31, %swap3A_32], %broadcast_in_dim3A_30 {strides = array<i32>} : memref<128x80xf32, #tpu.memory_space<vmem>>, vector<16xf32>,
      %broadcast_in_dim3A_34 = arith.constant 0.000000e+00 : f32
      %broadcast_in_dim3A_35 = vector.broadcast %broadcast_in_dim3A_34 : f32 to vector<16xf32>
      %swap3A_36 = arith.index_cast %scan3A_25 : i32 to index
      %swap3A_37 = arith.constant 32 : index
      %swap3A_38 = tpu.vector_load %arg15[%swap3A_36, %swap3A_37] {strides = array<i32>} : memref<128x80xf32, #tpu.memory_space<vmem>>, vector<16xf32>,
      tpu.vector_store %arg15[%swap3A_36, %swap3A_37], %broadcast_in_dim3A_35 {strides = array<i32>} : memref<128x80xf32, #tpu.memory_space<vmem>>, vector<16xf32>,
      %broadcast_in_dim3A_39 = arith.constant 0.000000e+00 : f32
      %broadcast_in_dim3A_40 = vector.broadcast %broadcast_in_dim3A_39 : f32 to vector<16xf32>
      %swap3A_41 = arith.index_cast %scan3A_25 : i32 to index
      %swap3A_42 = arith.constant 48 : index
      %swap3A_43 = tpu.vector_load %arg15[%swap3A_41, %swap3A_42] {strides = array<i32>} : memref<128x80xf32, #tpu.memory_space<vmem>>, vector<16xf32>,
      tpu.vector_store %arg15[%swap3A_41, %swap3A_42], %broadcast_in_dim3A_40 {strides = array<i32>} : memref<128x80xf32, #tpu.memory_space<vmem>>, vector<16xf32>,
      %broadcast_in_dim3A_44 = arith.constant 0.000000e+00 : f32
      %broadcast_in_dim3A_45 = vector.broadcast %broadcast_in_dim3A_44 : f32 to vector<16xf32>
      %swap3A_46 = arith.index_cast %scan3A_25 : i32 to index
      %swap3A_47 = arith.constant 64 : index
      %swap3A_48 = tpu.vector_load %arg15[%swap3A_46, %swap3A_47] {strides = array<i32>} : memref<128x80xf32, #tpu.memory_space<vmem>>, vector<16xf32>,
      tpu.vector_store %arg15[%swap3A_46, %swap3A_47], %broadcast_in_dim3A_45 {strides = array<i32>} : memref<128x80xf32, #tpu.memory_space<vmem>>, vector<16xf32>,
    }
    %scan3A_5 = arith.constant 128 : i32
    %mul3A_6 = arith.constant 640 : i32
    %mul3A_7 = arith.muli %arg1, %mul3A_6 : i32
    %add3A_8 = arith.constant 0 : i32
    %add3A_9 = arith.addi %mul3A_7, %add3A_8 : i32
    "tpu.region"() ({
      %run_scoped3A = tpu.sem_alloc : memref<!tpu.dma_semaphore, #tpu.memory_space<semaphore_mem>>
      %dma_start3A = arith.constant 0 : i32
      %dma_start3A_25 = tpu.memref_slice %arg8[%add3A_9, %dma_start3A] : memref<10240x80xf32, #tpu.memory_space<vmem_shared>> -> memref<128x80xf32, #tpu.memory_space<vmem_shared>>
      %dma_start3A_26 = arith.constant 0 : i32
      %dma_start3A_27 = tpu.memref_slice %arg8[%add3A_9, %dma_start3A_26] : memref<10240x80xf32, #tpu.memory_space<vmem_shared>> -> memref<128x80xf32, #tpu.memory_space<vmem_shared>>
      tpu.enqueue_dma source(%arg15 : memref<128x80xf32, #tpu.memory_space<vmem>>) target(%dma_start3A_27 : memref<128x80xf32, #tpu.memory_space<vmem_shared>>) target_semaphore(%run_scoped3A : memref<!tpu.dma_semaphore, #tpu.memory_space<semaphore_mem>>)
      %dma_wait3A = arith.constant 0 : i32
      %dma_wait3A_28 = tpu.memref_slice %arg8[%add3A_9, %dma_wait3A] : memref<10240x80xf32, #tpu.memory_space<vmem_shared>> -> memref<128x80xf32, #tpu.memory_space<vmem_shared>>
      %dma_wait3A_29 = arith.constant 0 : i32
      %dma_wait3A_30 = tpu.memref_slice %arg8[%add3A_9, %dma_wait3A_29] : memref<10240x80xf32, #tpu.memory_space<vmem_shared>> -> memref<128x80xf32, #tpu.memory_space<vmem_shared>>
      tpu.wait_dma2 semaphore(%run_scoped3A : memref<!tpu.dma_semaphore, #tpu.memory_space<semaphore_mem>>) src(%arg15 : memref<128x80xf32, #tpu.memory_space<vmem>>) dst(%dma_wait3A_30 : memref<128x80xf32, #tpu.memory_space<vmem_shared>>)
      tpu.yield
    }) : () -> ()
    %add3A_10 = arith.constant 128 : i32
    %add3A_11 = arith.addi %mul3A_7, %add3A_10 : i32
    "tpu.region"() ({
      %run_scoped3A = tpu.sem_alloc : memref<!tpu.dma_semaphore, #tpu.memory_space<semaphore_mem>>
      %dma_start3A = arith.constant 0 : i32
      %dma_start3A_25 = tpu.memref_slice %arg8[%add3A_11, %dma_start3A] : memref<10240x80xf32, #tpu.memory_space<vmem_shared>> -> memref<128x80xf32, #tpu.memory_space<vmem_shared>>
      %dma_start3A_26 = arith.constant 0 : i32
      %dma_start3A_27 = tpu.memref_slice %arg8[%add3A_11, %dma_start3A_26] : memref<10240x80xf32, #tpu.memory_space<vmem_shared>> -> memref<128x80xf32, #tpu.memory_space<vmem_shared>>
      tpu.enqueue_dma source(%arg15 : memref<128x80xf32, #tpu.memory_space<vmem>>) target(%dma_start3A_27 : memref<128x80xf32, #tpu.memory_space<vmem_shared>>) target_semaphore(%run_scoped3A : memref<!tpu.dma_semaphore, #tpu.memory_space<semaphore_mem>>)
      %dma_wait3A = arith.constant 0 : i32
      %dma_wait3A_28 = tpu.memref_slice %arg8[%add3A_11, %dma_wait3A] : memref<10240x80xf32, #tpu.memory_space<vmem_shared>> -> memref<128x80xf32, #tpu.memory_space<vmem_shared>>
      %dma_wait3A_29 = arith.constant 0 : i32
      %dma_wait3A_30 = tpu.memref_slice %arg8[%add3A_11, %dma_wait3A_29] : memref<10240x80xf32, #tpu.memory_space<vmem_shared>> -> memref<128x80xf32, #tpu.memory_space<vmem_shared>>
      tpu.wait_dma2 semaphore(%run_scoped3A : memref<!tpu.dma_semaphore, #tpu.memory_space<semaphore_mem>>) src(%arg15 : memref<128x80xf32, #tpu.memory_space<vmem>>) dst(%dma_wait3A_30 : memref<128x80xf32, #tpu.memory_space<vmem_shared>>)
      tpu.yield
    }) : () -> ()
    %add3A_12 = arith.constant 256 : i32
    %add3A_13 = arith.addi %mul3A_7, %add3A_12 : i32
    "tpu.region"() ({
      %run_scoped3A = tpu.sem_alloc : memref<!tpu.dma_semaphore, #tpu.memory_space<semaphore_mem>>
      %dma_start3A = arith.constant 0 : i32
      %dma_start3A_25 = tpu.memref_slice %arg8[%add3A_13, %dma_start3A] : memref<10240x80xf32, #tpu.memory_space<vmem_shared>> -> memref<128x80xf32, #tpu.memory_space<vmem_shared>>
      %dma_start3A_26 = arith.constant 0 : i32
      %dma_start3A_27 = tpu.memref_slice %arg8[%add3A_13, %dma_start3A_26] : memref<10240x80xf32, #tpu.memory_space<vmem_shared>> -> memref<128x80xf32, #tpu.memory_space<vmem_shared>>
      tpu.enqueue_dma source(%arg15 : memref<128x80xf32, #tpu.memory_space<vmem>>) target(%dma_start3A_27 : memref<128x80xf32, #tpu.memory_space<vmem_shared>>) target_semaphore(%run_scoped3A : memref<!tpu.dma_semaphore, #tpu.memory_space<semaphore_mem>>)
      %dma_wait3A = arith.constant 0 : i32
      %dma_wait3A_28 = tpu.memref_slice %arg8[%add3A_13, %dma_wait3A] : memref<10240x80xf32, #tpu.memory_space<vmem_shared>> -> memref<128x80xf32, #tpu.memory_space<vmem_shared>>
      %dma_wait3A_29 = arith.constant 0 : i32
      %dma_wait3A_30 = tpu.memref_slice %arg8[%add3A_13, %dma_wait3A_29] : memref<10240x80xf32, #tpu.memory_space<vmem_shared>> -> memref<128x80xf32, #tpu.memory_space<vmem_shared>>
      tpu.wait_dma2 semaphore(%run_scoped3A : memref<!tpu.dma_semaphore, #tpu.memory_space<semaphore_mem>>) src(%arg15 : memref<128x80xf32, #tpu.memory_space<vmem>>) dst(%dma_wait3A_30 : memref<128x80xf32, #tpu.memory_space<vmem_shared>>)
      tpu.yield
    }) : () -> ()
    %add3A_14 = arith.constant 384 : i32
    %add3A_15 = arith.addi %mul3A_7, %add3A_14 : i32
    "tpu.region"() ({
      %run_scoped3A = tpu.sem_alloc : memref<!tpu.dma_semaphore, #tpu.memory_space<semaphore_mem>>
      %dma_start3A = arith.constant 0 : i32
      %dma_start3A_25 = tpu.memref_slice %arg8[%add3A_15, %dma_start3A] : memref<10240x80xf32, #tpu.memory_space<vmem_shared>> -> memref<128x80xf32, #tpu.memory_space<vmem_shared>>
      %dma_start3A_26 = arith.constant 0 : i32
      %dma_start3A_27 = tpu.memref_slice %arg8[%add3A_15, %dma_start3A_26] : memref<10240x80xf32, #tpu.memory_space<vmem_shared>> -> memref<128x80xf32, #tpu.memory_space<vmem_shared>>
      tpu.enqueue_dma source(%arg15 : memref<128x80xf32, #tpu.memory_space<vmem>>) target(%dma_start3A_27 : memref<128x80xf32, #tpu.memory_space<vmem_shared>>) target_semaphore(%run_scoped3A : memref<!tpu.dma_semaphore, #tpu.memory_space<semaphore_mem>>)
      %dma_wait3A = arith.constant 0 : i32
      %dma_wait3A_28 = tpu.memref_slice %arg8[%add3A_15, %dma_wait3A] : memref<10240x80xf32, #tpu.memory_space<vmem_shared>> -> memref<128x80xf32, #tpu.memory_space<vmem_shared>>
      %dma_wait3A_29 = arith.constant 0 : i32
      %dma_wait3A_30 = tpu.memref_slice %arg8[%add3A_15, %dma_wait3A_29] : memref<10240x80xf32, #tpu.memory_space<vmem_shared>> -> memref<128x80xf32, #tpu.memory_space<vmem_shared>>
      tpu.wait_dma2 semaphore(%run_scoped3A : memref<!tpu.dma_semaphore, #tpu.memory_space<semaphore_mem>>) src(%arg15 : memref<128x80xf32, #tpu.memory_space<vmem>>) dst(%dma_wait3A_30 : memref<128x80xf32, #tpu.memory_space<vmem_shared>>)
      tpu.yield
    }) : () -> ()
    %add3A_16 = arith.constant 512 : i32
    %add3A_17 = arith.addi %mul3A_7, %add3A_16 : i32
    "tpu.region"() ({
      %run_scoped3A = tpu.sem_alloc : memref<!tpu.dma_semaphore, #tpu.memory_space<semaphore_mem>>
      %dma_start3A = arith.constant 0 : i32
      %dma_start3A_25 = tpu.memref_slice %arg8[%add3A_17, %dma_start3A] : memref<10240x80xf32, #tpu.memory_space<vmem_shared>> -> memref<128x80xf32, #tpu.memory_space<vmem_shared>>
      %dma_start3A_26 = arith.constant 0 : i32
      %dma_start3A_27 = tpu.memref_slice %arg8[%add3A_17, %dma_start3A_26] : memref<10240x80xf32, #tpu.memory_space<vmem_shared>> -> memref<128x80xf32, #tpu.memory_space<vmem_shared>>
      tpu.enqueue_dma source(%arg15 : memref<128x80xf32, #tpu.memory_space<vmem>>) target(%dma_start3A_27 : memref<128x80xf32, #tpu.memory_space<vmem_shared>>) target_semaphore(%run_scoped3A : memref<!tpu.dma_semaphore, #tpu.memory_space<semaphore_mem>>)
      %dma_wait3A = arith.constant 0 : i32
      %dma_wait3A_28 = tpu.memref_slice %arg8[%add3A_17, %dma_wait3A] : memref<10240x80xf32, #tpu.memory_space<vmem_shared>> -> memref<128x80xf32, #tpu.memory_space<vmem_shared>>
      %dma_wait3A_29 = arith.constant 0 : i32
      %dma_wait3A_30 = tpu.memref_slice %arg8[%add3A_17, %dma_wait3A_29] : memref<10240x80xf32, #tpu.memory_space<vmem_shared>> -> memref<128x80xf32, #tpu.memory_space<vmem_shared>>
      tpu.wait_dma2 semaphore(%run_scoped3A : memref<!tpu.dma_semaphore, #tpu.memory_space<semaphore_mem>>) src(%arg15 : memref<128x80xf32, #tpu.memory_space<vmem>>) dst(%dma_wait3A_30 : memref<128x80xf32, #tpu.memory_space<vmem_shared>>)
      tpu.yield
    }) : () -> ()
    %barrier3A = arith.constant 0 : index
    tpu.barrier barrier_id(%barrier3A)
    %scan3A_18 = arith.constant 0 : i32
    %scan3A_19 = arith.constant 0 : i32
    %scan3A_20 = arith.constant 81 : i32
    %scan3A_21 = arith.addi %scan3A_19, %scan3A_20 : i32
    %scan3A_22 = arith.constant 1 : i32
    scf.for %scan3A_25 = %scan3A_19 to %scan3A_21 step %scan3A_22  : i32 {
      %dma_start3A = arith.constant 0 : i32
      %dma_start3A_26 = tpu.memref_slice %arg9[%scan3A_25, %dma_start3A] : memref<81x128xi32, #tpu.memory_space<vmem>> -> memref<1x128xi32, #tpu.memory_space<vmem>>
      %dma_start3A_27 = tpu.memref_squeeze %dma_start3A_26 : memref<1x128xi32, #tpu.memory_space<vmem>> -> memref<128xi32, #tpu.memory_space<vmem>>
      %dma_start3A_28 = arith.constant 0 : i32
      %dma_start3A_29 = arith.constant 0 : i32
      %dma_start3A_30 = tpu.memref_slice %arg2[%dma_start3A_28, %dma_start3A_29] : memref<10240x64xf32, #tpu.memory_space<hbm>> -> memref<10240x64xf32, #tpu.memory_space<hbm>>
      tpu.enqueue_indirect_dma source(%dma_start3A_30 : memref<10240x64xf32, #tpu.memory_space<hbm>>) target(%arg14 : memref<128x64xf32, #tpu.memory_space<vmem>>) offsets(%dma_start3A_27 : memref<128xi32, #tpu.memory_space<vmem>>) semaphore(%arg16 : memref<!tpu.dma_semaphore, #tpu.memory_space<semaphore_mem>>)
      %dma_wait3A = arith.constant 0 : i32
      %dma_wait3A_31 = tpu.memref_slice %arg9[%scan3A_25, %dma_wait3A] : memref<81x128xi32, #tpu.memory_space<vmem>> -> memref<1x128xi32, #tpu.memory_space<vmem>>
      %dma_wait3A_32 = tpu.memref_squeeze %dma_wait3A_31 : memref<1x128xi32, #tpu.memory_space<vmem>> -> memref<128xi32, #tpu.memory_space<vmem>>
      %dma_wait3A_33 = arith.constant 0 : i32
      %dma_wait3A_34 = arith.constant 0 : i32
      %dma_wait3A_35 = tpu.memref_slice %arg2[%dma_wait3A_33, %dma_wait3A_34] : memref<10240x64xf32, #tpu.memory_space<hbm>> -> memref<10240x64xf32, #tpu.memory_space<hbm>>
      tpu.wait_indirect_dma semaphore(%arg16 : memref<!tpu.dma_semaphore, #tpu.memory_space<semaphore_mem>>) src(%dma_wait3A_35 : memref<10240x64xf32, #tpu.memory_space<hbm>>) dst(%arg14 : memref<128x64xf32, #tpu.memory_space<vmem>>)
      %get3A = arith.index_cast %scan3A_25 : i32 to index
      %get3A_36 = arith.constant 0 : index
      %get3A_37 = tpu.vector_load %arg9[%get3A, %get3A_36] {strides = array<i32>} : memref<81x128xi32, #tpu.memory_space<vmem>>, vector<16xi32>,
      %get3A_38 = arith.index_cast %scan3A_25 : i32 to index
      %get3A_39 = arith.constant 0 : index
      %get3A_40 = tpu.vector_load %arg10[%get3A_38, %get3A_39] {strides = array<i32>} : memref<81x128xi32, #tpu.memory_space<vmem>>, vector<16xi32>,
      %gather3A = tpu.vector_load_idx %arg11[%get3A_37] : memref<10240xf32, #tpu.memory_space<vmem>>[vector<16xi32>], vector<16xf32>,
      %gather3A_41 = tpu.vector_load_idx %arg12[%get3A_40] : memref<10240xf32, #tpu.memory_space<vmem>>[vector<16xi32>], vector<16xf32>,
      %add3A_42 = arith.addf %gather3A, %gather3A_41 : vector<16xf32>
      %gt3A = arith.constant 0.000000e+00 : f32
      %gt3A_43 = vector.broadcast %gt3A : f32 to vector<16xf32>
      %gt3A_44 = arith.cmpf ogt, %add3A_42, %gt3A_43 : vector<16xf32>
      %mul3A_45 = arith.constant 2.000000e-01 : f32
      %mul3A_46 = vector.broadcast %mul3A_45 : f32 to vector<16xf32>
      %mul3A_47 = arith.mulf %mul3A_46, %add3A_42 : vector<16xf32>
      %select_n3A = arith.select %gt3A_44, %add3A_42, %mul3A_47 : vector<16xi1>, vector<16xf32>
      %exp3A = math.exp %select_n3A : vector<16xf32>
      %swap3A = arith.constant 0 : index
      %swap3A_48 = tpu.vector_load %arg13[%swap3A] {strides = array<i32>} : memref<128xf32, #tpu.memory_space<vmem>>, vector<16xf32>,
      tpu.vector_store %arg13[%swap3A], %exp3A {strides = array<i32>} : memref<128xf32, #tpu.memory_space<vmem>>, vector<16xf32>,
      %get3A_49 = arith.index_cast %scan3A_25 : i32 to index
      %get3A_50 = arith.constant 16 : index
      %get3A_51 = tpu.vector_load %arg9[%get3A_49, %get3A_50] {strides = array<i32>} : memref<81x128xi32, #tpu.memory_space<vmem>>, vector<16xi32>,
      %get3A_52 = arith.index_cast %scan3A_25 : i32 to index
      %get3A_53 = arith.constant 16 : index
      %get3A_54 = tpu.vector_load %arg10[%get3A_52, %get3A_53] {strides = array<i32>} : memref<81x128xi32, #tpu.memory_space<vmem>>, vector<16xi32>,
      %gather3A_55 = tpu.vector_load_idx %arg11[%get3A_51] : memref<10240xf32, #tpu.memory_space<vmem>>[vector<16xi32>], vector<16xf32>,
      %gather3A_56 = tpu.vector_load_idx %arg12[%get3A_54] : memref<10240xf32, #tpu.memory_space<vmem>>[vector<16xi32>], vector<16xf32>,
      %add3A_57 = arith.addf %gather3A_55, %gather3A_56 : vector<16xf32>
      %gt3A_58 = arith.constant 0.000000e+00 : f32
      %gt3A_59 = vector.broadcast %gt3A_58 : f32 to vector<16xf32>
      %gt3A_60 = arith.cmpf ogt, %add3A_57, %gt3A_59 : vector<16xf32>
      %mul3A_61 = arith.constant 2.000000e-01 : f32
      %mul3A_62 = vector.broadcast %mul3A_61 : f32 to vector<16xf32>
      %mul3A_63 = arith.mulf %mul3A_62, %add3A_57 : vector<16xf32>
      %select_n3A_64 = arith.select %gt3A_60, %add3A_57, %mul3A_63 : vector<16xi1>, vector<16xf32>
      %exp3A_65 = math.exp %select_n3A_64 : vector<16xf32>
      %swap3A_66 = arith.constant 16 : index
      %swap3A_67 = tpu.vector_load %arg13[%swap3A_66] {strides = array<i32>} : memref<128xf32, #tpu.memory_space<vmem>>, vector<16xf32>,
      tpu.vector_store %arg13[%swap3A_66], %exp3A_65 {strides = array<i32>} : memref<128xf32, #tpu.memory_space<vmem>>, vector<16xf32>,
      %get3A_68 = arith.index_cast %scan3A_25 : i32 to index
      %get3A_69 = arith.constant 32 : index
      %get3A_70 = tpu.vector_load %arg9[%get3A_68, %get3A_69] {strides = array<i32>} : memref<81x128xi32, #tpu.memory_space<vmem>>, vector<16xi32>,
      %get3A_71 = arith.index_cast %scan3A_25 : i32 to index
      %get3A_72 = arith.constant 32 : index
      %get3A_73 = tpu.vector_load %arg10[%get3A_71, %get3A_72] {strides = array<i32>} : memref<81x128xi32, #tpu.memory_space<vmem>>, vector<16xi32>,
      %gather3A_74 = tpu.vector_load_idx %arg11[%get3A_70] : memref<10240xf32, #tpu.memory_space<vmem>>[vector<16xi32>], vector<16xf32>,
      %gather3A_75 = tpu.vector_load_idx %arg12[%get3A_73] : memref<10240xf32, #tpu.memory_space<vmem>>[vector<16xi32>], vector<16xf32>,
      %add3A_76 = arith.addf %gather3A_74, %gather3A_75 : vector<16xf32>
      %gt3A_77 = arith.constant 0.000000e+00 : f32
      %gt3A_78 = vector.broadcast %gt3A_77 : f32 to vector<16xf32>
      %gt3A_79 = arith.cmpf ogt, %add3A_76, %gt3A_78 : vector<16xf32>
      %mul3A_80 = arith.constant 2.000000e-01 : f32
      %mul3A_81 = vector.broadcast %mul3A_80 : f32 to vector<16xf32>
      %mul3A_82 = arith.mulf %mul3A_81, %add3A_76 : vector<16xf32>
      %select_n3A_83 = arith.select %gt3A_79, %add3A_76, %mul3A_82 : vector<16xi1>, vector<16xf32>
      %exp3A_84 = math.exp %select_n3A_83 : vector<16xf32>
      %swap3A_85 = arith.constant 32 : index
      %swap3A_86 = tpu.vector_load %arg13[%swap3A_85] {strides = array<i32>} : memref<128xf32, #tpu.memory_space<vmem>>, vector<16xf32>,
      tpu.vector_store %arg13[%swap3A_85], %exp3A_84 {strides = array<i32>} : memref<128xf32, #tpu.memory_space<vmem>>, vector<16xf32>,
      %get3A_87 = arith.index_cast %scan3A_25 : i32 to index
      %get3A_88 = arith.constant 48 : index
      %get3A_89 = tpu.vector_load %arg9[%get3A_87, %get3A_88] {strides = array<i32>} : memref<81x128xi32, #tpu.memory_space<vmem>>, vector<16xi32>,
      %get3A_90 = arith.index_cast %scan3A_25 : i32 to index
      %get3A_91 = arith.constant 48 : index
      %get3A_92 = tpu.vector_load %arg10[%get3A_90, %get3A_91] {strides = array<i32>} : memref<81x128xi32, #tpu.memory_space<vmem>>, vector<16xi32>,
      %gather3A_93 = tpu.vector_load_idx %arg11[%get3A_89] : memref<10240xf32, #tpu.memory_space<vmem>>[vector<16xi32>], vector<16xf32>,
      %gather3A_94 = tpu.vector_load_idx %arg12[%get3A_92] : memref<10240xf32, #tpu.memory_space<vmem>>[vector<16xi32>], vector<16xf32>,
      %add3A_95 = arith.addf %gather3A_93, %gather3A_94 : vector<16xf32>
      %gt3A_96 = arith.constant 0.000000e+00 : f32
      %gt3A_97 = vector.broadcast %gt3A_96 : f32 to vector<16xf32>
      %gt3A_98 = arith.cmpf ogt, %add3A_95, %gt3A_97 : vector<16xf32>
      %mul3A_99 = arith.constant 2.000000e-01 : f32
      %mul3A_100 = vector.broadcast %mul3A_99 : f32 to vector<16xf32>
      %mul3A_101 = arith.mulf %mul3A_100, %add3A_95 : vector<16xf32>
      %select_n3A_102 = arith.select %gt3A_98, %add3A_95, %mul3A_101 : vector<16xi1>, vector<16xf32>
      %exp3A_103 = math.exp %select_n3A_102 : vector<16xf32>
      %swap3A_104 = arith.constant 48 : index
      %swap3A_105 = tpu.vector_load %arg13[%swap3A_104] {strides = array<i32>} : memref<128xf32, #tpu.memory_space<vmem>>, vector<16xf32>,
      tpu.vector_store %arg13[%swap3A_104], %exp3A_103 {strides = array<i32>} : memref<128xf32, #tpu.memory_space<vmem>>, vector<16xf32>,
      %get3A_106 = arith.index_cast %scan3A_25 : i32 to index
      %get3A_107 = arith.constant 64 : index
      %get3A_108 = tpu.vector_load %arg9[%get3A_106, %get3A_107] {strides = array<i32>} : memref<81x128xi32, #tpu.memory_space<vmem>>, vector<16xi32>,
      %get3A_109 = arith.index_cast %scan3A_25 : i32 to index
      %get3A_110 = arith.constant 64 : index
      %get3A_111 = tpu.vector_load %arg10[%get3A_109, %get3A_110] {strides = array<i32>} : memref<81x128xi32, #tpu.memory_space<vmem>>, vector<16xi32>,
      %gather3A_112 = tpu.vector_load_idx %arg11[%get3A_108] : memref<10240xf32, #tpu.memory_space<vmem>>[vector<16xi32>], vector<16xf32>,
      %gather3A_113 = tpu.vector_load_idx %arg12[%get3A_111] : memref<10240xf32, #tpu.memory_space<vmem>>[vector<16xi32>], vector<16xf32>,
      %add3A_114 = arith.addf %gather3A_112, %gather3A_113 : vector<16xf32>
      %gt3A_115 = arith.constant 0.000000e+00 : f32
      %gt3A_116 = vector.broadcast %gt3A_115 : f32 to vector<16xf32>
      %gt3A_117 = arith.cmpf ogt, %add3A_114, %gt3A_116 : vector<16xf32>
      %mul3A_118 = arith.constant 2.000000e-01 : f32
      %mul3A_119 = vector.broadcast %mul3A_118 : f32 to vector<16xf32>
      %mul3A_120 = arith.mulf %mul3A_119, %add3A_114 : vector<16xf32>
      %select_n3A_121 = arith.select %gt3A_117, %add3A_114, %mul3A_120 : vector<16xi1>, vector<16xf32>
      %exp3A_122 = math.exp %select_n3A_121 : vector<16xf32>
      %swap3A_123 = arith.constant 64 : index
      %swap3A_124 = tpu.vector_load %arg13[%swap3A_123] {strides = array<i32>} : memref<128xf32, #tpu.memory_space<vmem>>, vector<16xf32>,
      tpu.vector_store %arg13[%swap3A_123], %exp3A_122 {strides = array<i32>} : memref<128xf32, #tpu.memory_space<vmem>>, vector<16xf32>,
      %get3A_125 = arith.index_cast %scan3A_25 : i32 to index
      %get3A_126 = arith.constant 80 : index
      %get3A_127 = tpu.vector_load %arg9[%get3A_125, %get3A_126] {strides = array<i32>} : memref<81x128xi32, #tpu.memory_space<vmem>>, vector<16xi32>,
      %get3A_128 = arith.index_cast %scan3A_25 : i32 to index
      %get3A_129 = arith.constant 80 : index
      %get3A_130 = tpu.vector_load %arg10[%get3A_128, %get3A_129] {strides = array<i32>} : memref<81x128xi32, #tpu.memory_space<vmem>>, vector<16xi32>,
      %gather3A_131 = tpu.vector_load_idx %arg11[%get3A_127] : memref<10240xf32, #tpu.memory_space<vmem>>[vector<16xi32>], vector<16xf32>,
      %gather3A_132 = tpu.vector_load_idx %arg12[%get3A_130] : memref<10240xf32, #tpu.memory_space<vmem>>[vector<16xi32>], vector<16xf32>,
      %add3A_133 = arith.addf %gather3A_131, %gather3A_132 : vector<16xf32>
      %gt3A_134 = arith.constant 0.000000e+00 : f32
      %gt3A_135 = vector.broadcast %gt3A_134 : f32 to vector<16xf32>
      %gt3A_136 = arith.cmpf ogt, %add3A_133, %gt3A_135 : vector<16xf32>
      %mul3A_137 = arith.constant 2.000000e-01 : f32
      %mul3A_138 = vector.broadcast %mul3A_137 : f32 to vector<16xf32>
      %mul3A_139 = arith.mulf %mul3A_138, %add3A_133 : vector<16xf32>
      %select_n3A_140 = arith.select %gt3A_136, %add3A_133, %mul3A_139 : vector<16xi1>, vector<16xf32>
      %exp3A_141 = math.exp %select_n3A_140 : vector<16xf32>
      %swap3A_142 = arith.constant 80 : index
      %swap3A_143 = tpu.vector_load %arg13[%swap3A_142] {strides = array<i32>} : memref<128xf32, #tpu.memory_space<vmem>>, vector<16xf32>,
      tpu.vector_store %arg13[%swap3A_142], %exp3A_141 {strides = array<i32>} : memref<128xf32, #tpu.memory_space<vmem>>, vector<16xf32>,
      %get3A_144 = arith.index_cast %scan3A_25 : i32 to index
      %get3A_145 = arith.constant 96 : index
      %get3A_146 = tpu.vector_load %arg9[%get3A_144, %get3A_145] {strides = array<i32>} : memref<81x128xi32, #tpu.memory_space<vmem>>, vector<16xi32>,
      %get3A_147 = arith.index_cast %scan3A_25 : i32 to index
      %get3A_148 = arith.constant 96 : index
      %get3A_149 = tpu.vector_load %arg10[%get3A_147, %get3A_148] {strides = array<i32>} : memref<81x128xi32, #tpu.memory_space<vmem>>, vector<16xi32>,
      %gather3A_150 = tpu.vector_load_idx %arg11[%get3A_146] : memref<10240xf32, #tpu.memory_space<vmem>>[vector<16xi32>], vector<16xf32>,
      %gather3A_151 = tpu.vector_load_idx %arg12[%get3A_149] : memref<10240xf32, #tpu.memory_space<vmem>>[vector<16xi32>], vector<16xf32>,
      %add3A_152 = arith.addf %gather3A_150, %gather3A_151 : vector<16xf32>
      %gt3A_153 = arith.constant 0.000000e+00 : f32
      %gt3A_154 = vector.broadcast %gt3A_153 : f32 to vector<16xf32>
      %gt3A_155 = arith.cmpf ogt, %add3A_152, %gt3A_154 : vector<16xf32>
      %mul3A_156 = arith.constant 2.000000e-01 : f32
      %mul3A_157 = vector.broadcast %mul3A_156 : f32 to vector<16xf32>
      %mul3A_158 = arith.mulf %mul3A_157, %add3A_152 : vector<16xf32>
      %select_n3A_159 = arith.select %gt3A_155, %add3A_152, %mul3A_158 : vector<16xi1>, vector<16xf32>
      %exp3A_160 = math.exp %select_n3A_159 : vector<16xf32>
      %swap3A_161 = arith.constant 96 : index
      %swap3A_162 = tpu.vector_load %arg13[%swap3A_161] {strides = array<i32>} : memref<128xf32, #tpu.memory_space<vmem>>, vector<16xf32>,
      tpu.vector_store %arg13[%swap3A_161], %exp3A_160 {strides = array<i32>} : memref<128xf32, #tpu.memory_space<vmem>>, vector<16xf32>,
      %get3A_163 = arith.index_cast %scan3A_25 : i32 to index
      %get3A_164 = arith.constant 112 : index
      %get3A_165 = tpu.vector_load %arg9[%get3A_163, %get3A_164] {strides = array<i32>} : memref<81x128xi32, #tpu.memory_space<vmem>>, vector<16xi32>,
      %get3A_166 = arith.index_cast %scan3A_25 : i32 to index
      %get3A_167 = arith.constant 112 : index
      %get3A_168 = tpu.vector_load %arg10[%get3A_166, %get3A_167] {strides = array<i32>} : memref<81x128xi32, #tpu.memory_space<vmem>>, vector<16xi32>,
      %gather3A_169 = tpu.vector_load_idx %arg11[%get3A_165] : memref<10240xf32, #tpu.memory_space<vmem>>[vector<16xi32>], vector<16xf32>,
      %gather3A_170 = tpu.vector_load_idx %arg12[%get3A_168] : memref<10240xf32, #tpu.memory_space<vmem>>[vector<16xi32>], vector<16xf32>,
      %add3A_171 = arith.addf %gather3A_169, %gather3A_170 : vector<16xf32>
      %gt3A_172 = arith.constant 0.000000e+00 : f32
      %gt3A_173 = vector.broadcast %gt3A_172 : f32 to vector<16xf32>
      %gt3A_174 = arith.cmpf ogt, %add3A_171, %gt3A_173 : vector<16xf32>
      %mul3A_175 = arith.constant 2.000000e-01 : f32
      %mul3A_176 = vector.broadcast %mul3A_175 : f32 to vector<16xf32>
      %mul3A_177 = arith.mulf %mul3A_176, %add3A_171 : vector<16xf32>
      %select_n3A_178 = arith.select %gt3A_174, %add3A_171, %mul3A_177 : vector<16xi1>, vector<16xf32>
      %exp3A_179 = math.exp %select_n3A_178 : vector<16xf32>
      %swap3A_180 = arith.constant 112 : index
      %swap3A_181 = tpu.vector_load %arg13[%swap3A_180] {strides = array<i32>} : memref<128xf32, #tpu.memory_space<vmem>>, vector<16xf32>,
      tpu.vector_store %arg13[%swap3A_180], %exp3A_179 {strides = array<i32>} : memref<128xf32, #tpu.memory_space<vmem>>, vector<16xf32>,
      %scan3A_182 = arith.constant 0 : i32
      %scan3A_183 = arith.constant 0 : i32
      %scan3A_184 = arith.constant 128 : i32
      %scan3A_185 = arith.addi %scan3A_183, %scan3A_184 : i32
      %scan3A_186 = arith.constant 1 : i32
      scf.for %scan3A_188 = %scan3A_183 to %scan3A_185 step %scan3A_186  : i32 {
        %broadcast_in_dim3A = vector.broadcast %scan3A_188 : i32 to vector<16xi32>
        %gather3A_189 = tpu.vector_load_idx %arg13[%broadcast_in_dim3A] : memref<128xf32, #tpu.memory_space<vmem>>[vector<16xi32>], vector<16xf32>,
        %get3A_190 = arith.index_cast %scan3A_188 : i32 to index
        %get3A_191 = arith.constant 0 : index
        %get3A_192 = tpu.vector_load %arg14[%get3A_190, %get3A_191] {strides = array<i32>} : memref<128x64xf32, #tpu.memory_space<vmem>>, vector<16xf32>,
        %mul3A_193 = arith.mulf %get3A_192, %gather3A_189 : vector<16xf32>
        %swap3A_194 = arith.index_cast %scan3A_188 : i32 to index
        %swap3A_195 = arith.constant 0 : index
        %swap3A_196 = tpu.vector_load %arg15[%swap3A_194, %swap3A_195] {strides = array<i32>} : memref<128x80xf32, #tpu.memory_space<vmem>>, vector<16xf32>,
        tpu.vector_store %arg15[%swap3A_194, %swap3A_195], %mul3A_193 {strides = array<i32>} : memref<128x80xf32, #tpu.memory_space<vmem>>, vector<16xf32>,
        %get3A_197 = arith.index_cast %scan3A_188 : i32 to index
        %get3A_198 = arith.constant 16 : index
        %get3A_199 = tpu.vector_load %arg14[%get3A_197, %get3A_198] {strides = array<i32>} : memref<128x64xf32, #tpu.memory_space<vmem>>, vector<16xf32>,
        %mul3A_200 = arith.mulf %get3A_199, %gather3A_189 : vector<16xf32>
        %swap3A_201 = arith.index_cast %scan3A_188 : i32 to index
        %swap3A_202 = arith.constant 16 : index
        %swap3A_203 = tpu.vector_load %arg15[%swap3A_201, %swap3A_202] {strides = array<i32>} : memref<128x80xf32, #tpu.memory_space<vmem>>, vector<16xf32>,
        tpu.vector_store %arg15[%swap3A_201, %swap3A_202], %mul3A_200 {strides = array<i32>} : memref<128x80xf32, #tpu.memory_space<vmem>>, vector<16xf32>,
        %get3A_204 = arith.index_cast %scan3A_188 : i32 to index
        %get3A_205 = arith.constant 32 : index
        %get3A_206 = tpu.vector_load %arg14[%get3A_204, %get3A_205] {strides = array<i32>} : memref<128x64xf32, #tpu.memory_space<vmem>>, vector<16xf32>,
        %mul3A_207 = arith.mulf %get3A_206, %gather3A_189 : vector<16xf32>
        %swap3A_208 = arith.index_cast %scan3A_188 : i32 to index
        %swap3A_209 = arith.constant 32 : index
        %swap3A_210 = tpu.vector_load %arg15[%swap3A_208, %swap3A_209] {strides = array<i32>} : memref<128x80xf32, #tpu.memory_space<vmem>>, vector<16xf32>,
        tpu.vector_store %arg15[%swap3A_208, %swap3A_209], %mul3A_207 {strides = array<i32>} : memref<128x80xf32, #tpu.memory_space<vmem>>, vector<16xf32>,
        %get3A_211 = arith.index_cast %scan3A_188 : i32 to index
        %get3A_212 = arith.constant 48 : index
        %get3A_213 = tpu.vector_load %arg14[%get3A_211, %get3A_212] {strides = array<i32>} : memref<128x64xf32, #tpu.memory_space<vmem>>, vector<16xf32>,
        %mul3A_214 = arith.mulf %get3A_213, %gather3A_189 : vector<16xf32>
        %swap3A_215 = arith.index_cast %scan3A_188 : i32 to index
        %swap3A_216 = arith.constant 48 : index
        %swap3A_217 = tpu.vector_load %arg15[%swap3A_215, %swap3A_216] {strides = array<i32>} : memref<128x80xf32, #tpu.memory_space<vmem>>, vector<16xf32>,
        tpu.vector_store %arg15[%swap3A_215, %swap3A_216], %mul3A_214 {strides = array<i32>} : memref<128x80xf32, #tpu.memory_space<vmem>>, vector<16xf32>,
        %swap3A_218 = arith.index_cast %scan3A_188 : i32 to index
        %swap3A_219 = arith.constant 64 : index
        %swap3A_220 = tpu.vector_load %arg15[%swap3A_218, %swap3A_219] {strides = array<i32>} : memref<128x80xf32, #tpu.memory_space<vmem>>, vector<16xf32>,
        tpu.vector_store %arg15[%swap3A_218, %swap3A_219], %gather3A_189 {strides = array<i32>} : memref<128x80xf32, #tpu.memory_space<vmem>>, vector<16xf32>,
      }
      %scan3A_187 = arith.constant 128 : i32
      "tpu.region"() ({
        %run_scoped3A = tpu.sem_alloc : memref<!tpu.dma_semaphore, #tpu.memory_space<semaphore_mem>>
        %dma_start3A_188 = arith.constant 0 : i32
        %dma_start3A_189 = tpu.memref_slice %arg10[%scan3A_25, %dma_start3A_188] : memref<81x128xi32, #tpu.memory_space<vmem>> -> memref<1x128xi32, #tpu.memory_space<vmem>>
        %dma_start3A_190 = tpu.memref_squeeze %dma_start3A_189 : memref<1x128xi32, #tpu.memory_space<vmem>> -> memref<128xi32, #tpu.memory_space<vmem>>
        %dma_start3A_191 = arith.constant 0 : i32
        %dma_start3A_192 = arith.constant 0 : i32
        %dma_start3A_193 = tpu.memref_slice %arg8[%dma_start3A_191, %dma_start3A_192] : memref<10240x80xf32, #tpu.memory_space<vmem_shared>> -> memref<10240x80xf32, #tpu.memory_space<vmem_shared>>
        tpu.enqueue_indirect_dma source(%arg15 : memref<128x80xf32, #tpu.memory_space<vmem>>) target(%dma_start3A_193 : memref<10240x80xf32, #tpu.memory_space<vmem_shared>>) offsets(%dma_start3A_190 : memref<128xi32, #tpu.memory_space<vmem>>) semaphore(%run_scoped3A : memref<!tpu.dma_semaphore, #tpu.memory_space<semaphore_mem>>) {add = true}
        %dma_wait3A_194 = arith.constant 0 : i32
        %dma_wait3A_195 = tpu.memref_slice %arg10[%scan3A_25, %dma_wait3A_194] : memref<81x128xi32, #tpu.memory_space<vmem>> -> memref<1x128xi32, #tpu.memory_space<vmem>>
        %dma_wait3A_196 = tpu.memref_squeeze %dma_wait3A_195 : memref<1x128xi32, #tpu.memory_space<vmem>> -> memref<128xi32, #tpu.memory_space<vmem>>
        %dma_wait3A_197 = arith.constant 0 : i32
        %dma_wait3A_198 = arith.constant 0 : i32
        %dma_wait3A_199 = tpu.memref_slice %arg8[%dma_wait3A_197, %dma_wait3A_198] : memref<10240x80xf32, #tpu.memory_space<vmem_shared>> -> memref<10240x80xf32, #tpu.memory_space<vmem_shared>>
        tpu.wait_indirect_dma semaphore(%run_scoped3A : memref<!tpu.dma_semaphore, #tpu.memory_space<semaphore_mem>>) src(%arg15 : memref<128x80xf32, #tpu.memory_space<vmem>>) dst(%dma_wait3A_199 : memref<10240x80xf32, #tpu.memory_space<vmem_shared>>)
        tpu.yield
      }) : () -> ()
    }
    %scan3A_23 = arith.constant 81 : i32
    %barrier3A_24 = arith.constant 0 : index
    tpu.barrier barrier_id(%barrier3A_24)
    "tpu.region"() ({
      %run_scoped3A = tpu.sem_alloc : memref<!tpu.dma_semaphore, #tpu.memory_space<semaphore_mem>>
      %dma_start3A = arith.constant 0 : i32
      %dma_start3A_25 = tpu.memref_slice %arg7[%arg0, %mul3A_7, %dma_start3A] : memref<2x10240x80xf32, #tpu.memory_space<hbm>> -> memref<1x640x80xf32, #tpu.memory_space<hbm>>
      %dma_start3A_26 = tpu.memref_squeeze %dma_start3A_25 : memref<1x640x80xf32, #tpu.memory_space<hbm>> -> memref<640x80xf32, #tpu.memory_space<hbm>>
      %dma_start3A_27 = arith.constant 0 : i32
      %dma_start3A_28 = tpu.memref_slice %arg8[%mul3A_7, %dma_start3A_27] : memref<10240x80xf32, #tpu.memory_space<vmem_shared>> -> memref<640x80xf32, #tpu.memory_space<vmem_shared>>
      tpu.enqueue_dma source(%dma_start3A_28 : memref<640x80xf32, #tpu.memory_space<vmem_shared>>) target(%dma_start3A_26 : memref<640x80xf32, #tpu.memory_space<hbm>>) target_semaphore(%run_scoped3A : memref<!tpu.dma_semaphore, #tpu.memory_space<semaphore_mem>>)
      %dma_wait3A = arith.constant 0 : i32
      %dma_wait3A_29 = tpu.memref_slice %arg7[%arg0, %mul3A_7, %dma_wait3A] : memref<2x10240x80xf32, #tpu.memory_space<hbm>> -> memref<1x640x80xf32, #tpu.memory_space<hbm>>
      %dma_wait3A_30 = tpu.memref_squeeze %dma_wait3A_29 : memref<1x640x80xf32, #tpu.memory_space<hbm>> -> memref<640x80xf32, #tpu.memory_space<hbm>>
      %dma_wait3A_31 = arith.constant 0 : i32
      %dma_wait3A_32 = tpu.memref_slice %arg8[%mul3A_7, %dma_wait3A_31] : memref<10240x80xf32, #tpu.memory_space<vmem_shared>> -> memref<640x80xf32, #tpu.memory_space<vmem_shared>>
      tpu.wait_dma2 semaphore(%run_scoped3A : memref<!tpu.dma_semaphore, #tpu.memory_space<semaphore_mem>>) src(%dma_wait3A_32 : memref<640x80xf32, #tpu.memory_space<vmem_shared>>) dst(%dma_wait3A_30 : memref<640x80xf32, #tpu.memory_space<hbm>>)
      tpu.yield
    }) : () -> ()
    return
  }
}

module attributes {stable_mosaic.version = 14 : i64} {
  func.func @_pre1_body(%arg0: i32, %arg1: memref<256x128xf32, #tpu.memory_space<vmem>>, %arg2: memref<128x256xf32, #tpu.memory_space<vmem>>, %arg3: memref<256x8xf32, #tpu.memory_space<vmem>>, %arg4: memref<256x8xf32, #tpu.memory_space<vmem>>, %arg5: memref<256x64xf32, #tpu.memory_space<vmem>>, %arg6: memref<256x64xf32, #tpu.memory_space<vmem>>, %arg7: memref<256x64xf32, #tpu.memory_space<vmem>>, %arg8: memref<256x64xf32, #tpu.memory_space<vmem>>, %arg9: memref<256x8xf32, #tpu.memory_space<vmem>>, %arg10: memref<256x8xf32, #tpu.memory_space<vmem>>) attributes {dimension_semantics = [#tpu.dimension_semantics<arbitrary>], iteration_bounds = array<i64: 40>, scalar_prefetch = 0 : i64, scratch_operands = 0 : i64, tpu.core_type = #tpu.core_type<tc>, window_params = [{transform_indices = @transform_0, window_bounds = array<i64: 256, 128>}, {pipeline_mode = #tpu.pipeline_mode<synchronous>, transform_indices = @transform_1, window_bounds = array<i64: 128, 256>}, {pipeline_mode = #tpu.pipeline_mode<synchronous>, transform_indices = @transform_2, window_bounds = array<i64: 256, 8>}, {pipeline_mode = #tpu.pipeline_mode<synchronous>, transform_indices = @transform_3, window_bounds = array<i64: 256, 8>}, {transform_indices = @transform_4, window_bounds = array<i64: 256, 64>}, {transform_indices = @transform_5, window_bounds = array<i64: 256, 64>}, {transform_indices = @transform_6, window_bounds = array<i64: 256, 64>}, {transform_indices = @transform_7, window_bounds = array<i64: 256, 64>}, {transform_indices = @transform_8, window_bounds = array<i64: 256, 8>}, {transform_indices = @transform_9, window_bounds = array<i64: 256, 8>}]} {
    %get3A = arith.constant 0 : index
    %get3A_0 = arith.constant 0 : index
    %get3A_1 = vector.load %arg1[%get3A, %get3A_0] : memref<256x128xf32, #tpu.memory_space<vmem>>, vector<256x128xf32>
    %get3A_2 = arith.constant 0 : index
    %get3A_3 = arith.constant 0 : index
    %get3A_4 = vector.load %arg2[%get3A_2, %get3A_3] : memref<128x256xf32, #tpu.memory_space<vmem>>, vector<128x256xf32>
    %dot_general3A = arith.constant dense<0.000000e+00> : vector<256x256xf32>
    %dot_general3A_5 = tpu.matmul %get3A_1, %get3A_4, %dot_general3A {dimension_numbers = #tpu.dot_dimension_numbers<[1], [0], [0], [1], [0, 0, 1, 1], [], []>, transpose_lhs_hint = false} : vector<256x128xf32>, vector<128x256xf32>, vector<256x256xf32> -> vector<256x256xf32>
    %slice3A = vector.extract_strided_slice %dot_general3A_5 {offsets = [0, 0], sizes = [256, 64], strides = [1, 1]} : vector<256x256xf32> to vector<256x64xf32>
    %swap3A = arith.constant 0 : index
    %swap3A_6 = arith.constant 0 : index
    %swap3A_7 = vector.load %arg5[%swap3A, %swap3A_6] : memref<256x64xf32, #tpu.memory_space<vmem>>, vector<256x64xf32>
    tpu.vector_store %arg5[%swap3A, %swap3A_6], %slice3A {strides = array<i32>} : memref<256x64xf32, #tpu.memory_space<vmem>>, vector<256x64xf32>,
    %slice3A_8 = vector.extract_strided_slice %dot_general3A_5 {offsets = [0, 64], sizes = [256, 64], strides = [1, 1]} : vector<256x256xf32> to vector<256x64xf32>
    %swap3A_9 = arith.constant 0 : index
    %swap3A_10 = arith.constant 0 : index
    %swap3A_11 = vector.load %arg6[%swap3A_9, %swap3A_10] : memref<256x64xf32, #tpu.memory_space<vmem>>, vector<256x64xf32>
    tpu.vector_store %arg6[%swap3A_9, %swap3A_10], %slice3A_8 {strides = array<i32>} : memref<256x64xf32, #tpu.memory_space<vmem>>, vector<256x64xf32>,
    %slice3A_12 = vector.extract_strided_slice %dot_general3A_5 {offsets = [0, 128], sizes = [256, 64], strides = [1, 1]} : vector<256x256xf32> to vector<256x64xf32>
    %swap3A_13 = arith.constant 0 : index
    %swap3A_14 = arith.constant 0 : index
    %swap3A_15 = vector.load %arg7[%swap3A_13, %swap3A_14] : memref<256x64xf32, #tpu.memory_space<vmem>>, vector<256x64xf32>
    tpu.vector_store %arg7[%swap3A_13, %swap3A_14], %slice3A_12 {strides = array<i32>} : memref<256x64xf32, #tpu.memory_space<vmem>>, vector<256x64xf32>,
    %slice3A_16 = vector.extract_strided_slice %dot_general3A_5 {offsets = [0, 192], sizes = [256, 64], strides = [1, 1]} : vector<256x256xf32> to vector<256x64xf32>
    %swap3A_17 = arith.constant 0 : index
    %swap3A_18 = arith.constant 0 : index
    %swap3A_19 = vector.load %arg8[%swap3A_17, %swap3A_18] : memref<256x64xf32, #tpu.memory_space<vmem>>, vector<256x64xf32>
    tpu.vector_store %arg8[%swap3A_17, %swap3A_18], %slice3A_16 {strides = array<i32>} : memref<256x64xf32, #tpu.memory_space<vmem>>, vector<256x64xf32>,
    %get3A_20 = arith.constant 0 : index
    %get3A_21 = arith.constant 0 : index
    %get3A_22 = vector.load %arg3[%get3A_20, %get3A_21] : memref<256x8xf32, #tpu.memory_space<vmem>>, vector<256x8xf32>
    %dot_general3A_23 = arith.constant dense<0.000000e+00> : vector<256x8xf32>
    %dot_general3A_24 = tpu.matmul %dot_general3A_5, %get3A_22, %dot_general3A_23 {dimension_numbers = #tpu.dot_dimension_numbers<[1], [0], [0], [1], [0, 0, 1, 1], [], []>, transpose_lhs_hint = false} : vector<256x256xf32>, vector<256x8xf32>, vector<256x8xf32> -> vector<256x8xf32>
    %swap3A_25 = arith.constant 0 : index
    %swap3A_26 = arith.constant 0 : index
    %swap3A_27 = vector.load %arg9[%swap3A_25, %swap3A_26] : memref<256x8xf32, #tpu.memory_space<vmem>>, vector<256x8xf32>
    tpu.vector_store %arg9[%swap3A_25, %swap3A_26], %dot_general3A_24 {strides = array<i32>} : memref<256x8xf32, #tpu.memory_space<vmem>>, vector<256x8xf32>,
    %get3A_28 = arith.constant 0 : index
    %get3A_29 = arith.constant 0 : index
    %get3A_30 = vector.load %arg4[%get3A_28, %get3A_29] : memref<256x8xf32, #tpu.memory_space<vmem>>, vector<256x8xf32>
    %dot_general3A_31 = arith.constant dense<0.000000e+00> : vector<256x8xf32>
    %dot_general3A_32 = tpu.matmul %dot_general3A_5, %get3A_30, %dot_general3A_31 {dimension_numbers = #tpu.dot_dimension_numbers<[1], [0], [0], [1], [0, 0, 1, 1], [], []>, transpose_lhs_hint = false} : vector<256x256xf32>, vector<256x8xf32>, vector<256x8xf32> -> vector<256x8xf32>
    %swap3A_33 = arith.constant 0 : index
    %swap3A_34 = arith.constant 0 : index
    %swap3A_35 = vector.load %arg10[%swap3A_33, %swap3A_34] : memref<256x8xf32, #tpu.memory_space<vmem>>, vector<256x8xf32>
    tpu.vector_store %arg10[%swap3A_33, %swap3A_34], %dot_general3A_32 {strides = array<i32>} : memref<256x8xf32, #tpu.memory_space<vmem>>, vector<256x8xf32>,
    return
  }
  func.func @transform_0(%arg0: i32) -> (i32, i32) {
    %c0_i32 = arith.constant 0 : i32
    %c0_i32_0 = arith.constant 0 : i32
    return %arg0, %c0_i32 : i32, i32
  }
  func.func @transform_1(%arg0: i32) -> (i32, i32) {
    %c0_i32 = arith.constant 0 : i32
    %c0_i32_0 = arith.constant 0 : i32
    %c0_i32_1 = arith.constant 0 : i32
    return %c0_i32, %c0_i32_0 : i32, i32
  }
  func.func @transform_2(%arg0: i32) -> (i32, i32) {
    %c0_i32 = arith.constant 0 : i32
    %c0_i32_0 = arith.constant 0 : i32
    %c0_i32_1 = arith.constant 0 : i32
    return %c0_i32, %c0_i32_0 : i32, i32
  }
  func.func @transform_3(%arg0: i32) -> (i32, i32) {
    %c0_i32 = arith.constant 0 : i32
    %c0_i32_0 = arith.constant 0 : i32
    %c0_i32_1 = arith.constant 0 : i32
    return %c0_i32, %c0_i32_0 : i32, i32
  }
  func.func @transform_4(%arg0: i32) -> (i32, i32) {
    %c0_i32 = arith.constant 0 : i32
    %c0_i32_0 = arith.constant 0 : i32
    return %arg0, %c0_i32 : i32, i32
  }
  func.func @transform_5(%arg0: i32) -> (i32, i32) {
    %c0_i32 = arith.constant 0 : i32
    %c0_i32_0 = arith.constant 0 : i32
    return %arg0, %c0_i32 : i32, i32
  }
  func.func @transform_6(%arg0: i32) -> (i32, i32) {
    %c0_i32 = arith.constant 0 : i32
    %c0_i32_0 = arith.constant 0 : i32
    return %arg0, %c0_i32 : i32, i32
  }
  func.func @transform_7(%arg0: i32) -> (i32, i32) {
    %c0_i32 = arith.constant 0 : i32
    %c0_i32_0 = arith.constant 0 : i32
    return %arg0, %c0_i32 : i32, i32
  }
  func.func @transform_8(%arg0: i32) -> (i32, i32) {
    %c0_i32 = arith.constant 0 : i32
    %c0_i32_0 = arith.constant 0 : i32
    return %arg0, %c0_i32 : i32, i32
  }
  func.func @transform_9(%arg0: i32) -> (i32, i32) {
    %c0_i32 = arith.constant 0 : i32
    %c0_i32_0 = arith.constant 0 : i32
    return %arg0, %c0_i32 : i32, i32
  }
}

module attributes {stable_mosaic.version = 14 : i64} {
  func.func @_mid1_body(%arg0: i32, %arg1: memref<2x256x80xf32, #tpu.memory_space<vmem>>, %arg2: memref<2x256x80xf32, #tpu.memory_space<vmem>>, %arg3: memref<2x256x80xf32, #tpu.memory_space<vmem>>, %arg4: memref<2x256x80xf32, #tpu.memory_space<vmem>>, %arg5: memref<1x256xf32, #tpu.memory_space<vmem>>, %arg6: memref<256x64xf32, #tpu.memory_space<vmem>>, %arg7: memref<64x8xf32, #tpu.memory_space<vmem>>, %arg8: memref<64x8xf32, #tpu.memory_space<vmem>>, %arg9: memref<256x64xf32, #tpu.memory_space<vmem>>, %arg10: memref<256x8xf32, #tpu.memory_space<vmem>>, %arg11: memref<256x8xf32, #tpu.memory_space<vmem>>) attributes {dimension_semantics = [#tpu.dimension_semantics<arbitrary>], iteration_bounds = array<i64: 40>, scalar_prefetch = 0 : i64, scratch_operands = 0 : i64, tpu.core_type = #tpu.core_type<tc>, window_params = [{transform_indices = @transform_0, window_bounds = array<i64: 2, 256, 80>}, {transform_indices = @transform_1, window_bounds = array<i64: 2, 256, 80>}, {transform_indices = @transform_2, window_bounds = array<i64: 2, 256, 80>}, {transform_indices = @transform_3, window_bounds = array<i64: 2, 256, 80>}, {pipeline_mode = #tpu.pipeline_mode<synchronous>, transform_indices = @transform_4, window_bounds = array<i64: 1, 256>}, {pipeline_mode = #tpu.pipeline_mode<synchronous>, transform_indices = @transform_5, window_bounds = array<i64: 256, 64>}, {pipeline_mode = #tpu.pipeline_mode<synchronous>, transform_indices = @transform_6, window_bounds = array<i64: 64, 8>}, {pipeline_mode = #tpu.pipeline_mode<synchronous>, transform_indices = @transform_7, window_bounds = array<i64: 64, 8>}, {transform_indices = @transform_8, window_bounds = array<i64: 256, 64>}, {transform_indices = @transform_9, window_bounds = array<i64: 256, 8>}, {transform_indices = @transform_10, window_bounds = array<i64: 256, 8>}]} {
    %get3A = arith.constant 0 : index
    %get3A_0 = arith.constant 0 : index
    %get3A_1 = arith.constant 0 : index
    %get3A_2 = vector.load %arg1[%get3A, %get3A_0, %get3A_1] : memref<2x256x80xf32, #tpu.memory_space<vmem>>, vector<1x256x80xf32>
    %get3A_3 = vector.shape_cast %get3A_2 : vector<1x256x80xf32> to vector<256x80xf32>
    %get3A_4 = arith.constant 1 : index
    %get3A_5 = arith.constant 0 : index
    %get3A_6 = arith.constant 0 : index
    %get3A_7 = vector.load %arg1[%get3A_4, %get3A_5, %get3A_6] : memref<2x256x80xf32, #tpu.memory_space<vmem>>, vector<1x256x80xf32>
    %get3A_8 = vector.shape_cast %get3A_7 : vector<1x256x80xf32> to vector<256x80xf32>
    %add3A = arith.addf %get3A_3, %get3A_8 : vector<256x80xf32>
    %slice3A = vector.extract_strided_slice %add3A {offsets = [0, 0], sizes = [256, 64], strides = [1, 1]} : vector<256x80xf32> to vector<256x64xf32>
    %slice3A_9 = vector.extract_strided_slice %add3A {offsets = [0, 64], sizes = [256, 1], strides = [1, 1]} : vector<256x80xf32> to vector<256x1xf32>
    %add3A_10 = arith.constant 1.000000e-16 : f32
    %add3A_11 = vector.broadcast %add3A_10 : f32 to vector<256x1xf32>
    %add3A_12 = arith.addf %slice3A_9, %add3A_11 : vector<256x1xf32>
    %div3A = vector.broadcast %add3A_12 : vector<256x1xf32> to vector<256x64xf32>
    %div3A_13 = arith.divf %slice3A, %div3A : vector<256x64xf32>
    %get3A_14 = arith.constant 0 : index
    %get3A_15 = arith.constant 0 : index
    %get3A_16 = arith.constant 0 : index
    %get3A_17 = vector.load %arg2[%get3A_14, %get3A_15, %get3A_16] : memref<2x256x80xf32, #tpu.memory_space<vmem>>, vector<1x256x80xf32>
    %get3A_18 = vector.shape_cast %get3A_17 : vector<1x256x80xf32> to vector<256x80xf32>
    %get3A_19 = arith.constant 1 : index
    %get3A_20 = arith.constant 0 : index
    %get3A_21 = arith.constant 0 : index
    %get3A_22 = vector.load %arg2[%get3A_19, %get3A_20, %get3A_21] : memref<2x256x80xf32, #tpu.memory_space<vmem>>, vector<1x256x80xf32>
    %get3A_23 = vector.shape_cast %get3A_22 : vector<1x256x80xf32> to vector<256x80xf32>
    %add3A_24 = arith.addf %get3A_18, %get3A_23 : vector<256x80xf32>
    %slice3A_25 = vector.extract_strided_slice %add3A_24 {offsets = [0, 0], sizes = [256, 64], strides = [1, 1]} : vector<256x80xf32> to vector<256x64xf32>
    %slice3A_26 = vector.extract_strided_slice %add3A_24 {offsets = [0, 64], sizes = [256, 1], strides = [1, 1]} : vector<256x80xf32> to vector<256x1xf32>
    %add3A_27 = arith.constant 1.000000e-16 : f32
    %add3A_28 = vector.broadcast %add3A_27 : f32 to vector<256x1xf32>
    %add3A_29 = arith.addf %slice3A_26, %add3A_28 : vector<256x1xf32>
    %div3A_30 = vector.broadcast %add3A_29 : vector<256x1xf32> to vector<256x64xf32>
    %div3A_31 = arith.divf %slice3A_25, %div3A_30 : vector<256x64xf32>
    %get3A_32 = arith.constant 0 : index
    %get3A_33 = arith.constant 0 : index
    %get3A_34 = arith.constant 0 : index
    %get3A_35 = vector.load %arg3[%get3A_32, %get3A_33, %get3A_34] : memref<2x256x80xf32, #tpu.memory_space<vmem>>, vector<1x256x80xf32>
    %get3A_36 = vector.shape_cast %get3A_35 : vector<1x256x80xf32> to vector<256x80xf32>
    %get3A_37 = arith.constant 1 : index
    %get3A_38 = arith.constant 0 : index
    %get3A_39 = arith.constant 0 : index
    %get3A_40 = vector.load %arg3[%get3A_37, %get3A_38, %get3A_39] : memref<2x256x80xf32, #tpu.memory_space<vmem>>, vector<1x256x80xf32>
    %get3A_41 = vector.shape_cast %get3A_40 : vector<1x256x80xf32> to vector<256x80xf32>
    %add3A_42 = arith.addf %get3A_36, %get3A_41 : vector<256x80xf32>
    %slice3A_43 = vector.extract_strided_slice %add3A_42 {offsets = [0, 0], sizes = [256, 64], strides = [1, 1]} : vector<256x80xf32> to vector<256x64xf32>
    %slice3A_44 = vector.extract_strided_slice %add3A_42 {offsets = [0, 64], sizes = [256, 1], strides = [1, 1]} : vector<256x80xf32> to vector<256x1xf32>
    %add3A_45 = arith.constant 1.000000e-16 : f32
    %add3A_46 = vector.broadcast %add3A_45 : f32 to vector<256x1xf32>
    %add3A_47 = arith.addf %slice3A_44, %add3A_46 : vector<256x1xf32>
    %div3A_48 = vector.broadcast %add3A_47 : vector<256x1xf32> to vector<256x64xf32>
    %div3A_49 = arith.divf %slice3A_43, %div3A_48 : vector<256x64xf32>
    %get3A_50 = arith.constant 0 : index
    %get3A_51 = arith.constant 0 : index
    %get3A_52 = arith.constant 0 : index
    %get3A_53 = vector.load %arg4[%get3A_50, %get3A_51, %get3A_52] : memref<2x256x80xf32, #tpu.memory_space<vmem>>, vector<1x256x80xf32>
    %get3A_54 = vector.shape_cast %get3A_53 : vector<1x256x80xf32> to vector<256x80xf32>
    %get3A_55 = arith.constant 1 : index
    %get3A_56 = arith.constant 0 : index
    %get3A_57 = arith.constant 0 : index
    %get3A_58 = vector.load %arg4[%get3A_55, %get3A_56, %get3A_57] : memref<2x256x80xf32, #tpu.memory_space<vmem>>, vector<1x256x80xf32>
    %get3A_59 = vector.shape_cast %get3A_58 : vector<1x256x80xf32> to vector<256x80xf32>
    %add3A_60 = arith.addf %get3A_54, %get3A_59 : vector<256x80xf32>
    %slice3A_61 = vector.extract_strided_slice %add3A_60 {offsets = [0, 0], sizes = [256, 64], strides = [1, 1]} : vector<256x80xf32> to vector<256x64xf32>
    %slice3A_62 = vector.extract_strided_slice %add3A_60 {offsets = [0, 64], sizes = [256, 1], strides = [1, 1]} : vector<256x80xf32> to vector<256x1xf32>
    %add3A_63 = arith.constant 1.000000e-16 : f32
    %add3A_64 = vector.broadcast %add3A_63 : f32 to vector<256x1xf32>
    %add3A_65 = arith.addf %slice3A_62, %add3A_64 : vector<256x1xf32>
    %div3A_66 = vector.broadcast %add3A_65 : vector<256x1xf32> to vector<256x64xf32>
    %div3A_67 = arith.divf %slice3A_61, %div3A_66 : vector<256x64xf32>
    %concatenate3A = tpu.concatenate %div3A_13, %div3A_31, %div3A_49, %div3A_67 in 1 : vector<256x64xf32>, vector<256x64xf32>, vector<256x64xf32>, vector<256x64xf32> -> vector<256x256xf32>
    %get3A_68 = arith.constant 0 : index
    %get3A_69 = arith.constant 0 : index
    %get3A_70 = vector.load %arg5[%get3A_68, %get3A_69] : memref<1x256xf32, #tpu.memory_space<vmem>>, vector<1x256xf32>
    %add3A_71 = vector.broadcast %get3A_70 : vector<1x256xf32> to vector<256x256xf32>
    %add3A_72 = arith.addf %concatenate3A, %add3A_71 : vector<256x256xf32>
    %max3A = arith.constant 0.000000e+00 : f32
    %max3A_73 = vector.broadcast %max3A : f32 to vector<256x256xf32>
    %max3A_74 = arith.maximumf %add3A_72, %max3A_73 : vector<256x256xf32>
    %get3A_75 = arith.constant 0 : index
    %get3A_76 = arith.constant 0 : index
    %get3A_77 = vector.load %arg6[%get3A_75, %get3A_76] : memref<256x64xf32, #tpu.memory_space<vmem>>, vector<256x64xf32>
    %dot_general3A = arith.constant dense<0.000000e+00> : vector<256x64xf32>
    %dot_general3A_78 = tpu.matmul %max3A_74, %get3A_77, %dot_general3A {dimension_numbers = #tpu.dot_dimension_numbers<[1], [0], [0], [1], [0, 0, 1, 1], [], []>, transpose_lhs_hint = false} : vector<256x256xf32>, vector<256x64xf32>, vector<256x64xf32> -> vector<256x64xf32>
    %swap3A = arith.constant 0 : index
    %swap3A_79 = arith.constant 0 : index
    %swap3A_80 = vector.load %arg9[%swap3A, %swap3A_79] : memref<256x64xf32, #tpu.memory_space<vmem>>, vector<256x64xf32>
    tpu.vector_store %arg9[%swap3A, %swap3A_79], %dot_general3A_78 {strides = array<i32>} : memref<256x64xf32, #tpu.memory_space<vmem>>, vector<256x64xf32>,
    %get3A_81 = arith.constant 0 : index
    %get3A_82 = arith.constant 0 : index
    %get3A_83 = vector.load %arg7[%get3A_81, %get3A_82] : memref<64x8xf32, #tpu.memory_space<vmem>>, vector<64x8xf32>
    %dot_general3A_84 = arith.constant dense<0.000000e+00> : vector<256x8xf32>
    %dot_general3A_85 = tpu.matmul %dot_general3A_78, %get3A_83, %dot_general3A_84 {dimension_numbers = #tpu.dot_dimension_numbers<[1], [0], [0], [1], [0, 0, 1, 1], [], []>, transpose_lhs_hint = false} : vector<256x64xf32>, vector<64x8xf32>, vector<256x8xf32> -> vector<256x8xf32>
    %swap3A_86 = arith.constant 0 : index
    %swap3A_87 = arith.constant 0 : index
    %swap3A_88 = vector.load %arg10[%swap3A_86, %swap3A_87] : memref<256x8xf32, #tpu.memory_space<vmem>>, vector<256x8xf32>
    tpu.vector_store %arg10[%swap3A_86, %swap3A_87], %dot_general3A_85 {strides = array<i32>} : memref<256x8xf32, #tpu.memory_space<vmem>>, vector<256x8xf32>,
    %get3A_89 = arith.constant 0 : index
    %get3A_90 = arith.constant 0 : index
    %get3A_91 = vector.load %arg8[%get3A_89, %get3A_90] : memref<64x8xf32, #tpu.memory_space<vmem>>, vector<64x8xf32>
    %dot_general3A_92 = arith.constant dense<0.000000e+00> : vector<256x8xf32>
    %dot_general3A_93 = tpu.matmul %dot_general3A_78, %get3A_91, %dot_general3A_92 {dimension_numbers = #tpu.dot_dimension_numbers<[1], [0], [0], [1], [0, 0, 1, 1], [], []>, transpose_lhs_hint = false} : vector<256x64xf32>, vector<64x8xf32>, vector<256x8xf32> -> vector<256x8xf32>
    %swap3A_94 = arith.constant 0 : index
    %swap3A_95 = arith.constant 0 : index
    %swap3A_96 = vector.load %arg11[%swap3A_94, %swap3A_95] : memref<256x8xf32, #tpu.memory_space<vmem>>, vector<256x8xf32>
    tpu.vector_store %arg11[%swap3A_94, %swap3A_95], %dot_general3A_93 {strides = array<i32>} : memref<256x8xf32, #tpu.memory_space<vmem>>, vector<256x8xf32>,
    return
  }
  func.func @transform_0(%arg0: i32) -> (i32, i32, i32) {
    %c0_i32 = arith.constant 0 : i32
    %c0_i32_0 = arith.constant 0 : i32
    %c0_i32_1 = arith.constant 0 : i32
    return %c0_i32, %arg0, %c0_i32_0 : i32, i32, i32
  }
  func.func @transform_1(%arg0: i32) -> (i32, i32, i32) {
    %c0_i32 = arith.constant 0 : i32
    %c0_i32_0 = arith.constant 0 : i32
    %c0_i32_1 = arith.constant 0 : i32
    return %c0_i32, %arg0, %c0_i32_0 : i32, i32, i32
  }
  func.func @transform_2(%arg0: i32) -> (i32, i32, i32) {
    %c0_i32 = arith.constant 0 : i32
    %c0_i32_0 = arith.constant 0 : i32
    %c0_i32_1 = arith.constant 0 : i32
    return %c0_i32, %arg0, %c0_i32_0 : i32, i32, i32
  }
  func.func @transform_3(%arg0: i32) -> (i32, i32, i32) {
    %c0_i32 = arith.constant 0 : i32
    %c0_i32_0 = arith.constant 0 : i32
    %c0_i32_1 = arith.constant 0 : i32
    return %c0_i32, %arg0, %c0_i32_0 : i32, i32, i32
  }
  func.func @transform_4(%arg0: i32) -> (i32, i32) {
    %c0_i32 = arith.constant 0 : i32
    %c0_i32_0 = arith.constant 0 : i32
    %c0_i32_1 = arith.constant 0 : i32
    return %c0_i32, %c0_i32_0 : i32, i32
  }
  func.func @transform_5(%arg0: i32) -> (i32, i32) {
    %c0_i32 = arith.constant 0 : i32
    %c0_i32_0 = arith.constant 0 : i32
    %c0_i32_1 = arith.constant 0 : i32
    return %c0_i32, %c0_i32_0 : i32, i32
  }
  func.func @transform_6(%arg0: i32) -> (i32, i32) {
    %c0_i32 = arith.constant 0 : i32
    %c0_i32_0 = arith.constant 0 : i32
    %c0_i32_1 = arith.constant 0 : i32
    return %c0_i32, %c0_i32_0 : i32, i32
  }
  func.func @transform_7(%arg0: i32) -> (i32, i32) {
    %c0_i32 = arith.constant 0 : i32
    %c0_i32_0 = arith.constant 0 : i32
    %c0_i32_1 = arith.constant 0 : i32
    return %c0_i32, %c0_i32_0 : i32, i32
  }
  func.func @transform_8(%arg0: i32) -> (i32, i32) {
    %c0_i32 = arith.constant 0 : i32
    %c0_i32_0 = arith.constant 0 : i32
    return %arg0, %c0_i32 : i32, i32
  }
  func.func @transform_9(%arg0: i32) -> (i32, i32) {
    %c0_i32 = arith.constant 0 : i32
    %c0_i32_0 = arith.constant 0 : i32
    return %arg0, %c0_i32 : i32, i32
  }
  func.func @transform_10(%arg0: i32) -> (i32, i32) {
    %c0_i32 = arith.constant 0 : i32
    %c0_i32_0 = arith.constant 0 : i32
    return %arg0, %c0_i32 : i32, i32
  }
}

module attributes {stable_mosaic.version = 14 : i64} {
  func.func @_mid2_body(%arg0: i32, %arg1: memref<2x256x80xf32, #tpu.memory_space<vmem>>, %arg2: memref<1x64xf32, #tpu.memory_space<vmem>>, %arg3: memref<64x64xf32, #tpu.memory_space<vmem>>, %arg4: memref<64x8xf32, #tpu.memory_space<vmem>>, %arg5: memref<64x8xf32, #tpu.memory_space<vmem>>, %arg6: memref<256x64xf32, #tpu.memory_space<vmem>>, %arg7: memref<256x8xf32, #tpu.memory_space<vmem>>, %arg8: memref<256x8xf32, #tpu.memory_space<vmem>>) attributes {dimension_semantics = [#tpu.dimension_semantics<arbitrary>], iteration_bounds = array<i64: 40>, scalar_prefetch = 0 : i64, scratch_operands = 0 : i64, tpu.core_type = #tpu.core_type<tc>, window_params = [{transform_indices = @transform_0, window_bounds = array<i64: 2, 256, 80>}, {pipeline_mode = #tpu.pipeline_mode<synchronous>, transform_indices = @transform_1, window_bounds = array<i64: 1, 64>}, {pipeline_mode = #tpu.pipeline_mode<synchronous>, transform_indices = @transform_2, window_bounds = array<i64: 64, 64>}, {pipeline_mode = #tpu.pipeline_mode<synchronous>, transform_indices = @transform_3, window_bounds = array<i64: 64, 8>}, {pipeline_mode = #tpu.pipeline_mode<synchronous>, transform_indices = @transform_4, window_bounds = array<i64: 64, 8>}, {transform_indices = @transform_5, window_bounds = array<i64: 256, 64>}, {transform_indices = @transform_6, window_bounds = array<i64: 256, 8>}, {transform_indices = @transform_7, window_bounds = array<i64: 256, 8>}]} {
    %get3A = arith.constant 0 : index
    %get3A_0 = arith.constant 0 : index
    %get3A_1 = arith.constant 0 : index
    %get3A_2 = vector.load %arg1[%get3A, %get3A_0, %get3A_1] : memref<2x256x80xf32, #tpu.memory_space<vmem>>, vector<1x256x80xf32>
    %get3A_3 = vector.shape_cast %get3A_2 : vector<1x256x80xf32> to vector<256x80xf32>
    %get3A_4 = arith.constant 1 : index
    %get3A_5 = arith.constant 0 : index
    %get3A_6 = arith.constant 0 : index
    %get3A_7 = vector.load %arg1[%get3A_4, %get3A_5, %get3A_6] : memref<2x256x80xf32, #tpu.memory_space<vmem>>, vector<1x256x80xf32>
    %get3A_8 = vector.shape_cast %get3A_7 : vector<1x256x80xf32> to vector<256x80xf32>
    %add3A = arith.addf %get3A_3, %get3A_8 : vector<256x80xf32>
    %slice3A = vector.extract_strided_slice %add3A {offsets = [0, 0], sizes = [256, 64], strides = [1, 1]} : vector<256x80xf32> to vector<256x64xf32>
    %slice3A_9 = vector.extract_strided_slice %add3A {offsets = [0, 64], sizes = [256, 1], strides = [1, 1]} : vector<256x80xf32> to vector<256x1xf32>
    %add3A_10 = arith.constant 1.000000e-16 : f32
    %add3A_11 = vector.broadcast %add3A_10 : f32 to vector<256x1xf32>
    %add3A_12 = arith.addf %slice3A_9, %add3A_11 : vector<256x1xf32>
    %div3A = vector.broadcast %add3A_12 : vector<256x1xf32> to vector<256x64xf32>
    %div3A_13 = arith.divf %slice3A, %div3A : vector<256x64xf32>
    %get3A_14 = arith.constant 0 : index
    %get3A_15 = arith.constant 0 : index
    %get3A_16 = vector.load %arg2[%get3A_14, %get3A_15] : memref<1x64xf32, #tpu.memory_space<vmem>>, vector<1x64xf32>
    %add3A_17 = vector.broadcast %get3A_16 : vector<1x64xf32> to vector<256x64xf32>
    %add3A_18 = arith.addf %div3A_13, %add3A_17 : vector<256x64xf32>
    %max3A = arith.constant 0.000000e+00 : f32
    %max3A_19 = vector.broadcast %max3A : f32 to vector<256x64xf32>
    %max3A_20 = arith.maximumf %add3A_18, %max3A_19 : vector<256x64xf32>
    %get3A_21 = arith.constant 0 : index
    %get3A_22 = arith.constant 0 : index
    %get3A_23 = vector.load %arg3[%get3A_21, %get3A_22] : memref<64x64xf32, #tpu.memory_space<vmem>>, vector<64x64xf32>
    %dot_general3A = arith.constant dense<0.000000e+00> : vector<256x64xf32>
    %dot_general3A_24 = tpu.matmul %max3A_20, %get3A_23, %dot_general3A {dimension_numbers = #tpu.dot_dimension_numbers<[1], [0], [0], [1], [0, 0, 1, 1], [], []>, transpose_lhs_hint = false} : vector<256x64xf32>, vector<64x64xf32>, vector<256x64xf32> -> vector<256x64xf32>
    %swap3A = arith.constant 0 : index
    %swap3A_25 = arith.constant 0 : index
    %swap3A_26 = vector.load %arg6[%swap3A, %swap3A_25] : memref<256x64xf32, #tpu.memory_space<vmem>>, vector<256x64xf32>
    tpu.vector_store %arg6[%swap3A, %swap3A_25], %dot_general3A_24 {strides = array<i32>} : memref<256x64xf32, #tpu.memory_space<vmem>>, vector<256x64xf32>,
    %get3A_27 = arith.constant 0 : index
    %get3A_28 = arith.constant 0 : index
    %get3A_29 = vector.load %arg4[%get3A_27, %get3A_28] : memref<64x8xf32, #tpu.memory_space<vmem>>, vector<64x8xf32>
    %dot_general3A_30 = arith.constant dense<0.000000e+00> : vector<256x8xf32>
    %dot_general3A_31 = tpu.matmul %dot_general3A_24, %get3A_29, %dot_general3A_30 {dimension_numbers = #tpu.dot_dimension_numbers<[1], [0], [0], [1], [0, 0, 1, 1], [], []>, transpose_lhs_hint = false} : vector<256x64xf32>, vector<64x8xf32>, vector<256x8xf32> -> vector<256x8xf32>
    %swap3A_32 = arith.constant 0 : index
    %swap3A_33 = arith.constant 0 : index
    %swap3A_34 = vector.load %arg7[%swap3A_32, %swap3A_33] : memref<256x8xf32, #tpu.memory_space<vmem>>, vector<256x8xf32>
    tpu.vector_store %arg7[%swap3A_32, %swap3A_33], %dot_general3A_31 {strides = array<i32>} : memref<256x8xf32, #tpu.memory_space<vmem>>, vector<256x8xf32>,
    %get3A_35 = arith.constant 0 : index
    %get3A_36 = arith.constant 0 : index
    %get3A_37 = vector.load %arg5[%get3A_35, %get3A_36] : memref<64x8xf32, #tpu.memory_space<vmem>>, vector<64x8xf32>
    %dot_general3A_38 = arith.constant dense<0.000000e+00> : vector<256x8xf32>
    %dot_general3A_39 = tpu.matmul %dot_general3A_24, %get3A_37, %dot_general3A_38 {dimension_numbers = #tpu.dot_dimension_numbers<[1], [0], [0], [1], [0, 0, 1, 1], [], []>, transpose_lhs_hint = false} : vector<256x64xf32>, vector<64x8xf32>, vector<256x8xf32> -> vector<256x8xf32>
    %swap3A_40 = arith.constant 0 : index
    %swap3A_41 = arith.constant 0 : index
    %swap3A_42 = vector.load %arg8[%swap3A_40, %swap3A_41] : memref<256x8xf32, #tpu.memory_space<vmem>>, vector<256x8xf32>
    tpu.vector_store %arg8[%swap3A_40, %swap3A_41], %dot_general3A_39 {strides = array<i32>} : memref<256x8xf32, #tpu.memory_space<vmem>>, vector<256x8xf32>,
    return
  }
  func.func @transform_0(%arg0: i32) -> (i32, i32, i32) {
    %c0_i32 = arith.constant 0 : i32
    %c0_i32_0 = arith.constant 0 : i32
    %c0_i32_1 = arith.constant 0 : i32
    return %c0_i32, %arg0, %c0_i32_0 : i32, i32, i32
  }
  func.func @transform_1(%arg0: i32) -> (i32, i32) {
    %c0_i32 = arith.constant 0 : i32
    %c0_i32_0 = arith.constant 0 : i32
    %c0_i32_1 = arith.constant 0 : i32
    return %c0_i32, %c0_i32_0 : i32, i32
  }
  func.func @transform_2(%arg0: i32) -> (i32, i32) {
    %c0_i32 = arith.constant 0 : i32
    %c0_i32_0 = arith.constant 0 : i32
    %c0_i32_1 = arith.constant 0 : i32
    return %c0_i32, %c0_i32_0 : i32, i32
  }
  func.func @transform_3(%arg0: i32) -> (i32, i32) {
    %c0_i32 = arith.constant 0 : i32
    %c0_i32_0 = arith.constant 0 : i32
    %c0_i32_1 = arith.constant 0 : i32
    return %c0_i32, %c0_i32_0 : i32, i32
  }
  func.func @transform_4(%arg0: i32) -> (i32, i32) {
    %c0_i32 = arith.constant 0 : i32
    %c0_i32_0 = arith.constant 0 : i32
    %c0_i32_1 = arith.constant 0 : i32
    return %c0_i32, %c0_i32_0 : i32, i32
  }
  func.func @transform_5(%arg0: i32) -> (i32, i32) {
    %c0_i32 = arith.constant 0 : i32
    %c0_i32_0 = arith.constant 0 : i32
    return %arg0, %c0_i32 : i32, i32
  }
  func.func @transform_6(%arg0: i32) -> (i32, i32) {
    %c0_i32 = arith.constant 0 : i32
    %c0_i32_0 = arith.constant 0 : i32
    return %arg0, %c0_i32 : i32, i32
  }
  func.func @transform_7(%arg0: i32) -> (i32, i32) {
    %c0_i32 = arith.constant 0 : i32
    %c0_i32_0 = arith.constant 0 : i32
    return %arg0, %c0_i32 : i32, i32
  }
}

module attributes {stable_mosaic.version = 14 : i64} {
  func.func @_post3_body(%arg0: i32, %arg1: memref<2x256x80xf32, #tpu.memory_space<vmem>>, %arg2: memref<1x64xf32, #tpu.memory_space<vmem>>, %arg3: memref<256x64xf32, #tpu.memory_space<vmem>>) attributes {dimension_semantics = [#tpu.dimension_semantics<arbitrary>], iteration_bounds = array<i64: 40>, scalar_prefetch = 0 : i64, scratch_operands = 0 : i64, tpu.core_type = #tpu.core_type<tc>, window_params = [{transform_indices = @transform_0, window_bounds = array<i64: 2, 256, 80>}, {pipeline_mode = #tpu.pipeline_mode<synchronous>, transform_indices = @transform_1, window_bounds = array<i64: 1, 64>}, {transform_indices = @transform_2, window_bounds = array<i64: 256, 64>}]} {
    %get3A = arith.constant 0 : index
    %get3A_0 = arith.constant 0 : index
    %get3A_1 = arith.constant 0 : index
    %get3A_2 = vector.load %arg1[%get3A, %get3A_0, %get3A_1] : memref<2x256x80xf32, #tpu.memory_space<vmem>>, vector<1x256x80xf32>
    %get3A_3 = vector.shape_cast %get3A_2 : vector<1x256x80xf32> to vector<256x80xf32>
    %get3A_4 = arith.constant 1 : index
    %get3A_5 = arith.constant 0 : index
    %get3A_6 = arith.constant 0 : index
    %get3A_7 = vector.load %arg1[%get3A_4, %get3A_5, %get3A_6] : memref<2x256x80xf32, #tpu.memory_space<vmem>>, vector<1x256x80xf32>
    %get3A_8 = vector.shape_cast %get3A_7 : vector<1x256x80xf32> to vector<256x80xf32>
    %add3A = arith.addf %get3A_3, %get3A_8 : vector<256x80xf32>
    %slice3A = vector.extract_strided_slice %add3A {offsets = [0, 0], sizes = [256, 64], strides = [1, 1]} : vector<256x80xf32> to vector<256x64xf32>
    %slice3A_9 = vector.extract_strided_slice %add3A {offsets = [0, 64], sizes = [256, 1], strides = [1, 1]} : vector<256x80xf32> to vector<256x1xf32>
    %add3A_10 = arith.constant 1.000000e-16 : f32
    %add3A_11 = vector.broadcast %add3A_10 : f32 to vector<256x1xf32>
    %add3A_12 = arith.addf %slice3A_9, %add3A_11 : vector<256x1xf32>
    %div3A = vector.broadcast %add3A_12 : vector<256x1xf32> to vector<256x64xf32>
    %div3A_13 = arith.divf %slice3A, %div3A : vector<256x64xf32>
    %get3A_14 = arith.constant 0 : index
    %get3A_15 = arith.constant 0 : index
    %get3A_16 = vector.load %arg2[%get3A_14, %get3A_15] : memref<1x64xf32, #tpu.memory_space<vmem>>, vector<1x64xf32>
    %add3A_17 = vector.broadcast %get3A_16 : vector<1x64xf32> to vector<256x64xf32>
    %add3A_18 = arith.addf %div3A_13, %add3A_17 : vector<256x64xf32>
    %max3A = arith.constant 0.000000e+00 : f32
    %max3A_19 = vector.broadcast %max3A : f32 to vector<256x64xf32>
    %max3A_20 = arith.maximumf %add3A_18, %max3A_19 : vector<256x64xf32>
    %swap3A = arith.constant 0 : index
    %swap3A_21 = arith.constant 0 : index
    %swap3A_22 = vector.load %arg3[%swap3A, %swap3A_21] : memref<256x64xf32, #tpu.memory_space<vmem>>, vector<256x64xf32>
    tpu.vector_store %arg3[%swap3A, %swap3A_21], %max3A_20 {strides = array<i32>} : memref<256x64xf32, #tpu.memory_space<vmem>>, vector<256x64xf32>,
    return
  }
  func.func @transform_0(%arg0: i32) -> (i32, i32, i32) {
    %c0_i32 = arith.constant 0 : i32
    %c0_i32_0 = arith.constant 0 : i32
    %c0_i32_1 = arith.constant 0 : i32
    return %c0_i32, %arg0, %c0_i32_0 : i32, i32, i32
  }
  func.func @transform_1(%arg0: i32) -> (i32, i32) {
    %c0_i32 = arith.constant 0 : i32
    %c0_i32_0 = arith.constant 0 : i32
    %c0_i32_1 = arith.constant 0 : i32
    return %c0_i32, %c0_i32_0 : i32, i32
  }
  func.func @transform_2(%arg0: i32) -> (i32, i32) {
    %c0_i32 = arith.constant 0 : i32
    %c0_i32_0 = arith.constant 0 : i32
    return %arg0, %c0_i32 : i32, i32
  }
}

module attributes {stable_mosaic.version = 14 : i64} {
  func.func @_mlp_body(%arg0: memref<1000x640xf32, #tpu.memory_space<vmem>>, %arg1: memref<640x64xf32, #tpu.memory_space<vmem>>, %arg2: memref<1x64xf32, #tpu.memory_space<vmem>>, %arg3: memref<64x32xf32, #tpu.memory_space<vmem>>, %arg4: memref<1x32xf32, #tpu.memory_space<vmem>>, %arg5: memref<32x8xf32, #tpu.memory_space<vmem>>, %arg6: memref<1x8xf32, #tpu.memory_space<vmem>>, %arg7: memref<1000x8xf32, #tpu.memory_space<vmem>>, %arg8: memref<1000x8xf32, #tpu.memory_space<vmem>>, %arg9: memref<1000x8xf32, #tpu.memory_space<vmem>>) attributes {dimension_semantics = [], scalar_prefetch = 0 : i64, scratch_operands = 0 : i64, tpu.core_type = #tpu.core_type<tc>} {
    %get3A = arith.constant 0 : index
    %get3A_0 = arith.constant 0 : index
    %get3A_1 = vector.load %arg0[%get3A, %get3A_0] : memref<1000x640xf32, #tpu.memory_space<vmem>>, vector<1000x640xf32>
    %get3A_2 = arith.constant 0 : index
    %get3A_3 = arith.constant 0 : index
    %get3A_4 = vector.load %arg1[%get3A_2, %get3A_3] : memref<640x64xf32, #tpu.memory_space<vmem>>, vector<640x64xf32>
    %dot_general3A = arith.constant dense<0.000000e+00> : vector<1000x64xf32>
    %dot_general3A_5 = tpu.matmul %get3A_1, %get3A_4, %dot_general3A {dimension_numbers = #tpu.dot_dimension_numbers<[1], [0], [0], [1], [0, 0, 1, 1], [], []>, transpose_lhs_hint = false} : vector<1000x640xf32>, vector<640x64xf32>, vector<1000x64xf32> -> vector<1000x64xf32>
    %get3A_6 = arith.constant 0 : index
    %get3A_7 = arith.constant 0 : index
    %get3A_8 = vector.load %arg2[%get3A_6, %get3A_7] : memref<1x64xf32, #tpu.memory_space<vmem>>, vector<1x64xf32>
    %add3A = vector.broadcast %get3A_8 : vector<1x64xf32> to vector<1000x64xf32>
    %add3A_9 = arith.addf %dot_general3A_5, %add3A : vector<1000x64xf32>
    %max3A = arith.constant 0.000000e+00 : f32
    %max3A_10 = vector.broadcast %max3A : f32 to vector<1000x64xf32>
    %max3A_11 = arith.maximumf %add3A_9, %max3A_10 : vector<1000x64xf32>
    %get3A_12 = arith.constant 0 : index
    %get3A_13 = arith.constant 0 : index
    %get3A_14 = vector.load %arg3[%get3A_12, %get3A_13] : memref<64x32xf32, #tpu.memory_space<vmem>>, vector<64x32xf32>
    %dot_general3A_15 = arith.constant dense<0.000000e+00> : vector<1000x32xf32>
    %dot_general3A_16 = tpu.matmul %max3A_11, %get3A_14, %dot_general3A_15 {dimension_numbers = #tpu.dot_dimension_numbers<[1], [0], [0], [1], [0, 0, 1, 1], [], []>, transpose_lhs_hint = false} : vector<1000x64xf32>, vector<64x32xf32>, vector<1000x32xf32> -> vector<1000x32xf32>
    %get3A_17 = arith.constant 0 : index
    %get3A_18 = arith.constant 0 : index
    %get3A_19 = vector.load %arg4[%get3A_17, %get3A_18] : memref<1x32xf32, #tpu.memory_space<vmem>>, vector<1x32xf32>
    %add3A_20 = vector.broadcast %get3A_19 : vector<1x32xf32> to vector<1000x32xf32>
    %add3A_21 = arith.addf %dot_general3A_16, %add3A_20 : vector<1000x32xf32>
    %max3A_22 = arith.constant 0.000000e+00 : f32
    %max3A_23 = vector.broadcast %max3A_22 : f32 to vector<1000x32xf32>
    %max3A_24 = arith.maximumf %add3A_21, %max3A_23 : vector<1000x32xf32>
    %get3A_25 = arith.constant 0 : index
    %get3A_26 = arith.constant 0 : index
    %get3A_27 = vector.load %arg5[%get3A_25, %get3A_26] : memref<32x8xf32, #tpu.memory_space<vmem>>, vector<32x8xf32>
    %dot_general3A_28 = arith.constant dense<0.000000e+00> : vector<1000x8xf32>
    %dot_general3A_29 = tpu.matmul %max3A_24, %get3A_27, %dot_general3A_28 {dimension_numbers = #tpu.dot_dimension_numbers<[1], [0], [0], [1], [0, 0, 1, 1], [], []>, transpose_lhs_hint = false} : vector<1000x32xf32>, vector<32x8xf32>, vector<1000x8xf32> -> vector<1000x8xf32>
    %get3A_30 = arith.constant 0 : index
    %get3A_31 = arith.constant 0 : index
    %get3A_32 = vector.load %arg6[%get3A_30, %get3A_31] : memref<1x8xf32, #tpu.memory_space<vmem>>, vector<1x8xf32>
    %add3A_33 = vector.broadcast %get3A_32 : vector<1x8xf32> to vector<1000x8xf32>
    %add3A_34 = arith.addf %dot_general3A_29, %add3A_33 : vector<1000x8xf32>
    %reduce_max3A = arith.constant dense<0xFF800000> : vector<1000xf32>
    %reduce_max3A_35 = vector.multi_reduction <maximumf>, %add3A_34, %reduce_max3A [1] : vector<1000x8xf32> to vector<1000xf32>
    %broadcast_in_dim3A = vector.shape_cast %reduce_max3A_35 : vector<1000xf32> to vector<1000x1xf32>
    %sub3A = vector.broadcast %broadcast_in_dim3A : vector<1000x1xf32> to vector<1000x8xf32>
    %sub3A_36 = arith.subf %add3A_34, %sub3A : vector<1000x8xf32>
    %exp3A = math.exp %sub3A_36 : vector<1000x8xf32>
    %reduce_sum3A = arith.constant dense<0.000000e+00> : vector<1000xf32>
    %reduce_sum3A_37 = vector.multi_reduction <add>, %exp3A, %reduce_sum3A [1] : vector<1000x8xf32> to vector<1000xf32>
    %broadcast_in_dim3A_38 = vector.shape_cast %reduce_sum3A_37 : vector<1000xf32> to vector<1000x1xf32>
    %div3A = vector.broadcast %broadcast_in_dim3A_38 : vector<1000x1xf32> to vector<1000x8xf32>
    %div3A_39 = arith.divf %exp3A, %div3A : vector<1000x8xf32>
    %get3A_40 = arith.constant 0 : index
    %get3A_41 = arith.constant 0 : index
    %get3A_42 = vector.load %arg7[%get3A_40, %get3A_41] : memref<1000x8xf32, #tpu.memory_space<vmem>>, vector<1000x8xf32>
    %sqrt3A = arith.constant 2.500000e-01 : f32
    %sqrt3A_43 = math.sqrt %sqrt3A : f32
    %mul3A = vector.broadcast %sqrt3A_43 : f32 to vector<1000x8xf32>
    %mul3A_44 = arith.mulf %get3A_42, %mul3A : vector<1000x8xf32>
    %add3A_45 = arith.addf %div3A_39, %mul3A_44 : vector<1000x8xf32>
    %swap3A = arith.constant 0 : index
    %swap3A_46 = arith.constant 0 : index
    %swap3A_47 = vector.load %arg8[%swap3A, %swap3A_46] : memref<1000x8xf32, #tpu.memory_space<vmem>>, vector<1000x8xf32>
    tpu.vector_store %arg8[%swap3A, %swap3A_46], %add3A_45 {strides = array<i32>} : memref<1000x8xf32, #tpu.memory_space<vmem>>, vector<1000x8xf32>,
    %mul3A_48 = arith.mulf %get3A_42, %get3A_42 : vector<1000x8xf32>
    %reduce_sum3A_49 = arith.constant dense<0.000000e+00> : vector<1000xf32>
    %reduce_sum3A_50 = vector.multi_reduction <add>, %mul3A_48, %reduce_sum3A_49 [1] : vector<1000x8xf32> to vector<1000xf32>
    %broadcast_in_dim3A_51 = vector.shape_cast %reduce_sum3A_50 : vector<1000xf32> to vector<1000x1xf32>
    %log3A = arith.constant 6.28318548 : f32
    %log3A_52 = math.log %log3A : f32
    %mul3A_53 = arith.constant 8.000000e+00 : f32
    %mul3A_54 = arith.mulf %mul3A_53, %log3A_52 : f32
    %log3A_55 = arith.constant 2.500000e-01 : f32
    %log3A_56 = math.log %log3A_55 : f32
    %mul3A_57 = arith.constant 8.000000e+00 : f32
    %mul3A_58 = arith.mulf %mul3A_57, %log3A_56 : f32
    %add3A_59 = arith.addf %mul3A_54, %mul3A_58 : f32
    %add3A_60 = vector.broadcast %add3A_59 : f32 to vector<1000x1xf32>
    %add3A_61 = arith.addf %add3A_60, %broadcast_in_dim3A_51 : vector<1000x1xf32>
    %mul3A_62 = arith.constant -5.000000e-01 : f32
    %mul3A_63 = vector.broadcast %mul3A_62 : f32 to vector<1000x1xf32>
    %mul3A_64 = arith.mulf %mul3A_63, %add3A_61 : vector<1000x1xf32>
    %broadcast_in_dim3A_65 = vector.shape_cast %mul3A_64 : vector<1000x1xf32> to vector<1000x1xf32>
    %broadcast_in_dim3A_66 = vector.broadcast %broadcast_in_dim3A_65 : vector<1000x1xf32> to vector<1000x8xf32>
    %swap3A_67 = arith.constant 0 : index
    %swap3A_68 = arith.constant 0 : index
    %swap3A_69 = vector.load %arg9[%swap3A_67, %swap3A_68] : memref<1000x8xf32, #tpu.memory_space<vmem>>, vector<1000x8xf32>
    tpu.vector_store %arg9[%swap3A_67, %swap3A_68], %broadcast_in_dim3A_66 {strides = array<i32>} : memref<1000x8xf32, #tpu.memory_space<vmem>>, vector<1000x8xf32>,
    return
  }
}

</mosaic_0001>

<sc_bundles>
// kernel: kernel.13.cloned.1.call-start
scs
__scs_entry_jumppad:
0x0: {  	(pc) =	sbr.rel $0x88, $3  }
0x1: {  	(tag) =	ssettag $0x0;
	lr =	simm.s32 $0x1  }
0x2: {  	[smem:$0x3F8C] =	sst lr;
	_ =	strace $0xD0000000  }
0x3: {  	_ = 	snop  }
0x4: {  	_ = 	snop  }
0x5: {  	_ = 	snop  }
0x6: {  	_ = 	snop  }
0x7: {  	_ = 	snop  }
__scs_overlays_trampoline_lowered:
0x8: {  	[smem:$0x3F9B] =	sst s0  }
0x9: {  	[smem:$0x3F9C] =	sst s1  }
0xa: {  	[smem:$0x3F9D] =	sst s2  }
0xb: {  	[smem:$0x3F9E] =	sst s3  }
0xc: {  	[smem:$0x3F9F] =	sst s4  }
0xd: {  	[smem:$0x3FA0] =	sst s5  }
0xe: {  	[smem:$0x3FA1] =	sst s6  }
0xf: {  	[smem:$0x3FA2] =	sst s7  }
0x10: {  	[smem:$0x3FA3] =	sst s8  }
0x11: {  	[smem:$0x3FA4] =	sst s9;
	s0 =	simm.s32 @!p0 $0x0  }
0x12: {  	s1 =	sld [smem:$0x3F8A];
	s0 =	simm.s32 @p0 $0x1  }
0x13: {  	[smem:$0x3FA5] =	sst s0;
	s0 =	simm.s32 @!p1 $0x0  }
0x14: {  	s2 =	sld [smem:$0x3F89];
	s0 =	simm.s32 @p1 $0x1  }
0x15: {  	[smem:$0x3FA6] =	sst s0;
	s0 =	simm.s32 @!p2 $0x0  }
0x16: {  	s3 =	sld [smem:$0x3FDB];
	s0 =	simm.s32 @p2 $0x1  }
0x17: {  	s4 =	simm.s32 $0x1BF5;
	[smem:$0x3FA8] =	sst s0  }
0x18: {  	s0 =	sld [smem:$0x3F8B];
	_ =	swait.ge [sflag:s4], $0x0  }
0x19: {  	s7 =	sld [smem:$0x3F8C]  }
0x1a: {  	s8 =	sadd.s32 $0xFFFFE003, lr  }
0x1b: {  	s9 =	sadd.s32 $0xFFFFFEF7, lr;
	s5 =	simm.s32 $0xFFFFFFFF;
	p2 =	slt.u32 s8, $0xFFFFF086  }
0x1c: {  	p1 =	slt.u32 s9, $0xF7A;
	s5 =	simm.s32 @!p2 $0x0  }
0x1d: {  	s5 =	simm.s32 @p1 $0x1;
	p0 =	seq.s32 s7, s2  }
0x1e: {  	s7 =	smul.u32 @!p0 $0xF7A, s2;
	p2 =	seq.s32 @!p0 s5, $0x0  }
0x1f: {  	s9 =	smul.u32 $0xF7A, s1;
	s8 =	simm.s32 @!p0 $0x1BF5;
	p2 =	por !p2, p0  }
0x20: {  	[sflag:s8] =	ssyncset.s32 @!p0 $0xFFFFF086;
	s6 =	sadd.s32 @!p0 s3, s7;
	s7 =	simm.s32 @!p0 $0x108  }
0x21: {  	s3 =	sadd.s32 s3, s9;
	s6 =	sadd.s32 @!p0 $0x88, s6;
	s7 =	simm.s32 @p2 $0x1082  }
0x22: {  	[simem:s7], [sflag:s8] =	dma.local @!p0 [hbm:s6], $0xF7A  }
0x23: {  	s9 =	sor.u32 $0xD0000000, s2;
	s6 =	simm.s32 $0x108;
	_ =	swait.ge @!p0 [sflag:s8], $0x0  }
0x24: {  	s3 =	sadd.s32 $0x88, s3;
	s6 =	simm.s32 @!p1 $0x1082;
	[sflag:s4] =	ssyncset.s32 $0xFFFFF086  }
0x25: {  	[simem:s6], [sflag:s4] =	dma.local [hbm:s3], $0xF7A  }
0x26: {  	[smem:$0x3F8C] =	sst s1;
	(tag) =	ssettag s2;
	_ =	strace s9  }
0x27: {  	s1 =	sld [smem:$0x3F9C]  }
0x28: {  	s2 =	sld [smem:$0x3F9D]  }
0x29: {  	s4 =	sld [smem:$0x3F9F]  }
0x2a: {  	p0 =	seq.s32 s5, $0x0;
	s5 =	sld [smem:$0x3FA0]  }
0x2b: {  	s6 =	sld [smem:$0x3FA1]  }
0x2c: {  	s7 =	sld [smem:$0x3FA2]  }
0x2d: {  	s3 =	simm.s32 $0x108;
	s8 =	sld [smem:$0x3FA3]  }
0x2e: {  	s3 =	simm.s32 @!p0 $0x1082;
	s9 =	sld [smem:$0x3FA4]  }
0x2f: {  	lr =	sadd.s32 s0, s3;
	s0 =	sld [smem:$0x3F9B]  }
0x30: {  	s3 =	sld [smem:$0x3F9E]  }
0x31: {  	[smem:$0x3FA7] =	sst s10  }
0x32: {  	s10 =	sld [smem:$0x3FA5];
	_ =	sdelay $0x3  }
0x33: {  	p0 =	seq.s32 s10, $0x1;
	s10 =	sld [smem:$0x3FA7];
	_ =	sdelay $0x3  }
0x34: {  	[smem:$0x3FA7] =	sst s10  }
0x35: {  	s10 =	sld [smem:$0x3FA6];
	_ =	sdelay $0x3  }
0x36: {  	p1 =	seq.s32 s10, $0x1;
	s10 =	sld [smem:$0x3FA7];
	_ =	sdelay $0x3  }
0x37: {  	[smem:$0x3FA7] =	sst s10  }
0x38: {  	s10 =	sld [smem:$0x3FA8]  }
0x39: {  	_ = 	snop;
	(pc) =	sbr.ind lr, $3  }
0x3a: {  	_ = 	snop  }
0x3b: {  	_ = 	snop  }
0x3c: {  	p2 =	seq.s32 s10, $0x1;
	s10 =	sld [smem:$0x3FA7]  }
0x3d: {  	_ =	shalt  }
0x3e: {  	_ =	shalt  }
0x3f: {  	_ =	shalt  }
0x40: {  	_ =	shalt  }
0x41: {  	_ =	shalt  }
0x42: {  	_ =	shalt  }
0x43: {  	_ =	shalt  }
0x44: {  	_ =	shalt  }
0x45: {  	_ =	shalt  }
0x46: {  	_ =	shalt  }
0x47: {  	_ =	shalt  }
0x48: {  	_ =	shalt  }
0x49: {  	_ =	shalt  }
0x4a: {  	_ =	shalt  }
0x4b: {  	_ =	shalt  }
0x4c: {  	_ =	shalt  }
0x4d: {  	_ =	shalt  }
0x4e: {  	_ =	shalt  }
0x4f: {  	_ =	shalt  }
0x50: {  	_ =	shalt  }
0x51: {  	_ =	shalt  }
0x52: {  	_ =	shalt  }
0x53: {  	_ =	shalt  }
0x54: {  	_ =	shalt  }
0x55: {  	_ =	shalt  }
0x56: {  	_ =	shalt  }
0x57: {  	_ =	shalt  }
0x58: {  	_ =	shalt  }
0x59: {  	_ =	shalt  }
0x5a: {  	_ =	shalt  }
0x5b: {  	_ =	shalt  }
0x5c: {  	_ =	shalt  }
0x5d: {  	_ =	shalt  }
0x5e: {  	_ =	shalt  }
0x5f: {  	_ =	shalt  }
0x60: {  	_ =	shalt  }
0x61: {  	_ =	shalt  }
0x62: {  	_ =	shalt  }
0x63: {  	_ =	shalt  }
0x64: {  	_ =	shalt  }
0x65: {  	_ =	shalt  }
0x66: {  	_ =	shalt  }
0x67: {  	_ =	shalt  }
0x68: {  	_ =	shalt  }
0x69: {  	_ =	shalt  }
0x6a: {  	_ =	shalt  }
0x6b: {  	_ =	shalt  }
0x6c: {  	_ =	shalt  }
0x6d: {  	_ =	shalt  }
0x6e: {  	_ =	shalt  }
0x6f: {  	_ =	shalt  }
0x70: {  	_ =	shalt  }
0x71: {  	_ =	shalt  }
0x72: {  	_ =	shalt  }
0x73: {  	_ =	shalt  }
0x74: {  	_ =	shalt  }
0x75: {  	_ =	shalt  }
0x76: {  	_ =	shalt  }
0x77: {  	_ =	shalt  }
0x78: {  	_ =	shalt  }
0x79: {  	_ =	shalt  }
0x7a: {  	_ =	shalt  }
0x7b: {  	_ =	shalt  }
0x7c: {  	_ =	shalt  }
0x7d: {  	_ =	shalt  }
0x7e: {  	_ =	shalt  }
0x7f: {  	_ =	shalt  }
0x80: {  	_ =	shalt  }
0x81: {  	_ =	shalt  }
0x82: {  	_ =	shalt  }
0x83: {  	_ =	shalt  }
0x84: {  	_ =	shalt  }
0x85: {  	_ =	shalt  }
0x86: {  	_ =	shalt  }
0x87: {  	_ =	shalt  }
.Lfunc_end0:
.L_simem_size_0:
called_computation_lowered:
.L_overlay_start_0:
0x88: {  	s2 =	sld [smem:$0x3FD9]  }
0x89: {  	s3 =	sld [smem:$0x3FFE];
	_ =	sdelay $0x1  }
0x8a: {  	s1 =	srdreg.scid  }
0x8b: {  	s0 =	sand.u32 $0x1, s1  }
0x8c: {  	s17 =	sshll.u32 s0, $0xA;
	s2 =	sadd.s32 s3, s2  }
0x8d: {  	s2 =	sadd.s32 s2, s17  }
0x8e: {  	[smem:$0x3FB3] =	sst s2  }
0x8f: {  	_ = 	snop  }
0x90: {  	(tm) =	ssettm $0x1  }
0x91: {  	s18 =	sld [smem:$0x3FFB];
	_ =	sdelay $0x3  }
0x92: {  	_ =	strace s18  }
0x93: {  	s2 =	sld [smem:$0x3FFC];
	_ =	sdelay $0x3  }
0x94: {  	_ =	strace s2  }
0x95: {  	s2 =	sld [smem:$0x3FFD];
	_ =	sdelay $0x3  }
0x96: {  	_ =	strace s2  }
0x97: {  	_ =	strace $0x8FFFFFFF  }
0x98: {  	s19 =	sld [smem:$0x3FDB];
	_ =	sdelay $0x1  }
0x99: {  	s20 =	simm.s32 $_scs_section_size  }
0x9a: {  	s4 =	simm.s32 $_size__tile_overlayer_lowered;
	s5 =	simm.s32 $_tile_overlayer_lowered  }
0x9b: {  	s6 =	simm.s32 $0x1BFF;
	s21 =	sshll.u32 s5, $0x1;
	s3 =	sadd.s32 s20, s19  }
0x9c: {  	s22 =	simm.s32 $0x0;
	s4 =	sshll.u32 s4, $0x1;
	s5 =	sadd.s32 s21, s3  }
0x9d: {  	[timem:s22], [sflag:s6] =	dma.local [hbm:s5], s4  }
0x9e: {  	_ =	swait.ge [sflag:s6], s4  }
0x9f: {  	s4 =	ssub.s32 $0x0, s4;
	[sflag:s6] =	ssyncset.done $0x0  }
0xa0: {  	[sflag:s6] =	ssyncadd.s32 s4;
	_ =	sdelay $0x1  }
0xa1: {  	s23 =	simm.s32 $0x1B8B  }
0xa2: {  	_ =	swait.ge [sflag:s23], $0x1  }
0xa3: {  	[sflag:s23] =	ssyncset.done $0x0  }
0xa4: {  	[sflag:s23] =	ssyncadd.s32 $0xFFFFFFFF  }
0xa5: {  	s4 =	sld [smem:$0x0]  }
0xa6: {  	s5 =	sand.u32 $0xFFFFFFFE, s1  }
0xa7: {  	p0 =	sne.s32 s1, s5  }
0xa8: {  	s5 =	sshll.u32 @p0 s5, $0xE  }
0xa9: {  	s5 =	sadd.s32 @p0 $0x11B8D, s5;
	s6 =	sshll.u32 @p0 s4, $0x11  }
0xaa: {  	s5 =	sor.u32 @p0 s6, s5  }
0xab: {  	[sflag:s5] =	ssyncadd.remote.s32 @p0 $0x1;
	_ =	sdelay $0x1  }
0xac: {  	s5 =	simm.s32 @p0 $0x1B8D  }
0xad: {  	_ =	swait.eq @p0 [sflag:s5], $0x1  }
0xae: {  	[sflag:s5] =	ssyncadd.s32 @p0 $0xFFFFFFFF  }
0xaf: {  	s6 =	sshll.u32 @!p0 s1, $0xE  }
0xb0: {  	s6 =	sor.u32 @!p0 $0x4000, s6;
	s5 =	simm.s32 @!p0 $0x1B8D  }
0xb1: {  	s4 =	sshll.u32 @!p0 s4, $0x11;
	s6 =	sadd.s32 @!p0 $0x11B8D, s6;
	_ =	swait.eq @!p0 [sflag:s5], $0x1  }
0xb2: {  	s4 =	sor.u32 @!p0 s4, s6;
	[sflag:s5] =	ssyncadd.s32 @!p0 $0xFFFFFFFF  }
0xb3: {  	s25 =	simm.s32 $0x1B8E;
	s24 =	sld [smem:$0x3FFE];
	[sflag:s4] =	ssyncadd.remote.s32 @!p0 $0x1  }
0xb4: {  	s26 =	simm.s32 $execute0_lowered;
	[smem:$0x3FD2] =	sst s25  }
0xb5: {  	s5 =	sshll.u32 s26, $0x1;
	_ =	strace $0x8000004F;
	[dreg:$0x1] =	wrdreg $0xFFFFFFFF  }
0xb6: {  	s28 =	simm.s32 $_size_execute0_lowered;
	s3 =	sadd.s32 s3, s5;
	[dreg:$0x0] =	wrdreg $0x0  }
0xb7: {  	s5 =	sshll.u32 s28, $0x1;
	[dreg:$0x2] =	wrdreg s3  }
0xb8: {  	[dreg:$0x3] =	wrdreg s5  }
0xb9: {  	[dreg:$0x4] =	wrdreg $0xC0  }
0xba: {  	_ =	task [dreg:s22], $0x5FFFF  }
0xbb: {  	[dreg:$0x1] =	wrdreg $0xFFFFFFFF  }
0xbc: {  	[dreg:$0x0] =	wrdreg $0x60  }
0xbd: {  	[dreg:$0x2] =	wrdreg s24  }
0xbe: {  	[dreg:$0x3] =	wrdreg $0x0  }
0xbf: {  	[dreg:$0x4] =	wrdreg $0x9  }
0xc0: {  	_ =	task.clear_ibuf [dreg:s22], $0x5FFFF;
	_ =	strace $0x9000004F  }
0xc1: {  	s29 =	simm.s32 $0x9;
	_ =	strace $0x80000051  }
0xc2: {  	_ =	swait.ge [sflag:s29], $0x1  }
0xc3: {  	[sflag:s29] =	ssyncadd.s32 $0xFFFFFFFF  }
0xc4: {  	_ =	strace $0x90000051  }
0xc5: {  	_ =	sfence  }
0xc6: {  	s30 =	sld [smem:$0x0];
	_ =	sdelay $0x2  }
0xc7: {  	s31 =	sshll.u32 s1, $0xD;
	s1 =	sshrl.u32 s1, $0x2  }
0xc8: {  	s4 =	sand.u32 $0x4000, s31;
	s1 =	sadd.s32 s1, s30  }
0xc9: {  	s0 =	sor.u32 s4, s0;
	s1 =	sshll.u32 s1, $0x11  }
0xca: {  	s0 =	sor.u32 s1, s0  }
0xcb: {  	s0 =	sadd.s32 $0x8F2B, s0  }
0xcc: {  	[sflag:s0] =	ssyncadd.remote.s32 $0x1  }
0xcd: {  	_ =	sfence.sel $0xFFFF  }
0xce: {  	[dreg:$0x0] =	wrdreg $0xFFFFFFFF;
	(pc) =	sbr.abs _section_cstart, $3  }
0xcf: {  	[dreg:$0x1] =	wrdreg $0xFFFFFFFF  }
0xd0: {  	_ =	task.clear_ibuf [dreg:s22], $0x2FFFF;
	_ =	strace $0x9FFFFFFF  }
0xd1: {  	(tm) =	ssettm $0x7FFFFFFF  }
tec
execute0_lowered:
.L_overlay_start_1:
0x0: {  	(tag) =	ssettag $0x1  }
0x1: {  	s0 =	rddreg [dreg:$0x0]  }
0x2: {  	s1 =	rddreg [dreg:$0x1];
	s3 =	simm.s32 $0x0  }
0x3: {  	s4 =	srdreg.scid;
	s2 =	stileid.u32;
	s17 =	simm.s32 $0x2  }
0x4: {  	s18 =	simm.s32 $0xF080;
	s19 =	simm.s32 $0x11900;
	s20 =	simm.s32 $0x14100  }
0x5: {  	s21 =	simm.s32 $0x18980;
	s22 =	simm.s32 $0x80;
	s23 =	simm.s32 $0x16980  }
0x6: {  	s24 =	simm.s32 $0x1;
	s25 =	simm.s32 $0x16900;
	s26 =	simm.s32 $0x0  }
0x7: {  	[smem:$0x7FF] =	sst s3;
	s7 =	sand.u32 $0x1, s4;
	s9 =	smul.u32 $0xC800, s2  }
0x8: {  	s4 =	sadd.s32 $0xE9400, s0;
	s6 =	sadd.s32 $0x16400, s0;
	s11 =	smul.u32 $0x32000, s2  }
0x9: {  	_ =	strace $0x80000050;
	s5 =	sshll.u32 s7, $0x4;
	s10 =	smul.u32 $0xC8000, s7  }
0xa: {  	s7 =	ssub.s32 $0x2, s7;
	s8 =	sor.u32 s2, s5;
	s5 =	sadd.s32 $0x16A00, s0  }
0xb: {  	s12 =	sshrl.u32 s7, $0x1;
	s31 =	sshrl.u32 s11, $0x2;
	s8 =	smul.u32 $0x510, s8  }
0xc: {  	s10 =	sadd.s32 s9, s10;
	s15 =	ssub.s32 s7, s12;
	s13 =	sadd.s32 s31, s1  }
0xd: {  	s9 =	sadd.s32 s9, s1;
	s10 =	sshrl.u32 s10, $0x3;
	s11 =	sadd.s32 $0x5000, s13  }
0xe: {  	s12 =	sadd.s32 $0x7800, s13;
	s15 =	smax.u32 s15, $0x1;
	s8 =	sadd.s32 s8, s0  }
0xf: {  	s0 =	sadd.s32 s10, s0;
	s10 =	sadd.s32 $0x2800, s13;
	s13 =	sadd.s32 $0xA000, s13  }
0x10: {  	v0 =	vimm.f32 $0.0e+00;
	s7 =	sadd.s32 $0x21200, s8;
	s8 =	sadd.s32 $0x17000, s8;
	s14 =	sadd.s32 $0xFD400, s0  }
.LBB2_1:
0x11: {  	s0 =	simm.s32 $0xC800  }
0x12: {  	[tilespmem:s0], [sflag:$0x2] =	stream.linear.gather [hbm4b:s7+s3], $0x2880, $0x38;
	[tilespmem:$0x1B180] =	vst v63  }
0x13: {  	_ =	swait.ge [sflag:s17], $0x2880  }
0x14: {  	[sflag:s17] =	ssyncset.done $0x0  }
0x15: {  	[sflag:s17] =	ssyncadd.s32 $0xFFFFD780  }
0x16: {  	[tilespmem:s18], [sflag:$0x2] =	stream.linear.gather [hbm4b:s8+s3], $0x2880, $0x38;
	[tilespmem:$0x1B180] =	vst v63  }
0x17: {  	_ =	swait.ge [sflag:s17], $0x2880  }
0x18: {  	[sflag:s17] =	ssyncset.done $0x0  }
0x19: {  	[sflag:s17] =	ssyncadd.s32 $0xFFFFD780  }
0x1a: {  	[tilespmem:s19], [sflag:$0x2] =	stream.linear.gather [hbm4b:s5+s3], $0x2800, $0x38;
	[tilespmem:$0x1B180] =	vst v63  }
0x1b: {  	_ =	swait.ge [sflag:s17], $0x2800  }
0x1c: {  	[sflag:s17] =	ssyncset.done $0x0  }
0x1d: {  	[sflag:s17] =	ssyncadd.s32 $0xFFFFD800  }
0x1e: {  	[tilespmem:s20], [sflag:$0x2] =	stream.linear.gather [hbm4b:s6+s3], $0x2800, $0x38;
	[tilespmem:$0x1B180] =	vst v63  }
0x1f: {  	_ =	swait.ge [sflag:s17], $0x2800  }
0x20: {  	[sflag:s17] =	ssyncset.done $0x0  }
0x21: {  	s16 =	simm.s32 $0x140;
	s0 =	simm.s32 $0x0;
	[sflag:s17] =	ssyncadd.s32 $0xFFFFD800  }
.LBB2_2:
0x22: {  	p0 =	sne.s32 s16, $0x9EC0;
	[tilespmem:s0+$0x189C0] =	vst v0;
	s28 =	smov.u32 s16;
	s16 =	sadd.s32 $0x140, s16  }
.Ltmp0:
0x23: {  	[tilespmem:s0+$0x189B0] =	vst v0;
	(pc) =	sbr.rel @p0 .LBB2_2-.Ltmp0, $4  }
0x24: {  	[tilespmem:s0+$0x189A0] =	vst v0  }
0x25: {  	[tilespmem:s0+$0x18980] =	vst v0  }
0x26: {  	[tilespmem:s0+$0x18990] =	vst v0  }
0x27: {  	s0 =	sshra.s32 s28, $0x2  }
0x28: {  	[tilespmem:s0+$0x189C0] =	vst v0  }
0x29: {  	[tilespmem:s0+$0x189B0] =	vst v0  }
0x2a: {  	[tilespmem:s0+$0x189A0] =	vst v0  }
0x2b: {  	[tilespmem:s0+$0x18980] =	vst v0  }
0x2c: {  	[tilespmem:s0+$0x18990] =	vst v0  }
0x2d: {  	[spmem:s9] =	stream.linear.scatter [tilespmem:s21], [sflag:$0x2], $0x2800, $0x38;
	[tilespmem:$0x1B180] =	vst v63  }
0x2e: {  	_ =	swait.ge [sflag:s17], $0x2800  }
0x2f: {  	[sflag:s17] =	ssyncset.done $0x0  }
0x30: {  	[sflag:s17] =	ssyncadd.s32 $0xFFFFD800  }
0x31: {  	[spmem:s10] =	stream.linear.scatter [tilespmem:s21], [sflag:$0x2], $0x2800, $0x38;
	[tilespmem:$0x1B180] =	vst v63  }
0x32: {  	_ =	swait.ge [sflag:s17], $0x2800  }
0x33: {  	[sflag:s17] =	ssyncset.done $0x0  }
0x34: {  	[sflag:s17] =	ssyncadd.s32 $0xFFFFD800  }
0x35: {  	[spmem:s11] =	stream.linear.scatter [tilespmem:s21], [sflag:$0x2], $0x2800, $0x38;
	[tilespmem:$0x1B180] =	vst v63  }
0x36: {  	_ =	swait.ge [sflag:s17], $0x2800  }
0x37: {  	[sflag:s17] =	ssyncset.done $0x0  }
0x38: {  	[sflag:s17] =	ssyncadd.s32 $0xFFFFD800  }
0x39: {  	[spmem:s12] =	stream.linear.scatter [tilespmem:s21], [sflag:$0x2], $0x2800, $0x38;
	[tilespmem:$0x1B180] =	vst v63  }
0x3a: {  	_ =	swait.ge [sflag:s17], $0x2800  }
0x3b: {  	[sflag:s17] =	ssyncset.done $0x0  }
0x3c: {  	[sflag:s17] =	ssyncadd.s32 $0xFFFFD800  }
0x3d: {  	[spmem:s13] =	stream.linear.scatter [tilespmem:s21], [sflag:$0x2], $0x2800, $0x38;
	[tilespmem:$0x1B180] =	vst v63  }
0x3e: {  	_ =	swait.ge [sflag:s17], $0x2800  }
0x3f: {  	[sflag:s17] =	ssyncset.done $0x0  }
0x40: {  	[sflag:s17] =	ssyncadd.s32 $0xFFFFD800  }
0x41: {  	s28 =	simm.s32 $0x0;
	s29 =	simm.s32 $0x0;
	[bflag:$0x0] =	sbarrier.arrive $0xFFFF  }
.LBB2_4:
0x42: {  	s30 =	sshll.u32 s29, $0x7  }
0x43: {  	s0 =	sadd.s32 $0xC800, s30  }
0x44: {  	[tilespmem:s23], [sflag:$0x1] =	stream.indirect.gather [hbm4b:s4+s22], $0x40, s0, s22, $0xb8;
	[tilespmem:$0x1B180] =	vst v63  }
0x45: {  	_ =	swait.ge [sflag:s24], $0x2000  }
0x46: {  	[sflag:s24] =	ssyncset.done $0x0  }
0x47: {  	[sflag:s24] =	ssyncadd.s32 $0xFFFFE000  }
0x48: {  	v1 =	vld [tilespmem:s30+$0xC800]  }
0x49: {  	v2 =	vld [tilespmem:s30+$0xF080];
	_ =	sdelay $0x6  }
0x4a: {  	v1 =	vld.idx.msk [tilespmem:v1+s19+$0x0], $0xffff  }
0x4b: {  	v2 =	vld.idx.msk [tilespmem:v2+s20+$0x0], $0xffff;
	_ =	sdelay $0x4  }
0x4c: {  	v1 =	vadd.f32 v2, v1;
	_ =	sdelay $0x1  }
0x4d: {  	v2 =	vmul.f32 $2.000000030e-01, v1  }
0x4e: {  	vm0 =	vgt.f32 v1, $0.0e+00  }
0x4f: {  	v1 =	vsel vm0, v1, v2  }
0x50: {  	v1 =	vmul.f32 $1.442695020e+00, v1;
	_ =	sdelay $0x1  }
0x51: {  	(erf) = vpow2.f32 v1;
	_ =	sdelay $0x8  }
0x52: {  	v1 =	vpop (erf)  }
0x53: {  	[tilespmem:$0x16900] =	vst v1  }
0x54: {  	v1 =	vld [tilespmem:s30+$0xC810]  }
0x55: {  	v2 =	vld [tilespmem:s30+$0xF090];
	_ =	sdelay $0x6  }
0x56: {  	v1 =	vld.idx.msk [tilespmem:v1+s19+$0x0], $0xffff  }
0x57: {  	v2 =	vld.idx.msk [tilespmem:v2+s20+$0x0], $0xffff;
	_ =	sdelay $0x4  }
0x58: {  	v1 =	vadd.f32 v2, v1;
	_ =	sdelay $0x1  }
0x59: {  	v2 =	vmul.f32 $2.000000030e-01, v1  }
0x5a: {  	vm9 =	vgt.f32 v1, $0.0e+00  }
0x5b: {  	v1 =	vsel vm9, v1, v2  }
0x5c: {  	v1 =	vmul.f32 $1.442695020e+00, v1;
	_ =	sdelay $0x1  }
0x5d: {  	(erf) = vpow2.f32 v1;
	_ =	sdelay $0x8  }
0x5e: {  	v1 =	vpop (erf)  }
0x5f: {  	[tilespmem:$0x16910] =	vst v1  }
0x60: {  	v1 =	vld [tilespmem:s30+$0xC820]  }
0x61: {  	v2 =	vld [tilespmem:s30+$0xF0A0];
	_ =	sdelay $0x6  }
0x62: {  	v1 =	vld.idx.msk [tilespmem:v1+s19+$0x0], $0xffff  }
0x63: {  	v2 =	vld.idx.msk [tilespmem:v2+s20+$0x0], $0xffff;
	_ =	sdelay $0x4  }
0x64: {  	v1 =	vadd.f32 v2, v1;
	_ =	sdelay $0x1  }
0x65: {  	v2 =	vmul.f32 $2.000000030e-01, v1  }
0x66: {  	vm10 =	vgt.f32 v1, $0.0e+00  }
0x67: {  	v1 =	vsel vm10, v1, v2  }
0x68: {  	v1 =	vmul.f32 $1.442695020e+00, v1;
	_ =	sdelay $0x1  }
0x69: {  	(erf) = vpow2.f32 v1;
	_ =	sdelay $0x8  }
0x6a: {  	v1 =	vpop (erf)  }
0x6b: {  	[tilespmem:$0x16920] =	vst v1  }
0x6c: {  	v1 =	vld [tilespmem:s30+$0xC830]  }
0x6d: {  	v2 =	vld [tilespmem:s30+$0xF0B0];
	_ =	sdelay $0x6  }
0x6e: {  	v1 =	vld.idx.msk [tilespmem:v1+s19+$0x0], $0xffff  }
0x6f: {  	v2 =	vld.idx.msk [tilespmem:v2+s20+$0x0], $0xffff;
	_ =	sdelay $0x4  }
0x70: {  	v1 =	vadd.f32 v2, v1;
	_ =	sdelay $0x1  }
0x71: {  	v2 =	vmul.f32 $2.000000030e-01, v1  }
0x72: {  	vm11 =	vgt.f32 v1, $0.0e+00  }
0x73: {  	v1 =	vsel vm11, v1, v2  }
0x74: {  	v1 =	vmul.f32 $1.442695020e+00, v1;
	_ =	sdelay $0x1  }
0x75: {  	(erf) = vpow2.f32 v1;
	_ =	sdelay $0x8  }
0x76: {  	v1 =	vpop (erf)  }
0x77: {  	[tilespmem:$0x16930] =	vst v1  }
0x78: {  	v1 =	vld [tilespmem:s30+$0xC840]  }
0x79: {  	v2 =	vld [tilespmem:s30+$0xF0C0];
	_ =	sdelay $0x6  }
0x7a: {  	v1 =	vld.idx.msk [tilespmem:v1+s19+$0x0], $0xffff  }
0x7b: {  	v2 =	vld.idx.msk [tilespmem:v2+s20+$0x0], $0xffff;
	_ =	sdelay $0x4  }
0x7c: {  	v1 =	vadd.f32 v2, v1;
	_ =	sdelay $0x1  }
0x7d: {  	v2 =	vmul.f32 $2.000000030e-01, v1  }
0x7e: {  	vm12 =	vgt.f32 v1, $0.0e+00  }
0x7f: {  	v1 =	vsel vm12, v1, v2  }
0x80: {  	v1 =	vmul.f32 $1.442695020e+00, v1;
	_ =	sdelay $0x1  }
0x81: {  	(erf) = vpow2.f32 v1;
	_ =	sdelay $0x8  }
0x82: {  	v1 =	vpop (erf)  }
0x83: {  	[tilespmem:$0x16940] =	vst v1  }
0x84: {  	v1 =	vld [tilespmem:s30+$0xC850]  }
0x85: {  	v2 =	vld [tilespmem:s30+$0xF0D0];
	_ =	sdelay $0x6  }
0x86: {  	v1 =	vld.idx.msk [tilespmem:v1+s19+$0x0], $0xffff  }
0x87: {  	v2 =	vld.idx.msk [tilespmem:v2+s20+$0x0], $0xffff;
	_ =	sdelay $0x4  }
0x88: {  	v1 =	vadd.f32 v2, v1;
	_ =	sdelay $0x1  }
0x89: {  	v2 =	vmul.f32 $2.000000030e-01, v1  }
0x8a: {  	vm13 =	vgt.f32 v1, $0.0e+00  }
0x8b: {  	v1 =	vsel vm13, v1, v2  }
0x8c: {  	v1 =	vmul.f32 $1.442695020e+00, v1;
	_ =	sdelay $0x1  }
0x8d: {  	(erf) = vpow2.f32 v1;
	_ =	sdelay $0x8  }
0x8e: {  	v1 =	vpop (erf)  }
0x8f: {  	[tilespmem:$0x16950] =	vst v1  }
0x90: {  	v1 =	vld [tilespmem:s30+$0xC860]  }
0x91: {  	v2 =	vld [tilespmem:s30+$0xF0E0];
	_ =	sdelay $0x6  }
0x92: {  	v1 =	vld.idx.msk [tilespmem:v1+s19+$0x0], $0xffff  }
0x93: {  	v2 =	vld.idx.msk [tilespmem:v2+s20+$0x0], $0xffff;
	_ =	sdelay $0x4  }
0x94: {  	v1 =	vadd.f32 v2, v1;
	_ =	sdelay $0x1  }
0x95: {  	v2 =	vmul.f32 $2.000000030e-01, v1  }
0x96: {  	vm14 =	vgt.f32 v1, $0.0e+00  }
0x97: {  	v1 =	vsel vm14, v1, v2  }
0x98: {  	v1 =	vmul.f32 $1.442695020e+00, v1;
	_ =	sdelay $0x1  }
0x99: {  	(erf) = vpow2.f32 v1;
	_ =	sdelay $0x8  }
0x9a: {  	v1 =	vpop (erf)  }
0x9b: {  	[tilespmem:$0x16960] =	vst v1  }
0x9c: {  	v1 =	vld [tilespmem:s30+$0xC870]  }
0x9d: {  	v2 =	vld [tilespmem:s30+$0xF0F0];
	_ =	sdelay $0x6  }
0x9e: {  	v1 =	vld.idx.msk [tilespmem:v1+s19+$0x0], $0xffff  }
0x9f: {  	v2 =	vld.idx.msk [tilespmem:v2+s20+$0x0], $0xffff;
	_ =	sdelay $0x4  }
0xa0: {  	v1 =	vadd.f32 v2, v1;
	_ =	sdelay $0x1  }
0xa1: {  	v2 =	vmul.f32 $2.000000030e-01, v1  }
0xa2: {  	vm15 =	vgt.f32 v1, $0.0e+00  }
0xa3: {  	v1 =	vsel vm15, v1, v2  }
0xa4: {  	v1 =	vmul.f32 $1.442695020e+00, v1;
	_ =	sdelay $0x1  }
0xa5: {  	(erf) = vpow2.f32 v1;
	_ =	sdelay $0x5  }
0xa6: {  	v1 =	vmov s28;
	_ =	sdelay $0x2  }
0xa7: {  	v2 =	vpop (erf)  }
0xa8: {  	[tilespmem:$0x16970] =	vst v2  }
0xa9: {  	s31 =	simm.s32 $0x169A0;
	v1 =	vld.idx.msk [tilespmem:v1+s25+$0x0], $0xffff  }
0xaa: {  	v2 =	vld [tilespmem:s31+$0xFFFFFFE0];
	_ =	sdelay $0x4  }
0xab: {  	v2 =	vmul.f32 v2, v1  }
0xac: {  	s0 =	simm.s32 $0x189A0  }
0xad: {  	[tilespmem:s0+$0xFFFFFFE0] =	vst v2  }
0xae: {  	v2 =	vld [tilespmem:s31+$0xFFFFFFF0];
	_ =	sdelay $0x4  }
0xaf: {  	v2 =	vmul.f32 v2, v1;
	_ =	sdelay $0x1  }
0xb0: {  	[tilespmem:s0+$0xFFFFFFF0] =	vst v2  }
0xb1: {  	v2 =	vld [tilespmem:s31+$0x0];
	_ =	sdelay $0x4  }
0xb2: {  	v2 =	vmul.f32 v2, v1;
	_ =	sdelay $0x1  }
0xb3: {  	[tilespmem:s0+$0x0] =	vst v2  }
0xb4: {  	v2 =	vld [tilespmem:s31+$0x10];
	_ =	sdelay $0x1  }
0xb5: {  	s16 =	simm.s32 $0x1  }
0xb6: {  	v3 =	vmov s16;
	s16 =	simm.s32 $0x2;
	s30 =	sadd.s32 $0xF080, s30;
	[tilespmem:s0+$0x20] =	vst v1  }
.LBB2_5:
0xb7: {  	p0 =	sne.s32 s16, $0x7F  }
0xb8: {  	v1 =	vmul.f32 v2, v1;
	_ =	sdelay $0x1  }
0xb9: {  	[tilespmem:s0+$0x10] =	vst v1  }
0xba: {  	s31 =	sadd.s32 $0x40, s31;
	v1 =	vld.idx.msk [tilespmem:v3+s25+$0x0], $0xffff  }
0xbb: {  	v2 =	vld [tilespmem:s31+$0xFFFFFFE0];
	_ =	sdelay $0x4  }
0xbc: {  	v2 =	vmul.f32 v2, v1  }
0xbd: {  	s0 =	sadd.s32 $0x50, s0  }
0xbe: {  	[tilespmem:s0+$0xFFFFFFE0] =	vst v2  }
0xbf: {  	v2 =	vld [tilespmem:s31+$0xFFFFFFF0];
	_ =	sdelay $0x4  }
0xc0: {  	v2 =	vmul.f32 v2, v1;
	_ =	sdelay $0x1  }
0xc1: {  	[tilespmem:s0+$0xFFFFFFF0] =	vst v2  }
0xc2: {  	v2 =	vld [tilespmem:s31+$0x0];
	_ =	sdelay $0x4  }
0xc3: {  	v2 =	vmul.f32 v2, v1;
	_ =	sdelay $0x1  }
.Ltmp1:
0xc4: {  	[tilespmem:s0+$0x0] =	vst v2;
	(pc) =	sbr.rel @p0 .LBB2_5-.Ltmp1, $2  }
0xc5: {  	v2 =	vld [tilespmem:s31+$0x10];
	[tilespmem:s0+$0x20] =	vst v1;
	_ =	sdelay $0x2  }
0xc6: {  	v3 =	vmov s16;
	s16 =	sadd.s32 $0x1, s16  }
0xc7: {  	_ = 	snop  }
0xc8: {  	v1 =	vmul.f32 v2, v1;
	_ =	sdelay $0x1  }
0xc9: {  	[tilespmem:s0+$0x10] =	vst v1  }
0xca: {  	s16 =	sadd.s32 $0x40, s31;
	v1 =	vld.idx.msk [tilespmem:v3+s25+$0x0], $0xffff  }
0xcb: {  	v2 =	vld [tilespmem:s16+$0xFFFFFFE0];
	_ =	sdelay $0x4  }
0xcc: {  	v2 =	vmul.f32 v2, v1  }
0xcd: {  	s31 =	sadd.s32 $0x50, s0  }
0xce: {  	[tilespmem:s31+$0xFFFFFFE0] =	vst v2  }
0xcf: {  	v2 =	vld [tilespmem:s16+$0xFFFFFFF0];
	_ =	sdelay $0x4  }
0xd0: {  	v2 =	vmul.f32 v2, v1;
	_ =	sdelay $0x1  }
0xd1: {  	[tilespmem:s31+$0xFFFFFFF0] =	vst v2  }
0xd2: {  	v2 =	vld [tilespmem:s16+$0x0];
	_ =	sdelay $0x4  }
0xd3: {  	v2 =	vmul.f32 v2, v1;
	_ =	sdelay $0x1  }
0xd4: {  	[tilespmem:s31+$0x0] =	vst v2  }
0xd5: {  	v2 =	vld [tilespmem:s16+$0x10];
	_ =	sdelay $0x4  }
0xd6: {  	s29 =	sadd.s32 $0x1, s29;
	v2 =	vmul.f32 v2, v1  }
0xd7: {  	p0 =	sne.s32 s29, $0x51;
	[tilespmem:s31+$0x20] =	vst v1  }
.Ltmp2:
0xd8: {  	[tilespmem:s31+$0x10] =	vst v2;
	(pc) =	sbr.rel @p0 .LBB2_4-.Ltmp2, $4  }
0xd9: {  	[spmem:s1] =	stream.indirect.scatter.add.f32 [tilespmem:s21], [sflag:$0x2], $0x50, s30, s22, $0xb8;
	[tilespmem:$0x1B180] =	vst v63  }
0xda: {  	_ =	swait.ge [sflag:s17], $0x2800  }
0xdb: {  	[sflag:s17] =	ssyncset.done $0x0  }
0xdc: {  	[sflag:s17] =	ssyncadd.s32 $0xFFFFD800  }
0xdd: {  	s26 =	sadd.s32 $0x1, s26  }
0xde: {  	s0 =	sshll.u32 s2, $0x6;
	[bflag:$0x0] =	sbarrier.arrive $0xFFFF;
	p0 =	sne.s32 s26, s15  }
.Ltmp3:
0xdf: {  	s16 =	sshrl.u32 s9, $0x3;
	s0 =	sor.u32 $0x1C02, s0;
	(pc) =	sbr.rel @p0 .LBB2_1-.Ltmp3, $4  }
0xe0: {  	[hbm:s14], [sflag:s0] =	dma.local [spmem:s16], $0x1900  }
0xe1: {  	_ =	swait.ge [sflag:s17], $0x1900  }
0xe2: {  	[sflag:s17] =	ssyncset.done $0x0  }
0xe3: {  	[sflag:s17] =	ssyncadd.s32 $0xFFFFE700  }
0xe4: {  	_ =	sfence.sel $0x180000  }
0xe5: {  	[bflag:$0x0] =	sbarrier.arrive $0xFFFF  }
0xe6: {  	_ =	strace $0x90000050  }
0xe7: {  	[bflag:$0x2] =	sbarrier.arrive $0xFFFF  }
0xe8: {  	p0 =	sne.s32 s2, $0x0;
	s0 =	rddreg [dreg:$0x2]  }
0xe9: {  	s0 =	sadd.s32 @!p0 $0x100000, s0  }
0xea: {  	[sflag:s0] =	ssyncadd.tile.s32 @!p0 $0x1;
	_ =	shalt  }
.Lfunc_end2:
_tile_overlayer_lowered:
.L_overlay_start_2:
0xeb: {  	(tag) =	ssettag $0x2  }
0xec: {  	s0 =	rddreg [dreg:$0x0];
	s2 =	stileid.u32  }
0xed: {  	s1 =	rddreg [dreg:$0x1];
	p0 =	sne.s32 s2, $0x0  }
0xee: {  	s3 =	rddreg [dreg:$0x2];
	[bflag:$0x3] =	sbarrier.arrive $0xFFFF;
	s2 =	simm.s32 @!p0 $0x1C02  }
0xef: {  	[timem:s3], [sflag:s2] =	dma.local @!p0 [hbm:s0], s1  }
0xf0: {  	s0 =	simm.s32 @!p0 $0x2  }
0xf1: {  	_ =	swait.ge @!p0 [sflag:s0], s1  }
0xf2: {  	s1 =	ssub.s32 @!p0 $0x0, s1;
	[sflag:s0] =	ssyncset.done @!p0 $0x0  }
0xf3: {  	[sflag:s0] =	ssyncadd.s32 @!p0 s1  }
0xf4: {  	[bflag:$0x3] =	sbarrier.arrive $0xFFFF  }
0xf5: {  	_ =	shalt  }

// kernel: kernel.16.cloned.1.call-start
scs
__scs_entry_jumppad:
0x0: {  	(pc) =	sbr.rel $0x88, $3  }
0x1: {  	(tag) =	ssettag $0x0;
	lr =	simm.s32 $0x1  }
0x2: {  	[smem:$0x3F8C] =	sst lr;
	_ =	strace $0xD0000000  }
0x3: {  	_ = 	snop  }
0x4: {  	_ = 	snop  }
0x5: {  	_ = 	snop  }
0x6: {  	_ = 	snop  }
0x7: {  	_ = 	snop  }
__scs_overlays_trampoline_lowered:
0x8: {  	[smem:$0x3F9B] =	sst s0  }
0x9: {  	[smem:$0x3F9C] =	sst s1  }
0xa: {  	[smem:$0x3F9D] =	sst s2  }
0xb: {  	[smem:$0x3F9E] =	sst s3  }
0xc: {  	[smem:$0x3F9F] =	sst s4  }
0xd: {  	[smem:$0x3FA0] =	sst s5  }
0xe: {  	[smem:$0x3FA1] =	sst s6  }
0xf: {  	[smem:$0x3FA2] =	sst s7  }
0x10: {  	[smem:$0x3FA3] =	sst s8  }
0x11: {  	[smem:$0x3FA4] =	sst s9;
	s0 =	simm.s32 @!p0 $0x0  }
0x12: {  	s1 =	sld [smem:$0x3F8A];
	s0 =	simm.s32 @p0 $0x1  }
0x13: {  	[smem:$0x3FA5] =	sst s0;
	s0 =	simm.s32 @!p1 $0x0  }
0x14: {  	s2 =	sld [smem:$0x3F89];
	s0 =	simm.s32 @p1 $0x1  }
0x15: {  	[smem:$0x3FA6] =	sst s0;
	s0 =	simm.s32 @!p2 $0x0  }
0x16: {  	s3 =	sld [smem:$0x3FDB];
	s0 =	simm.s32 @p2 $0x1  }
0x17: {  	s4 =	simm.s32 $0x1BF5;
	[smem:$0x3FA8] =	sst s0  }
0x18: {  	s0 =	sld [smem:$0x3F8B];
	_ =	swait.ge [sflag:s4], $0x0  }
0x19: {  	s7 =	sld [smem:$0x3F8C]  }
0x1a: {  	s8 =	sadd.s32 $0xFFFFE003, lr  }
0x1b: {  	s9 =	sadd.s32 $0xFFFFFEF7, lr;
	s5 =	simm.s32 $0xFFFFFFFF;
	p2 =	slt.u32 s8, $0xFFFFF086  }
0x1c: {  	p1 =	slt.u32 s9, $0xF7A;
	s5 =	simm.s32 @!p2 $0x0  }
0x1d: {  	s5 =	simm.s32 @p1 $0x1;
	p0 =	seq.s32 s7, s2  }
0x1e: {  	s7 =	smul.u32 @!p0 $0xF7A, s2;
	p2 =	seq.s32 @!p0 s5, $0x0  }
0x1f: {  	s9 =	smul.u32 $0xF7A, s1;
	s8 =	simm.s32 @!p0 $0x1BF5;
	p2 =	por !p2, p0  }
0x20: {  	[sflag:s8] =	ssyncset.s32 @!p0 $0xFFFFF086;
	s6 =	sadd.s32 @!p0 s3, s7;
	s7 =	simm.s32 @!p0 $0x108  }
0x21: {  	s3 =	sadd.s32 s3, s9;
	s6 =	sadd.s32 @!p0 $0x88, s6;
	s7 =	simm.s32 @p2 $0x1082  }
0x22: {  	[simem:s7], [sflag:s8] =	dma.local @!p0 [hbm:s6], $0xF7A  }
0x23: {  	s9 =	sor.u32 $0xD0000000, s2;
	s6 =	simm.s32 $0x108;
	_ =	swait.ge @!p0 [sflag:s8], $0x0  }
0x24: {  	s3 =	sadd.s32 $0x88, s3;
	s6 =	simm.s32 @!p1 $0x1082;
	[sflag:s4] =	ssyncset.s32 $0xFFFFF086  }
0x25: {  	[simem:s6], [sflag:s4] =	dma.local [hbm:s3], $0xF7A  }
0x26: {  	[smem:$0x3F8C] =	sst s1;
	(tag) =	ssettag s2;
	_ =	strace s9  }
0x27: {  	s1 =	sld [smem:$0x3F9C]  }
0x28: {  	s2 =	sld [smem:$0x3F9D]  }
0x29: {  	s4 =	sld [smem:$0x3F9F]  }
0x2a: {  	p0 =	seq.s32 s5, $0x0;
	s5 =	sld [smem:$0x3FA0]  }
0x2b: {  	s6 =	sld [smem:$0x3FA1]  }
0x2c: {  	s7 =	sld [smem:$0x3FA2]  }
0x2d: {  	s3 =	simm.s32 $0x108;
	s8 =	sld [smem:$0x3FA3]  }
0x2e: {  	s3 =	simm.s32 @!p0 $0x1082;
	s9 =	sld [smem:$0x3FA4]  }
0x2f: {  	lr =	sadd.s32 s0, s3;
	s0 =	sld [smem:$0x3F9B]  }
0x30: {  	s3 =	sld [smem:$0x3F9E]  }
0x31: {  	[smem:$0x3FA7] =	sst s10  }
0x32: {  	s10 =	sld [smem:$0x3FA5];
	_ =	sdelay $0x3  }
0x33: {  	p0 =	seq.s32 s10, $0x1;
	s10 =	sld [smem:$0x3FA7];
	_ =	sdelay $0x3  }
0x34: {  	[smem:$0x3FA7] =	sst s10  }
0x35: {  	s10 =	sld [smem:$0x3FA6];
	_ =	sdelay $0x3  }
0x36: {  	p1 =	seq.s32 s10, $0x1;
	s10 =	sld [smem:$0x3FA7];
	_ =	sdelay $0x3  }
0x37: {  	[smem:$0x3FA7] =	sst s10  }
0x38: {  	s10 =	sld [smem:$0x3FA8]  }
0x39: {  	_ = 	snop;
	(pc) =	sbr.ind lr, $3  }
0x3a: {  	_ = 	snop  }
0x3b: {  	_ = 	snop  }
0x3c: {  	p2 =	seq.s32 s10, $0x1;
	s10 =	sld [smem:$0x3FA7]  }
0x3d: {  	_ =	shalt  }
0x3e: {  	_ =	shalt  }
0x3f: {  	_ =	shalt  }
0x40: {  	_ =	shalt  }
0x41: {  	_ =	shalt  }
0x42: {  	_ =	shalt  }
0x43: {  	_ =	shalt  }
0x44: {  	_ =	shalt  }
0x45: {  	_ =	shalt  }
0x46: {  	_ =	shalt  }
0x47: {  	_ =	shalt  }
0x48: {  	_ =	shalt  }
0x49: {  	_ =	shalt  }
0x4a: {  	_ =	shalt  }
0x4b: {  	_ =	shalt  }
0x4c: {  	_ =	shalt  }
0x4d: {  	_ =	shalt  }
0x4e: {  	_ =	shalt  }
0x4f: {  	_ =	shalt  }
0x50: {  	_ =	shalt  }
0x51: {  	_ =	shalt  }
0x52: {  	_ =	shalt  }
0x53: {  	_ =	shalt  }
0x54: {  	_ =	shalt  }
0x55: {  	_ =	shalt  }
0x56: {  	_ =	shalt  }
0x57: {  	_ =	shalt  }
0x58: {  	_ =	shalt  }
0x59: {  	_ =	shalt  }
0x5a: {  	_ =	shalt  }
0x5b: {  	_ =	shalt  }
0x5c: {  	_ =	shalt  }
0x5d: {  	_ =	shalt  }
0x5e: {  	_ =	shalt  }
0x5f: {  	_ =	shalt  }
0x60: {  	_ =	shalt  }
0x61: {  	_ =	shalt  }
0x62: {  	_ =	shalt  }
0x63: {  	_ =	shalt  }
0x64: {  	_ =	shalt  }
0x65: {  	_ =	shalt  }
0x66: {  	_ =	shalt  }
0x67: {  	_ =	shalt  }
0x68: {  	_ =	shalt  }
0x69: {  	_ =	shalt  }
0x6a: {  	_ =	shalt  }
0x6b: {  	_ =	shalt  }
0x6c: {  	_ =	shalt  }
0x6d: {  	_ =	shalt  }
0x6e: {  	_ =	shalt  }
0x6f: {  	_ =	shalt  }
0x70: {  	_ =	shalt  }
0x71: {  	_ =	shalt  }
0x72: {  	_ =	shalt  }
0x73: {  	_ =	shalt  }
0x74: {  	_ =	shalt  }
0x75: {  	_ =	shalt  }
0x76: {  	_ =	shalt  }
0x77: {  	_ =	shalt  }
0x78: {  	_ =	shalt  }
0x79: {  	_ =	shalt  }
0x7a: {  	_ =	shalt  }
0x7b: {  	_ =	shalt  }
0x7c: {  	_ =	shalt  }
0x7d: {  	_ =	shalt  }
0x7e: {  	_ =	shalt  }
0x7f: {  	_ =	shalt  }
0x80: {  	_ =	shalt  }
0x81: {  	_ =	shalt  }
0x82: {  	_ =	shalt  }
0x83: {  	_ =	shalt  }
0x84: {  	_ =	shalt  }
0x85: {  	_ =	shalt  }
0x86: {  	_ =	shalt  }
0x87: {  	_ =	shalt  }
.Lfunc_end0:
.L_simem_size_0:
called_computation.1_lowered:
.L_overlay_start_0:
0x88: {  	s2 =	sld [smem:$0x3FD9]  }
0x89: {  	s3 =	sld [smem:$0x3FFE];
	_ =	sdelay $0x1  }
0x8a: {  	s1 =	srdreg.scid  }
0x8b: {  	s0 =	sand.u32 $0x1, s1  }
0x8c: {  	s17 =	sshll.u32 s0, $0xA;
	s2 =	sadd.s32 s3, s2  }
0x8d: {  	s2 =	sadd.s32 s2, s17  }
0x8e: {  	[smem:$0x3FB3] =	sst s2  }
0x8f: {  	_ = 	snop  }
0x90: {  	(tm) =	ssettm $0x1  }
0x91: {  	s18 =	sld [smem:$0x3FFB];
	_ =	sdelay $0x3  }
0x92: {  	_ =	strace s18  }
0x93: {  	s2 =	sld [smem:$0x3FFC];
	_ =	sdelay $0x3  }
0x94: {  	_ =	strace s2  }
0x95: {  	s2 =	sld [smem:$0x3FFD];
	_ =	sdelay $0x3  }
0x96: {  	_ =	strace s2  }
0x97: {  	_ =	strace $0x8FFFFFFF  }
0x98: {  	s19 =	sld [smem:$0x3FDB];
	_ =	sdelay $0x1  }
0x99: {  	s20 =	simm.s32 $_scs_section_size  }
0x9a: {  	s4 =	simm.s32 $_size__tile_overlayer_lowered;
	s5 =	simm.s32 $_tile_overlayer_lowered  }
0x9b: {  	s6 =	simm.s32 $0x1BFF;
	s21 =	sshll.u32 s5, $0x1;
	s3 =	sadd.s32 s20, s19  }
0x9c: {  	s22 =	simm.s32 $0x0;
	s4 =	sshll.u32 s4, $0x1;
	s5 =	sadd.s32 s21, s3  }
0x9d: {  	[timem:s22], [sflag:s6] =	dma.local [hbm:s5], s4  }
0x9e: {  	_ =	swait.ge [sflag:s6], s4  }
0x9f: {  	s4 =	ssub.s32 $0x0, s4;
	[sflag:s6] =	ssyncset.done $0x0  }
0xa0: {  	[sflag:s6] =	ssyncadd.s32 s4;
	_ =	sdelay $0x1  }
0xa1: {  	s23 =	simm.s32 $0x1B8B  }
0xa2: {  	_ =	swait.ge [sflag:s23], $0x1  }
0xa3: {  	[sflag:s23] =	ssyncset.done $0x0  }
0xa4: {  	[sflag:s23] =	ssyncadd.s32 $0xFFFFFFFF  }
0xa5: {  	s4 =	sld [smem:$0x0]  }
0xa6: {  	s5 =	sand.u32 $0xFFFFFFFE, s1  }
0xa7: {  	p0 =	sne.s32 s1, s5  }
0xa8: {  	s5 =	sshll.u32 @p0 s5, $0xE  }
0xa9: {  	s5 =	sadd.s32 @p0 $0x11B8D, s5;
	s6 =	sshll.u32 @p0 s4, $0x11  }
0xaa: {  	s5 =	sor.u32 @p0 s6, s5  }
0xab: {  	[sflag:s5] =	ssyncadd.remote.s32 @p0 $0x1;
	_ =	sdelay $0x1  }
0xac: {  	s5 =	simm.s32 @p0 $0x1B8D  }
0xad: {  	_ =	swait.eq @p0 [sflag:s5], $0x1  }
0xae: {  	[sflag:s5] =	ssyncadd.s32 @p0 $0xFFFFFFFF  }
0xaf: {  	s6 =	sshll.u32 @!p0 s1, $0xE  }
0xb0: {  	s6 =	sor.u32 @!p0 $0x4000, s6;
	s5 =	simm.s32 @!p0 $0x1B8D  }
0xb1: {  	s4 =	sshll.u32 @!p0 s4, $0x11;
	s6 =	sadd.s32 @!p0 $0x11B8D, s6;
	_ =	swait.eq @!p0 [sflag:s5], $0x1  }
0xb2: {  	s4 =	sor.u32 @!p0 s4, s6;
	[sflag:s5] =	ssyncadd.s32 @!p0 $0xFFFFFFFF  }
0xb3: {  	s25 =	simm.s32 $0x1B8E;
	s24 =	sld [smem:$0x3FFE];
	[sflag:s4] =	ssyncadd.remote.s32 @!p0 $0x1  }
0xb4: {  	s26 =	simm.s32 $execute0_lowered;
	[smem:$0x3FD2] =	sst s25  }
0xb5: {  	s5 =	sshll.u32 s26, $0x1;
	_ =	strace $0x8000004C;
	[dreg:$0x1] =	wrdreg $0xFFFFFFFF  }
0xb6: {  	s28 =	simm.s32 $_size_execute0_lowered;
	s3 =	sadd.s32 s3, s5;
	[dreg:$0x0] =	wrdreg $0x0  }
0xb7: {  	s5 =	sshll.u32 s28, $0x1;
	[dreg:$0x2] =	wrdreg s3  }
0xb8: {  	[dreg:$0x3] =	wrdreg s5  }
0xb9: {  	[dreg:$0x4] =	wrdreg $0xC0  }
0xba: {  	_ =	task [dreg:s22], $0x5FFFF  }
0xbb: {  	[dreg:$0x1] =	wrdreg $0xFFFFFFFF  }
0xbc: {  	[dreg:$0x0] =	wrdreg $0x60  }
0xbd: {  	[dreg:$0x2] =	wrdreg s24  }
0xbe: {  	[dreg:$0x3] =	wrdreg $0x0  }
0xbf: {  	[dreg:$0x4] =	wrdreg $0xA  }
0xc0: {  	_ =	task.clear_ibuf [dreg:s22], $0x5FFFF;
	_ =	strace $0x9000004C  }
0xc1: {  	s29 =	simm.s32 $0xA;
	_ =	strace $0x8000004E  }
0xc2: {  	_ =	swait.ge [sflag:s29], $0x1  }
0xc3: {  	[sflag:s29] =	ssyncadd.s32 $0xFFFFFFFF  }
0xc4: {  	_ =	strace $0x9000004E  }
0xc5: {  	_ =	sfence  }
0xc6: {  	s30 =	sld [smem:$0x0];
	_ =	sdelay $0x2  }
0xc7: {  	s31 =	sshll.u32 s1, $0xD;
	s1 =	sshrl.u32 s1, $0x2  }
0xc8: {  	s4 =	sand.u32 $0x4000, s31;
	s1 =	sadd.s32 s1, s30  }
0xc9: {  	s0 =	sor.u32 s4, s0;
	s1 =	sshll.u32 s1, $0x11  }
0xca: {  	s0 =	sor.u32 s1, s0  }
0xcb: {  	s0 =	sadd.s32 $0x8F2B, s0  }
0xcc: {  	[sflag:s0] =	ssyncadd.remote.s32 $0x1  }
0xcd: {  	_ =	sfence.sel $0xFFFF  }
0xce: {  	[dreg:$0x0] =	wrdreg $0xFFFFFFFF;
	(pc) =	sbr.abs _section_cstart, $3  }
0xcf: {  	[dreg:$0x1] =	wrdreg $0xFFFFFFFF  }
0xd0: {  	_ =	task.clear_ibuf [dreg:s22], $0x2FFFF;
	_ =	strace $0x9FFFFFFF  }
0xd1: {  	(tm) =	ssettm $0x7FFFFFFF  }
tec
execute0_lowered:
.L_overlay_start_1:
0x0: {  	(tag) =	ssettag $0x1  }
0x1: {  	s0 =	rddreg [dreg:$0x0]  }
0x2: {  	s1 =	rddreg [dreg:$0x1];
	s3 =	simm.s32 $0x0  }
0x3: {  	s4 =	srdreg.scid;
	s2 =	stileid.u32;
	s17 =	simm.s32 $0x2  }
0x4: {  	s18 =	simm.s32 $0xF080;
	s19 =	simm.s32 $0x11900;
	s20 =	simm.s32 $0x14100  }
0x5: {  	s21 =	simm.s32 $0x18980;
	s22 =	simm.s32 $0x80;
	s23 =	simm.s32 $0x16980  }
0x6: {  	s24 =	simm.s32 $0x1;
	s25 =	simm.s32 $0x16900;
	s26 =	simm.s32 $0x0  }
0x7: {  	[smem:$0x7FF] =	sst s3;
	s7 =	sand.u32 $0x1, s4;
	s9 =	smul.u32 $0xC800, s2  }
0x8: {  	s4 =	sadd.s32 $0xA3400, s0;
	s6 =	sadd.s32 $0x15800, s0;
	s11 =	smul.u32 $0x32000, s2  }
0x9: {  	_ =	strace $0x8000004D;
	s5 =	sshll.u32 s7, $0x4;
	s10 =	smul.u32 $0xC8000, s7  }
0xa: {  	s7 =	ssub.s32 $0x2, s7;
	s8 =	sor.u32 s2, s5;
	s5 =	sadd.s32 $0x15E00, s0  }
0xb: {  	s12 =	sshrl.u32 s7, $0x1;
	s31 =	sshrl.u32 s11, $0x2;
	s8 =	smul.u32 $0x510, s8  }
0xc: {  	s10 =	sadd.s32 s9, s10;
	s15 =	ssub.s32 s7, s12;
	s13 =	sadd.s32 s31, s1  }
0xd: {  	s9 =	sadd.s32 s9, s1;
	s10 =	sshrl.u32 s10, $0x3;
	s11 =	sadd.s32 $0x5000, s13  }
0xe: {  	s12 =	sadd.s32 $0x7800, s13;
	s15 =	smax.u32 s15, $0x1;
	s8 =	sadd.s32 s8, s0  }
0xf: {  	s0 =	sadd.s32 s10, s0;
	s10 =	sadd.s32 $0x2800, s13;
	s13 =	sadd.s32 $0xA000, s13  }
0x10: {  	v0 =	vimm.f32 $0.0e+00;
	s7 =	sadd.s32 $0x21200, s8;
	s8 =	sadd.s32 $0x17000, s8;
	s14 =	sadd.s32 $0xB7400, s0  }
.LBB2_1:
0x11: {  	s0 =	simm.s32 $0xC800  }
0x12: {  	[tilespmem:s0], [sflag:$0x2] =	stream.linear.gather [hbm4b:s7+s3], $0x2880, $0x38;
	[tilespmem:$0x1B180] =	vst v63  }
0x13: {  	_ =	swait.ge [sflag:s17], $0x2880  }
0x14: {  	[sflag:s17] =	ssyncset.done $0x0  }
0x15: {  	[sflag:s17] =	ssyncadd.s32 $0xFFFFD780  }
0x16: {  	[tilespmem:s18], [sflag:$0x2] =	stream.linear.gather [hbm4b:s8+s3], $0x2880, $0x38;
	[tilespmem:$0x1B180] =	vst v63  }
0x17: {  	_ =	swait.ge [sflag:s17], $0x2880  }
0x18: {  	[sflag:s17] =	ssyncset.done $0x0  }
0x19: {  	[sflag:s17] =	ssyncadd.s32 $0xFFFFD780  }
0x1a: {  	[tilespmem:s19], [sflag:$0x2] =	stream.linear.gather [hbm4b:s5+s3], $0x2800, $0x38;
	[tilespmem:$0x1B180] =	vst v63  }
0x1b: {  	_ =	swait.ge [sflag:s17], $0x2800  }
0x1c: {  	[sflag:s17] =	ssyncset.done $0x0  }
0x1d: {  	[sflag:s17] =	ssyncadd.s32 $0xFFFFD800  }
0x1e: {  	[tilespmem:s20], [sflag:$0x2] =	stream.linear.gather [hbm4b:s6+s3], $0x2800, $0x38;
	[tilespmem:$0x1B180] =	vst v63  }
0x1f: {  	_ =	swait.ge [sflag:s17], $0x2800  }
0x20: {  	[sflag:s17] =	ssyncset.done $0x0  }
0x21: {  	s16 =	simm.s32 $0x140;
	s0 =	simm.s32 $0x0;
	[sflag:s17] =	ssyncadd.s32 $0xFFFFD800  }
.LBB2_2:
0x22: {  	p0 =	sne.s32 s16, $0x9EC0;
	[tilespmem:s0+$0x189C0] =	vst v0;
	s28 =	smov.u32 s16;
	s16 =	sadd.s32 $0x140, s16  }
.Ltmp0:
0x23: {  	[tilespmem:s0+$0x189B0] =	vst v0;
	(pc) =	sbr.rel @p0 .LBB2_2-.Ltmp0, $4  }
0x24: {  	[tilespmem:s0+$0x189A0] =	vst v0  }
0x25: {  	[tilespmem:s0+$0x18980] =	vst v0  }
0x26: {  	[tilespmem:s0+$0x18990] =	vst v0  }
0x27: {  	s0 =	sshra.s32 s28, $0x2  }
0x28: {  	[tilespmem:s0+$0x189C0] =	vst v0  }
0x29: {  	[tilespmem:s0+$0x189B0] =	vst v0  }
0x2a: {  	[tilespmem:s0+$0x189A0] =	vst v0  }
0x2b: {  	[tilespmem:s0+$0x18980] =	vst v0  }
0x2c: {  	[tilespmem:s0+$0x18990] =	vst v0  }
0x2d: {  	[spmem:s9] =	stream.linear.scatter [tilespmem:s21], [sflag:$0x2], $0x2800, $0x38;
	[tilespmem:$0x1B180] =	vst v63  }
0x2e: {  	_ =	swait.ge [sflag:s17], $0x2800  }
0x2f: {  	[sflag:s17] =	ssyncset.done $0x0  }
0x30: {  	[sflag:s17] =	ssyncadd.s32 $0xFFFFD800  }
0x31: {  	[spmem:s10] =	stream.linear.scatter [tilespmem:s21], [sflag:$0x2], $0x2800, $0x38;
	[tilespmem:$0x1B180] =	vst v63  }
0x32: {  	_ =	swait.ge [sflag:s17], $0x2800  }
0x33: {  	[sflag:s17] =	ssyncset.done $0x0  }
0x34: {  	[sflag:s17] =	ssyncadd.s32 $0xFFFFD800  }
0x35: {  	[spmem:s11] =	stream.linear.scatter [tilespmem:s21], [sflag:$0x2], $0x2800, $0x38;
	[tilespmem:$0x1B180] =	vst v63  }
0x36: {  	_ =	swait.ge [sflag:s17], $0x2800  }
0x37: {  	[sflag:s17] =	ssyncset.done $0x0  }
0x38: {  	[sflag:s17] =	ssyncadd.s32 $0xFFFFD800  }
0x39: {  	[spmem:s12] =	stream.linear.scatter [tilespmem:s21], [sflag:$0x2], $0x2800, $0x38;
	[tilespmem:$0x1B180] =	vst v63  }
0x3a: {  	_ =	swait.ge [sflag:s17], $0x2800  }
0x3b: {  	[sflag:s17] =	ssyncset.done $0x0  }
0x3c: {  	[sflag:s17] =	ssyncadd.s32 $0xFFFFD800  }
0x3d: {  	[spmem:s13] =	stream.linear.scatter [tilespmem:s21], [sflag:$0x2], $0x2800, $0x38;
	[tilespmem:$0x1B180] =	vst v63  }
0x3e: {  	_ =	swait.ge [sflag:s17], $0x2800  }
0x3f: {  	[sflag:s17] =	ssyncset.done $0x0  }
0x40: {  	[sflag:s17] =	ssyncadd.s32 $0xFFFFD800  }
0x41: {  	s28 =	simm.s32 $0x0;
	s29 =	simm.s32 $0x0;
	[bflag:$0x0] =	sbarrier.arrive $0xFFFF  }
.LBB2_4:
0x42: {  	s30 =	sshll.u32 s29, $0x7  }
0x43: {  	s0 =	sadd.s32 $0xC800, s30  }
0x44: {  	[tilespmem:s23], [sflag:$0x1] =	stream.indirect.gather [hbm4b:s4+s22], $0x40, s0, s22, $0xb8;
	[tilespmem:$0x1B180] =	vst v63  }
0x45: {  	_ =	swait.ge [sflag:s24], $0x2000  }
0x46: {  	[sflag:s24] =	ssyncset.done $0x0  }
0x47: {  	[sflag:s24] =	ssyncadd.s32 $0xFFFFE000  }
0x48: {  	v1 =	vld [tilespmem:s30+$0xC800]  }
0x49: {  	v2 =	vld [tilespmem:s30+$0xF080];
	_ =	sdelay $0x6  }
0x4a: {  	v1 =	vld.idx.msk [tilespmem:v1+s19+$0x0], $0xffff  }
0x4b: {  	v2 =	vld.idx.msk [tilespmem:v2+s20+$0x0], $0xffff;
	_ =	sdelay $0x4  }
0x4c: {  	v1 =	vadd.f32 v2, v1;
	_ =	sdelay $0x1  }
0x4d: {  	v2 =	vmul.f32 $2.000000030e-01, v1  }
0x4e: {  	vm0 =	vgt.f32 v1, $0.0e+00  }
0x4f: {  	v1 =	vsel vm0, v1, v2  }
0x50: {  	v1 =	vmul.f32 $1.442695020e+00, v1;
	_ =	sdelay $0x1  }
0x51: {  	(erf) = vpow2.f32 v1;
	_ =	sdelay $0x8  }
0x52: {  	v1 =	vpop (erf)  }
0x53: {  	[tilespmem:$0x16900] =	vst v1  }
0x54: {  	v1 =	vld [tilespmem:s30+$0xC810]  }
0x55: {  	v2 =	vld [tilespmem:s30+$0xF090];
	_ =	sdelay $0x6  }
0x56: {  	v1 =	vld.idx.msk [tilespmem:v1+s19+$0x0], $0xffff  }
0x57: {  	v2 =	vld.idx.msk [tilespmem:v2+s20+$0x0], $0xffff;
	_ =	sdelay $0x4  }
0x58: {  	v1 =	vadd.f32 v2, v1;
	_ =	sdelay $0x1  }
0x59: {  	v2 =	vmul.f32 $2.000000030e-01, v1  }
0x5a: {  	vm9 =	vgt.f32 v1, $0.0e+00  }
0x5b: {  	v1 =	vsel vm9, v1, v2  }
0x5c: {  	v1 =	vmul.f32 $1.442695020e+00, v1;
	_ =	sdelay $0x1  }
0x5d: {  	(erf) = vpow2.f32 v1;
	_ =	sdelay $0x8  }
0x5e: {  	v1 =	vpop (erf)  }
0x5f: {  	[tilespmem:$0x16910] =	vst v1  }
0x60: {  	v1 =	vld [tilespmem:s30+$0xC820]  }
0x61: {  	v2 =	vld [tilespmem:s30+$0xF0A0];
	_ =	sdelay $0x6  }
0x62: {  	v1 =	vld.idx.msk [tilespmem:v1+s19+$0x0], $0xffff  }
0x63: {  	v2 =	vld.idx.msk [tilespmem:v2+s20+$0x0], $0xffff;
	_ =	sdelay $0x4  }
0x64: {  	v1 =	vadd.f32 v2, v1;
	_ =	sdelay $0x1  }
0x65: {  	v2 =	vmul.f32 $2.000000030e-01, v1  }
0x66: {  	vm10 =	vgt.f32 v1, $0.0e+00  }
0x67: {  	v1 =	vsel vm10, v1, v2  }
0x68: {  	v1 =	vmul.f32 $1.442695020e+00, v1;
	_ =	sdelay $0x1  }
0x69: {  	(erf) = vpow2.f32 v1;
	_ =	sdelay $0x8  }
0x6a: {  	v1 =	vpop (erf)  }
0x6b: {  	[tilespmem:$0x16920] =	vst v1  }
0x6c: {  	v1 =	vld [tilespmem:s30+$0xC830]  }
0x6d: {  	v2 =	vld [tilespmem:s30+$0xF0B0];
	_ =	sdelay $0x6  }
0x6e: {  	v1 =	vld.idx.msk [tilespmem:v1+s19+$0x0], $0xffff  }
0x6f: {  	v2 =	vld.idx.msk [tilespmem:v2+s20+$0x0], $0xffff;
	_ =	sdelay $0x4  }
0x70: {  	v1 =	vadd.f32 v2, v1;
	_ =	sdelay $0x1  }
0x71: {  	v2 =	vmul.f32 $2.000000030e-01, v1  }
0x72: {  	vm11 =	vgt.f32 v1, $0.0e+00  }
0x73: {  	v1 =	vsel vm11, v1, v2  }
0x74: {  	v1 =	vmul.f32 $1.442695020e+00, v1;
	_ =	sdelay $0x1  }
0x75: {  	(erf) = vpow2.f32 v1;
	_ =	sdelay $0x8  }
0x76: {  	v1 =	vpop (erf)  }
0x77: {  	[tilespmem:$0x16930] =	vst v1  }
0x78: {  	v1 =	vld [tilespmem:s30+$0xC840]  }
0x79: {  	v2 =	vld [tilespmem:s30+$0xF0C0];
	_ =	sdelay $0x6  }
0x7a: {  	v1 =	vld.idx.msk [tilespmem:v1+s19+$0x0], $0xffff  }
0x7b: {  	v2 =	vld.idx.msk [tilespmem:v2+s20+$0x0], $0xffff;
	_ =	sdelay $0x4  }
0x7c: {  	v1 =	vadd.f32 v2, v1;
	_ =	sdelay $0x1  }
0x7d: {  	v2 =	vmul.f32 $2.000000030e-01, v1  }
0x7e: {  	vm12 =	vgt.f32 v1, $0.0e+00  }
0x7f: {  	v1 =	vsel vm12, v1, v2  }
0x80: {  	v1 =	vmul.f32 $1.442695020e+00, v1;
	_ =	sdelay $0x1  }
0x81: {  	(erf) = vpow2.f32 v1;
	_ =	sdelay $0x8  }
0x82: {  	v1 =	vpop (erf)  }
0x83: {  	[tilespmem:$0x16940] =	vst v1  }
0x84: {  	v1 =	vld [tilespmem:s30+$0xC850]  }
0x85: {  	v2 =	vld [tilespmem:s30+$0xF0D0];
	_ =	sdelay $0x6  }
0x86: {  	v1 =	vld.idx.msk [tilespmem:v1+s19+$0x0], $0xffff  }
0x87: {  	v2 =	vld.idx.msk [tilespmem:v2+s20+$0x0], $0xffff;
	_ =	sdelay $0x4  }
0x88: {  	v1 =	vadd.f32 v2, v1;
	_ =	sdelay $0x1  }
0x89: {  	v2 =	vmul.f32 $2.000000030e-01, v1  }
0x8a: {  	vm13 =	vgt.f32 v1, $0.0e+00  }
0x8b: {  	v1 =	vsel vm13, v1, v2  }
0x8c: {  	v1 =	vmul.f32 $1.442695020e+00, v1;
	_ =	sdelay $0x1  }
0x8d: {  	(erf) = vpow2.f32 v1;
	_ =	sdelay $0x8  }
0x8e: {  	v1 =	vpop (erf)  }
0x8f: {  	[tilespmem:$0x16950] =	vst v1  }
0x90: {  	v1 =	vld [tilespmem:s30+$0xC860]  }
0x91: {  	v2 =	vld [tilespmem:s30+$0xF0E0];
	_ =	sdelay $0x6  }
0x92: {  	v1 =	vld.idx.msk [tilespmem:v1+s19+$0x0], $0xffff  }
0x93: {  	v2 =	vld.idx.msk [tilespmem:v2+s20+$0x0], $0xffff;
	_ =	sdelay $0x4  }
0x94: {  	v1 =	vadd.f32 v2, v1;
	_ =	sdelay $0x1  }
0x95: {  	v2 =	vmul.f32 $2.000000030e-01, v1  }
0x96: {  	vm14 =	vgt.f32 v1, $0.0e+00  }
0x97: {  	v1 =	vsel vm14, v1, v2  }
0x98: {  	v1 =	vmul.f32 $1.442695020e+00, v1;
	_ =	sdelay $0x1  }
0x99: {  	(erf) = vpow2.f32 v1;
	_ =	sdelay $0x8  }
0x9a: {  	v1 =	vpop (erf)  }
0x9b: {  	[tilespmem:$0x16960] =	vst v1  }
0x9c: {  	v1 =	vld [tilespmem:s30+$0xC870]  }
0x9d: {  	v2 =	vld [tilespmem:s30+$0xF0F0];
	_ =	sdelay $0x6  }
0x9e: {  	v1 =	vld.idx.msk [tilespmem:v1+s19+$0x0], $0xffff  }
0x9f: {  	v2 =	vld.idx.msk [tilespmem:v2+s20+$0x0], $0xffff;
	_ =	sdelay $0x4  }
0xa0: {  	v1 =	vadd.f32 v2, v1;
	_ =	sdelay $0x1  }
0xa1: {  	v2 =	vmul.f32 $2.000000030e-01, v1  }
0xa2: {  	vm15 =	vgt.f32 v1, $0.0e+00  }
0xa3: {  	v1 =	vsel vm15, v1, v2  }
0xa4: {  	v1 =	vmul.f32 $1.442695020e+00, v1;
	_ =	sdelay $0x1  }
0xa5: {  	(erf) = vpow2.f32 v1;
	_ =	sdelay $0x5  }
0xa6: {  	v1 =	vmov s28;
	_ =	sdelay $0x2  }
0xa7: {  	v2 =	vpop (erf)  }
0xa8: {  	[tilespmem:$0x16970] =	vst v2  }
0xa9: {  	s31 =	simm.s32 $0x169A0;
	v1 =	vld.idx.msk [tilespmem:v1+s25+$0x0], $0xffff  }
0xaa: {  	v2 =	vld [tilespmem:s31+$0xFFFFFFE0];
	_ =	sdelay $0x4  }
0xab: {  	v2 =	vmul.f32 v2, v1  }
0xac: {  	s0 =	simm.s32 $0x189A0  }
0xad: {  	[tilespmem:s0+$0xFFFFFFE0] =	vst v2  }
0xae: {  	v2 =	vld [tilespmem:s31+$0xFFFFFFF0];
	_ =	sdelay $0x4  }
0xaf: {  	v2 =	vmul.f32 v2, v1;
	_ =	sdelay $0x1  }
0xb0: {  	[tilespmem:s0+$0xFFFFFFF0] =	vst v2  }
0xb1: {  	v2 =	vld [tilespmem:s31+$0x0];
	_ =	sdelay $0x4  }
0xb2: {  	v2 =	vmul.f32 v2, v1;
	_ =	sdelay $0x1  }
0xb3: {  	[tilespmem:s0+$0x0] =	vst v2  }
0xb4: {  	v2 =	vld [tilespmem:s31+$0x10];
	_ =	sdelay $0x1  }
0xb5: {  	s16 =	simm.s32 $0x1  }
0xb6: {  	v3 =	vmov s16;
	s16 =	simm.s32 $0x2;
	s30 =	sadd.s32 $0xF080, s30;
	[tilespmem:s0+$0x20] =	vst v1  }
.LBB2_5:
0xb7: {  	p0 =	sne.s32 s16, $0x7F  }
0xb8: {  	v1 =	vmul.f32 v2, v1;
	_ =	sdelay $0x1  }
0xb9: {  	[tilespmem:s0+$0x10] =	vst v1  }
0xba: {  	s31 =	sadd.s32 $0x40, s31;
	v1 =	vld.idx.msk [tilespmem:v3+s25+$0x0], $0xffff  }
0xbb: {  	v2 =	vld [tilespmem:s31+$0xFFFFFFE0];
	_ =	sdelay $0x4  }
0xbc: {  	v2 =	vmul.f32 v2, v1  }
0xbd: {  	s0 =	sadd.s32 $0x50, s0  }
0xbe: {  	[tilespmem:s0+$0xFFFFFFE0] =	vst v2  }
0xbf: {  	v2 =	vld [tilespmem:s31+$0xFFFFFFF0];
	_ =	sdelay $0x4  }
0xc0: {  	v2 =	vmul.f32 v2, v1;
	_ =	sdelay $0x1  }
0xc1: {  	[tilespmem:s0+$0xFFFFFFF0] =	vst v2  }
0xc2: {  	v2 =	vld [tilespmem:s31+$0x0];
	_ =	sdelay $0x4  }
0xc3: {  	v2 =	vmul.f32 v2, v1;
	_ =	sdelay $0x1  }
.Ltmp1:
0xc4: {  	[tilespmem:s0+$0x0] =	vst v2;
	(pc) =	sbr.rel @p0 .LBB2_5-.Ltmp1, $2  }
0xc5: {  	v2 =	vld [tilespmem:s31+$0x10];
	[tilespmem:s0+$0x20] =	vst v1;
	_ =	sdelay $0x2  }
0xc6: {  	v3 =	vmov s16;
	s16 =	sadd.s32 $0x1, s16  }
0xc7: {  	_ = 	snop  }
0xc8: {  	v1 =	vmul.f32 v2, v1;
	_ =	sdelay $0x1  }
0xc9: {  	[tilespmem:s0+$0x10] =	vst v1  }
0xca: {  	s16 =	sadd.s32 $0x40, s31;
	v1 =	vld.idx.msk [tilespmem:v3+s25+$0x0], $0xffff  }
0xcb: {  	v2 =	vld [tilespmem:s16+$0xFFFFFFE0];
	_ =	sdelay $0x4  }
0xcc: {  	v2 =	vmul.f32 v2, v1  }
0xcd: {  	s31 =	sadd.s32 $0x50, s0  }
0xce: {  	[tilespmem:s31+$0xFFFFFFE0] =	vst v2  }
0xcf: {  	v2 =	vld [tilespmem:s16+$0xFFFFFFF0];
	_ =	sdelay $0x4  }
0xd0: {  	v2 =	vmul.f32 v2, v1;
	_ =	sdelay $0x1  }
0xd1: {  	[tilespmem:s31+$0xFFFFFFF0] =	vst v2  }
0xd2: {  	v2 =	vld [tilespmem:s16+$0x0];
	_ =	sdelay $0x4  }
0xd3: {  	v2 =	vmul.f32 v2, v1;
	_ =	sdelay $0x1  }
0xd4: {  	[tilespmem:s31+$0x0] =	vst v2  }
0xd5: {  	v2 =	vld [tilespmem:s16+$0x10];
	_ =	sdelay $0x4  }
0xd6: {  	s29 =	sadd.s32 $0x1, s29;
	v2 =	vmul.f32 v2, v1  }
0xd7: {  	p0 =	sne.s32 s29, $0x51;
	[tilespmem:s31+$0x20] =	vst v1  }
.Ltmp2:
0xd8: {  	[tilespmem:s31+$0x10] =	vst v2;
	(pc) =	sbr.rel @p0 .LBB2_4-.Ltmp2, $4  }
0xd9: {  	[spmem:s1] =	stream.indirect.scatter.add.f32 [tilespmem:s21], [sflag:$0x2], $0x50, s30, s22, $0xb8;
	[tilespmem:$0x1B180] =	vst v63  }
0xda: {  	_ =	swait.ge [sflag:s17], $0x2800  }
0xdb: {  	[sflag:s17] =	ssyncset.done $0x0  }
0xdc: {  	[sflag:s17] =	ssyncadd.s32 $0xFFFFD800  }
0xdd: {  	s26 =	sadd.s32 $0x1, s26  }
0xde: {  	s0 =	sshll.u32 s2, $0x6;
	[bflag:$0x0] =	sbarrier.arrive $0xFFFF;
	p0 =	sne.s32 s26, s15  }
.Ltmp3:
0xdf: {  	s16 =	sshrl.u32 s9, $0x3;
	s0 =	sor.u32 $0x1C02, s0;
	(pc) =	sbr.rel @p0 .LBB2_1-.Ltmp3, $4  }
0xe0: {  	[hbm:s14], [sflag:s0] =	dma.local [spmem:s16], $0x1900  }
0xe1: {  	_ =	swait.ge [sflag:s17], $0x1900  }
0xe2: {  	[sflag:s17] =	ssyncset.done $0x0  }
0xe3: {  	[sflag:s17] =	ssyncadd.s32 $0xFFFFE700  }
0xe4: {  	_ =	sfence.sel $0x180000  }
0xe5: {  	[bflag:$0x0] =	sbarrier.arrive $0xFFFF  }
0xe6: {  	_ =	strace $0x9000004D  }
0xe7: {  	[bflag:$0x2] =	sbarrier.arrive $0xFFFF  }
0xe8: {  	p0 =	sne.s32 s2, $0x0;
	s0 =	rddreg [dreg:$0x2]  }
0xe9: {  	s0 =	sadd.s32 @!p0 $0x100000, s0  }
0xea: {  	[sflag:s0] =	ssyncadd.tile.s32 @!p0 $0x1;
	_ =	shalt  }
.Lfunc_end2:
_tile_overlayer_lowered:
.L_overlay_start_2:
0xeb: {  	(tag) =	ssettag $0x2  }
0xec: {  	s0 =	rddreg [dreg:$0x0];
	s2 =	stileid.u32  }
0xed: {  	s1 =	rddreg [dreg:$0x1];
	p0 =	sne.s32 s2, $0x0  }
0xee: {  	s3 =	rddreg [dreg:$0x2];
	[bflag:$0x3] =	sbarrier.arrive $0xFFFF;
	s2 =	simm.s32 @!p0 $0x1C02  }
0xef: {  	[timem:s3], [sflag:s2] =	dma.local @!p0 [hbm:s0], s1  }
0xf0: {  	s0 =	simm.s32 @!p0 $0x2  }
0xf1: {  	_ =	swait.ge @!p0 [sflag:s0], s1  }
0xf2: {  	s1 =	ssub.s32 @!p0 $0x0, s1;
	[sflag:s0] =	ssyncset.done @!p0 $0x0  }
0xf3: {  	[sflag:s0] =	ssyncadd.s32 @!p0 s1  }
0xf4: {  	[bflag:$0x3] =	sbarrier.arrive $0xFFFF  }
0xf5: {  	_ =	shalt  }

// kernel: kernel.19.cloned.1.call-start
scs
__scs_entry_jumppad:
0x0: {  	(pc) =	sbr.rel $0x88, $3  }
0x1: {  	(tag) =	ssettag $0x0;
	lr =	simm.s32 $0x1  }
0x2: {  	[smem:$0x3F8C] =	sst lr;
	_ =	strace $0xD0000000  }
0x3: {  	_ = 	snop  }
0x4: {  	_ = 	snop  }
0x5: {  	_ = 	snop  }
0x6: {  	_ = 	snop  }
0x7: {  	_ = 	snop  }
__scs_overlays_trampoline_lowered:
0x8: {  	[smem:$0x3F9B] =	sst s0  }
0x9: {  	[smem:$0x3F9C] =	sst s1  }
0xa: {  	[smem:$0x3F9D] =	sst s2  }
0xb: {  	[smem:$0x3F9E] =	sst s3  }
0xc: {  	[smem:$0x3F9F] =	sst s4  }
0xd: {  	[smem:$0x3FA0] =	sst s5  }
0xe: {  	[smem:$0x3FA1] =	sst s6  }
0xf: {  	[smem:$0x3FA2] =	sst s7  }
0x10: {  	[smem:$0x3FA3] =	sst s8  }
0x11: {  	[smem:$0x3FA4] =	sst s9;
	s0 =	simm.s32 @!p0 $0x0  }
0x12: {  	s1 =	sld [smem:$0x3F8A];
	s0 =	simm.s32 @p0 $0x1  }
0x13: {  	[smem:$0x3FA5] =	sst s0;
	s0 =	simm.s32 @!p1 $0x0  }
0x14: {  	s2 =	sld [smem:$0x3F89];
	s0 =	simm.s32 @p1 $0x1  }
0x15: {  	[smem:$0x3FA6] =	sst s0;
	s0 =	simm.s32 @!p2 $0x0  }
0x16: {  	s3 =	sld [smem:$0x3FDB];
	s0 =	simm.s32 @p2 $0x1  }
0x17: {  	s4 =	simm.s32 $0x1BF5;
	[smem:$0x3FA8] =	sst s0  }
0x18: {  	s0 =	sld [smem:$0x3F8B];
	_ =	swait.ge [sflag:s4], $0x0  }
0x19: {  	s7 =	sld [smem:$0x3F8C]  }
0x1a: {  	s8 =	sadd.s32 $0xFFFFE003, lr  }
0x1b: {  	s9 =	sadd.s32 $0xFFFFFEF7, lr;
	s5 =	simm.s32 $0xFFFFFFFF;
	p2 =	slt.u32 s8, $0xFFFFF086  }
0x1c: {  	p1 =	slt.u32 s9, $0xF7A;
	s5 =	simm.s32 @!p2 $0x0  }
0x1d: {  	s5 =	simm.s32 @p1 $0x1;
	p0 =	seq.s32 s7, s2  }
0x1e: {  	s7 =	smul.u32 @!p0 $0xF7A, s2;
	p2 =	seq.s32 @!p0 s5, $0x0  }
0x1f: {  	s9 =	smul.u32 $0xF7A, s1;
	s8 =	simm.s32 @!p0 $0x1BF5;
	p2 =	por !p2, p0  }
0x20: {  	[sflag:s8] =	ssyncset.s32 @!p0 $0xFFFFF086;
	s6 =	sadd.s32 @!p0 s3, s7;
	s7 =	simm.s32 @!p0 $0x108  }
0x21: {  	s3 =	sadd.s32 s3, s9;
	s6 =	sadd.s32 @!p0 $0x88, s6;
	s7 =	simm.s32 @p2 $0x1082  }
0x22: {  	[simem:s7], [sflag:s8] =	dma.local @!p0 [hbm:s6], $0xF7A  }
0x23: {  	s9 =	sor.u32 $0xD0000000, s2;
	s6 =	simm.s32 $0x108;
	_ =	swait.ge @!p0 [sflag:s8], $0x0  }
0x24: {  	s3 =	sadd.s32 $0x88, s3;
	s6 =	simm.s32 @!p1 $0x1082;
	[sflag:s4] =	ssyncset.s32 $0xFFFFF086  }
0x25: {  	[simem:s6], [sflag:s4] =	dma.local [hbm:s3], $0xF7A  }
0x26: {  	[smem:$0x3F8C] =	sst s1;
	(tag) =	ssettag s2;
	_ =	strace s9  }
0x27: {  	s1 =	sld [smem:$0x3F9C]  }
0x28: {  	s2 =	sld [smem:$0x3F9D]  }
0x29: {  	s4 =	sld [smem:$0x3F9F]  }
0x2a: {  	p0 =	seq.s32 s5, $0x0;
	s5 =	sld [smem:$0x3FA0]  }
0x2b: {  	s6 =	sld [smem:$0x3FA1]  }
0x2c: {  	s7 =	sld [smem:$0x3FA2]  }
0x2d: {  	s3 =	simm.s32 $0x108;
	s8 =	sld [smem:$0x3FA3]  }
0x2e: {  	s3 =	simm.s32 @!p0 $0x1082;
	s9 =	sld [smem:$0x3FA4]  }
0x2f: {  	lr =	sadd.s32 s0, s3;
	s0 =	sld [smem:$0x3F9B]  }
0x30: {  	s3 =	sld [smem:$0x3F9E]  }
0x31: {  	[smem:$0x3FA7] =	sst s10  }
0x32: {  	s10 =	sld [smem:$0x3FA5];
	_ =	sdelay $0x3  }
0x33: {  	p0 =	seq.s32 s10, $0x1;
	s10 =	sld [smem:$0x3FA7];
	_ =	sdelay $0x3  }
0x34: {  	[smem:$0x3FA7] =	sst s10  }
0x35: {  	s10 =	sld [smem:$0x3FA6];
	_ =	sdelay $0x3  }
0x36: {  	p1 =	seq.s32 s10, $0x1;
	s10 =	sld [smem:$0x3FA7];
	_ =	sdelay $0x3  }
0x37: {  	[smem:$0x3FA7] =	sst s10  }
0x38: {  	s10 =	sld [smem:$0x3FA8]  }
0x39: {  	_ = 	snop;
	(pc) =	sbr.ind lr, $3  }
0x3a: {  	_ = 	snop  }
0x3b: {  	_ = 	snop  }
0x3c: {  	p2 =	seq.s32 s10, $0x1;
	s10 =	sld [smem:$0x3FA7]  }
0x3d: {  	_ =	shalt  }
0x3e: {  	_ =	shalt  }
0x3f: {  	_ =	shalt  }
0x40: {  	_ =	shalt  }
0x41: {  	_ =	shalt  }
0x42: {  	_ =	shalt  }
0x43: {  	_ =	shalt  }
0x44: {  	_ =	shalt  }
0x45: {  	_ =	shalt  }
0x46: {  	_ =	shalt  }
0x47: {  	_ =	shalt  }
0x48: {  	_ =	shalt  }
0x49: {  	_ =	shalt  }
0x4a: {  	_ =	shalt  }
0x4b: {  	_ =	shalt  }
0x4c: {  	_ =	shalt  }
0x4d: {  	_ =	shalt  }
0x4e: {  	_ =	shalt  }
0x4f: {  	_ =	shalt  }
0x50: {  	_ =	shalt  }
0x51: {  	_ =	shalt  }
0x52: {  	_ =	shalt  }
0x53: {  	_ =	shalt  }
0x54: {  	_ =	shalt  }
0x55: {  	_ =	shalt  }
0x56: {  	_ =	shalt  }
0x57: {  	_ =	shalt  }
0x58: {  	_ =	shalt  }
0x59: {  	_ =	shalt  }
0x5a: {  	_ =	shalt  }
0x5b: {  	_ =	shalt  }
0x5c: {  	_ =	shalt  }
0x5d: {  	_ =	shalt  }
0x5e: {  	_ =	shalt  }
0x5f: {  	_ =	shalt  }
0x60: {  	_ =	shalt  }
0x61: {  	_ =	shalt  }
0x62: {  	_ =	shalt  }
0x63: {  	_ =	shalt  }
0x64: {  	_ =	shalt  }
0x65: {  	_ =	shalt  }
0x66: {  	_ =	shalt  }
0x67: {  	_ =	shalt  }
0x68: {  	_ =	shalt  }
0x69: {  	_ =	shalt  }
0x6a: {  	_ =	shalt  }
0x6b: {  	_ =	shalt  }
0x6c: {  	_ =	shalt  }
0x6d: {  	_ =	shalt  }
0x6e: {  	_ =	shalt  }
0x6f: {  	_ =	shalt  }
0x70: {  	_ =	shalt  }
0x71: {  	_ =	shalt  }
0x72: {  	_ =	shalt  }
0x73: {  	_ =	shalt  }
0x74: {  	_ =	shalt  }
0x75: {  	_ =	shalt  }
0x76: {  	_ =	shalt  }
0x77: {  	_ =	shalt  }
0x78: {  	_ =	shalt  }
0x79: {  	_ =	shalt  }
0x7a: {  	_ =	shalt  }
0x7b: {  	_ =	shalt  }
0x7c: {  	_ =	shalt  }
0x7d: {  	_ =	shalt  }
0x7e: {  	_ =	shalt  }
0x7f: {  	_ =	shalt  }
0x80: {  	_ =	shalt  }
0x81: {  	_ =	shalt  }
0x82: {  	_ =	shalt  }
0x83: {  	_ =	shalt  }
0x84: {  	_ =	shalt  }
0x85: {  	_ =	shalt  }
0x86: {  	_ =	shalt  }
0x87: {  	_ =	shalt  }
.Lfunc_end0:
.L_simem_size_0:
called_computation.2_lowered:
.L_overlay_start_0:
0x88: {  	s2 =	sld [smem:$0x3FD9]  }
0x89: {  	s3 =	sld [smem:$0x3FFE];
	_ =	sdelay $0x1  }
0x8a: {  	s1 =	srdreg.scid  }
0x8b: {  	s0 =	sand.u32 $0x1, s1  }
0x8c: {  	s17 =	sshll.u32 s0, $0xA;
	s2 =	sadd.s32 s3, s2  }
0x8d: {  	s2 =	sadd.s32 s2, s17  }
0x8e: {  	[smem:$0x3FB3] =	sst s2  }
0x8f: {  	_ = 	snop  }
0x90: {  	(tm) =	ssettm $0x1  }
0x91: {  	s18 =	sld [smem:$0x3FFB];
	_ =	sdelay $0x3  }
0x92: {  	_ =	strace s18  }
0x93: {  	s2 =	sld [smem:$0x3FFC];
	_ =	sdelay $0x3  }
0x94: {  	_ =	strace s2  }
0x95: {  	s2 =	sld [smem:$0x3FFD];
	_ =	sdelay $0x3  }
0x96: {  	_ =	strace s2  }
0x97: {  	_ =	strace $0x8FFFFFFF  }
0x98: {  	s19 =	sld [smem:$0x3FDB];
	_ =	sdelay $0x1  }
0x99: {  	s20 =	simm.s32 $_scs_section_size  }
0x9a: {  	s4 =	simm.s32 $_size__tile_overlayer_lowered;
	s5 =	simm.s32 $_tile_overlayer_lowered  }
0x9b: {  	s6 =	simm.s32 $0x1BFF;
	s21 =	sshll.u32 s5, $0x1;
	s3 =	sadd.s32 s20, s19  }
0x9c: {  	s22 =	simm.s32 $0x0;
	s4 =	sshll.u32 s4, $0x1;
	s5 =	sadd.s32 s21, s3  }
0x9d: {  	[timem:s22], [sflag:s6] =	dma.local [hbm:s5], s4  }
0x9e: {  	_ =	swait.ge [sflag:s6], s4  }
0x9f: {  	s4 =	ssub.s32 $0x0, s4;
	[sflag:s6] =	ssyncset.done $0x0  }
0xa0: {  	[sflag:s6] =	ssyncadd.s32 s4;
	_ =	sdelay $0x1  }
0xa1: {  	s23 =	simm.s32 $0x1B8B  }
0xa2: {  	_ =	swait.ge [sflag:s23], $0x1  }
0xa3: {  	[sflag:s23] =	ssyncset.done $0x0  }
0xa4: {  	[sflag:s23] =	ssyncadd.s32 $0xFFFFFFFF  }
0xa5: {  	s4 =	sld [smem:$0x0]  }
0xa6: {  	s5 =	sand.u32 $0xFFFFFFFE, s1  }
0xa7: {  	p0 =	sne.s32 s1, s5  }
0xa8: {  	s5 =	sshll.u32 @p0 s5, $0xE  }
0xa9: {  	s5 =	sadd.s32 @p0 $0x11B8D, s5;
	s6 =	sshll.u32 @p0 s4, $0x11  }
0xaa: {  	s5 =	sor.u32 @p0 s6, s5  }
0xab: {  	[sflag:s5] =	ssyncadd.remote.s32 @p0 $0x1;
	_ =	sdelay $0x1  }
0xac: {  	s5 =	simm.s32 @p0 $0x1B8D  }
0xad: {  	_ =	swait.eq @p0 [sflag:s5], $0x1  }
0xae: {  	[sflag:s5] =	ssyncadd.s32 @p0 $0xFFFFFFFF  }
0xaf: {  	s6 =	sshll.u32 @!p0 s1, $0xE  }
0xb0: {  	s6 =	sor.u32 @!p0 $0x4000, s6;
	s5 =	simm.s32 @!p0 $0x1B8D  }
0xb1: {  	s4 =	sshll.u32 @!p0 s4, $0x11;
	s6 =	sadd.s32 @!p0 $0x11B8D, s6;
	_ =	swait.eq @!p0 [sflag:s5], $0x1  }
0xb2: {  	s4 =	sor.u32 @!p0 s4, s6;
	[sflag:s5] =	ssyncadd.s32 @!p0 $0xFFFFFFFF  }
0xb3: {  	s25 =	simm.s32 $0x1B8E;
	s24 =	sld [smem:$0x3FFE];
	[sflag:s4] =	ssyncadd.remote.s32 @!p0 $0x1  }
0xb4: {  	s26 =	simm.s32 $execute0_lowered;
	[smem:$0x3FD2] =	sst s25  }
0xb5: {  	s5 =	sshll.u32 s26, $0x1;
	_ =	strace $0x80000049;
	[dreg:$0x1] =	wrdreg $0xFFFFFFFF  }
0xb6: {  	s28 =	simm.s32 $_size_execute0_lowered;
	s3 =	sadd.s32 s3, s5;
	[dreg:$0x0] =	wrdreg $0x0  }
0xb7: {  	s5 =	sshll.u32 s28, $0x1;
	[dreg:$0x2] =	wrdreg s3  }
0xb8: {  	[dreg:$0x3] =	wrdreg s5  }
0xb9: {  	[dreg:$0x4] =	wrdreg $0xC0  }
0xba: {  	_ =	task [dreg:s22], $0x5FFFF  }
0xbb: {  	[dreg:$0x1] =	wrdreg $0xFFFFFFFF  }
0xbc: {  	[dreg:$0x0] =	wrdreg $0x60  }
0xbd: {  	[dreg:$0x2] =	wrdreg s24  }
0xbe: {  	[dreg:$0x3] =	wrdreg $0x0  }
0xbf: {  	[dreg:$0x4] =	wrdreg $0xB  }
0xc0: {  	_ =	task.clear_ibuf [dreg:s22], $0x5FFFF;
	_ =	strace $0x90000049  }
0xc1: {  	s29 =	simm.s32 $0xB;
	_ =	strace $0x8000004B  }
0xc2: {  	_ =	swait.ge [sflag:s29], $0x1  }
0xc3: {  	[sflag:s29] =	ssyncadd.s32 $0xFFFFFFFF  }
0xc4: {  	_ =	strace $0x9000004B  }
0xc5: {  	_ =	sfence  }
0xc6: {  	s30 =	sld [smem:$0x0];
	_ =	sdelay $0x2  }
0xc7: {  	s31 =	sshll.u32 s1, $0xD;
	s1 =	sshrl.u32 s1, $0x2  }
0xc8: {  	s4 =	sand.u32 $0x4000, s31;
	s1 =	sadd.s32 s1, s30  }
0xc9: {  	s0 =	sor.u32 s4, s0;
	s1 =	sshll.u32 s1, $0x11  }
0xca: {  	s0 =	sor.u32 s1, s0  }
0xcb: {  	s0 =	sadd.s32 $0x8F2B, s0  }
0xcc: {  	[sflag:s0] =	ssyncadd.remote.s32 $0x1  }
0xcd: {  	_ =	sfence.sel $0xFFFF  }
0xce: {  	[dreg:$0x0] =	wrdreg $0xFFFFFFFF;
	(pc) =	sbr.abs _section_cstart, $3  }
0xcf: {  	[dreg:$0x1] =	wrdreg $0xFFFFFFFF  }
0xd0: {  	_ =	task.clear_ibuf [dreg:s22], $0x2FFFF;
	_ =	strace $0x9FFFFFFF  }
0xd1: {  	(tm) =	ssettm $0x7FFFFFFF  }
tec
execute0_lowered:
.L_overlay_start_1:
0x0: {  	(tag) =	ssettag $0x1  }
0x1: {  	s0 =	rddreg [dreg:$0x0]  }
0x2: {  	s1 =	rddreg [dreg:$0x1];
	s3 =	simm.s32 $0x0  }
0x3: {  	s4 =	srdreg.scid;
	s2 =	stileid.u32;
	s17 =	simm.s32 $0x2  }
0x4: {  	s18 =	simm.s32 $0xF080;
	s19 =	simm.s32 $0x11900;
	s20 =	simm.s32 $0x14100  }
0x5: {  	s21 =	simm.s32 $0x18980;
	s22 =	simm.s32 $0x80;
	s23 =	simm.s32 $0x16980  }
0x6: {  	s24 =	simm.s32 $0x1;
	s25 =	simm.s32 $0x16900;
	s26 =	simm.s32 $0x0  }
0x7: {  	[smem:$0x7FF] =	sst s3;
	s7 =	sand.u32 $0x1, s4;
	s9 =	smul.u32 $0xC800, s2  }
0x8: {  	s4 =	sadd.s32 $0x5D400, s0;
	s6 =	sadd.s32 $0x14C00, s0;
	s11 =	smul.u32 $0x32000, s2  }
0x9: {  	_ =	strace $0x8000004A;
	s5 =	sshll.u32 s7, $0x4;
	s10 =	smul.u32 $0xC8000, s7  }
0xa: {  	s7 =	ssub.s32 $0x2, s7;
	s8 =	sor.u32 s2, s5;
	s5 =	sadd.s32 $0x15200, s0  }
0xb: {  	s12 =	sshrl.u32 s7, $0x1;
	s31 =	sshrl.u32 s11, $0x2;
	s8 =	smul.u32 $0x510, s8  }
0xc: {  	s10 =	sadd.s32 s9, s10;
	s15 =	ssub.s32 s7, s12;
	s13 =	sadd.s32 s31, s1  }
0xd: {  	s9 =	sadd.s32 s9, s1;
	s10 =	sshrl.u32 s10, $0x3;
	s11 =	sadd.s32 $0x5000, s13  }
0xe: {  	s12 =	sadd.s32 $0x7800, s13;
	s15 =	smax.u32 s15, $0x1;
	s8 =	sadd.s32 s8, s0  }
0xf: {  	s0 =	sadd.s32 s10, s0;
	s10 =	sadd.s32 $0x2800, s13;
	s13 =	sadd.s32 $0xA000, s13  }
0x10: {  	v0 =	vimm.f32 $0.0e+00;
	s7 =	sadd.s32 $0x21200, s8;
	s8 =	sadd.s32 $0x17000, s8;
	s14 =	sadd.s32 $0x71400, s0  }
.LBB2_1:
0x11: {  	s0 =	simm.s32 $0xC800  }
0x12: {  	[tilespmem:s0], [sflag:$0x2] =	stream.linear.gather [hbm4b:s7+s3], $0x2880, $0x38;
	[tilespmem:$0x1B180] =	vst v63  }
0x13: {  	_ =	swait.ge [sflag:s17], $0x2880  }
0x14: {  	[sflag:s17] =	ssyncset.done $0x0  }
0x15: {  	[sflag:s17] =	ssyncadd.s32 $0xFFFFD780  }
0x16: {  	[tilespmem:s18], [sflag:$0x2] =	stream.linear.gather [hbm4b:s8+s3], $0x2880, $0x38;
	[tilespmem:$0x1B180] =	vst v63  }
0x17: {  	_ =	swait.ge [sflag:s17], $0x2880  }
0x18: {  	[sflag:s17] =	ssyncset.done $0x0  }
0x19: {  	[sflag:s17] =	ssyncadd.s32 $0xFFFFD780  }
0x1a: {  	[tilespmem:s19], [sflag:$0x2] =	stream.linear.gather [hbm4b:s5+s3], $0x2800, $0x38;
	[tilespmem:$0x1B180] =	vst v63  }
0x1b: {  	_ =	swait.ge [sflag:s17], $0x2800  }
0x1c: {  	[sflag:s17] =	ssyncset.done $0x0  }
0x1d: {  	[sflag:s17] =	ssyncadd.s32 $0xFFFFD800  }
0x1e: {  	[tilespmem:s20], [sflag:$0x2] =	stream.linear.gather [hbm4b:s6+s3], $0x2800, $0x38;
	[tilespmem:$0x1B180] =	vst v63  }
0x1f: {  	_ =	swait.ge [sflag:s17], $0x2800  }
0x20: {  	[sflag:s17] =	ssyncset.done $0x0  }
0x21: {  	s16 =	simm.s32 $0x140;
	s0 =	simm.s32 $0x0;
	[sflag:s17] =	ssyncadd.s32 $0xFFFFD800  }
.LBB2_2:
0x22: {  	p0 =	sne.s32 s16, $0x9EC0;
	[tilespmem:s0+$0x189C0] =	vst v0;
	s28 =	smov.u32 s16;
	s16 =	sadd.s32 $0x140, s16  }
.Ltmp0:
0x23: {  	[tilespmem:s0+$0x189B0] =	vst v0;
	(pc) =	sbr.rel @p0 .LBB2_2-.Ltmp0, $4  }
0x24: {  	[tilespmem:s0+$0x189A0] =	vst v0  }
0x25: {  	[tilespmem:s0+$0x18980] =	vst v0  }
0x26: {  	[tilespmem:s0+$0x18990] =	vst v0  }
0x27: {  	s0 =	sshra.s32 s28, $0x2  }
0x28: {  	[tilespmem:s0+$0x189C0] =	vst v0  }
0x29: {  	[tilespmem:s0+$0x189B0] =	vst v0  }
0x2a: {  	[tilespmem:s0+$0x189A0] =	vst v0  }
0x2b: {  	[tilespmem:s0+$0x18980] =	vst v0  }
0x2c: {  	[tilespmem:s0+$0x18990] =	vst v0  }
0x2d: {  	[spmem:s9] =	stream.linear.scatter [tilespmem:s21], [sflag:$0x2], $0x2800, $0x38;
	[tilespmem:$0x1B180] =	vst v63  }
0x2e: {  	_ =	swait.ge [sflag:s17], $0x2800  }
0x2f: {  	[sflag:s17] =	ssyncset.done $0x0  }
0x30: {  	[sflag:s17] =	ssyncadd.s32 $0xFFFFD800  }
0x31: {  	[spmem:s10] =	stream.linear.scatter [tilespmem:s21], [sflag:$0x2], $0x2800, $0x38;
	[tilespmem:$0x1B180] =	vst v63  }
0x32: {  	_ =	swait.ge [sflag:s17], $0x2800  }
0x33: {  	[sflag:s17] =	ssyncset.done $0x0  }
0x34: {  	[sflag:s17] =	ssyncadd.s32 $0xFFFFD800  }
0x35: {  	[spmem:s11] =	stream.linear.scatter [tilespmem:s21], [sflag:$0x2], $0x2800, $0x38;
	[tilespmem:$0x1B180] =	vst v63  }
0x36: {  	_ =	swait.ge [sflag:s17], $0x2800  }
0x37: {  	[sflag:s17] =	ssyncset.done $0x0  }
0x38: {  	[sflag:s17] =	ssyncadd.s32 $0xFFFFD800  }
0x39: {  	[spmem:s12] =	stream.linear.scatter [tilespmem:s21], [sflag:$0x2], $0x2800, $0x38;
	[tilespmem:$0x1B180] =	vst v63  }
0x3a: {  	_ =	swait.ge [sflag:s17], $0x2800  }
0x3b: {  	[sflag:s17] =	ssyncset.done $0x0  }
0x3c: {  	[sflag:s17] =	ssyncadd.s32 $0xFFFFD800  }
0x3d: {  	[spmem:s13] =	stream.linear.scatter [tilespmem:s21], [sflag:$0x2], $0x2800, $0x38;
	[tilespmem:$0x1B180] =	vst v63  }
0x3e: {  	_ =	swait.ge [sflag:s17], $0x2800  }
0x3f: {  	[sflag:s17] =	ssyncset.done $0x0  }
0x40: {  	[sflag:s17] =	ssyncadd.s32 $0xFFFFD800  }
0x41: {  	s28 =	simm.s32 $0x0;
	s29 =	simm.s32 $0x0;
	[bflag:$0x0] =	sbarrier.arrive $0xFFFF  }
.LBB2_4:
0x42: {  	s30 =	sshll.u32 s29, $0x7  }
0x43: {  	s0 =	sadd.s32 $0xC800, s30  }
0x44: {  	[tilespmem:s23], [sflag:$0x1] =	stream.indirect.gather [hbm4b:s4+s22], $0x40, s0, s22, $0xb8;
	[tilespmem:$0x1B180] =	vst v63  }
0x45: {  	_ =	swait.ge [sflag:s24], $0x2000  }
0x46: {  	[sflag:s24] =	ssyncset.done $0x0  }
0x47: {  	[sflag:s24] =	ssyncadd.s32 $0xFFFFE000  }
0x48: {  	v1 =	vld [tilespmem:s30+$0xC800]  }
0x49: {  	v2 =	vld [tilespmem:s30+$0xF080];
	_ =	sdelay $0x6  }
0x4a: {  	v1 =	vld.idx.msk [tilespmem:v1+s19+$0x0], $0xffff  }
0x4b: {  	v2 =	vld.idx.msk [tilespmem:v2+s20+$0x0], $0xffff;
	_ =	sdelay $0x4  }
0x4c: {  	v1 =	vadd.f32 v2, v1;
	_ =	sdelay $0x1  }
0x4d: {  	v2 =	vmul.f32 $2.000000030e-01, v1  }
0x4e: {  	vm0 =	vgt.f32 v1, $0.0e+00  }
0x4f: {  	v1 =	vsel vm0, v1, v2  }
0x50: {  	v1 =	vmul.f32 $1.442695020e+00, v1;
	_ =	sdelay $0x1  }
0x51: {  	(erf) = vpow2.f32 v1;
	_ =	sdelay $0x8  }
0x52: {  	v1 =	vpop (erf)  }
0x53: {  	[tilespmem:$0x16900] =	vst v1  }
0x54: {  	v1 =	vld [tilespmem:s30+$0xC810]  }
0x55: {  	v2 =	vld [tilespmem:s30+$0xF090];
	_ =	sdelay $0x6  }
0x56: {  	v1 =	vld.idx.msk [tilespmem:v1+s19+$0x0], $0xffff  }
0x57: {  	v2 =	vld.idx.msk [tilespmem:v2+s20+$0x0], $0xffff;
	_ =	sdelay $0x4  }
0x58: {  	v1 =	vadd.f32 v2, v1;
	_ =	sdelay $0x1  }
0x59: {  	v2 =	vmul.f32 $2.000000030e-01, v1  }
0x5a: {  	vm9 =	vgt.f32 v1, $0.0e+00  }
0x5b: {  	v1 =	vsel vm9, v1, v2  }
0x5c: {  	v1 =	vmul.f32 $1.442695020e+00, v1;
	_ =	sdelay $0x1  }
0x5d: {  	(erf) = vpow2.f32 v1;
	_ =	sdelay $0x8  }
0x5e: {  	v1 =	vpop (erf)  }
0x5f: {  	[tilespmem:$0x16910] =	vst v1  }
0x60: {  	v1 =	vld [tilespmem:s30+$0xC820]  }
0x61: {  	v2 =	vld [tilespmem:s30+$0xF0A0];
	_ =	sdelay $0x6  }
0x62: {  	v1 =	vld.idx.msk [tilespmem:v1+s19+$0x0], $0xffff  }
0x63: {  	v2 =	vld.idx.msk [tilespmem:v2+s20+$0x0], $0xffff;
	_ =	sdelay $0x4  }
0x64: {  	v1 =	vadd.f32 v2, v1;
	_ =	sdelay $0x1  }
0x65: {  	v2 =	vmul.f32 $2.000000030e-01, v1  }
0x66: {  	vm10 =	vgt.f32 v1, $0.0e+00  }
0x67: {  	v1 =	vsel vm10, v1, v2  }
0x68: {  	v1 =	vmul.f32 $1.442695020e+00, v1;
	_ =	sdelay $0x1  }
0x69: {  	(erf) = vpow2.f32 v1;
	_ =	sdelay $0x8  }
0x6a: {  	v1 =	vpop (erf)  }
0x6b: {  	[tilespmem:$0x16920] =	vst v1  }
0x6c: {  	v1 =	vld [tilespmem:s30+$0xC830]  }
0x6d: {  	v2 =	vld [tilespmem:s30+$0xF0B0];
	_ =	sdelay $0x6  }
0x6e: {  	v1 =	vld.idx.msk [tilespmem:v1+s19+$0x0], $0xffff  }
0x6f: {  	v2 =	vld.idx.msk [tilespmem:v2+s20+$0x0], $0xffff;
	_ =	sdelay $0x4  }
0x70: {  	v1 =	vadd.f32 v2, v1;
	_ =	sdelay $0x1  }
0x71: {  	v2 =	vmul.f32 $2.000000030e-01, v1  }
0x72: {  	vm11 =	vgt.f32 v1, $0.0e+00  }
0x73: {  	v1 =	vsel vm11, v1, v2  }
0x74: {  	v1 =	vmul.f32 $1.442695020e+00, v1;
	_ =	sdelay $0x1  }
0x75: {  	(erf) = vpow2.f32 v1;
	_ =	sdelay $0x8  }
0x76: {  	v1 =	vpop (erf)  }
0x77: {  	[tilespmem:$0x16930] =	vst v1  }
0x78: {  	v1 =	vld [tilespmem:s30+$0xC840]  }
0x79: {  	v2 =	vld [tilespmem:s30+$0xF0C0];
	_ =	sdelay $0x6  }
0x7a: {  	v1 =	vld.idx.msk [tilespmem:v1+s19+$0x0], $0xffff  }
0x7b: {  	v2 =	vld.idx.msk [tilespmem:v2+s20+$0x0], $0xffff;
	_ =	sdelay $0x4  }
0x7c: {  	v1 =	vadd.f32 v2, v1;
	_ =	sdelay $0x1  }
0x7d: {  	v2 =	vmul.f32 $2.000000030e-01, v1  }
0x7e: {  	vm12 =	vgt.f32 v1, $0.0e+00  }
0x7f: {  	v1 =	vsel vm12, v1, v2  }
0x80: {  	v1 =	vmul.f32 $1.442695020e+00, v1;
	_ =	sdelay $0x1  }
0x81: {  	(erf) = vpow2.f32 v1;
	_ =	sdelay $0x8  }
0x82: {  	v1 =	vpop (erf)  }
0x83: {  	[tilespmem:$0x16940] =	vst v1  }
0x84: {  	v1 =	vld [tilespmem:s30+$0xC850]  }
0x85: {  	v2 =	vld [tilespmem:s30+$0xF0D0];
	_ =	sdelay $0x6  }
0x86: {  	v1 =	vld.idx.msk [tilespmem:v1+s19+$0x0], $0xffff  }
0x87: {  	v2 =	vld.idx.msk [tilespmem:v2+s20+$0x0], $0xffff;
	_ =	sdelay $0x4  }
0x88: {  	v1 =	vadd.f32 v2, v1;
	_ =	sdelay $0x1  }
0x89: {  	v2 =	vmul.f32 $2.000000030e-01, v1  }
0x8a: {  	vm13 =	vgt.f32 v1, $0.0e+00  }
0x8b: {  	v1 =	vsel vm13, v1, v2  }
0x8c: {  	v1 =	vmul.f32 $1.442695020e+00, v1;
	_ =	sdelay $0x1  }
0x8d: {  	(erf) = vpow2.f32 v1;
	_ =	sdelay $0x8  }
0x8e: {  	v1 =	vpop (erf)  }
0x8f: {  	[tilespmem:$0x16950] =	vst v1  }
0x90: {  	v1 =	vld [tilespmem:s30+$0xC860]  }
0x91: {  	v2 =	vld [tilespmem:s30+$0xF0E0];
	_ =	sdelay $0x6  }
0x92: {  	v1 =	vld.idx.msk [tilespmem:v1+s19+$0x0], $0xffff  }
0x93: {  	v2 =	vld.idx.msk [tilespmem:v2+s20+$0x0], $0xffff;
	_ =	sdelay $0x4  }
0x94: {  	v1 =	vadd.f32 v2, v1;
	_ =	sdelay $0x1  }
0x95: {  	v2 =	vmul.f32 $2.000000030e-01, v1  }
0x96: {  	vm14 =	vgt.f32 v1, $0.0e+00  }
0x97: {  	v1 =	vsel vm14, v1, v2  }
0x98: {  	v1 =	vmul.f32 $1.442695020e+00, v1;
	_ =	sdelay $0x1  }
0x99: {  	(erf) = vpow2.f32 v1;
	_ =	sdelay $0x8  }
0x9a: {  	v1 =	vpop (erf)  }
0x9b: {  	[tilespmem:$0x16960] =	vst v1  }
0x9c: {  	v1 =	vld [tilespmem:s30+$0xC870]  }
0x9d: {  	v2 =	vld [tilespmem:s30+$0xF0F0];
	_ =	sdelay $0x6  }
0x9e: {  	v1 =	vld.idx.msk [tilespmem:v1+s19+$0x0], $0xffff  }
0x9f: {  	v2 =	vld.idx.msk [tilespmem:v2+s20+$0x0], $0xffff;
	_ =	sdelay $0x4  }
0xa0: {  	v1 =	vadd.f32 v2, v1;
	_ =	sdelay $0x1  }
0xa1: {  	v2 =	vmul.f32 $2.000000030e-01, v1  }
0xa2: {  	vm15 =	vgt.f32 v1, $0.0e+00  }
0xa3: {  	v1 =	vsel vm15, v1, v2  }
0xa4: {  	v1 =	vmul.f32 $1.442695020e+00, v1;
	_ =	sdelay $0x1  }
0xa5: {  	(erf) = vpow2.f32 v1;
	_ =	sdelay $0x5  }
0xa6: {  	v1 =	vmov s28;
	_ =	sdelay $0x2  }
0xa7: {  	v2 =	vpop (erf)  }
0xa8: {  	[tilespmem:$0x16970] =	vst v2  }
0xa9: {  	s31 =	simm.s32 $0x169A0;
	v1 =	vld.idx.msk [tilespmem:v1+s25+$0x0], $0xffff  }
0xaa: {  	v2 =	vld [tilespmem:s31+$0xFFFFFFE0];
	_ =	sdelay $0x4  }
0xab: {  	v2 =	vmul.f32 v2, v1  }
0xac: {  	s0 =	simm.s32 $0x189A0  }
0xad: {  	[tilespmem:s0+$0xFFFFFFE0] =	vst v2  }
0xae: {  	v2 =	vld [tilespmem:s31+$0xFFFFFFF0];
	_ =	sdelay $0x4  }
0xaf: {  	v2 =	vmul.f32 v2, v1;
	_ =	sdelay $0x1  }
0xb0: {  	[tilespmem:s0+$0xFFFFFFF0] =	vst v2  }
0xb1: {  	v2 =	vld [tilespmem:s31+$0x0];
	_ =	sdelay $0x4  }
0xb2: {  	v2 =	vmul.f32 v2, v1;
	_ =	sdelay $0x1  }
0xb3: {  	[tilespmem:s0+$0x0] =	vst v2  }
0xb4: {  	v2 =	vld [tilespmem:s31+$0x10];
	_ =	sdelay $0x1  }
0xb5: {  	s16 =	simm.s32 $0x1  }
0xb6: {  	v3 =	vmov s16;
	s16 =	simm.s32 $0x2;
	s30 =	sadd.s32 $0xF080, s30;
	[tilespmem:s0+$0x20] =	vst v1  }
.LBB2_5:
0xb7: {  	p0 =	sne.s32 s16, $0x7F  }
0xb8: {  	v1 =	vmul.f32 v2, v1;
	_ =	sdelay $0x1  }
0xb9: {  	[tilespmem:s0+$0x10] =	vst v1  }
0xba: {  	s31 =	sadd.s32 $0x40, s31;
	v1 =	vld.idx.msk [tilespmem:v3+s25+$0x0], $0xffff  }
0xbb: {  	v2 =	vld [tilespmem:s31+$0xFFFFFFE0];
	_ =	sdelay $0x4  }
0xbc: {  	v2 =	vmul.f32 v2, v1  }
0xbd: {  	s0 =	sadd.s32 $0x50, s0  }
0xbe: {  	[tilespmem:s0+$0xFFFFFFE0] =	vst v2  }
0xbf: {  	v2 =	vld [tilespmem:s31+$0xFFFFFFF0];
	_ =	sdelay $0x4  }
0xc0: {  	v2 =	vmul.f32 v2, v1;
	_ =	sdelay $0x1  }
0xc1: {  	[tilespmem:s0+$0xFFFFFFF0] =	vst v2  }
0xc2: {  	v2 =	vld [tilespmem:s31+$0x0];
	_ =	sdelay $0x4  }
0xc3: {  	v2 =	vmul.f32 v2, v1;
	_ =	sdelay $0x1  }
.Ltmp1:
0xc4: {  	[tilespmem:s0+$0x0] =	vst v2;
	(pc) =	sbr.rel @p0 .LBB2_5-.Ltmp1, $2  }
0xc5: {  	v2 =	vld [tilespmem:s31+$0x10];
	[tilespmem:s0+$0x20] =	vst v1;
	_ =	sdelay $0x2  }
0xc6: {  	v3 =	vmov s16;
	s16 =	sadd.s32 $0x1, s16  }
0xc7: {  	_ = 	snop  }
0xc8: {  	v1 =	vmul.f32 v2, v1;
	_ =	sdelay $0x1  }
0xc9: {  	[tilespmem:s0+$0x10] =	vst v1  }
0xca: {  	s16 =	sadd.s32 $0x40, s31;
	v1 =	vld.idx.msk [tilespmem:v3+s25+$0x0], $0xffff  }
0xcb: {  	v2 =	vld [tilespmem:s16+$0xFFFFFFE0];
	_ =	sdelay $0x4  }
0xcc: {  	v2 =	vmul.f32 v2, v1  }
0xcd: {  	s31 =	sadd.s32 $0x50, s0  }
0xce: {  	[tilespmem:s31+$0xFFFFFFE0] =	vst v2  }
0xcf: {  	v2 =	vld [tilespmem:s16+$0xFFFFFFF0];
	_ =	sdelay $0x4  }
0xd0: {  	v2 =	vmul.f32 v2, v1;
	_ =	sdelay $0x1  }
0xd1: {  	[tilespmem:s31+$0xFFFFFFF0] =	vst v2  }
0xd2: {  	v2 =	vld [tilespmem:s16+$0x0];
	_ =	sdelay $0x4  }
0xd3: {  	v2 =	vmul.f32 v2, v1;
	_ =	sdelay $0x1  }
0xd4: {  	[tilespmem:s31+$0x0] =	vst v2  }
0xd5: {  	v2 =	vld [tilespmem:s16+$0x10];
	_ =	sdelay $0x4  }
0xd6: {  	s29 =	sadd.s32 $0x1, s29;
	v2 =	vmul.f32 v2, v1  }
0xd7: {  	p0 =	sne.s32 s29, $0x51;
	[tilespmem:s31+$0x20] =	vst v1  }
.Ltmp2:
0xd8: {  	[tilespmem:s31+$0x10] =	vst v2;
	(pc) =	sbr.rel @p0 .LBB2_4-.Ltmp2, $4  }
0xd9: {  	[spmem:s1] =	stream.indirect.scatter.add.f32 [tilespmem:s21], [sflag:$0x2], $0x50, s30, s22, $0xb8;
	[tilespmem:$0x1B180] =	vst v63  }
0xda: {  	_ =	swait.ge [sflag:s17], $0x2800  }
0xdb: {  	[sflag:s17] =	ssyncset.done $0x0  }
0xdc: {  	[sflag:s17] =	ssyncadd.s32 $0xFFFFD800  }
0xdd: {  	s26 =	sadd.s32 $0x1, s26  }
0xde: {  	s0 =	sshll.u32 s2, $0x6;
	[bflag:$0x0] =	sbarrier.arrive $0xFFFF;
	p0 =	sne.s32 s26, s15  }
.Ltmp3:
0xdf: {  	s16 =	sshrl.u32 s9, $0x3;
	s0 =	sor.u32 $0x1C02, s0;
	(pc) =	sbr.rel @p0 .LBB2_1-.Ltmp3, $4  }
0xe0: {  	[hbm:s14], [sflag:s0] =	dma.local [spmem:s16], $0x1900  }
0xe1: {  	_ =	swait.ge [sflag:s17], $0x1900  }
0xe2: {  	[sflag:s17] =	ssyncset.done $0x0  }
0xe3: {  	[sflag:s17] =	ssyncadd.s32 $0xFFFFE700  }
0xe4: {  	_ =	sfence.sel $0x180000  }
0xe5: {  	[bflag:$0x0] =	sbarrier.arrive $0xFFFF  }
0xe6: {  	_ =	strace $0x9000004A  }
0xe7: {  	[bflag:$0x2] =	sbarrier.arrive $0xFFFF  }
0xe8: {  	p0 =	sne.s32 s2, $0x0;
	s0 =	rddreg [dreg:$0x2]  }
0xe9: {  	s0 =	sadd.s32 @!p0 $0x100000, s0  }
0xea: {  	[sflag:s0] =	ssyncadd.tile.s32 @!p0 $0x1;
	_ =	shalt  }
.Lfunc_end2:
_tile_overlayer_lowered:
.L_overlay_start_2:
0xeb: {  	(tag) =	ssettag $0x2  }
0xec: {  	s0 =	rddreg [dreg:$0x0];
	s2 =	stileid.u32  }
0xed: {  	s1 =	rddreg [dreg:$0x1];
	p0 =	sne.s32 s2, $0x0  }
0xee: {  	s3 =	rddreg [dreg:$0x2];
	[bflag:$0x3] =	sbarrier.arrive $0xFFFF;
	s2 =	simm.s32 @!p0 $0x1C02  }
0xef: {  	[timem:s3], [sflag:s2] =	dma.local @!p0 [hbm:s0], s1  }
0xf0: {  	s0 =	simm.s32 @!p0 $0x2  }
0xf1: {  	_ =	swait.ge @!p0 [sflag:s0], s1  }
0xf2: {  	s1 =	ssub.s32 @!p0 $0x0, s1;
	[sflag:s0] =	ssyncset.done @!p0 $0x0  }
0xf3: {  	[sflag:s0] =	ssyncadd.s32 @!p0 s1  }
0xf4: {  	[bflag:$0x3] =	sbarrier.arrive $0xFFFF  }
0xf5: {  	_ =	shalt  }

// kernel: kernel.22.cloned.1.call-start
scs
__scs_entry_jumppad:
0x0: {  	(pc) =	sbr.rel $0x88, $3  }
0x1: {  	(tag) =	ssettag $0x0;
	lr =	simm.s32 $0x1  }
0x2: {  	[smem:$0x3F8C] =	sst lr;
	_ =	strace $0xD0000000  }
0x3: {  	_ = 	snop  }
0x4: {  	_ = 	snop  }
0x5: {  	_ = 	snop  }
0x6: {  	_ = 	snop  }
0x7: {  	_ = 	snop  }
__scs_overlays_trampoline_lowered:
0x8: {  	[smem:$0x3F9B] =	sst s0  }
0x9: {  	[smem:$0x3F9C] =	sst s1  }
0xa: {  	[smem:$0x3F9D] =	sst s2  }
0xb: {  	[smem:$0x3F9E] =	sst s3  }
0xc: {  	[smem:$0x3F9F] =	sst s4  }
0xd: {  	[smem:$0x3FA0] =	sst s5  }
0xe: {  	[smem:$0x3FA1] =	sst s6  }
0xf: {  	[smem:$0x3FA2] =	sst s7  }
0x10: {  	[smem:$0x3FA3] =	sst s8  }
0x11: {  	[smem:$0x3FA4] =	sst s9;
	s0 =	simm.s32 @!p0 $0x0  }
0x12: {  	s1 =	sld [smem:$0x3F8A];
	s0 =	simm.s32 @p0 $0x1  }
0x13: {  	[smem:$0x3FA5] =	sst s0;
	s0 =	simm.s32 @!p1 $0x0  }
0x14: {  	s2 =	sld [smem:$0x3F89];
	s0 =	simm.s32 @p1 $0x1  }
0x15: {  	[smem:$0x3FA6] =	sst s0;
	s0 =	simm.s32 @!p2 $0x0  }
0x16: {  	s3 =	sld [smem:$0x3FDB];
	s0 =	simm.s32 @p2 $0x1  }
0x17: {  	s4 =	simm.s32 $0x1BF5;
	[smem:$0x3FA8] =	sst s0  }
0x18: {  	s0 =	sld [smem:$0x3F8B];
	_ =	swait.ge [sflag:s4], $0x0  }
0x19: {  	s7 =	sld [smem:$0x3F8C]  }
0x1a: {  	s8 =	sadd.s32 $0xFFFFE003, lr  }
0x1b: {  	s9 =	sadd.s32 $0xFFFFFEF7, lr;
	s5 =	simm.s32 $0xFFFFFFFF;
	p2 =	slt.u32 s8, $0xFFFFF086  }
0x1c: {  	p1 =	slt.u32 s9, $0xF7A;
	s5 =	simm.s32 @!p2 $0x0  }
0x1d: {  	s5 =	simm.s32 @p1 $0x1;
	p0 =	seq.s32 s7, s2  }
0x1e: {  	s7 =	smul.u32 @!p0 $0xF7A, s2;
	p2 =	seq.s32 @!p0 s5, $0x0  }
0x1f: {  	s9 =	smul.u32 $0xF7A, s1;
	s8 =	simm.s32 @!p0 $0x1BF5;
	p2 =	por !p2, p0  }
0x20: {  	[sflag:s8] =	ssyncset.s32 @!p0 $0xFFFFF086;
	s6 =	sadd.s32 @!p0 s3, s7;
	s7 =	simm.s32 @!p0 $0x108  }
0x21: {  	s3 =	sadd.s32 s3, s9;
	s6 =	sadd.s32 @!p0 $0x88, s6;
	s7 =	simm.s32 @p2 $0x1082  }
0x22: {  	[simem:s7], [sflag:s8] =	dma.local @!p0 [hbm:s6], $0xF7A  }
0x23: {  	s9 =	sor.u32 $0xD0000000, s2;
	s6 =	simm.s32 $0x108;
	_ =	swait.ge @!p0 [sflag:s8], $0x0  }
0x24: {  	s3 =	sadd.s32 $0x88, s3;
	s6 =	simm.s32 @!p1 $0x1082;
	[sflag:s4] =	ssyncset.s32 $0xFFFFF086  }
0x25: {  	[simem:s6], [sflag:s4] =	dma.local [hbm:s3], $0xF7A  }
0x26: {  	[smem:$0x3F8C] =	sst s1;
	(tag) =	ssettag s2;
	_ =	strace s9  }
0x27: {  	s1 =	sld [smem:$0x3F9C]  }
0x28: {  	s2 =	sld [smem:$0x3F9D]  }
0x29: {  	s4 =	sld [smem:$0x3F9F]  }
0x2a: {  	p0 =	seq.s32 s5, $0x0;
	s5 =	sld [smem:$0x3FA0]  }
0x2b: {  	s6 =	sld [smem:$0x3FA1]  }
0x2c: {  	s7 =	sld [smem:$0x3FA2]  }
0x2d: {  	s3 =	simm.s32 $0x108;
	s8 =	sld [smem:$0x3FA3]  }
0x2e: {  	s3 =	simm.s32 @!p0 $0x1082;
	s9 =	sld [smem:$0x3FA4]  }
0x2f: {  	lr =	sadd.s32 s0, s3;
	s0 =	sld [smem:$0x3F9B]  }
0x30: {  	s3 =	sld [smem:$0x3F9E]  }
0x31: {  	[smem:$0x3FA7] =	sst s10  }
0x32: {  	s10 =	sld [smem:$0x3FA5];
	_ =	sdelay $0x3  }
0x33: {  	p0 =	seq.s32 s10, $0x1;
	s10 =	sld [smem:$0x3FA7];
	_ =	sdelay $0x3  }
0x34: {  	[smem:$0x3FA7] =	sst s10  }
0x35: {  	s10 =	sld [smem:$0x3FA6];
	_ =	sdelay $0x3  }
0x36: {  	p1 =	seq.s32 s10, $0x1;
	s10 =	sld [smem:$0x3FA7];
	_ =	sdelay $0x3  }
0x37: {  	[smem:$0x3FA7] =	sst s10  }
0x38: {  	s10 =	sld [smem:$0x3FA8]  }
0x39: {  	_ = 	snop;
	(pc) =	sbr.ind lr, $3  }
0x3a: {  	_ = 	snop  }
0x3b: {  	_ = 	snop  }
0x3c: {  	p2 =	seq.s32 s10, $0x1;
	s10 =	sld [smem:$0x3FA7]  }
0x3d: {  	_ =	shalt  }
0x3e: {  	_ =	shalt  }
0x3f: {  	_ =	shalt  }
0x40: {  	_ =	shalt  }
0x41: {  	_ =	shalt  }
0x42: {  	_ =	shalt  }
0x43: {  	_ =	shalt  }
0x44: {  	_ =	shalt  }
0x45: {  	_ =	shalt  }
0x46: {  	_ =	shalt  }
0x47: {  	_ =	shalt  }
0x48: {  	_ =	shalt  }
0x49: {  	_ =	shalt  }
0x4a: {  	_ =	shalt  }
0x4b: {  	_ =	shalt  }
0x4c: {  	_ =	shalt  }
0x4d: {  	_ =	shalt  }
0x4e: {  	_ =	shalt  }
0x4f: {  	_ =	shalt  }
0x50: {  	_ =	shalt  }
0x51: {  	_ =	shalt  }
0x52: {  	_ =	shalt  }
0x53: {  	_ =	shalt  }
0x54: {  	_ =	shalt  }
0x55: {  	_ =	shalt  }
0x56: {  	_ =	shalt  }
0x57: {  	_ =	shalt  }
0x58: {  	_ =	shalt  }
0x59: {  	_ =	shalt  }
0x5a: {  	_ =	shalt  }
0x5b: {  	_ =	shalt  }
0x5c: {  	_ =	shalt  }
0x5d: {  	_ =	shalt  }
0x5e: {  	_ =	shalt  }
0x5f: {  	_ =	shalt  }
0x60: {  	_ =	shalt  }
0x61: {  	_ =	shalt  }
0x62: {  	_ =	shalt  }
0x63: {  	_ =	shalt  }
0x64: {  	_ =	shalt  }
0x65: {  	_ =	shalt  }
0x66: {  	_ =	shalt  }
0x67: {  	_ =	shalt  }
0x68: {  	_ =	shalt  }
0x69: {  	_ =	shalt  }
0x6a: {  	_ =	shalt  }
0x6b: {  	_ =	shalt  }
0x6c: {  	_ =	shalt  }
0x6d: {  	_ =	shalt  }
0x6e: {  	_ =	shalt  }
0x6f: {  	_ =	shalt  }
0x70: {  	_ =	shalt  }
0x71: {  	_ =	shalt  }
0x72: {  	_ =	shalt  }
0x73: {  	_ =	shalt  }
0x74: {  	_ =	shalt  }
0x75: {  	_ =	shalt  }
0x76: {  	_ =	shalt  }
0x77: {  	_ =	shalt  }
0x78: {  	_ =	shalt  }
0x79: {  	_ =	shalt  }
0x7a: {  	_ =	shalt  }
0x7b: {  	_ =	shalt  }
0x7c: {  	_ =	shalt  }
0x7d: {  	_ =	shalt  }
0x7e: {  	_ =	shalt  }
0x7f: {  	_ =	shalt  }
0x80: {  	_ =	shalt  }
0x81: {  	_ =	shalt  }
0x82: {  	_ =	shalt  }
0x83: {  	_ =	shalt  }
0x84: {  	_ =	shalt  }
0x85: {  	_ =	shalt  }
0x86: {  	_ =	shalt  }
0x87: {  	_ =	shalt  }
.Lfunc_end0:
.L_simem_size_0:
called_computation.3_lowered:
.L_overlay_start_0:
0x88: {  	s2 =	sld [smem:$0x3FD9]  }
0x89: {  	s3 =	sld [smem:$0x3FFE];
	_ =	sdelay $0x1  }
0x8a: {  	s1 =	srdreg.scid  }
0x8b: {  	s0 =	sand.u32 $0x1, s1  }
0x8c: {  	s16 =	sshll.u32 s0, $0xA;
	s2 =	sadd.s32 s3, s2  }
0x8d: {  	s2 =	sadd.s32 s2, s16  }
0x8e: {  	[smem:$0x3FB3] =	sst s2  }
0x8f: {  	_ = 	snop  }
0x90: {  	(tm) =	ssettm $0x1  }
0x91: {  	s17 =	sld [smem:$0x3FFB];
	_ =	sdelay $0x3  }
0x92: {  	_ =	strace s17  }
0x93: {  	s2 =	sld [smem:$0x3FFC];
	_ =	sdelay $0x3  }
0x94: {  	_ =	strace s2  }
0x95: {  	s2 =	sld [smem:$0x3FFD];
	_ =	sdelay $0x3  }
0x96: {  	_ =	strace s2  }
0x97: {  	_ =	strace $0x8FFFFFFF  }
0x98: {  	s18 =	sld [smem:$0x3FDB];
	_ =	sdelay $0x1  }
0x99: {  	s19 =	simm.s32 $_scs_section_size  }
0x9a: {  	s4 =	simm.s32 $_size__tile_overlayer_lowered;
	s5 =	simm.s32 $_tile_overlayer_lowered  }
0x9b: {  	s22 =	simm.s32 $0x1BFF;
	s21 =	sshll.u32 s5, $0x1;
	s2 =	sadd.s32 s19, s18  }
0x9c: {  	s6 =	simm.s32 $0x0;
	s20 =	sshll.u32 s4, $0x1;
	s4 =	sadd.s32 s21, s2  }
0x9d: {  	[timem:s6], [sflag:s22] =	dma.local [hbm:s4], s20  }
0x9e: {  	_ =	swait.ge [sflag:s22], s20  }
0x9f: {  	s3 =	ssub.s32 $0x0, s20;
	[sflag:s22] =	ssyncset.done $0x0  }
0xa0: {  	[sflag:s22] =	ssyncadd.s32 s3;
	_ =	sdelay $0x1  }
0xa1: {  	s23 =	simm.s32 $0x1B8B  }
0xa2: {  	_ =	swait.ge [sflag:s23], $0x1  }
0xa3: {  	[sflag:s23] =	ssyncset.done $0x0  }
0xa4: {  	s25 =	simm.s32 $0x1B8E;
	s24 =	sld [smem:$0x3FFE];
	[sflag:s23] =	ssyncadd.s32 $0xFFFFFFFF  }
0xa5: {  	s26 =	simm.s32 $execute0_lowered;
	[smem:$0x3FD2] =	sst s25  }
0xa6: {  	s4 =	sshll.u32 s26, $0x1;
	_ =	strace $0x80000046;
	[dreg:$0x1] =	wrdreg $0xFFFFFFFF  }
0xa7: {  	s28 =	simm.s32 $_size_execute0_lowered;
	s2 =	sadd.s32 s2, s4;
	[dreg:$0x0] =	wrdreg $0x0  }
0xa8: {  	s4 =	sshll.u32 s28, $0x1;
	[dreg:$0x2] =	wrdreg s2  }
0xa9: {  	[dreg:$0x3] =	wrdreg s4  }
0xaa: {  	[dreg:$0x4] =	wrdreg $0xC0  }
0xab: {  	_ =	task [dreg:s6], $0x5FFFF  }
0xac: {  	[dreg:$0x1] =	wrdreg $0xFFFFFFFF  }
0xad: {  	[dreg:$0x0] =	wrdreg $0x60  }
0xae: {  	[dreg:$0x2] =	wrdreg s24  }
0xaf: {  	[dreg:$0x3] =	wrdreg $0x0  }
0xb0: {  	[dreg:$0x4] =	wrdreg $0xC  }
0xb1: {  	_ =	task.clear_ibuf [dreg:s6], $0x5FFFF;
	_ =	strace $0x90000046  }
0xb2: {  	s29 =	simm.s32 $0xC;
	_ =	strace $0x80000048  }
0xb3: {  	_ =	swait.ge [sflag:s29], $0x1  }
0xb4: {  	[sflag:s29] =	ssyncadd.s32 $0xFFFFFFFF  }
0xb5: {  	_ =	strace $0x90000048  }
0xb6: {  	_ =	sfence  }
0xb7: {  	s30 =	sld [smem:$0x0];
	_ =	sdelay $0x2  }
0xb8: {  	s31 =	sshll.u32 s1, $0xD;
	s1 =	sshrl.u32 s1, $0x2  }
0xb9: {  	s3 =	sand.u32 $0x4000, s31;
	s1 =	sadd.s32 s1, s30  }
0xba: {  	s0 =	sor.u32 s3, s0;
	s1 =	sshll.u32 s1, $0x11  }
0xbb: {  	s0 =	sor.u32 s1, s0  }
0xbc: {  	s0 =	sadd.s32 $0x8F2B, s0  }
0xbd: {  	[sflag:s0] =	ssyncadd.remote.s32 $0x1  }
0xbe: {  	_ =	sfence.sel $0xFFFF  }
0xbf: {  	[dreg:$0x0] =	wrdreg $0xFFFFFFFF;
	(pc) =	sbr.abs _section_cstart, $3  }
0xc0: {  	[dreg:$0x1] =	wrdreg $0xFFFFFFFF  }
0xc1: {  	_ =	task.clear_ibuf [dreg:s6], $0x2FFFF;
	_ =	strace $0x9FFFFFFF  }
0xc2: {  	(tm) =	ssettm $0x7FFFFFFF  }
0xc3: {  	_ =	shalt  }
tec
execute0_lowered:
.L_overlay_start_1:
0x0: {  	(tag) =	ssettag $0x1  }
0x1: {  	s1 =	rddreg [dreg:$0x0]  }
0x2: {  	s3 =	rddreg [dreg:$0x1]  }
0x3: {  	s0 =	srdreg.scid;
	s4 =	simm.s32 $0x0;
	s2 =	stileid.u32  }
0x4: {  	s17 =	simm.s32 $0x2;
	s18 =	simm.s32 $0xF080;
	s19 =	simm.s32 $0x11900  }
0x5: {  	s20 =	simm.s32 $0x14100;
	s21 =	simm.s32 $0x18980;
	s22 =	simm.s32 $0x80  }
0x6: {  	s23 =	simm.s32 $0x16980;
	s24 =	simm.s32 $0x1;
	s25 =	simm.s32 $0x16900  }
0x7: {  	s26 =	simm.s32 $0x0;
	s0 =	sand.u32 $0x1, s0;
	s9 =	smul.u32 $0xC800, s2  }
0x8: {  	[smem:$0x7FF] =	sst s4;
	s6 =	sadd.s32 $0x14000, s1;
	s10 =	smul.u32 $0x32000, s2  }
0x9: {  	s5 =	sshll.u32 s0, $0x4;
	_ =	strace $0x80000047;
	s8 =	smul.u32 $0xC8000, s0  }
0xa: {  	s0 =	ssub.s32 $0x2, s0;
	s7 =	sor.u32 s2, s5;
	s5 =	sadd.s32 $0x14600, s1  }
0xb: {  	s31 =	sshrl.u32 s0, $0x1;
	s10 =	sshrl.u32 s10, $0x2;
	s7 =	smul.u32 $0x510, s7  }
0xc: {  	s8 =	sadd.s32 s9, s8;
	s0 =	ssub.s32 s0, s31;
	s13 =	sadd.s32 s10, s3  }
0xd: {  	s9 =	sadd.s32 s9, s3;
	s30 =	sshrl.u32 s8, $0x3;
	s10 =	sadd.s32 $0x2800, s13  }
0xe: {  	s12 =	sadd.s32 $0x7800, s13;
	s15 =	smax.u32 s0, $0x1;
	s11 =	sadd.s32 s7, s1  }
0xf: {  	s14 =	sadd.s32 s30, s1;
	s7 =	sadd.s32 $0x21200, s11;
	s8 =	sadd.s32 $0x17000, s11  }
0x10: {  	v0 =	vimm.f32 $0.0e+00;
	s11 =	sadd.s32 $0x5000, s13;
	s13 =	sadd.s32 $0xA000, s13;
	s14 =	sadd.s32 $0x2B400, s14  }
.LBB2_1:
0x11: {  	s0 =	simm.s32 $0xC800  }
0x12: {  	[tilespmem:s0], [sflag:$0x2] =	stream.linear.gather [hbm4b:s7+s4], $0x2880, $0x38;
	[tilespmem:$0x1B180] =	vst v63  }
0x13: {  	_ =	swait.ge [sflag:s17], $0x2880  }
0x14: {  	[sflag:s17] =	ssyncset.done $0x0  }
0x15: {  	[sflag:s17] =	ssyncadd.s32 $0xFFFFD780  }
0x16: {  	[tilespmem:s18], [sflag:$0x2] =	stream.linear.gather [hbm4b:s8+s4], $0x2880, $0x38;
	[tilespmem:$0x1B180] =	vst v63  }
0x17: {  	_ =	swait.ge [sflag:s17], $0x2880  }
0x18: {  	[sflag:s17] =	ssyncset.done $0x0  }
0x19: {  	[sflag:s17] =	ssyncadd.s32 $0xFFFFD780  }
0x1a: {  	[tilespmem:s19], [sflag:$0x2] =	stream.linear.gather [hbm4b:s5+s4], $0x2800, $0x38;
	[tilespmem:$0x1B180] =	vst v63  }
0x1b: {  	_ =	swait.ge [sflag:s17], $0x2800  }
0x1c: {  	[sflag:s17] =	ssyncset.done $0x0  }
0x1d: {  	[sflag:s17] =	ssyncadd.s32 $0xFFFFD800  }
0x1e: {  	[tilespmem:s20], [sflag:$0x2] =	stream.linear.gather [hbm4b:s6+s4], $0x2800, $0x38;
	[tilespmem:$0x1B180] =	vst v63  }
0x1f: {  	_ =	swait.ge [sflag:s17], $0x2800  }
0x20: {  	[sflag:s17] =	ssyncset.done $0x0  }
0x21: {  	s16 =	simm.s32 $0x140;
	s0 =	simm.s32 $0x0;
	[sflag:s17] =	ssyncadd.s32 $0xFFFFD800  }
.LBB2_2:
0x22: {  	p0 =	sne.s32 s16, $0x9EC0;
	[tilespmem:s0+$0x189C0] =	vst v0;
	s28 =	smov.u32 s16;
	s16 =	sadd.s32 $0x140, s16  }
.Ltmp0:
0x23: {  	[tilespmem:s0+$0x189B0] =	vst v0;
	(pc) =	sbr.rel @p0 .LBB2_2-.Ltmp0, $4  }
0x24: {  	[tilespmem:s0+$0x189A0] =	vst v0  }
0x25: {  	[tilespmem:s0+$0x18980] =	vst v0  }
0x26: {  	[tilespmem:s0+$0x18990] =	vst v0  }
0x27: {  	s0 =	sshra.s32 s28, $0x2  }
0x28: {  	[tilespmem:s0+$0x189C0] =	vst v0  }
0x29: {  	[tilespmem:s0+$0x189B0] =	vst v0  }
0x2a: {  	[tilespmem:s0+$0x189A0] =	vst v0  }
0x2b: {  	[tilespmem:s0+$0x18980] =	vst v0  }
0x2c: {  	[tilespmem:s0+$0x18990] =	vst v0  }
0x2d: {  	[spmem:s9] =	stream.linear.scatter [tilespmem:s21], [sflag:$0x2], $0x2800, $0x38;
	[tilespmem:$0x1B180] =	vst v63  }
0x2e: {  	_ =	swait.ge [sflag:s17], $0x2800  }
0x2f: {  	[sflag:s17] =	ssyncset.done $0x0  }
0x30: {  	[sflag:s17] =	ssyncadd.s32 $0xFFFFD800  }
0x31: {  	[spmem:s10] =	stream.linear.scatter [tilespmem:s21], [sflag:$0x2], $0x2800, $0x38;
	[tilespmem:$0x1B180] =	vst v63  }
0x32: {  	_ =	swait.ge [sflag:s17], $0x2800  }
0x33: {  	[sflag:s17] =	ssyncset.done $0x0  }
0x34: {  	[sflag:s17] =	ssyncadd.s32 $0xFFFFD800  }
0x35: {  	[spmem:s11] =	stream.linear.scatter [tilespmem:s21], [sflag:$0x2], $0x2800, $0x38;
	[tilespmem:$0x1B180] =	vst v63  }
0x36: {  	_ =	swait.ge [sflag:s17], $0x2800  }
0x37: {  	[sflag:s17] =	ssyncset.done $0x0  }
0x38: {  	[sflag:s17] =	ssyncadd.s32 $0xFFFFD800  }
0x39: {  	[spmem:s12] =	stream.linear.scatter [tilespmem:s21], [sflag:$0x2], $0x2800, $0x38;
	[tilespmem:$0x1B180] =	vst v63  }
0x3a: {  	_ =	swait.ge [sflag:s17], $0x2800  }
0x3b: {  	[sflag:s17] =	ssyncset.done $0x0  }
0x3c: {  	[sflag:s17] =	ssyncadd.s32 $0xFFFFD800  }
0x3d: {  	[spmem:s13] =	stream.linear.scatter [tilespmem:s21], [sflag:$0x2], $0x2800, $0x38;
	[tilespmem:$0x1B180] =	vst v63  }
0x3e: {  	_ =	swait.ge [sflag:s17], $0x2800  }
0x3f: {  	[sflag:s17] =	ssyncset.done $0x0  }
0x40: {  	[sflag:s17] =	ssyncadd.s32 $0xFFFFD800  }
0x41: {  	s28 =	simm.s32 $0x0;
	s29 =	simm.s32 $0x0;
	[bflag:$0x0] =	sbarrier.arrive $0xFFFF  }
.LBB2_4:
0x42: {  	s30 =	sshll.u32 s29, $0x7  }
0x43: {  	s0 =	sadd.s32 $0xC800, s30  }
0x44: {  	[tilespmem:s23], [sflag:$0x1] =	stream.indirect.gather [hbm4b:s1+s22], $0x40, s0, s22, $0xb8;
	[tilespmem:$0x1B180] =	vst v63  }
0x45: {  	_ =	swait.ge [sflag:s24], $0x2000  }
0x46: {  	[sflag:s24] =	ssyncset.done $0x0  }
0x47: {  	[sflag:s24] =	ssyncadd.s32 $0xFFFFE000  }
0x48: {  	v1 =	vld [tilespmem:s30+$0xC800]  }
0x49: {  	v2 =	vld [tilespmem:s30+$0xF080];
	_ =	sdelay $0x6  }
0x4a: {  	v1 =	vld.idx.msk [tilespmem:v1+s19+$0x0], $0xffff  }
0x4b: {  	v2 =	vld.idx.msk [tilespmem:v2+s20+$0x0], $0xffff;
	_ =	sdelay $0x4  }
0x4c: {  	v1 =	vadd.f32 v2, v1;
	_ =	sdelay $0x1  }
0x4d: {  	v2 =	vmul.f32 $2.000000030e-01, v1  }
0x4e: {  	vm0 =	vgt.f32 v1, $0.0e+00  }
0x4f: {  	v1 =	vsel vm0, v1, v2  }
0x50: {  	v1 =	vmul.f32 $1.442695020e+00, v1;
	_ =	sdelay $0x1  }
0x51: {  	(erf) = vpow2.f32 v1;
	_ =	sdelay $0x8  }
0x52: {  	v1 =	vpop (erf)  }
0x53: {  	[tilespmem:$0x16900] =	vst v1  }
0x54: {  	v1 =	vld [tilespmem:s30+$0xC810]  }
0x55: {  	v2 =	vld [tilespmem:s30+$0xF090];
	_ =	sdelay $0x6  }
0x56: {  	v1 =	vld.idx.msk [tilespmem:v1+s19+$0x0], $0xffff  }
0x57: {  	v2 =	vld.idx.msk [tilespmem:v2+s20+$0x0], $0xffff;
	_ =	sdelay $0x4  }
0x58: {  	v1 =	vadd.f32 v2, v1;
	_ =	sdelay $0x1  }
0x59: {  	v2 =	vmul.f32 $2.000000030e-01, v1  }
0x5a: {  	vm9 =	vgt.f32 v1, $0.0e+00  }
0x5b: {  	v1 =	vsel vm9, v1, v2  }
0x5c: {  	v1 =	vmul.f32 $1.442695020e+00, v1;
	_ =	sdelay $0x1  }
0x5d: {  	(erf) = vpow2.f32 v1;
	_ =	sdelay $0x8  }
0x5e: {  	v1 =	vpop (erf)  }
0x5f: {  	[tilespmem:$0x16910] =	vst v1  }
0x60: {  	v1 =	vld [tilespmem:s30+$0xC820]  }
0x61: {  	v2 =	vld [tilespmem:s30+$0xF0A0];
	_ =	sdelay $0x6  }
0x62: {  	v1 =	vld.idx.msk [tilespmem:v1+s19+$0x0], $0xffff  }
0x63: {  	v2 =	vld.idx.msk [tilespmem:v2+s20+$0x0], $0xffff;
	_ =	sdelay $0x4  }
0x64: {  	v1 =	vadd.f32 v2, v1;
	_ =	sdelay $0x1  }
0x65: {  	v2 =	vmul.f32 $2.000000030e-01, v1  }
0x66: {  	vm10 =	vgt.f32 v1, $0.0e+00  }
0x67: {  	v1 =	vsel vm10, v1, v2  }
0x68: {  	v1 =	vmul.f32 $1.442695020e+00, v1;
	_ =	sdelay $0x1  }
0x69: {  	(erf) = vpow2.f32 v1;
	_ =	sdelay $0x8  }
0x6a: {  	v1 =	vpop (erf)  }
0x6b: {  	[tilespmem:$0x16920] =	vst v1  }
0x6c: {  	v1 =	vld [tilespmem:s30+$0xC830]  }
0x6d: {  	v2 =	vld [tilespmem:s30+$0xF0B0];
	_ =	sdelay $0x6  }
0x6e: {  	v1 =	vld.idx.msk [tilespmem:v1+s19+$0x0], $0xffff  }
0x6f: {  	v2 =	vld.idx.msk [tilespmem:v2+s20+$0x0], $0xffff;
	_ =	sdelay $0x4  }
0x70: {  	v1 =	vadd.f32 v2, v1;
	_ =	sdelay $0x1  }
0x71: {  	v2 =	vmul.f32 $2.000000030e-01, v1  }
0x72: {  	vm11 =	vgt.f32 v1, $0.0e+00  }
0x73: {  	v1 =	vsel vm11, v1, v2  }
0x74: {  	v1 =	vmul.f32 $1.442695020e+00, v1;
	_ =	sdelay $0x1  }
0x75: {  	(erf) = vpow2.f32 v1;
	_ =	sdelay $0x8  }
0x76: {  	v1 =	vpop (erf)  }
0x77: {  	[tilespmem:$0x16930] =	vst v1  }
0x78: {  	v1 =	vld [tilespmem:s30+$0xC840]  }
0x79: {  	v2 =	vld [tilespmem:s30+$0xF0C0];
	_ =	sdelay $0x6  }
0x7a: {  	v1 =	vld.idx.msk [tilespmem:v1+s19+$0x0], $0xffff  }
0x7b: {  	v2 =	vld.idx.msk [tilespmem:v2+s20+$0x0], $0xffff;
	_ =	sdelay $0x4  }
0x7c: {  	v1 =	vadd.f32 v2, v1;
	_ =	sdelay $0x1  }
0x7d: {  	v2 =	vmul.f32 $2.000000030e-01, v1  }
0x7e: {  	vm12 =	vgt.f32 v1, $0.0e+00  }
0x7f: {  	v1 =	vsel vm12, v1, v2  }
0x80: {  	v1 =	vmul.f32 $1.442695020e+00, v1;
	_ =	sdelay $0x1  }
0x81: {  	(erf) = vpow2.f32 v1;
	_ =	sdelay $0x8  }
0x82: {  	v1 =	vpop (erf)  }
0x83: {  	[tilespmem:$0x16940] =	vst v1  }
0x84: {  	v1 =	vld [tilespmem:s30+$0xC850]  }
0x85: {  	v2 =	vld [tilespmem:s30+$0xF0D0];
	_ =	sdelay $0x6  }
0x86: {  	v1 =	vld.idx.msk [tilespmem:v1+s19+$0x0], $0xffff  }
0x87: {  	v2 =	vld.idx.msk [tilespmem:v2+s20+$0x0], $0xffff;
	_ =	sdelay $0x4  }
0x88: {  	v1 =	vadd.f32 v2, v1;
	_ =	sdelay $0x1  }
0x89: {  	v2 =	vmul.f32 $2.000000030e-01, v1  }
0x8a: {  	vm13 =	vgt.f32 v1, $0.0e+00  }
0x8b: {  	v1 =	vsel vm13, v1, v2  }
0x8c: {  	v1 =	vmul.f32 $1.442695020e+00, v1;
	_ =	sdelay $0x1  }
0x8d: {  	(erf) = vpow2.f32 v1;
	_ =	sdelay $0x8  }
0x8e: {  	v1 =	vpop (erf)  }
0x8f: {  	[tilespmem:$0x16950] =	vst v1  }
0x90: {  	v1 =	vld [tilespmem:s30+$0xC860]  }
0x91: {  	v2 =	vld [tilespmem:s30+$0xF0E0];
	_ =	sdelay $0x6  }
0x92: {  	v1 =	vld.idx.msk [tilespmem:v1+s19+$0x0], $0xffff  }
0x93: {  	v2 =	vld.idx.msk [tilespmem:v2+s20+$0x0], $0xffff;
	_ =	sdelay $0x4  }
0x94: {  	v1 =	vadd.f32 v2, v1;
	_ =	sdelay $0x1  }
0x95: {  	v2 =	vmul.f32 $2.000000030e-01, v1  }
0x96: {  	vm14 =	vgt.f32 v1, $0.0e+00  }
0x97: {  	v1 =	vsel vm14, v1, v2  }
0x98: {  	v1 =	vmul.f32 $1.442695020e+00, v1;
	_ =	sdelay $0x1  }
0x99: {  	(erf) = vpow2.f32 v1;
	_ =	sdelay $0x8  }
0x9a: {  	v1 =	vpop (erf)  }
0x9b: {  	[tilespmem:$0x16960] =	vst v1  }
0x9c: {  	v1 =	vld [tilespmem:s30+$0xC870]  }
0x9d: {  	v2 =	vld [tilespmem:s30+$0xF0F0];
	_ =	sdelay $0x6  }
0x9e: {  	v1 =	vld.idx.msk [tilespmem:v1+s19+$0x0], $0xffff  }
0x9f: {  	v2 =	vld.idx.msk [tilespmem:v2+s20+$0x0], $0xffff;
	_ =	sdelay $0x4  }
0xa0: {  	v1 =	vadd.f32 v2, v1;
	_ =	sdelay $0x1  }
0xa1: {  	v2 =	vmul.f32 $2.000000030e-01, v1  }
0xa2: {  	vm15 =	vgt.f32 v1, $0.0e+00  }
0xa3: {  	v1 =	vsel vm15, v1, v2  }
0xa4: {  	v1 =	vmul.f32 $1.442695020e+00, v1;
	_ =	sdelay $0x1  }
0xa5: {  	(erf) = vpow2.f32 v1;
	_ =	sdelay $0x5  }
0xa6: {  	v1 =	vmov s28;
	_ =	sdelay $0x2  }
0xa7: {  	v2 =	vpop (erf)  }
0xa8: {  	[tilespmem:$0x16970] =	vst v2  }
0xa9: {  	s31 =	simm.s32 $0x169A0;
	v1 =	vld.idx.msk [tilespmem:v1+s25+$0x0], $0xffff  }
0xaa: {  	v2 =	vld [tilespmem:s31+$0xFFFFFFE0];
	_ =	sdelay $0x4  }
0xab: {  	v2 =	vmul.f32 v2, v1  }
0xac: {  	s0 =	simm.s32 $0x189A0  }
0xad: {  	[tilespmem:s0+$0xFFFFFFE0] =	vst v2  }
0xae: {  	v2 =	vld [tilespmem:s31+$0xFFFFFFF0];
	_ =	sdelay $0x4  }
0xaf: {  	v2 =	vmul.f32 v2, v1;
	_ =	sdelay $0x1  }
0xb0: {  	[tilespmem:s0+$0xFFFFFFF0] =	vst v2  }
0xb1: {  	v2 =	vld [tilespmem:s31+$0x0];
	_ =	sdelay $0x4  }
0xb2: {  	v2 =	vmul.f32 v2, v1;
	_ =	sdelay $0x1  }
0xb3: {  	[tilespmem:s0+$0x0] =	vst v2  }
0xb4: {  	v2 =	vld [tilespmem:s31+$0x10];
	_ =	sdelay $0x1  }
0xb5: {  	s16 =	simm.s32 $0x1  }
0xb6: {  	v3 =	vmov s16;
	s16 =	simm.s32 $0x2;
	s30 =	sadd.s32 $0xF080, s30;
	[tilespmem:s0+$0x20] =	vst v1  }
.LBB2_5:
0xb7: {  	p0 =	sne.s32 s16, $0x7F  }
0xb8: {  	v1 =	vmul.f32 v2, v1;
	_ =	sdelay $0x1  }
0xb9: {  	[tilespmem:s0+$0x10] =	vst v1  }
0xba: {  	s31 =	sadd.s32 $0x40, s31;
	v1 =	vld.idx.msk [tilespmem:v3+s25+$0x0], $0xffff  }
0xbb: {  	v2 =	vld [tilespmem:s31+$0xFFFFFFE0];
	_ =	sdelay $0x4  }
0xbc: {  	v2 =	vmul.f32 v2, v1  }
0xbd: {  	s0 =	sadd.s32 $0x50, s0  }
0xbe: {  	[tilespmem:s0+$0xFFFFFFE0] =	vst v2  }
0xbf: {  	v2 =	vld [tilespmem:s31+$0xFFFFFFF0];
	_ =	sdelay $0x4  }
0xc0: {  	v2 =	vmul.f32 v2, v1;
	_ =	sdelay $0x1  }
0xc1: {  	[tilespmem:s0+$0xFFFFFFF0] =	vst v2  }
0xc2: {  	v2 =	vld [tilespmem:s31+$0x0];
	_ =	sdelay $0x4  }
0xc3: {  	v2 =	vmul.f32 v2, v1;
	_ =	sdelay $0x1  }
.Ltmp1:
0xc4: {  	[tilespmem:s0+$0x0] =	vst v2;
	(pc) =	sbr.rel @p0 .LBB2_5-.Ltmp1, $2  }
0xc5: {  	v2 =	vld [tilespmem:s31+$0x10];
	[tilespmem:s0+$0x20] =	vst v1;
	_ =	sdelay $0x2  }
0xc6: {  	v3 =	vmov s16;
	s16 =	sadd.s32 $0x1, s16  }
0xc7: {  	_ = 	snop  }
0xc8: {  	v1 =	vmul.f32 v2, v1;
	_ =	sdelay $0x1  }
0xc9: {  	[tilespmem:s0+$0x10] =	vst v1  }
0xca: {  	s16 =	sadd.s32 $0x40, s31;
	v1 =	vld.idx.msk [tilespmem:v3+s25+$0x0], $0xffff  }
0xcb: {  	v2 =	vld [tilespmem:s16+$0xFFFFFFE0];
	_ =	sdelay $0x4  }
0xcc: {  	v2 =	vmul.f32 v2, v1  }
0xcd: {  	s31 =	sadd.s32 $0x50, s0  }
0xce: {  	[tilespmem:s31+$0xFFFFFFE0] =	vst v2  }
0xcf: {  	v2 =	vld [tilespmem:s16+$0xFFFFFFF0];
	_ =	sdelay $0x4  }
0xd0: {  	v2 =	vmul.f32 v2, v1;
	_ =	sdelay $0x1  }
0xd1: {  	[tilespmem:s31+$0xFFFFFFF0] =	vst v2  }
0xd2: {  	v2 =	vld [tilespmem:s16+$0x0];
	_ =	sdelay $0x4  }
0xd3: {  	v2 =	vmul.f32 v2, v1;
	_ =	sdelay $0x1  }
0xd4: {  	[tilespmem:s31+$0x0] =	vst v2  }
0xd5: {  	v2 =	vld [tilespmem:s16+$0x10];
	_ =	sdelay $0x4  }
0xd6: {  	s29 =	sadd.s32 $0x1, s29;
	v2 =	vmul.f32 v2, v1  }
0xd7: {  	p0 =	sne.s32 s29, $0x51;
	[tilespmem:s31+$0x20] =	vst v1  }
.Ltmp2:
0xd8: {  	[tilespmem:s31+$0x10] =	vst v2;
	(pc) =	sbr.rel @p0 .LBB2_4-.Ltmp2, $4  }
0xd9: {  	[spmem:s3] =	stream.indirect.scatter.add.f32 [tilespmem:s21], [sflag:$0x2], $0x50, s30, s22, $0xb8;
	[tilespmem:$0x1B180] =	vst v63  }
0xda: {  	_ =	swait.ge [sflag:s17], $0x2800  }
0xdb: {  	[sflag:s17] =	ssyncset.done $0x0  }
0xdc: {  	[sflag:s17] =	ssyncadd.s32 $0xFFFFD800  }
0xdd: {  	s26 =	sadd.s32 $0x1, s26  }
0xde: {  	s0 =	sshll.u32 s2, $0x6;
	[bflag:$0x0] =	sbarrier.arrive $0xFFFF;
	p0 =	sne.s32 s26, s15  }
.Ltmp3:
0xdf: {  	s16 =	sshrl.u32 s9, $0x3;
	s0 =	sor.u32 $0x1C02, s0;
	(pc) =	sbr.rel @p0 .LBB2_1-.Ltmp3, $4  }
0xe0: {  	[hbm:s14], [sflag:s0] =	dma.local [spmem:s16], $0x1900  }
0xe1: {  	_ =	swait.ge [sflag:s17], $0x1900  }
0xe2: {  	[sflag:s17] =	ssyncset.done $0x0  }
0xe3: {  	[sflag:s17] =	ssyncadd.s32 $0xFFFFE700  }
0xe4: {  	_ =	sfence.sel $0x180000  }
0xe5: {  	[bflag:$0x0] =	sbarrier.arrive $0xFFFF  }
0xe6: {  	_ =	strace $0x90000047  }
0xe7: {  	[bflag:$0x2] =	sbarrier.arrive $0xFFFF  }
0xe8: {  	p0 =	sne.s32 s2, $0x0;
	s0 =	rddreg [dreg:$0x2]  }
0xe9: {  	s0 =	sadd.s32 @!p0 $0x100000, s0  }
0xea: {  	[sflag:s0] =	ssyncadd.tile.s32 @!p0 $0x1;
	_ =	shalt  }
.Lfunc_end2:
_tile_overlayer_lowered:
.L_overlay_start_2:
0xeb: {  	(tag) =	ssettag $0x2  }
0xec: {  	s0 =	rddreg [dreg:$0x0];
	s2 =	stileid.u32  }
0xed: {  	s1 =	rddreg [dreg:$0x1];
	p0 =	sne.s32 s2, $0x0  }
0xee: {  	s3 =	rddreg [dreg:$0x2];
	[bflag:$0x3] =	sbarrier.arrive $0xFFFF;
	s2 =	simm.s32 @!p0 $0x1C02  }
0xef: {  	[timem:s3], [sflag:s2] =	dma.local @!p0 [hbm:s0], s1  }
0xf0: {  	s0 =	simm.s32 @!p0 $0x2  }
0xf1: {  	_ =	swait.ge @!p0 [sflag:s0], s1  }
0xf2: {  	s1 =	ssub.s32 @!p0 $0x0, s1;
	[sflag:s0] =	ssyncset.done @!p0 $0x0  }
0xf3: {  	[sflag:s0] =	ssyncadd.s32 @!p0 s1  }
0xf4: {  	[bflag:$0x3] =	sbarrier.arrive $0xFFFF  }
0xf5: {  	_ =	shalt  }

// kernel: kernel.25.cloned.1.call-start
scs
__scs_entry_jumppad:
0x0: {  	(pc) =	sbr.rel $0x88, $3  }
0x1: {  	(tag) =	ssettag $0x0;
	lr =	simm.s32 $0x1  }
0x2: {  	[smem:$0x3F8C] =	sst lr;
	_ =	strace $0xD0000000  }
0x3: {  	_ = 	snop  }
0x4: {  	_ = 	snop  }
0x5: {  	_ = 	snop  }
0x6: {  	_ = 	snop  }
0x7: {  	_ = 	snop  }
__scs_overlays_trampoline_lowered:
0x8: {  	[smem:$0x3F9B] =	sst s0  }
0x9: {  	[smem:$0x3F9C] =	sst s1  }
0xa: {  	[smem:$0x3F9D] =	sst s2  }
0xb: {  	[smem:$0x3F9E] =	sst s3  }
0xc: {  	[smem:$0x3F9F] =	sst s4  }
0xd: {  	[smem:$0x3FA0] =	sst s5  }
0xe: {  	[smem:$0x3FA1] =	sst s6  }
0xf: {  	[smem:$0x3FA2] =	sst s7  }
0x10: {  	[smem:$0x3FA3] =	sst s8  }
0x11: {  	[smem:$0x3FA4] =	sst s9;
	s0 =	simm.s32 @!p0 $0x0  }
0x12: {  	s1 =	sld [smem:$0x3F8A];
	s0 =	simm.s32 @p0 $0x1  }
0x13: {  	[smem:$0x3FA5] =	sst s0;
	s0 =	simm.s32 @!p1 $0x0  }
0x14: {  	s2 =	sld [smem:$0x3F89];
	s0 =	simm.s32 @p1 $0x1  }
0x15: {  	[smem:$0x3FA6] =	sst s0;
	s0 =	simm.s32 @!p2 $0x0  }
0x16: {  	s3 =	sld [smem:$0x3FDB];
	s0 =	simm.s32 @p2 $0x1  }
0x17: {  	s4 =	simm.s32 $0x1BF5;
	[smem:$0x3FA8] =	sst s0  }
0x18: {  	s0 =	sld [smem:$0x3F8B];
	_ =	swait.ge [sflag:s4], $0x0  }
0x19: {  	s7 =	sld [smem:$0x3F8C]  }
0x1a: {  	s8 =	sadd.s32 $0xFFFFE003, lr  }
0x1b: {  	s9 =	sadd.s32 $0xFFFFFEF7, lr;
	s5 =	simm.s32 $0xFFFFFFFF;
	p2 =	slt.u32 s8, $0xFFFFF086  }
0x1c: {  	p1 =	slt.u32 s9, $0xF7A;
	s5 =	simm.s32 @!p2 $0x0  }
0x1d: {  	s5 =	simm.s32 @p1 $0x1;
	p0 =	seq.s32 s7, s2  }
0x1e: {  	s7 =	smul.u32 @!p0 $0xF7A, s2;
	p2 =	seq.s32 @!p0 s5, $0x0  }
0x1f: {  	s9 =	smul.u32 $0xF7A, s1;
	s8 =	simm.s32 @!p0 $0x1BF5;
	p2 =	por !p2, p0  }
0x20: {  	[sflag:s8] =	ssyncset.s32 @!p0 $0xFFFFF086;
	s6 =	sadd.s32 @!p0 s3, s7;
	s7 =	simm.s32 @!p0 $0x108  }
0x21: {  	s3 =	sadd.s32 s3, s9;
	s6 =	sadd.s32 @!p0 $0x88, s6;
	s7 =	simm.s32 @p2 $0x1082  }
0x22: {  	[simem:s7], [sflag:s8] =	dma.local @!p0 [hbm:s6], $0xF7A  }
0x23: {  	s9 =	sor.u32 $0xD0000000, s2;
	s6 =	simm.s32 $0x108;
	_ =	swait.ge @!p0 [sflag:s8], $0x0  }
0x24: {  	s3 =	sadd.s32 $0x88, s3;
	s6 =	simm.s32 @!p1 $0x1082;
	[sflag:s4] =	ssyncset.s32 $0xFFFFF086  }
0x25: {  	[simem:s6], [sflag:s4] =	dma.local [hbm:s3], $0xF7A  }
0x26: {  	[smem:$0x3F8C] =	sst s1;
	(tag) =	ssettag s2;
	_ =	strace s9  }
0x27: {  	s1 =	sld [smem:$0x3F9C]  }
0x28: {  	s2 =	sld [smem:$0x3F9D]  }
0x29: {  	s4 =	sld [smem:$0x3F9F]  }
0x2a: {  	p0 =	seq.s32 s5, $0x0;
	s5 =	sld [smem:$0x3FA0]  }
0x2b: {  	s6 =	sld [smem:$0x3FA1]  }
0x2c: {  	s7 =	sld [smem:$0x3FA2]  }
0x2d: {  	s3 =	simm.s32 $0x108;
	s8 =	sld [smem:$0x3FA3]  }
0x2e: {  	s3 =	simm.s32 @!p0 $0x1082;
	s9 =	sld [smem:$0x3FA4]  }
0x2f: {  	lr =	sadd.s32 s0, s3;
	s0 =	sld [smem:$0x3F9B]  }
0x30: {  	s3 =	sld [smem:$0x3F9E]  }
0x31: {  	[smem:$0x3FA7] =	sst s10  }
0x32: {  	s10 =	sld [smem:$0x3FA5];
	_ =	sdelay $0x3  }
0x33: {  	p0 =	seq.s32 s10, $0x1;
	s10 =	sld [smem:$0x3FA7];
	_ =	sdelay $0x3  }
0x34: {  	[smem:$0x3FA7] =	sst s10  }
0x35: {  	s10 =	sld [smem:$0x3FA6];
	_ =	sdelay $0x3  }
0x36: {  	p1 =	seq.s32 s10, $0x1;
	s10 =	sld [smem:$0x3FA7];
	_ =	sdelay $0x3  }
0x37: {  	[smem:$0x3FA7] =	sst s10  }
0x38: {  	s10 =	sld [smem:$0x3FA8]  }
0x39: {  	_ = 	snop;
	(pc) =	sbr.ind lr, $3  }
0x3a: {  	_ = 	snop  }
0x3b: {  	_ = 	snop  }
0x3c: {  	p2 =	seq.s32 s10, $0x1;
	s10 =	sld [smem:$0x3FA7]  }
0x3d: {  	_ =	shalt  }
0x3e: {  	_ =	shalt  }
0x3f: {  	_ =	shalt  }
0x40: {  	_ =	shalt  }
0x41: {  	_ =	shalt  }
0x42: {  	_ =	shalt  }
0x43: {  	_ =	shalt  }
0x44: {  	_ =	shalt  }
0x45: {  	_ =	shalt  }
0x46: {  	_ =	shalt  }
0x47: {  	_ =	shalt  }
0x48: {  	_ =	shalt  }
0x49: {  	_ =	shalt  }
0x4a: {  	_ =	shalt  }
0x4b: {  	_ =	shalt  }
0x4c: {  	_ =	shalt  }
0x4d: {  	_ =	shalt  }
0x4e: {  	_ =	shalt  }
0x4f: {  	_ =	shalt  }
0x50: {  	_ =	shalt  }
0x51: {  	_ =	shalt  }
0x52: {  	_ =	shalt  }
0x53: {  	_ =	shalt  }
0x54: {  	_ =	shalt  }
0x55: {  	_ =	shalt  }
0x56: {  	_ =	shalt  }
0x57: {  	_ =	shalt  }
0x58: {  	_ =	shalt  }
0x59: {  	_ =	shalt  }
0x5a: {  	_ =	shalt  }
0x5b: {  	_ =	shalt  }
0x5c: {  	_ =	shalt  }
0x5d: {  	_ =	shalt  }
0x5e: {  	_ =	shalt  }
0x5f: {  	_ =	shalt  }
0x60: {  	_ =	shalt  }
0x61: {  	_ =	shalt  }
0x62: {  	_ =	shalt  }
0x63: {  	_ =	shalt  }
0x64: {  	_ =	shalt  }
0x65: {  	_ =	shalt  }
0x66: {  	_ =	shalt  }
0x67: {  	_ =	shalt  }
0x68: {  	_ =	shalt  }
0x69: {  	_ =	shalt  }
0x6a: {  	_ =	shalt  }
0x6b: {  	_ =	shalt  }
0x6c: {  	_ =	shalt  }
0x6d: {  	_ =	shalt  }
0x6e: {  	_ =	shalt  }
0x6f: {  	_ =	shalt  }
0x70: {  	_ =	shalt  }
0x71: {  	_ =	shalt  }
0x72: {  	_ =	shalt  }
0x73: {  	_ =	shalt  }
0x74: {  	_ =	shalt  }
0x75: {  	_ =	shalt  }
0x76: {  	_ =	shalt  }
0x77: {  	_ =	shalt  }
0x78: {  	_ =	shalt  }
0x79: {  	_ =	shalt  }
0x7a: {  	_ =	shalt  }
0x7b: {  	_ =	shalt  }
0x7c: {  	_ =	shalt  }
0x7d: {  	_ =	shalt  }
0x7e: {  	_ =	shalt  }
0x7f: {  	_ =	shalt  }
0x80: {  	_ =	shalt  }
0x81: {  	_ =	shalt  }
0x82: {  	_ =	shalt  }
0x83: {  	_ =	shalt  }
0x84: {  	_ =	shalt  }
0x85: {  	_ =	shalt  }
0x86: {  	_ =	shalt  }
0x87: {  	_ =	shalt  }
.Lfunc_end0:
.L_simem_size_0:
called_computation.4_lowered:
.L_overlay_start_0:
0x88: {  	s2 =	sld [smem:$0x3FD9]  }
0x89: {  	s3 =	sld [smem:$0x3FFE];
	_ =	sdelay $0x1  }
0x8a: {  	s1 =	srdreg.scid  }
0x8b: {  	s0 =	sand.u32 $0x1, s1  }
0x8c: {  	s16 =	sshll.u32 s0, $0xA;
	s2 =	sadd.s32 s3, s2  }
0x8d: {  	s2 =	sadd.s32 s2, s16  }
0x8e: {  	[smem:$0x3FB3] =	sst s2  }
0x8f: {  	_ = 	snop  }
0x90: {  	(tm) =	ssettm $0x1  }
0x91: {  	s17 =	sld [smem:$0x3FFB];
	_ =	sdelay $0x3  }
0x92: {  	_ =	strace s17  }
0x93: {  	s2 =	sld [smem:$0x3FFC];
	_ =	sdelay $0x3  }
0x94: {  	_ =	strace s2  }
0x95: {  	s2 =	sld [smem:$0x3FFD];
	_ =	sdelay $0x3  }
0x96: {  	_ =	strace s2  }
0x97: {  	_ =	strace $0x8FFFFFFF  }
0x98: {  	s18 =	sld [smem:$0x3FDB];
	_ =	sdelay $0x1  }
0x99: {  	s19 =	simm.s32 $_scs_section_size  }
0x9a: {  	s4 =	simm.s32 $_size__tile_overlayer_lowered;
	s5 =	simm.s32 $_tile_overlayer_lowered  }
0x9b: {  	s22 =	simm.s32 $0x1BFF;
	s21 =	sshll.u32 s5, $0x1;
	s2 =	sadd.s32 s19, s18  }
0x9c: {  	s6 =	simm.s32 $0x0;
	s20 =	sshll.u32 s4, $0x1;
	s4 =	sadd.s32 s21, s2  }
0x9d: {  	[timem:s6], [sflag:s22] =	dma.local [hbm:s4], s20  }
0x9e: {  	_ =	swait.ge [sflag:s22], s20  }
0x9f: {  	s3 =	ssub.s32 $0x0, s20;
	[sflag:s22] =	ssyncset.done $0x0  }
0xa0: {  	[sflag:s22] =	ssyncadd.s32 s3;
	_ =	sdelay $0x1  }
0xa1: {  	s23 =	simm.s32 $0x1B8B  }
0xa2: {  	_ =	swait.ge [sflag:s23], $0x1  }
0xa3: {  	[sflag:s23] =	ssyncset.done $0x0  }
0xa4: {  	s25 =	simm.s32 $0x1B8E;
	s24 =	sld [smem:$0x3FFE];
	[sflag:s23] =	ssyncadd.s32 $0xFFFFFFFF  }
0xa5: {  	s26 =	simm.s32 $execute0_lowered;
	[smem:$0x3FD2] =	sst s25  }
0xa6: {  	s4 =	sshll.u32 s26, $0x1;
	_ =	strace $0x80000052;
	[dreg:$0x1] =	wrdreg $0xFFFFFFFF  }
0xa7: {  	s28 =	simm.s32 $_size_execute0_lowered;
	s2 =	sadd.s32 s2, s4;
	[dreg:$0x0] =	wrdreg $0x0  }
0xa8: {  	s4 =	sshll.u32 s28, $0x1;
	[dreg:$0x2] =	wrdreg s2  }
0xa9: {  	[dreg:$0x3] =	wrdreg s4  }
0xaa: {  	[dreg:$0x4] =	wrdreg $0xC0  }
0xab: {  	_ =	task [dreg:s6], $0x5FFFF  }
0xac: {  	[dreg:$0x1] =	wrdreg $0xFFFFFFFF  }
0xad: {  	[dreg:$0x0] =	wrdreg $0x60  }
0xae: {  	[dreg:$0x2] =	wrdreg s24  }
0xaf: {  	[dreg:$0x3] =	wrdreg $0x0  }
0xb0: {  	[dreg:$0x4] =	wrdreg $0x9  }
0xb1: {  	_ =	task.clear_ibuf [dreg:s6], $0x5FFFF;
	_ =	strace $0x90000052  }
0xb2: {  	s29 =	simm.s32 $0x9;
	_ =	strace $0x80000054  }
0xb3: {  	_ =	swait.ge [sflag:s29], $0x1  }
0xb4: {  	[sflag:s29] =	ssyncadd.s32 $0xFFFFFFFF  }
0xb5: {  	_ =	strace $0x90000054  }
0xb6: {  	_ =	sfence  }
0xb7: {  	s30 =	sld [smem:$0x0];
	_ =	sdelay $0x2  }
0xb8: {  	s31 =	sshll.u32 s1, $0xD;
	s1 =	sshrl.u32 s1, $0x2  }
0xb9: {  	s3 =	sand.u32 $0x4000, s31;
	s1 =	sadd.s32 s1, s30  }
0xba: {  	s0 =	sor.u32 s3, s0;
	s1 =	sshll.u32 s1, $0x11  }
0xbb: {  	s0 =	sor.u32 s1, s0  }
0xbc: {  	s0 =	sadd.s32 $0x8F2B, s0  }
0xbd: {  	[sflag:s0] =	ssyncadd.remote.s32 $0x1  }
0xbe: {  	_ =	sfence.sel $0xFFFF  }
0xbf: {  	[dreg:$0x0] =	wrdreg $0xFFFFFFFF;
	(pc) =	sbr.abs _section_cstart, $3  }
0xc0: {  	[dreg:$0x1] =	wrdreg $0xFFFFFFFF  }
0xc1: {  	_ =	task.clear_ibuf [dreg:s6], $0x2FFFF;
	_ =	strace $0x9FFFFFFF  }
0xc2: {  	(tm) =	ssettm $0x7FFFFFFF  }
0xc3: {  	_ =	shalt  }
tec
execute0_lowered:
.L_overlay_start_1:
0x0: {  	(tag) =	ssettag $0x1  }
0x1: {  	s1 =	rddreg [dreg:$0x0]  }
0x2: {  	s3 =	rddreg [dreg:$0x1]  }
0x3: {  	s0 =	srdreg.scid;
	s4 =	simm.s32 $0x0;
	s2 =	stileid.u32  }
0x4: {  	s17 =	simm.s32 $0x2;
	s18 =	simm.s32 $0xF080;
	s19 =	simm.s32 $0x11900  }
0x5: {  	s20 =	simm.s32 $0x14100;
	s21 =	simm.s32 $0x18980;
	s22 =	simm.s32 $0x80  }
0x6: {  	s23 =	simm.s32 $0x16980;
	s24 =	simm.s32 $0x1;
	s25 =	simm.s32 $0x16900  }
0x7: {  	s26 =	simm.s32 $0x0;
	s0 =	sand.u32 $0x1, s0;
	s9 =	smul.u32 $0xC800, s2  }
0x8: {  	[smem:$0x7FF] =	sst s4;
	s6 =	sadd.s32 $0x14600, s1;
	s10 =	smul.u32 $0x32000, s2  }
0x9: {  	s5 =	sshll.u32 s0, $0x4;
	_ =	strace $0x80000053;
	s8 =	smul.u32 $0xC8000, s0  }
0xa: {  	s0 =	ssub.s32 $0x2, s0;
	s7 =	sor.u32 s2, s5;
	s5 =	sadd.s32 $0x14000, s1  }
0xb: {  	s31 =	sshrl.u32 s0, $0x1;
	s10 =	sshrl.u32 s10, $0x2;
	s7 =	smul.u32 $0x510, s7  }
0xc: {  	s8 =	sadd.s32 s9, s8;
	s0 =	ssub.s32 s0, s31;
	s13 =	sadd.s32 s10, s3  }
0xd: {  	s9 =	sadd.s32 s9, s3;
	s30 =	sshrl.u32 s8, $0x3;
	s10 =	sadd.s32 $0x2800, s13  }
0xe: {  	s12 =	sadd.s32 $0x7800, s13;
	s15 =	smax.u32 s0, $0x1;
	s11 =	sadd.s32 s7, s1  }
0xf: {  	s14 =	sadd.s32 s30, s1;
	s7 =	sadd.s32 $0x21200, s11;
	s8 =	sadd.s32 $0x17000, s11  }
0x10: {  	v0 =	vimm.f32 $0.0e+00;
	s11 =	sadd.s32 $0x5000, s13;
	s13 =	sadd.s32 $0xA000, s13;
	s14 =	sadd.s32 $0x2B400, s14  }
.LBB2_1:
0x11: {  	s0 =	simm.s32 $0xC800  }
0x12: {  	[tilespmem:s0], [sflag:$0x2] =	stream.linear.gather [hbm4b:s7+s4], $0x2880, $0x38;
	[tilespmem:$0x1B180] =	vst v63  }
0x13: {  	_ =	swait.ge [sflag:s17], $0x2880  }
0x14: {  	[sflag:s17] =	ssyncset.done $0x0  }
0x15: {  	[sflag:s17] =	ssyncadd.s32 $0xFFFFD780  }
0x16: {  	[tilespmem:s18], [sflag:$0x2] =	stream.linear.gather [hbm4b:s8+s4], $0x2880, $0x38;
	[tilespmem:$0x1B180] =	vst v63  }
0x17: {  	_ =	swait.ge [sflag:s17], $0x2880  }
0x18: {  	[sflag:s17] =	ssyncset.done $0x0  }
0x19: {  	[sflag:s17] =	ssyncadd.s32 $0xFFFFD780  }
0x1a: {  	[tilespmem:s19], [sflag:$0x2] =	stream.linear.gather [hbm4b:s5+s4], $0x2800, $0x38;
	[tilespmem:$0x1B180] =	vst v63  }
0x1b: {  	_ =	swait.ge [sflag:s17], $0x2800  }
0x1c: {  	[sflag:s17] =	ssyncset.done $0x0  }
0x1d: {  	[sflag:s17] =	ssyncadd.s32 $0xFFFFD800  }
0x1e: {  	[tilespmem:s20], [sflag:$0x2] =	stream.linear.gather [hbm4b:s6+s4], $0x2800, $0x38;
	[tilespmem:$0x1B180] =	vst v63  }
0x1f: {  	_ =	swait.ge [sflag:s17], $0x2800  }
0x20: {  	[sflag:s17] =	ssyncset.done $0x0  }
0x21: {  	s16 =	simm.s32 $0x140;
	s0 =	simm.s32 $0x0;
	[sflag:s17] =	ssyncadd.s32 $0xFFFFD800  }
.LBB2_2:
0x22: {  	p0 =	sne.s32 s16, $0x9EC0;
	[tilespmem:s0+$0x189C0] =	vst v0;
	s28 =	smov.u32 s16;
	s16 =	sadd.s32 $0x140, s16  }
.Ltmp0:
0x23: {  	[tilespmem:s0+$0x189B0] =	vst v0;
	(pc) =	sbr.rel @p0 .LBB2_2-.Ltmp0, $4  }
0x24: {  	[tilespmem:s0+$0x189A0] =	vst v0  }
0x25: {  	[tilespmem:s0+$0x18980] =	vst v0  }
0x26: {  	[tilespmem:s0+$0x18990] =	vst v0  }
0x27: {  	s0 =	sshra.s32 s28, $0x2  }
0x28: {  	[tilespmem:s0+$0x189C0] =	vst v0  }
0x29: {  	[tilespmem:s0+$0x189B0] =	vst v0  }
0x2a: {  	[tilespmem:s0+$0x189A0] =	vst v0  }
0x2b: {  	[tilespmem:s0+$0x18980] =	vst v0  }
0x2c: {  	[tilespmem:s0+$0x18990] =	vst v0  }
0x2d: {  	[spmem:s9] =	stream.linear.scatter [tilespmem:s21], [sflag:$0x2], $0x2800, $0x38;
	[tilespmem:$0x1B180] =	vst v63  }
0x2e: {  	_ =	swait.ge [sflag:s17], $0x2800  }
0x2f: {  	[sflag:s17] =	ssyncset.done $0x0  }
0x30: {  	[sflag:s17] =	ssyncadd.s32 $0xFFFFD800  }
0x31: {  	[spmem:s10] =	stream.linear.scatter [tilespmem:s21], [sflag:$0x2], $0x2800, $0x38;
	[tilespmem:$0x1B180] =	vst v63  }
0x32: {  	_ =	swait.ge [sflag:s17], $0x2800  }
0x33: {  	[sflag:s17] =	ssyncset.done $0x0  }
0x34: {  	[sflag:s17] =	ssyncadd.s32 $0xFFFFD800  }
0x35: {  	[spmem:s11] =	stream.linear.scatter [tilespmem:s21], [sflag:$0x2], $0x2800, $0x38;
	[tilespmem:$0x1B180] =	vst v63  }
0x36: {  	_ =	swait.ge [sflag:s17], $0x2800  }
0x37: {  	[sflag:s17] =	ssyncset.done $0x0  }
0x38: {  	[sflag:s17] =	ssyncadd.s32 $0xFFFFD800  }
0x39: {  	[spmem:s12] =	stream.linear.scatter [tilespmem:s21], [sflag:$0x2], $0x2800, $0x38;
	[tilespmem:$0x1B180] =	vst v63  }
0x3a: {  	_ =	swait.ge [sflag:s17], $0x2800  }
0x3b: {  	[sflag:s17] =	ssyncset.done $0x0  }
0x3c: {  	[sflag:s17] =	ssyncadd.s32 $0xFFFFD800  }
0x3d: {  	[spmem:s13] =	stream.linear.scatter [tilespmem:s21], [sflag:$0x2], $0x2800, $0x38;
	[tilespmem:$0x1B180] =	vst v63  }
0x3e: {  	_ =	swait.ge [sflag:s17], $0x2800  }
0x3f: {  	[sflag:s17] =	ssyncset.done $0x0  }
0x40: {  	[sflag:s17] =	ssyncadd.s32 $0xFFFFD800  }
0x41: {  	s28 =	simm.s32 $0x0;
	s29 =	simm.s32 $0x0;
	[bflag:$0x0] =	sbarrier.arrive $0xFFFF  }
.LBB2_4:
0x42: {  	s30 =	sshll.u32 s29, $0x7  }
0x43: {  	s0 =	sadd.s32 $0xC800, s30  }
0x44: {  	[tilespmem:s23], [sflag:$0x1] =	stream.indirect.gather [hbm4b:s1+s22], $0x40, s0, s22, $0xb8;
	[tilespmem:$0x1B180] =	vst v63  }
0x45: {  	_ =	swait.ge [sflag:s24], $0x2000  }
0x46: {  	[sflag:s24] =	ssyncset.done $0x0  }
0x47: {  	[sflag:s24] =	ssyncadd.s32 $0xFFFFE000  }
0x48: {  	v1 =	vld [tilespmem:s30+$0xC800]  }
0x49: {  	v2 =	vld [tilespmem:s30+$0xF080];
	_ =	sdelay $0x6  }
0x4a: {  	v1 =	vld.idx.msk [tilespmem:v1+s19+$0x0], $0xffff  }
0x4b: {  	v2 =	vld.idx.msk [tilespmem:v2+s20+$0x0], $0xffff;
	_ =	sdelay $0x4  }
0x4c: {  	v1 =	vadd.f32 v2, v1;
	_ =	sdelay $0x1  }
0x4d: {  	v2 =	vmul.f32 $2.000000030e-01, v1  }
0x4e: {  	vm0 =	vgt.f32 v1, $0.0e+00  }
0x4f: {  	v1 =	vsel vm0, v1, v2  }
0x50: {  	v1 =	vmul.f32 $1.442695020e+00, v1;
	_ =	sdelay $0x1  }
0x51: {  	(erf) = vpow2.f32 v1;
	_ =	sdelay $0x8  }
0x52: {  	v1 =	vpop (erf)  }
0x53: {  	[tilespmem:$0x16900] =	vst v1  }
0x54: {  	v1 =	vld [tilespmem:s30+$0xC810]  }
0x55: {  	v2 =	vld [tilespmem:s30+$0xF090];
	_ =	sdelay $0x6  }
0x56: {  	v1 =	vld.idx.msk [tilespmem:v1+s19+$0x0], $0xffff  }
0x57: {  	v2 =	vld.idx.msk [tilespmem:v2+s20+$0x0], $0xffff;
	_ =	sdelay $0x4  }
0x58: {  	v1 =	vadd.f32 v2, v1;
	_ =	sdelay $0x1  }
0x59: {  	v2 =	vmul.f32 $2.000000030e-01, v1  }
0x5a: {  	vm9 =	vgt.f32 v1, $0.0e+00  }
0x5b: {  	v1 =	vsel vm9, v1, v2  }
0x5c: {  	v1 =	vmul.f32 $1.442695020e+00, v1;
	_ =	sdelay $0x1  }
0x5d: {  	(erf) = vpow2.f32 v1;
	_ =	sdelay $0x8  }
0x5e: {  	v1 =	vpop (erf)  }
0x5f: {  	[tilespmem:$0x16910] =	vst v1  }
0x60: {  	v1 =	vld [tilespmem:s30+$0xC820]  }
0x61: {  	v2 =	vld [tilespmem:s30+$0xF0A0];
	_ =	sdelay $0x6  }
0x62: {  	v1 =	vld.idx.msk [tilespmem:v1+s19+$0x0], $0xffff  }
0x63: {  	v2 =	vld.idx.msk [tilespmem:v2+s20+$0x0], $0xffff;
	_ =	sdelay $0x4  }
0x64: {  	v1 =	vadd.f32 v2, v1;
	_ =	sdelay $0x1  }
0x65: {  	v2 =	vmul.f32 $2.000000030e-01, v1  }
0x66: {  	vm10 =	vgt.f32 v1, $0.0e+00  }
0x67: {  	v1 =	vsel vm10, v1, v2  }
0x68: {  	v1 =	vmul.f32 $1.442695020e+00, v1;
	_ =	sdelay $0x1  }
0x69: {  	(erf) = vpow2.f32 v1;
	_ =	sdelay $0x8  }
0x6a: {  	v1 =	vpop (erf)  }
0x6b: {  	[tilespmem:$0x16920] =	vst v1  }
0x6c: {  	v1 =	vld [tilespmem:s30+$0xC830]  }
0x6d: {  	v2 =	vld [tilespmem:s30+$0xF0B0];
	_ =	sdelay $0x6  }
0x6e: {  	v1 =	vld.idx.msk [tilespmem:v1+s19+$0x0], $0xffff  }
0x6f: {  	v2 =	vld.idx.msk [tilespmem:v2+s20+$0x0], $0xffff;
	_ =	sdelay $0x4  }
0x70: {  	v1 =	vadd.f32 v2, v1;
	_ =	sdelay $0x1  }
0x71: {  	v2 =	vmul.f32 $2.000000030e-01, v1  }
0x72: {  	vm11 =	vgt.f32 v1, $0.0e+00  }
0x73: {  	v1 =	vsel vm11, v1, v2  }
0x74: {  	v1 =	vmul.f32 $1.442695020e+00, v1;
	_ =	sdelay $0x1  }
0x75: {  	(erf) = vpow2.f32 v1;
	_ =	sdelay $0x8  }
0x76: {  	v1 =	vpop (erf)  }
0x77: {  	[tilespmem:$0x16930] =	vst v1  }
0x78: {  	v1 =	vld [tilespmem:s30+$0xC840]  }
0x79: {  	v2 =	vld [tilespmem:s30+$0xF0C0];
	_ =	sdelay $0x6  }
0x7a: {  	v1 =	vld.idx.msk [tilespmem:v1+s19+$0x0], $0xffff  }
0x7b: {  	v2 =	vld.idx.msk [tilespmem:v2+s20+$0x0], $0xffff;
	_ =	sdelay $0x4  }
0x7c: {  	v1 =	vadd.f32 v2, v1;
	_ =	sdelay $0x1  }
0x7d: {  	v2 =	vmul.f32 $2.000000030e-01, v1  }
0x7e: {  	vm12 =	vgt.f32 v1, $0.0e+00  }
0x7f: {  	v1 =	vsel vm12, v1, v2  }
0x80: {  	v1 =	vmul.f32 $1.442695020e+00, v1;
	_ =	sdelay $0x1  }
0x81: {  	(erf) = vpow2.f32 v1;
	_ =	sdelay $0x8  }
0x82: {  	v1 =	vpop (erf)  }
0x83: {  	[tilespmem:$0x16940] =	vst v1  }
0x84: {  	v1 =	vld [tilespmem:s30+$0xC850]  }
0x85: {  	v2 =	vld [tilespmem:s30+$0xF0D0];
	_ =	sdelay $0x6  }
0x86: {  	v1 =	vld.idx.msk [tilespmem:v1+s19+$0x0], $0xffff  }
0x87: {  	v2 =	vld.idx.msk [tilespmem:v2+s20+$0x0], $0xffff;
	_ =	sdelay $0x4  }
0x88: {  	v1 =	vadd.f32 v2, v1;
	_ =	sdelay $0x1  }
0x89: {  	v2 =	vmul.f32 $2.000000030e-01, v1  }
0x8a: {  	vm13 =	vgt.f32 v1, $0.0e+00  }
0x8b: {  	v1 =	vsel vm13, v1, v2  }
0x8c: {  	v1 =	vmul.f32 $1.442695020e+00, v1;
	_ =	sdelay $0x1  }
0x8d: {  	(erf) = vpow2.f32 v1;
	_ =	sdelay $0x8  }
0x8e: {  	v1 =	vpop (erf)  }
0x8f: {  	[tilespmem:$0x16950] =	vst v1  }
0x90: {  	v1 =	vld [tilespmem:s30+$0xC860]  }
0x91: {  	v2 =	vld [tilespmem:s30+$0xF0E0];
	_ =	sdelay $0x6  }
0x92: {  	v1 =	vld.idx.msk [tilespmem:v1+s19+$0x0], $0xffff  }
0x93: {  	v2 =	vld.idx.msk [tilespmem:v2+s20+$0x0], $0xffff;
	_ =	sdelay $0x4  }
0x94: {  	v1 =	vadd.f32 v2, v1;
	_ =	sdelay $0x1  }
0x95: {  	v2 =	vmul.f32 $2.000000030e-01, v1  }
0x96: {  	vm14 =	vgt.f32 v1, $0.0e+00  }
0x97: {  	v1 =	vsel vm14, v1, v2  }
0x98: {  	v1 =	vmul.f32 $1.442695020e+00, v1;
	_ =	sdelay $0x1  }
0x99: {  	(erf) = vpow2.f32 v1;
	_ =	sdelay $0x8  }
0x9a: {  	v1 =	vpop (erf)  }
0x9b: {  	[tilespmem:$0x16960] =	vst v1  }
0x9c: {  	v1 =	vld [tilespmem:s30+$0xC870]  }
0x9d: {  	v2 =	vld [tilespmem:s30+$0xF0F0];
	_ =	sdelay $0x6  }
0x9e: {  	v1 =	vld.idx.msk [tilespmem:v1+s19+$0x0], $0xffff  }
0x9f: {  	v2 =	vld.idx.msk [tilespmem:v2+s20+$0x0], $0xffff;
	_ =	sdelay $0x4  }
0xa0: {  	v1 =	vadd.f32 v2, v1;
	_ =	sdelay $0x1  }
0xa1: {  	v2 =	vmul.f32 $2.000000030e-01, v1  }
0xa2: {  	vm15 =	vgt.f32 v1, $0.0e+00  }
0xa3: {  	v1 =	vsel vm15, v1, v2  }
0xa4: {  	v1 =	vmul.f32 $1.442695020e+00, v1;
	_ =	sdelay $0x1  }
0xa5: {  	(erf) = vpow2.f32 v1;
	_ =	sdelay $0x5  }
0xa6: {  	v1 =	vmov s28;
	_ =	sdelay $0x2  }
0xa7: {  	v2 =	vpop (erf)  }
0xa8: {  	[tilespmem:$0x16970] =	vst v2  }
0xa9: {  	s31 =	simm.s32 $0x169A0;
	v1 =	vld.idx.msk [tilespmem:v1+s25+$0x0], $0xffff  }
0xaa: {  	v2 =	vld [tilespmem:s31+$0xFFFFFFE0];
	_ =	sdelay $0x4  }
0xab: {  	v2 =	vmul.f32 v2, v1  }
0xac: {  	s0 =	simm.s32 $0x189A0  }
0xad: {  	[tilespmem:s0+$0xFFFFFFE0] =	vst v2  }
0xae: {  	v2 =	vld [tilespmem:s31+$0xFFFFFFF0];
	_ =	sdelay $0x4  }
0xaf: {  	v2 =	vmul.f32 v2, v1;
	_ =	sdelay $0x1  }
0xb0: {  	[tilespmem:s0+$0xFFFFFFF0] =	vst v2  }
0xb1: {  	v2 =	vld [tilespmem:s31+$0x0];
	_ =	sdelay $0x4  }
0xb2: {  	v2 =	vmul.f32 v2, v1;
	_ =	sdelay $0x1  }
0xb3: {  	[tilespmem:s0+$0x0] =	vst v2  }
0xb4: {  	v2 =	vld [tilespmem:s31+$0x10];
	_ =	sdelay $0x1  }
0xb5: {  	s16 =	simm.s32 $0x1  }
0xb6: {  	v3 =	vmov s16;
	s16 =	simm.s32 $0x2;
	s30 =	sadd.s32 $0xF080, s30;
	[tilespmem:s0+$0x20] =	vst v1  }
.LBB2_5:
0xb7: {  	p0 =	sne.s32 s16, $0x7F  }
0xb8: {  	v1 =	vmul.f32 v2, v1;
	_ =	sdelay $0x1  }
0xb9: {  	[tilespmem:s0+$0x10] =	vst v1  }
0xba: {  	s31 =	sadd.s32 $0x40, s31;
	v1 =	vld.idx.msk [tilespmem:v3+s25+$0x0], $0xffff  }
0xbb: {  	v2 =	vld [tilespmem:s31+$0xFFFFFFE0];
	_ =	sdelay $0x4  }
0xbc: {  	v2 =	vmul.f32 v2, v1  }
0xbd: {  	s0 =	sadd.s32 $0x50, s0  }
0xbe: {  	[tilespmem:s0+$0xFFFFFFE0] =	vst v2  }
0xbf: {  	v2 =	vld [tilespmem:s31+$0xFFFFFFF0];
	_ =	sdelay $0x4  }
0xc0: {  	v2 =	vmul.f32 v2, v1;
	_ =	sdelay $0x1  }
0xc1: {  	[tilespmem:s0+$0xFFFFFFF0] =	vst v2  }
0xc2: {  	v2 =	vld [tilespmem:s31+$0x0];
	_ =	sdelay $0x4  }
0xc3: {  	v2 =	vmul.f32 v2, v1;
	_ =	sdelay $0x1  }
.Ltmp1:
0xc4: {  	[tilespmem:s0+$0x0] =	vst v2;
	(pc) =	sbr.rel @p0 .LBB2_5-.Ltmp1, $2  }
0xc5: {  	v2 =	vld [tilespmem:s31+$0x10];
	[tilespmem:s0+$0x20] =	vst v1;
	_ =	sdelay $0x2  }
0xc6: {  	v3 =	vmov s16;
	s16 =	sadd.s32 $0x1, s16  }
0xc7: {  	_ = 	snop  }
0xc8: {  	v1 =	vmul.f32 v2, v1;
	_ =	sdelay $0x1  }
0xc9: {  	[tilespmem:s0+$0x10] =	vst v1  }
0xca: {  	s16 =	sadd.s32 $0x40, s31;
	v1 =	vld.idx.msk [tilespmem:v3+s25+$0x0], $0xffff  }
0xcb: {  	v2 =	vld [tilespmem:s16+$0xFFFFFFE0];
	_ =	sdelay $0x4  }
0xcc: {  	v2 =	vmul.f32 v2, v1  }
0xcd: {  	s31 =	sadd.s32 $0x50, s0  }
0xce: {  	[tilespmem:s31+$0xFFFFFFE0] =	vst v2  }
0xcf: {  	v2 =	vld [tilespmem:s16+$0xFFFFFFF0];
	_ =	sdelay $0x4  }
0xd0: {  	v2 =	vmul.f32 v2, v1;
	_ =	sdelay $0x1  }
0xd1: {  	[tilespmem:s31+$0xFFFFFFF0] =	vst v2  }
0xd2: {  	v2 =	vld [tilespmem:s16+$0x0];
	_ =	sdelay $0x4  }
0xd3: {  	v2 =	vmul.f32 v2, v1;
	_ =	sdelay $0x1  }
0xd4: {  	[tilespmem:s31+$0x0] =	vst v2  }
0xd5: {  	v2 =	vld [tilespmem:s16+$0x10];
	_ =	sdelay $0x4  }
0xd6: {  	s29 =	sadd.s32 $0x1, s29;
	v2 =	vmul.f32 v2, v1  }
0xd7: {  	p0 =	sne.s32 s29, $0x51;
	[tilespmem:s31+$0x20] =	vst v1  }
.Ltmp2:
0xd8: {  	[tilespmem:s31+$0x10] =	vst v2;
	(pc) =	sbr.rel @p0 .LBB2_4-.Ltmp2, $4  }
0xd9: {  	[spmem:s3] =	stream.indirect.scatter.add.f32 [tilespmem:s21], [sflag:$0x2], $0x50, s30, s22, $0xb8;
	[tilespmem:$0x1B180] =	vst v63  }
0xda: {  	_ =	swait.ge [sflag:s17], $0x2800  }
0xdb: {  	[sflag:s17] =	ssyncset.done $0x0  }
0xdc: {  	[sflag:s17] =	ssyncadd.s32 $0xFFFFD800  }
0xdd: {  	s26 =	sadd.s32 $0x1, s26  }
0xde: {  	s0 =	sshll.u32 s2, $0x6;
	[bflag:$0x0] =	sbarrier.arrive $0xFFFF;
	p0 =	sne.s32 s26, s15  }
.Ltmp3:
0xdf: {  	s16 =	sshrl.u32 s9, $0x3;
	s0 =	sor.u32 $0x1C02, s0;
	(pc) =	sbr.rel @p0 .LBB2_1-.Ltmp3, $4  }
0xe0: {  	[hbm:s14], [sflag:s0] =	dma.local [spmem:s16], $0x1900  }
0xe1: {  	_ =	swait.ge [sflag:s17], $0x1900  }
0xe2: {  	[sflag:s17] =	ssyncset.done $0x0  }
0xe3: {  	[sflag:s17] =	ssyncadd.s32 $0xFFFFE700  }
0xe4: {  	_ =	sfence.sel $0x180000  }
0xe5: {  	[bflag:$0x0] =	sbarrier.arrive $0xFFFF  }
0xe6: {  	_ =	strace $0x90000053  }
0xe7: {  	[bflag:$0x2] =	sbarrier.arrive $0xFFFF  }
0xe8: {  	p0 =	sne.s32 s2, $0x0;
	s0 =	rddreg [dreg:$0x2]  }
0xe9: {  	s0 =	sadd.s32 @!p0 $0x100000, s0  }
0xea: {  	[sflag:s0] =	ssyncadd.tile.s32 @!p0 $0x1;
	_ =	shalt  }
.Lfunc_end2:
_tile_overlayer_lowered:
.L_overlay_start_2:
0xeb: {  	(tag) =	ssettag $0x2  }
0xec: {  	s0 =	rddreg [dreg:$0x0];
	s2 =	stileid.u32  }
0xed: {  	s1 =	rddreg [dreg:$0x1];
	p0 =	sne.s32 s2, $0x0  }
0xee: {  	s3 =	rddreg [dreg:$0x2];
	[bflag:$0x3] =	sbarrier.arrive $0xFFFF;
	s2 =	simm.s32 @!p0 $0x1C02  }
0xef: {  	[timem:s3], [sflag:s2] =	dma.local @!p0 [hbm:s0], s1  }
0xf0: {  	s0 =	simm.s32 @!p0 $0x2  }
0xf1: {  	_ =	swait.ge @!p0 [sflag:s0], s1  }
0xf2: {  	s1 =	ssub.s32 @!p0 $0x0, s1;
	[sflag:s0] =	ssyncset.done @!p0 $0x0  }
0xf3: {  	[sflag:s0] =	ssyncadd.s32 @!p0 s1  }
0xf4: {  	[bflag:$0x3] =	sbarrier.arrive $0xFFFF  }
0xf5: {  	_ =	shalt  }

// kernel: kernel.28.cloned.1.call-start
scs
__scs_entry_jumppad:
0x0: {  	(pc) =	sbr.rel $0x88, $3  }
0x1: {  	(tag) =	ssettag $0x0;
	lr =	simm.s32 $0x1  }
0x2: {  	[smem:$0x3F8C] =	sst lr;
	_ =	strace $0xD0000000  }
0x3: {  	_ = 	snop  }
0x4: {  	_ = 	snop  }
0x5: {  	_ = 	snop  }
0x6: {  	_ = 	snop  }
0x7: {  	_ = 	snop  }
__scs_overlays_trampoline_lowered:
0x8: {  	[smem:$0x3F9B] =	sst s0  }
0x9: {  	[smem:$0x3F9C] =	sst s1  }
0xa: {  	[smem:$0x3F9D] =	sst s2  }
0xb: {  	[smem:$0x3F9E] =	sst s3  }
0xc: {  	[smem:$0x3F9F] =	sst s4  }
0xd: {  	[smem:$0x3FA0] =	sst s5  }
0xe: {  	[smem:$0x3FA1] =	sst s6  }
0xf: {  	[smem:$0x3FA2] =	sst s7  }
0x10: {  	[smem:$0x3FA3] =	sst s8  }
0x11: {  	[smem:$0x3FA4] =	sst s9;
	s0 =	simm.s32 @!p0 $0x0  }
0x12: {  	s1 =	sld [smem:$0x3F8A];
	s0 =	simm.s32 @p0 $0x1  }
0x13: {  	[smem:$0x3FA5] =	sst s0;
	s0 =	simm.s32 @!p1 $0x0  }
0x14: {  	s2 =	sld [smem:$0x3F89];
	s0 =	simm.s32 @p1 $0x1  }
0x15: {  	[smem:$0x3FA6] =	sst s0;
	s0 =	simm.s32 @!p2 $0x0  }
0x16: {  	s3 =	sld [smem:$0x3FDB];
	s0 =	simm.s32 @p2 $0x1  }
0x17: {  	s4 =	simm.s32 $0x1BF5;
	[smem:$0x3FA8] =	sst s0  }
0x18: {  	s0 =	sld [smem:$0x3F8B];
	_ =	swait.ge [sflag:s4], $0x0  }
0x19: {  	s7 =	sld [smem:$0x3F8C]  }
0x1a: {  	s8 =	sadd.s32 $0xFFFFE003, lr  }
0x1b: {  	s9 =	sadd.s32 $0xFFFFFEF7, lr;
	s5 =	simm.s32 $0xFFFFFFFF;
	p2 =	slt.u32 s8, $0xFFFFF086  }
0x1c: {  	p1 =	slt.u32 s9, $0xF7A;
	s5 =	simm.s32 @!p2 $0x0  }
0x1d: {  	s5 =	simm.s32 @p1 $0x1;
	p0 =	seq.s32 s7, s2  }
0x1e: {  	s7 =	smul.u32 @!p0 $0xF7A, s2;
	p2 =	seq.s32 @!p0 s5, $0x0  }
0x1f: {  	s9 =	smul.u32 $0xF7A, s1;
	s8 =	simm.s32 @!p0 $0x1BF5;
	p2 =	por !p2, p0  }
0x20: {  	[sflag:s8] =	ssyncset.s32 @!p0 $0xFFFFF086;
	s6 =	sadd.s32 @!p0 s3, s7;
	s7 =	simm.s32 @!p0 $0x108  }
0x21: {  	s3 =	sadd.s32 s3, s9;
	s6 =	sadd.s32 @!p0 $0x88, s6;
	s7 =	simm.s32 @p2 $0x1082  }
0x22: {  	[simem:s7], [sflag:s8] =	dma.local @!p0 [hbm:s6], $0xF7A  }
0x23: {  	s9 =	sor.u32 $0xD0000000, s2;
	s6 =	simm.s32 $0x108;
	_ =	swait.ge @!p0 [sflag:s8], $0x0  }
0x24: {  	s3 =	sadd.s32 $0x88, s3;
	s6 =	simm.s32 @!p1 $0x1082;
	[sflag:s4] =	ssyncset.s32 $0xFFFFF086  }
0x25: {  	[simem:s6], [sflag:s4] =	dma.local [hbm:s3], $0xF7A  }
0x26: {  	[smem:$0x3F8C] =	sst s1;
	(tag) =	ssettag s2;
	_ =	strace s9  }
0x27: {  	s1 =	sld [smem:$0x3F9C]  }
0x28: {  	s2 =	sld [smem:$0x3F9D]  }
0x29: {  	s4 =	sld [smem:$0x3F9F]  }
0x2a: {  	p0 =	seq.s32 s5, $0x0;
	s5 =	sld [smem:$0x3FA0]  }
0x2b: {  	s6 =	sld [smem:$0x3FA1]  }
0x2c: {  	s7 =	sld [smem:$0x3FA2]  }
0x2d: {  	s3 =	simm.s32 $0x108;
	s8 =	sld [smem:$0x3FA3]  }
0x2e: {  	s3 =	simm.s32 @!p0 $0x1082;
	s9 =	sld [smem:$0x3FA4]  }
0x2f: {  	lr =	sadd.s32 s0, s3;
	s0 =	sld [smem:$0x3F9B]  }
0x30: {  	s3 =	sld [smem:$0x3F9E]  }
0x31: {  	[smem:$0x3FA7] =	sst s10  }
0x32: {  	s10 =	sld [smem:$0x3FA5];
	_ =	sdelay $0x3  }
0x33: {  	p0 =	seq.s32 s10, $0x1;
	s10 =	sld [smem:$0x3FA7];
	_ =	sdelay $0x3  }
0x34: {  	[smem:$0x3FA7] =	sst s10  }
0x35: {  	s10 =	sld [smem:$0x3FA6];
	_ =	sdelay $0x3  }
0x36: {  	p1 =	seq.s32 s10, $0x1;
	s10 =	sld [smem:$0x3FA7];
	_ =	sdelay $0x3  }
0x37: {  	[smem:$0x3FA7] =	sst s10  }
0x38: {  	s10 =	sld [smem:$0x3FA8]  }
0x39: {  	_ = 	snop;
	(pc) =	sbr.ind lr, $3  }
0x3a: {  	_ = 	snop  }
0x3b: {  	_ = 	snop  }
0x3c: {  	p2 =	seq.s32 s10, $0x1;
	s10 =	sld [smem:$0x3FA7]  }
0x3d: {  	_ =	shalt  }
0x3e: {  	_ =	shalt  }
0x3f: {  	_ =	shalt  }
0x40: {  	_ =	shalt  }
0x41: {  	_ =	shalt  }
0x42: {  	_ =	shalt  }
0x43: {  	_ =	shalt  }
0x44: {  	_ =	shalt  }
0x45: {  	_ =	shalt  }
0x46: {  	_ =	shalt  }
0x47: {  	_ =	shalt  }
0x48: {  	_ =	shalt  }
0x49: {  	_ =	shalt  }
0x4a: {  	_ =	shalt  }
0x4b: {  	_ =	shalt  }
0x4c: {  	_ =	shalt  }
0x4d: {  	_ =	shalt  }
0x4e: {  	_ =	shalt  }
0x4f: {  	_ =	shalt  }
0x50: {  	_ =	shalt  }
0x51: {  	_ =	shalt  }
0x52: {  	_ =	shalt  }
0x53: {  	_ =	shalt  }
0x54: {  	_ =	shalt  }
0x55: {  	_ =	shalt  }
0x56: {  	_ =	shalt  }
0x57: {  	_ =	shalt  }
0x58: {  	_ =	shalt  }
0x59: {  	_ =	shalt  }
0x5a: {  	_ =	shalt  }
0x5b: {  	_ =	shalt  }
0x5c: {  	_ =	shalt  }
0x5d: {  	_ =	shalt  }
0x5e: {  	_ =	shalt  }
0x5f: {  	_ =	shalt  }
0x60: {  	_ =	shalt  }
0x61: {  	_ =	shalt  }
0x62: {  	_ =	shalt  }
0x63: {  	_ =	shalt  }
0x64: {  	_ =	shalt  }
0x65: {  	_ =	shalt  }
0x66: {  	_ =	shalt  }
0x67: {  	_ =	shalt  }
0x68: {  	_ =	shalt  }
0x69: {  	_ =	shalt  }
0x6a: {  	_ =	shalt  }
0x6b: {  	_ =	shalt  }
0x6c: {  	_ =	shalt  }
0x6d: {  	_ =	shalt  }
0x6e: {  	_ =	shalt  }
0x6f: {  	_ =	shalt  }
0x70: {  	_ =	shalt  }
0x71: {  	_ =	shalt  }
0x72: {  	_ =	shalt  }
0x73: {  	_ =	shalt  }
0x74: {  	_ =	shalt  }
0x75: {  	_ =	shalt  }
0x76: {  	_ =	shalt  }
0x77: {  	_ =	shalt  }
0x78: {  	_ =	shalt  }
0x79: {  	_ =	shalt  }
0x7a: {  	_ =	shalt  }
0x7b: {  	_ =	shalt  }
0x7c: {  	_ =	shalt  }
0x7d: {  	_ =	shalt  }
0x7e: {  	_ =	shalt  }
0x7f: {  	_ =	shalt  }
0x80: {  	_ =	shalt  }
0x81: {  	_ =	shalt  }
0x82: {  	_ =	shalt  }
0x83: {  	_ =	shalt  }
0x84: {  	_ =	shalt  }
0x85: {  	_ =	shalt  }
0x86: {  	_ =	shalt  }
0x87: {  	_ =	shalt  }
.Lfunc_end0:
.L_simem_size_0:
called_computation.5_lowered:
.L_overlay_start_0:
0x88: {  	s2 =	sld [smem:$0x3FD9]  }
0x89: {  	s3 =	sld [smem:$0x3FFE];
	_ =	sdelay $0x1  }
0x8a: {  	s1 =	srdreg.scid  }
0x8b: {  	s0 =	sand.u32 $0x1, s1  }
0x8c: {  	s16 =	sshll.u32 s0, $0xA;
	s2 =	sadd.s32 s3, s2  }
0x8d: {  	s2 =	sadd.s32 s2, s16  }
0x8e: {  	[smem:$0x3FB3] =	sst s2  }
0x8f: {  	_ = 	snop  }
0x90: {  	(tm) =	ssettm $0x1  }
0x91: {  	s17 =	sld [smem:$0x3FFB];
	_ =	sdelay $0x3  }
0x92: {  	_ =	strace s17  }
0x93: {  	s2 =	sld [smem:$0x3FFC];
	_ =	sdelay $0x3  }
0x94: {  	_ =	strace s2  }
0x95: {  	s2 =	sld [smem:$0x3FFD];
	_ =	sdelay $0x3  }
0x96: {  	_ =	strace s2  }
0x97: {  	_ =	strace $0x8FFFFFFF  }
0x98: {  	s18 =	sld [smem:$0x3FDB];
	_ =	sdelay $0x1  }
0x99: {  	s19 =	simm.s32 $_scs_section_size  }
0x9a: {  	s4 =	simm.s32 $_size__tile_overlayer_lowered;
	s5 =	simm.s32 $_tile_overlayer_lowered  }
0x9b: {  	s22 =	simm.s32 $0x1BFF;
	s21 =	sshll.u32 s5, $0x1;
	s2 =	sadd.s32 s19, s18  }
0x9c: {  	s6 =	simm.s32 $0x0;
	s20 =	sshll.u32 s4, $0x1;
	s4 =	sadd.s32 s21, s2  }
0x9d: {  	[timem:s6], [sflag:s22] =	dma.local [hbm:s4], s20  }
0x9e: {  	_ =	swait.ge [sflag:s22], s20  }
0x9f: {  	s3 =	ssub.s32 $0x0, s20;
	[sflag:s22] =	ssyncset.done $0x0  }
0xa0: {  	[sflag:s22] =	ssyncadd.s32 s3;
	_ =	sdelay $0x1  }
0xa1: {  	s23 =	simm.s32 $0x1B8B  }
0xa2: {  	_ =	swait.ge [sflag:s23], $0x1  }
0xa3: {  	[sflag:s23] =	ssyncset.done $0x0  }
0xa4: {  	s25 =	simm.s32 $0x1B8E;
	s24 =	sld [smem:$0x3FFE];
	[sflag:s23] =	ssyncadd.s32 $0xFFFFFFFF  }
0xa5: {  	s26 =	simm.s32 $execute0_lowered;
	[smem:$0x3FD2] =	sst s25  }
0xa6: {  	s4 =	sshll.u32 s26, $0x1;
	_ =	strace $0x80000055;
	[dreg:$0x1] =	wrdreg $0xFFFFFFFF  }
0xa7: {  	s28 =	simm.s32 $_size_execute0_lowered;
	s2 =	sadd.s32 s2, s4;
	[dreg:$0x0] =	wrdreg $0x0  }
0xa8: {  	s4 =	sshll.u32 s28, $0x1;
	[dreg:$0x2] =	wrdreg s2  }
0xa9: {  	[dreg:$0x3] =	wrdreg s4  }
0xaa: {  	[dreg:$0x4] =	wrdreg $0xC0  }
0xab: {  	_ =	task [dreg:s6], $0x5FFFF  }
0xac: {  	[dreg:$0x1] =	wrdreg $0xFFFFFFFF  }
0xad: {  	[dreg:$0x0] =	wrdreg $0x60  }
0xae: {  	[dreg:$0x2] =	wrdreg s24  }
0xaf: {  	[dreg:$0x3] =	wrdreg $0x0  }
0xb0: {  	[dreg:$0x4] =	wrdreg $0x9  }
0xb1: {  	_ =	task.clear_ibuf [dreg:s6], $0x5FFFF;
	_ =	strace $0x90000055  }
0xb2: {  	s29 =	simm.s32 $0x9;
	_ =	strace $0x80000057  }
0xb3: {  	_ =	swait.ge [sflag:s29], $0x1  }
0xb4: {  	[sflag:s29] =	ssyncadd.s32 $0xFFFFFFFF  }
0xb5: {  	_ =	strace $0x90000057  }
0xb6: {  	_ =	sfence  }
0xb7: {  	s30 =	sld [smem:$0x0];
	_ =	sdelay $0x2  }
0xb8: {  	s31 =	sshll.u32 s1, $0xD;
	s1 =	sshrl.u32 s1, $0x2  }
0xb9: {  	s3 =	sand.u32 $0x4000, s31;
	s1 =	sadd.s32 s1, s30  }
0xba: {  	s0 =	sor.u32 s3, s0;
	s1 =	sshll.u32 s1, $0x11  }
0xbb: {  	s0 =	sor.u32 s1, s0  }
0xbc: {  	s0 =	sadd.s32 $0x8F2B, s0  }
0xbd: {  	[sflag:s0] =	ssyncadd.remote.s32 $0x1  }
0xbe: {  	_ =	sfence.sel $0xFFFF  }
0xbf: {  	[dreg:$0x0] =	wrdreg $0xFFFFFFFF;
	(pc) =	sbr.abs _section_cstart, $3  }
0xc0: {  	[dreg:$0x1] =	wrdreg $0xFFFFFFFF  }
0xc1: {  	_ =	task.clear_ibuf [dreg:s6], $0x2FFFF;
	_ =	strace $0x9FFFFFFF  }
0xc2: {  	(tm) =	ssettm $0x7FFFFFFF  }
0xc3: {  	_ =	shalt  }
tec
execute0_lowered:
.L_overlay_start_1:
0x0: {  	(tag) =	ssettag $0x1  }
0x1: {  	s1 =	rddreg [dreg:$0x0]  }
0x2: {  	s3 =	rddreg [dreg:$0x1]  }
0x3: {  	s0 =	srdreg.scid;
	s4 =	simm.s32 $0x0;
	s2 =	stileid.u32  }
0x4: {  	s17 =	simm.s32 $0x2;
	s18 =	simm.s32 $0xF080;
	s19 =	simm.s32 $0x11900  }
0x5: {  	s20 =	simm.s32 $0x14100;
	s21 =	simm.s32 $0x18980;
	s22 =	simm.s32 $0x80  }
0x6: {  	s23 =	simm.s32 $0x16980;
	s24 =	simm.s32 $0x1;
	s25 =	simm.s32 $0x16900  }
0x7: {  	s26 =	simm.s32 $0x0;
	s0 =	sand.u32 $0x1, s0;
	s9 =	smul.u32 $0xC800, s2  }
0x8: {  	[smem:$0x7FF] =	sst s4;
	s6 =	sadd.s32 $0x14000, s1;
	s10 =	smul.u32 $0x32000, s2  }
0x9: {  	s5 =	sshll.u32 s0, $0x4;
	_ =	strace $0x80000056;
	s8 =	smul.u32 $0xC8000, s0  }
0xa: {  	s0 =	ssub.s32 $0x2, s0;
	s7 =	sor.u32 s2, s5;
	s5 =	sadd.s32 $0x14600, s1  }
0xb: {  	s31 =	sshrl.u32 s0, $0x1;
	s10 =	sshrl.u32 s10, $0x2;
	s7 =	smul.u32 $0x510, s7  }
0xc: {  	s8 =	sadd.s32 s9, s8;
	s0 =	ssub.s32 s0, s31;
	s13 =	sadd.s32 s10, s3  }
0xd: {  	s9 =	sadd.s32 s9, s3;
	s30 =	sshrl.u32 s8, $0x3;
	s10 =	sadd.s32 $0x2800, s13  }
0xe: {  	s12 =	sadd.s32 $0x7800, s13;
	s15 =	smax.u32 s0, $0x1;
	s11 =	sadd.s32 s7, s1  }
0xf: {  	s14 =	sadd.s32 s30, s1;
	s7 =	sadd.s32 $0x21200, s11;
	s8 =	sadd.s32 $0x17000, s11  }
0x10: {  	v0 =	vimm.f32 $0.0e+00;
	s11 =	sadd.s32 $0x5000, s13;
	s13 =	sadd.s32 $0xA000, s13;
	s14 =	sadd.s32 $0x2B400, s14  }
.LBB2_1:
0x11: {  	s0 =	simm.s32 $0xC800  }
0x12: {  	[tilespmem:s0], [sflag:$0x2] =	stream.linear.gather [hbm4b:s7+s4], $0x2880, $0x38;
	[tilespmem:$0x1B180] =	vst v63  }
0x13: {  	_ =	swait.ge [sflag:s17], $0x2880  }
0x14: {  	[sflag:s17] =	ssyncset.done $0x0  }
0x15: {  	[sflag:s17] =	ssyncadd.s32 $0xFFFFD780  }
0x16: {  	[tilespmem:s18], [sflag:$0x2] =	stream.linear.gather [hbm4b:s8+s4], $0x2880, $0x38;
	[tilespmem:$0x1B180] =	vst v63  }
0x17: {  	_ =	swait.ge [sflag:s17], $0x2880  }
0x18: {  	[sflag:s17] =	ssyncset.done $0x0  }
0x19: {  	[sflag:s17] =	ssyncadd.s32 $0xFFFFD780  }
0x1a: {  	[tilespmem:s19], [sflag:$0x2] =	stream.linear.gather [hbm4b:s5+s4], $0x2800, $0x38;
	[tilespmem:$0x1B180] =	vst v63  }
0x1b: {  	_ =	swait.ge [sflag:s17], $0x2800  }
0x1c: {  	[sflag:s17] =	ssyncset.done $0x0  }
0x1d: {  	[sflag:s17] =	ssyncadd.s32 $0xFFFFD800  }
0x1e: {  	[tilespmem:s20], [sflag:$0x2] =	stream.linear.gather [hbm4b:s6+s4], $0x2800, $0x38;
	[tilespmem:$0x1B180] =	vst v63  }
0x1f: {  	_ =	swait.ge [sflag:s17], $0x2800  }
0x20: {  	[sflag:s17] =	ssyncset.done $0x0  }
0x21: {  	s16 =	simm.s32 $0x140;
	s0 =	simm.s32 $0x0;
	[sflag:s17] =	ssyncadd.s32 $0xFFFFD800  }
.LBB2_2:
0x22: {  	p0 =	sne.s32 s16, $0x9EC0;
	[tilespmem:s0+$0x189C0] =	vst v0;
	s28 =	smov.u32 s16;
	s16 =	sadd.s32 $0x140, s16  }
.Ltmp0:
0x23: {  	[tilespmem:s0+$0x189B0] =	vst v0;
	(pc) =	sbr.rel @p0 .LBB2_2-.Ltmp0, $4  }
0x24: {  	[tilespmem:s0+$0x189A0] =	vst v0  }
0x25: {  	[tilespmem:s0+$0x18980] =	vst v0  }
0x26: {  	[tilespmem:s0+$0x18990] =	vst v0  }
0x27: {  	s0 =	sshra.s32 s28, $0x2  }
0x28: {  	[tilespmem:s0+$0x189C0] =	vst v0  }
0x29: {  	[tilespmem:s0+$0x189B0] =	vst v0  }
0x2a: {  	[tilespmem:s0+$0x189A0] =	vst v0  }
0x2b: {  	[tilespmem:s0+$0x18980] =	vst v0  }
0x2c: {  	[tilespmem:s0+$0x18990] =	vst v0  }
0x2d: {  	[spmem:s9] =	stream.linear.scatter [tilespmem:s21], [sflag:$0x2], $0x2800, $0x38;
	[tilespmem:$0x1B180] =	vst v63  }
0x2e: {  	_ =	swait.ge [sflag:s17], $0x2800  }
0x2f: {  	[sflag:s17] =	ssyncset.done $0x0  }
0x30: {  	[sflag:s17] =	ssyncadd.s32 $0xFFFFD800  }
0x31: {  	[spmem:s10] =	stream.linear.scatter [tilespmem:s21], [sflag:$0x2], $0x2800, $0x38;
	[tilespmem:$0x1B180] =	vst v63  }
0x32: {  	_ =	swait.ge [sflag:s17], $0x2800  }
0x33: {  	[sflag:s17] =	ssyncset.done $0x0  }
0x34: {  	[sflag:s17] =	ssyncadd.s32 $0xFFFFD800  }
0x35: {  	[spmem:s11] =	stream.linear.scatter [tilespmem:s21], [sflag:$0x2], $0x2800, $0x38;
	[tilespmem:$0x1B180] =	vst v63  }
0x36: {  	_ =	swait.ge [sflag:s17], $0x2800  }
0x37: {  	[sflag:s17] =	ssyncset.done $0x0  }
0x38: {  	[sflag:s17] =	ssyncadd.s32 $0xFFFFD800  }
0x39: {  	[spmem:s12] =	stream.linear.scatter [tilespmem:s21], [sflag:$0x2], $0x2800, $0x38;
	[tilespmem:$0x1B180] =	vst v63  }
0x3a: {  	_ =	swait.ge [sflag:s17], $0x2800  }
0x3b: {  	[sflag:s17] =	ssyncset.done $0x0  }
0x3c: {  	[sflag:s17] =	ssyncadd.s32 $0xFFFFD800  }
0x3d: {  	[spmem:s13] =	stream.linear.scatter [tilespmem:s21], [sflag:$0x2], $0x2800, $0x38;
	[tilespmem:$0x1B180] =	vst v63  }
0x3e: {  	_ =	swait.ge [sflag:s17], $0x2800  }
0x3f: {  	[sflag:s17] =	ssyncset.done $0x0  }
0x40: {  	[sflag:s17] =	ssyncadd.s32 $0xFFFFD800  }
0x41: {  	s28 =	simm.s32 $0x0;
	s29 =	simm.s32 $0x0;
	[bflag:$0x0] =	sbarrier.arrive $0xFFFF  }
.LBB2_4:
0x42: {  	s30 =	sshll.u32 s29, $0x7  }
0x43: {  	s0 =	sadd.s32 $0xC800, s30  }
0x44: {  	[tilespmem:s23], [sflag:$0x1] =	stream.indirect.gather [hbm4b:s1+s22], $0x40, s0, s22, $0xb8;
	[tilespmem:$0x1B180] =	vst v63  }
0x45: {  	_ =	swait.ge [sflag:s24], $0x2000  }
0x46: {  	[sflag:s24] =	ssyncset.done $0x0  }
0x47: {  	[sflag:s24] =	ssyncadd.s32 $0xFFFFE000  }
0x48: {  	v1 =	vld [tilespmem:s30+$0xC800]  }
0x49: {  	v2 =	vld [tilespmem:s30+$0xF080];
	_ =	sdelay $0x6  }
0x4a: {  	v1 =	vld.idx.msk [tilespmem:v1+s19+$0x0], $0xffff  }
0x4b: {  	v2 =	vld.idx.msk [tilespmem:v2+s20+$0x0], $0xffff;
	_ =	sdelay $0x4  }
0x4c: {  	v1 =	vadd.f32 v2, v1;
	_ =	sdelay $0x1  }
0x4d: {  	v2 =	vmul.f32 $2.000000030e-01, v1  }
0x4e: {  	vm0 =	vgt.f32 v1, $0.0e+00  }
0x4f: {  	v1 =	vsel vm0, v1, v2  }
0x50: {  	v1 =	vmul.f32 $1.442695020e+00, v1;
	_ =	sdelay $0x1  }
0x51: {  	(erf) = vpow2.f32 v1;
	_ =	sdelay $0x8  }
0x52: {  	v1 =	vpop (erf)  }
0x53: {  	[tilespmem:$0x16900] =	vst v1  }
0x54: {  	v1 =	vld [tilespmem:s30+$0xC810]  }
0x55: {  	v2 =	vld [tilespmem:s30+$0xF090];
	_ =	sdelay $0x6  }
0x56: {  	v1 =	vld.idx.msk [tilespmem:v1+s19+$0x0], $0xffff  }
0x57: {  	v2 =	vld.idx.msk [tilespmem:v2+s20+$0x0], $0xffff;
	_ =	sdelay $0x4  }
0x58: {  	v1 =	vadd.f32 v2, v1;
	_ =	sdelay $0x1  }
0x59: {  	v2 =	vmul.f32 $2.000000030e-01, v1  }
0x5a: {  	vm9 =	vgt.f32 v1, $0.0e+00  }
0x5b: {  	v1 =	vsel vm9, v1, v2  }
0x5c: {  	v1 =	vmul.f32 $1.442695020e+00, v1;
	_ =	sdelay $0x1  }
0x5d: {  	(erf) = vpow2.f32 v1;
	_ =	sdelay $0x8  }
0x5e: {  	v1 =	vpop (erf)  }
0x5f: {  	[tilespmem:$0x16910] =	vst v1  }
0x60: {  	v1 =	vld [tilespmem:s30+$0xC820]  }
0x61: {  	v2 =	vld [tilespmem:s30+$0xF0A0];
	_ =	sdelay $0x6  }
0x62: {  	v1 =	vld.idx.msk [tilespmem:v1+s19+$0x0], $0xffff  }
0x63: {  	v2 =	vld.idx.msk [tilespmem:v2+s20+$0x0], $0xffff;
	_ =	sdelay $0x4  }
0x64: {  	v1 =	vadd.f32 v2, v1;
	_ =	sdelay $0x1  }
0x65: {  	v2 =	vmul.f32 $2.000000030e-01, v1  }
0x66: {  	vm10 =	vgt.f32 v1, $0.0e+00  }
0x67: {  	v1 =	vsel vm10, v1, v2  }
0x68: {  	v1 =	vmul.f32 $1.442695020e+00, v1;
	_ =	sdelay $0x1  }
0x69: {  	(erf) = vpow2.f32 v1;
	_ =	sdelay $0x8  }
0x6a: {  	v1 =	vpop (erf)  }
0x6b: {  	[tilespmem:$0x16920] =	vst v1  }
0x6c: {  	v1 =	vld [tilespmem:s30+$0xC830]  }
0x6d: {  	v2 =	vld [tilespmem:s30+$0xF0B0];
	_ =	sdelay $0x6  }
0x6e: {  	v1 =	vld.idx.msk [tilespmem:v1+s19+$0x0], $0xffff  }
0x6f: {  	v2 =	vld.idx.msk [tilespmem:v2+s20+$0x0], $0xffff;
	_ =	sdelay $0x4  }
0x70: {  	v1 =	vadd.f32 v2, v1;
	_ =	sdelay $0x1  }
0x71: {  	v2 =	vmul.f32 $2.000000030e-01, v1  }
0x72: {  	vm11 =	vgt.f32 v1, $0.0e+00  }
0x73: {  	v1 =	vsel vm11, v1, v2  }
0x74: {  	v1 =	vmul.f32 $1.442695020e+00, v1;
	_ =	sdelay $0x1  }
0x75: {  	(erf) = vpow2.f32 v1;
	_ =	sdelay $0x8  }
0x76: {  	v1 =	vpop (erf)  }
0x77: {  	[tilespmem:$0x16930] =	vst v1  }
0x78: {  	v1 =	vld [tilespmem:s30+$0xC840]  }
0x79: {  	v2 =	vld [tilespmem:s30+$0xF0C0];
	_ =	sdelay $0x6  }
0x7a: {  	v1 =	vld.idx.msk [tilespmem:v1+s19+$0x0], $0xffff  }
0x7b: {  	v2 =	vld.idx.msk [tilespmem:v2+s20+$0x0], $0xffff;
	_ =	sdelay $0x4  }
0x7c: {  	v1 =	vadd.f32 v2, v1;
	_ =	sdelay $0x1  }
0x7d: {  	v2 =	vmul.f32 $2.000000030e-01, v1  }
0x7e: {  	vm12 =	vgt.f32 v1, $0.0e+00  }
0x7f: {  	v1 =	vsel vm12, v1, v2  }
0x80: {  	v1 =	vmul.f32 $1.442695020e+00, v1;
	_ =	sdelay $0x1  }
0x81: {  	(erf) = vpow2.f32 v1;
	_ =	sdelay $0x8  }
0x82: {  	v1 =	vpop (erf)  }
0x83: {  	[tilespmem:$0x16940] =	vst v1  }
0x84: {  	v1 =	vld [tilespmem:s30+$0xC850]  }
0x85: {  	v2 =	vld [tilespmem:s30+$0xF0D0];
	_ =	sdelay $0x6  }
0x86: {  	v1 =	vld.idx.msk [tilespmem:v1+s19+$0x0], $0xffff  }
0x87: {  	v2 =	vld.idx.msk [tilespmem:v2+s20+$0x0], $0xffff;
	_ =	sdelay $0x4  }
0x88: {  	v1 =	vadd.f32 v2, v1;
	_ =	sdelay $0x1  }
0x89: {  	v2 =	vmul.f32 $2.000000030e-01, v1  }
0x8a: {  	vm13 =	vgt.f32 v1, $0.0e+00  }
0x8b: {  	v1 =	vsel vm13, v1, v2  }
0x8c: {  	v1 =	vmul.f32 $1.442695020e+00, v1;
	_ =	sdelay $0x1  }
0x8d: {  	(erf) = vpow2.f32 v1;
	_ =	sdelay $0x8  }
0x8e: {  	v1 =	vpop (erf)  }
0x8f: {  	[tilespmem:$0x16950] =	vst v1  }
0x90: {  	v1 =	vld [tilespmem:s30+$0xC860]  }
0x91: {  	v2 =	vld [tilespmem:s30+$0xF0E0];
	_ =	sdelay $0x6  }
0x92: {  	v1 =	vld.idx.msk [tilespmem:v1+s19+$0x0], $0xffff  }
0x93: {  	v2 =	vld.idx.msk [tilespmem:v2+s20+$0x0], $0xffff;
	_ =	sdelay $0x4  }
0x94: {  	v1 =	vadd.f32 v2, v1;
	_ =	sdelay $0x1  }
0x95: {  	v2 =	vmul.f32 $2.000000030e-01, v1  }
0x96: {  	vm14 =	vgt.f32 v1, $0.0e+00  }
0x97: {  	v1 =	vsel vm14, v1, v2  }
0x98: {  	v1 =	vmul.f32 $1.442695020e+00, v1;
	_ =	sdelay $0x1  }
0x99: {  	(erf) = vpow2.f32 v1;
	_ =	sdelay $0x8  }
0x9a: {  	v1 =	vpop (erf)  }
0x9b: {  	[tilespmem:$0x16960] =	vst v1  }
0x9c: {  	v1 =	vld [tilespmem:s30+$0xC870]  }
0x9d: {  	v2 =	vld [tilespmem:s30+$0xF0F0];
	_ =	sdelay $0x6  }
0x9e: {  	v1 =	vld.idx.msk [tilespmem:v1+s19+$0x0], $0xffff  }
0x9f: {  	v2 =	vld.idx.msk [tilespmem:v2+s20+$0x0], $0xffff;
	_ =	sdelay $0x4  }
0xa0: {  	v1 =	vadd.f32 v2, v1;
	_ =	sdelay $0x1  }
0xa1: {  	v2 =	vmul.f32 $2.000000030e-01, v1  }
0xa2: {  	vm15 =	vgt.f32 v1, $0.0e+00  }
0xa3: {  	v1 =	vsel vm15, v1, v2  }
0xa4: {  	v1 =	vmul.f32 $1.442695020e+00, v1;
	_ =	sdelay $0x1  }
0xa5: {  	(erf) = vpow2.f32 v1;
	_ =	sdelay $0x5  }
0xa6: {  	v1 =	vmov s28;
	_ =	sdelay $0x2  }
0xa7: {  	v2 =	vpop (erf)  }
0xa8: {  	[tilespmem:$0x16970] =	vst v2  }
0xa9: {  	s31 =	simm.s32 $0x169A0;
	v1 =	vld.idx.msk [tilespmem:v1+s25+$0x0], $0xffff  }
0xaa: {  	v2 =	vld [tilespmem:s31+$0xFFFFFFE0];
	_ =	sdelay $0x4  }
0xab: {  	v2 =	vmul.f32 v2, v1  }
0xac: {  	s0 =	simm.s32 $0x189A0  }
0xad: {  	[tilespmem:s0+$0xFFFFFFE0] =	vst v2  }
0xae: {  	v2 =	vld [tilespmem:s31+$0xFFFFFFF0];
	_ =	sdelay $0x4  }
0xaf: {  	v2 =	vmul.f32 v2, v1;
	_ =	sdelay $0x1  }
0xb0: {  	[tilespmem:s0+$0xFFFFFFF0] =	vst v2  }
0xb1: {  	v2 =	vld [tilespmem:s31+$0x0];
	_ =	sdelay $0x4  }
0xb2: {  	v2 =	vmul.f32 v2, v1;
	_ =	sdelay $0x1  }
0xb3: {  	[tilespmem:s0+$0x0] =	vst v2  }
0xb4: {  	v2 =	vld [tilespmem:s31+$0x10];
	_ =	sdelay $0x1  }
0xb5: {  	s16 =	simm.s32 $0x1  }
0xb6: {  	v3 =	vmov s16;
	s16 =	simm.s32 $0x2;
	s30 =	sadd.s32 $0xF080, s30;
	[tilespmem:s0+$0x20] =	vst v1  }
.LBB2_5:
0xb7: {  	p0 =	sne.s32 s16, $0x7F  }
0xb8: {  	v1 =	vmul.f32 v2, v1;
	_ =	sdelay $0x1  }
0xb9: {  	[tilespmem:s0+$0x10] =	vst v1  }
0xba: {  	s31 =	sadd.s32 $0x40, s31;
	v1 =	vld.idx.msk [tilespmem:v3+s25+$0x0], $0xffff  }
0xbb: {  	v2 =	vld [tilespmem:s31+$0xFFFFFFE0];
	_ =	sdelay $0x4  }
0xbc: {  	v2 =	vmul.f32 v2, v1  }
0xbd: {  	s0 =	sadd.s32 $0x50, s0  }
0xbe: {  	[tilespmem:s0+$0xFFFFFFE0] =	vst v2  }
0xbf: {  	v2 =	vld [tilespmem:s31+$0xFFFFFFF0];
	_ =	sdelay $0x4  }
0xc0: {  	v2 =	vmul.f32 v2, v1;
	_ =	sdelay $0x1  }
0xc1: {  	[tilespmem:s0+$0xFFFFFFF0] =	vst v2  }
0xc2: {  	v2 =	vld [tilespmem:s31+$0x0];
	_ =	sdelay $0x4  }
0xc3: {  	v2 =	vmul.f32 v2, v1;
	_ =	sdelay $0x1  }
.Ltmp1:
0xc4: {  	[tilespmem:s0+$0x0] =	vst v2;
	(pc) =	sbr.rel @p0 .LBB2_5-.Ltmp1, $2  }
0xc5: {  	v2 =	vld [tilespmem:s31+$0x10];
	[tilespmem:s0+$0x20] =	vst v1;
	_ =	sdelay $0x2  }
0xc6: {  	v3 =	vmov s16;
	s16 =	sadd.s32 $0x1, s16  }
0xc7: {  	_ = 	snop  }
0xc8: {  	v1 =	vmul.f32 v2, v1;
	_ =	sdelay $0x1  }
0xc9: {  	[tilespmem:s0+$0x10] =	vst v1  }
0xca: {  	s16 =	sadd.s32 $0x40, s31;
	v1 =	vld.idx.msk [tilespmem:v3+s25+$0x0], $0xffff  }
0xcb: {  	v2 =	vld [tilespmem:s16+$0xFFFFFFE0];
	_ =	sdelay $0x4  }
0xcc: {  	v2 =	vmul.f32 v2, v1  }
0xcd: {  	s31 =	sadd.s32 $0x50, s0  }
0xce: {  	[tilespmem:s31+$0xFFFFFFE0] =	vst v2  }
0xcf: {  	v2 =	vld [tilespmem:s16+$0xFFFFFFF0];
	_ =	sdelay $0x4  }
0xd0: {  	v2 =	vmul.f32 v2, v1;
	_ =	sdelay $0x1  }
0xd1: {  	[tilespmem:s31+$0xFFFFFFF0] =	vst v2  }
0xd2: {  	v2 =	vld [tilespmem:s16+$0x0];
	_ =	sdelay $0x4  }
0xd3: {  	v2 =	vmul.f32 v2, v1;
	_ =	sdelay $0x1  }
0xd4: {  	[tilespmem:s31+$0x0] =	vst v2  }
0xd5: {  	v2 =	vld [tilespmem:s16+$0x10];
	_ =	sdelay $0x4  }
0xd6: {  	s29 =	sadd.s32 $0x1, s29;
	v2 =	vmul.f32 v2, v1  }
0xd7: {  	p0 =	sne.s32 s29, $0x51;
	[tilespmem:s31+$0x20] =	vst v1  }
.Ltmp2:
0xd8: {  	[tilespmem:s31+$0x10] =	vst v2;
	(pc) =	sbr.rel @p0 .LBB2_4-.Ltmp2, $4  }
0xd9: {  	[spmem:s3] =	stream.indirect.scatter.add.f32 [tilespmem:s21], [sflag:$0x2], $0x50, s30, s22, $0xb8;
	[tilespmem:$0x1B180] =	vst v63  }
0xda: {  	_ =	swait.ge [sflag:s17], $0x2800  }
0xdb: {  	[sflag:s17] =	ssyncset.done $0x0  }
0xdc: {  	[sflag:s17] =	ssyncadd.s32 $0xFFFFD800  }
0xdd: {  	s26 =	sadd.s32 $0x1, s26  }
0xde: {  	s0 =	sshll.u32 s2, $0x6;
	[bflag:$0x0] =	sbarrier.arrive $0xFFFF;
	p0 =	sne.s32 s26, s15  }
.Ltmp3:
0xdf: {  	s16 =	sshrl.u32 s9, $0x3;
	s0 =	sor.u32 $0x1C02, s0;
	(pc) =	sbr.rel @p0 .LBB2_1-.Ltmp3, $4  }
0xe0: {  	[hbm:s14], [sflag:s0] =	dma.local [spmem:s16], $0x1900  }
0xe1: {  	_ =	swait.ge [sflag:s17], $0x1900  }
0xe2: {  	[sflag:s17] =	ssyncset.done $0x0  }
0xe3: {  	[sflag:s17] =	ssyncadd.s32 $0xFFFFE700  }
0xe4: {  	_ =	sfence.sel $0x180000  }
0xe5: {  	[bflag:$0x0] =	sbarrier.arrive $0xFFFF  }
0xe6: {  	_ =	strace $0x90000056  }
0xe7: {  	[bflag:$0x2] =	sbarrier.arrive $0xFFFF  }
0xe8: {  	p0 =	sne.s32 s2, $0x0;
	s0 =	rddreg [dreg:$0x2]  }
0xe9: {  	s0 =	sadd.s32 @!p0 $0x100000, s0  }
0xea: {  	[sflag:s0] =	ssyncadd.tile.s32 @!p0 $0x1;
	_ =	shalt  }
.Lfunc_end2:
_tile_overlayer_lowered:
.L_overlay_start_2:
0xeb: {  	(tag) =	ssettag $0x2  }
0xec: {  	s0 =	rddreg [dreg:$0x0];
	s2 =	stileid.u32  }
0xed: {  	s1 =	rddreg [dreg:$0x1];
	p0 =	sne.s32 s2, $0x0  }
0xee: {  	s3 =	rddreg [dreg:$0x2];
	[bflag:$0x3] =	sbarrier.arrive $0xFFFF;
	s2 =	simm.s32 @!p0 $0x1C02  }
0xef: {  	[timem:s3], [sflag:s2] =	dma.local @!p0 [hbm:s0], s1  }
0xf0: {  	s0 =	simm.s32 @!p0 $0x2  }
0xf1: {  	_ =	swait.ge @!p0 [sflag:s0], s1  }
0xf2: {  	s1 =	ssub.s32 @!p0 $0x0, s1;
	[sflag:s0] =	ssyncset.done @!p0 $0x0  }
0xf3: {  	[sflag:s0] =	ssyncadd.s32 @!p0 s1  }
0xf4: {  	[bflag:$0x3] =	sbarrier.arrive $0xFFFF  }
0xf5: {  	_ =	shalt  }

</sc_bundles>
